<compile_context>
chip_gen: v7x
topology: tpu7x:2x2x1
jax: 0.10.2.dev20260603
libtpu: 0.0.44.dev20260713+nightly
codegen_flags: <defaults>
</compile_context>

<pallas_src>
import functools

import jax
import jax.numpy as jnp
from jax import lax
from jax.experimental import pallas as pl
from jax.experimental.pallas import tpu as pltpu
from jax.experimental.pallas import tpu_sc as plsc

N = 10000
E = 320000
D = 128
NPAD = 10240
K = 128
NC, NS = 2, 16
NW = NC * NS
CPT = 80
EPAD = NW * CPT * K
ROWS_PER_TILE = NPAD // NS
DW = 128


NB = 2
WSZ = 16
CPT0 = 144
CPT1 = 2 * CPT - CPT0


def _segsum_body(g_hbm, srcs_hbm, dsts_hbm, zer_hbm,
                 part_hbm,
                 srcw, dstw, rows0, rows1, acc_sh,
                 wsem, sem0, sem1, ssem0):
    rows = (rows0, rows1)
    sems = (sem0, sem1)
    c = lax.axis_index("c")
    s = lax.axis_index("s")

    r0 = s * ROWS_PER_TILE
    pltpu.sync_copy(zer_hbm.at[pl.ds(r0, ROWS_PER_TILE)],
                    acc_sh.at[pl.ds(r0, ROWS_PER_TILE)])

    plsc.subcore_barrier()

    def _start(t, b):
        pltpu.async_copy(g_hbm.at[srcw.at[t]], rows[b], sems[b])

    def _wait(b):
        pltpu.make_async_copy(g_hbm.at[pl.ds(0, K)], rows[b], sems[b]).wait()

    base = jnp.where(c == 0, s * CPT0, NS * CPT0 + s * CPT1)
    nwin = jnp.where(c == 0, CPT0 // WSZ, CPT1 // WSZ)

    @pl.loop(0, nwin)
    def _win(w):
        for u in range(WSZ // 16):
            vec = base + w * WSZ + u * 16 + lax.iota(jnp.int32, 16)
            pltpu.async_copy(srcs_hbm.at[vec], srcw.at[pl.ds(u * 16, 16)],
                             wsem)
            pltpu.async_copy(dsts_hbm.at[vec], dstw.at[pl.ds(u * 16, 16)],
                             ssem0)
        pltpu.make_async_copy(srcs_hbm.at[pl.ds(0, WSZ)], srcw, wsem).wait()
        pltpu.make_async_copy(dsts_hbm.at[pl.ds(0, WSZ)], dstw, ssem0).wait()

        for b in range(NB):
            _start(b, b)

        @pl.loop(0, WSZ // NB - 1)
        def _group(g):
            for b in range(NB):
                t = g * NB + b
                _wait(b)
                pltpu.sync_copy(rows[b], acc_sh.at[dstw.at[t]], add=True)
                _start(t + NB, b)

        for b in range(NB):
            t = WSZ - NB + b
            _wait(b)
            pltpu.sync_copy(rows[b], acc_sh.at[dstw.at[t]], add=True)

    plsc.subcore_barrier()

    pltpu.sync_copy(acc_sh.at[pl.ds(r0, ROWS_PER_TILE)],
                    part_hbm.at[c, pl.ds(r0, ROWS_PER_TILE)])


_segsum_sc = pl.kernel(
    _segsum_body,
    out_type=jax.ShapeDtypeStruct((NC, NPAD, D), jnp.float32),
    mesh=plsc.VectorSubcoreMesh(core_axis_name="c", subcore_axis_name="s"),
    scratch_types=[
        pltpu.VMEM((WSZ, K), jnp.int32),
        pltpu.VMEM((WSZ, K), jnp.int32),
        pltpu.VMEM((K, D), jnp.float32),
        pltpu.VMEM((K, D), jnp.float32),
        pltpu.VMEM_SHARED((NPAD, D), jnp.float32),
        pltpu.SemaphoreType.DMA,
        pltpu.SemaphoreType.DMA,
        pltpu.SemaphoreType.DMA,
        pltpu.SemaphoreType.DMA,
    ],
)


def _deg_body(srcs_hbm, zer_hbm, ones_hbm,
              degpart_hbm,
              src_v, ones_v, deg_sh):
    c = lax.axis_index("c")
    s = lax.axis_index("s")
    wid = s * NC + c

    r0 = s * ROWS_PER_TILE
    pltpu.sync_copy(zer_hbm.at[pl.ds(r0, ROWS_PER_TILE)],
                    deg_sh.at[pl.ds(r0, ROWS_PER_TILE)])
    pltpu.sync_copy(srcs_hbm.at[pl.ds(wid * CPT, CPT)], src_v)
    pltpu.sync_copy(ones_hbm, ones_v)

    plsc.subcore_barrier()

    @pl.loop(0, CPT)
    def _chunk(j):
        pltpu.sync_copy(ones_v, deg_sh.at[src_v.at[j]], add=True)

    plsc.subcore_barrier()

    pltpu.sync_copy(deg_sh.at[pl.ds(r0, ROWS_PER_TILE)],
                    degpart_hbm.at[c, pl.ds(r0, ROWS_PER_TILE)])


_deg_sc = pl.kernel(
    _deg_body,
    out_type=jax.ShapeDtypeStruct((NC, NPAD, DW), jnp.float32),
    mesh=plsc.VectorSubcoreMesh(core_axis_name="c", subcore_axis_name="s"),
    scratch_types=[
        pltpu.VMEM((CPT, K), jnp.int32),
        pltpu.VMEM((K, DW), jnp.float32),
        pltpu.VMEM_SHARED((NPAD, DW), jnp.float32),
    ],
)


ROWB = 1024
GRID = NPAD // ROWB


def _mat0_body(x_ref, w_ref, b_ref, o_ref):
    o_ref[...] = jnp.dot(x_ref[...], w_ref[...],
                         preferred_element_type=jnp.float32) + b_ref[...]


def _mat0(x, w, b):
    return pl.pallas_call(
        _mat0_body,
        grid=(GRID,),
        in_specs=[pl.BlockSpec((ROWB, D), lambda i: (i, 0)),
                  pl.BlockSpec((D, D), lambda i: (0, 0)),
                  pl.BlockSpec((1, D), lambda i: (0, 0))],
        out_specs=pl.BlockSpec((ROWB, D), lambda i: (i, 0)),
        out_shape=jax.ShapeDtypeStruct((NPAD, D), jnp.float32),
    )(x, w, b)


def _combine1_body(p0_ref, p1_ref, d0_ref, d1_ref, h_ref, g_ref):
    h = p0_ref[...] + p1_ref[...]
    deg = d0_ref[:, :1] + d1_ref[:, :1]
    inv = 1.0 / jnp.maximum(deg, 1.0)
    h_ref[...] = h
    g_ref[...] = h * inv


def _combine1(p0, p1, d0, d1):
    return pl.pallas_call(
        _combine1_body,
        grid=(GRID,),
        in_specs=[pl.BlockSpec((ROWB, D), lambda i: (i, 0)),
                  pl.BlockSpec((ROWB, D), lambda i: (i, 0)),
                  pl.BlockSpec((ROWB, DW), lambda i: (i, 0)),
                  pl.BlockSpec((ROWB, DW), lambda i: (i, 0))],
        out_specs=[pl.BlockSpec((ROWB, D), lambda i: (i, 0)),
                   pl.BlockSpec((ROWB, D), lambda i: (i, 0))],
        out_shape=[jax.ShapeDtypeStruct((NPAD, D), jnp.float32),
                   jax.ShapeDtypeStruct((NPAD, D), jnp.float32)],
    )(p0, p1, d0, d1)


def _layer_body(p0_ref, p1_ref, hp_ref, w_ref, b_ref, d0_ref, d1_ref,
                h_ref, g_ref):
    red = p0_ref[...] + p1_ref[...] + hp_ref[...]
    h = jnp.dot(red, w_ref[...], preferred_element_type=jnp.float32) + b_ref[...]
    deg = d0_ref[:, :1] + d1_ref[:, :1]
    inv = 1.0 / jnp.maximum(deg, 1.0)
    h_ref[...] = h
    g_ref[...] = h * inv


def _layer(p0, p1, hp, w, b, d0, d1):
    return pl.pallas_call(
        _layer_body,
        grid=(GRID,),
        in_specs=[pl.BlockSpec((ROWB, D), lambda i: (i, 0)),
                  pl.BlockSpec((ROWB, D), lambda i: (i, 0)),
                  pl.BlockSpec((ROWB, D), lambda i: (i, 0)),
                  pl.BlockSpec((D, D), lambda i: (0, 0)),
                  pl.BlockSpec((1, D), lambda i: (0, 0)),
                  pl.BlockSpec((ROWB, DW), lambda i: (i, 0)),
                  pl.BlockSpec((ROWB, DW), lambda i: (i, 0))],
        out_specs=[pl.BlockSpec((ROWB, D), lambda i: (i, 0)),
                   pl.BlockSpec((ROWB, D), lambda i: (i, 0))],
        out_shape=[jax.ShapeDtypeStruct((NPAD, D), jnp.float32),
                   jax.ShapeDtypeStruct((NPAD, D), jnp.float32)],
    )(p0, p1, hp, w, b, d0, d1)


def _final_body(h_ref, wp_ref, bp_ref, o_ref, acc_ref):
    i = pl.program_id(0)

    @pl.when(i == 0)
    def _():
        acc_ref[...] = jnp.zeros_like(acc_ref)

    row = lax.broadcasted_iota(jnp.int32, (ROWB, D), 0) + i * ROWB
    x = jnp.where(row < N, h_ref[...], 0.0)
    acc_ref[...] += jnp.sum(x, axis=0, keepdims=True)

    @pl.when(i == GRID - 1)
    def _():
        feat = acc_ref[...] * (1.0 / N)
        logits = jnp.dot(feat, wp_ref[...],
                         preferred_element_type=jnp.float32) + bp_ref[...]
        lane = lax.broadcasted_iota(jnp.int32, (1, D), 1)
        valid = lane < 16
        z = jnp.where(valid, logits, -1e30)
        z = z - jnp.max(z, axis=-1, keepdims=True)
        e = jnp.where(valid, jnp.exp(z), 0.0)
        o_ref[...] = e / jnp.sum(e, axis=-1, keepdims=True)


def _final(h, wp, bp):
    return pl.pallas_call(
        _final_body,
        grid=(GRID,),
        in_specs=[pl.BlockSpec((ROWB, D), lambda i: (i, 0)),
                  pl.BlockSpec((D, D), lambda i: (0, 0)),
                  pl.BlockSpec((1, D), lambda i: (0, 0))],
        out_specs=pl.BlockSpec((1, D), lambda i: (0, 0)),
        out_shape=jax.ShapeDtypeStruct((1, D), jnp.float32),
        scratch_shapes=[pltpu.VMEM((1, D), jnp.float32)],
    )(h, wp, bp)


def kernel(x, edge_feat, base_data, edge_index, Wn, bn, We, be, Wg, bg,
           Wgcn, bgcn, Wp, bp):
    src = edge_index[0].astype(jnp.int32)
    dst = edge_index[1].astype(jnp.int32)
    pad = jnp.full((EPAD - E,), N, jnp.int32)
    srcs = jnp.concatenate([src, pad]).reshape(NW * CPT, K)
    dsts = jnp.concatenate([dst, pad]).reshape(NW * CPT, K)

    zer = jnp.zeros((NPAD, D), jnp.float32)
    ones = jnp.ones((K, DW), jnp.float32)

    x_pad = jnp.pad(x, ((0, NPAD - N), (0, 0)))
    bn2 = bn.reshape(1, D)
    bg2 = bgcn.reshape(1, D)
    wp_pad = jnp.pad(Wp, ((0, 0), (0, D - 16)))
    bp_pad = jnp.pad(bp, ((0, D - 16))).reshape(1, D)

    h0 = _mat0(x_pad, Wn, bn2)

    degp = _deg_sc(srcs, zer, ones)
    part = _segsum_sc(h0, srcs, dsts, zer)
    h1, g = _combine1(part[0], part[1], degp[0], degp[1])

    h = h1
    for _ in range(3):
        part = _segsum_sc(g, srcs, dsts, zer)
        h, g = _layer(part[0], part[1], h, Wgcn, bg2, degp[0], degp[1])

    out = _final(h, wp_pad, bp_pad)
    return out[:, :16]

# --- scband reference (transcript-rebuilt; emitter-appended) ---
"""Pipeline reference for scband-simple-model-17712445129203 (READ-ONLY COPY).

The authoritative reference and input builder live on the scoring server;
editing this copy changes nothing except your own understanding.
"""

import jax, jax.numpy as jnp
import numpy as np

N = 10000
E = 320000
D_NODE = 128
D_EDGE = 16
D_GRAPH = 128
H = 128
LAYERS = 3
CLASSNUM = 16

def setup_inputs(seed: int = 0) -> dict:
    key = jax.random.key(seed)
    ks = jax.random.split(key, 9)
    x = jax.random.normal(ks[0], (N, D_NODE), dtype=jnp.float32)
    edge_feat = jax.random.normal(ks[1], (E, D_EDGE), dtype=jnp.float32)
    edge_index = jax.random.randint(ks[2], (2, E), 0, N)
    base_data = jax.random.normal(ks[3], (1, D_GRAPH), dtype=jnp.float32)
    def lin(k, fan_in, fan_out):
        kw, kb = jax.random.split(k)
        bound = 1.0 / np.sqrt(fan_in)
        W = jax.random.uniform(kw, (fan_in, fan_out), minval=-bound, maxval=bound, dtype=jnp.float32)
        b = jax.random.uniform(kb, (fan_out,), minval=-bound, maxval=bound, dtype=jnp.float32)
        return W, b
    Wn, bn = lin(ks[4], D_NODE, H)
    We, be = lin(ks[5], D_EDGE, H)
    Wg, bg = lin(ks[6], D_GRAPH, H)
    Wgcn, bgcn = lin(ks[7], H, H)
    Wp, bp = lin(ks[8], H, CLASSNUM)
    return {"x": x, "edge_feat": edge_feat, "base_data": base_data, "edge_index": edge_index,
            "Wn": Wn, "bn": bn, "We": We, "be": be, "Wg": Wg, "bg": bg,
            "Wgcn": Wgcn, "bgcn": bgcn, "Wp": Wp, "bp": bp}

def reference(x, edge_feat, base_data, edge_index, Wn, bn, We, be, Wg, bg, Wgcn, bgcn, Wp, bp):
    src = edge_index[0]
    dst = edge_index[1]
    n = x.shape[0]
    # graph_feat_init (computed in torch forward but unused for predictnobase output)
    base_feat = base_data @ Wg + bg
    # DGLInit: resize node and edge features
    h = x @ Wn + bn
    e_h = edge_feat @ We + be  # stored in edata['hidden'] but never consumed downstream
    # Node_feat_fusion: hidden[dst] = sum over incoming edges of src hidden
    h = jax.ops.segment_sum(h[src], dst, num_segments=n)
    # node degree used by SingleGCN normalization (out-degree, min 1)
    deg = jax.ops.segment_sum(jnp.ones((src.shape[0],), jnp.float32), src, num_segments=n)
    deg = jnp.maximum(deg, 1.0)
    # GCNProcess: gcn_layers of SingleGCN with a SHARED linear weight, no activation
    for _ in range(LAYERS):
        msg = h[src] / deg[src][:, None]
        red = jax.ops.segment_sum(msg, dst, num_segments=n) + h
        h = red @ Wgcn + bgcn
    # GCNPredict: mean over nodes
    dgl_feat = jnp.mean(h, axis=0).reshape(1, -1)
    # Predictnobase: linear + softmax
    logits = dgl_feat @ Wp + bp
    return jax.nn.softmax(logits, axis=-1)

if __name__ == "__main__":
    import jax
    _d = setup_inputs()
    print(jax.jit(kernel)(*tuple(_d.values())))

</pallas_src>

<mosaic_0001>
#map = affine_map<(d0, d1) -> (0, 0)>
#map1 = affine_map<(d0, d1) -> (0, 0, 0)>
module attributes {stable_mosaic.version = 14 : i64} {
  func.func @_segsum_body(%arg0: i32, %arg1: i32, %arg2: memref<10240x128xf32, #tpu.memory_space<hbm>>, %arg3: memref<2560x128xi32, #tpu.memory_space<hbm>>, %arg4: memref<2560x128xi32, #tpu.memory_space<hbm>>, %arg5: memref<10240x128xf32, #tpu.memory_space<hbm>>, %arg6: memref<2x10240x128xf32, #tpu.memory_space<hbm>>, %arg7: memref<16x128xi32, #tpu.memory_space<vmem>>, %arg8: memref<16x128xi32, #tpu.memory_space<vmem>>, %arg9: memref<128x128xf32, #tpu.memory_space<vmem>>, %arg10: memref<128x128xf32, #tpu.memory_space<vmem>>, %arg11: memref<10240x128xf32, #tpu.memory_space<vmem_shared>>, %arg12: memref<!tpu.dma_semaphore, #tpu.memory_space<semaphore_mem>>, %arg13: memref<!tpu.dma_semaphore, #tpu.memory_space<semaphore_mem>>, %arg14: memref<!tpu.dma_semaphore, #tpu.memory_space<semaphore_mem>>, %arg15: memref<!tpu.dma_semaphore, #tpu.memory_space<semaphore_mem>>) attributes {dimension_semantics = [#tpu.dimension_semantics<core_parallel>, #tpu.dimension_semantics<subcore_parallel>], iteration_bounds = array<i64: 2, 16>, scalar_prefetch = 0 : i64, scratch_operands = 9 : i64, tpu.core_type = #tpu.core_type<sc_vector_subcore>, window_params = [{transform_indices = #map}, {transform_indices = #map}, {transform_indices = #map}, {transform_indices = #map}, {transform_indices = #map1}]} {
    %mul3A = arith.constant 640 : i32
    %mul3A_0 = arith.muli %arg1, %mul3A : i32
    "tpu.region"() ({
      %run_scoped3A = tpu.sem_alloc : memref<!tpu.dma_semaphore, #tpu.memory_space<semaphore_mem>>
      %dma_start3A = arith.constant 0 : i32
      %dma_start3A_28 = tpu.memref_slice %arg11[%mul3A_0, %dma_start3A] : memref<10240x128xf32, #tpu.memory_space<vmem_shared>> -> memref<640x128xf32, #tpu.memory_space<vmem_shared>>
      %dma_start3A_29 = arith.constant 0 : i32
      %dma_start3A_30 = tpu.memref_slice %arg5[%mul3A_0, %dma_start3A_29] : memref<10240x128xf32, #tpu.memory_space<hbm>> -> memref<640x128xf32, #tpu.memory_space<hbm>>
      tpu.enqueue_dma source(%dma_start3A_30 : memref<640x128xf32, #tpu.memory_space<hbm>>) target(%dma_start3A_28 : memref<640x128xf32, #tpu.memory_space<vmem_shared>>) target_semaphore(%run_scoped3A : memref<!tpu.dma_semaphore, #tpu.memory_space<semaphore_mem>>)
      %dma_wait3A = arith.constant 0 : i32
      %dma_wait3A_31 = tpu.memref_slice %arg11[%mul3A_0, %dma_wait3A] : memref<10240x128xf32, #tpu.memory_space<vmem_shared>> -> memref<640x128xf32, #tpu.memory_space<vmem_shared>>
      %dma_wait3A_32 = arith.constant 0 : i32
      %dma_wait3A_33 = tpu.memref_slice %arg5[%mul3A_0, %dma_wait3A_32] : memref<10240x128xf32, #tpu.memory_space<hbm>> -> memref<640x128xf32, #tpu.memory_space<hbm>>
      tpu.wait_dma2 semaphore(%run_scoped3A : memref<!tpu.dma_semaphore, #tpu.memory_space<semaphore_mem>>) src(%dma_wait3A_33 : memref<640x128xf32, #tpu.memory_space<hbm>>) dst(%dma_wait3A_31 : memref<640x128xf32, #tpu.memory_space<vmem_shared>>)
      tpu.yield
    }) : () -> ()
    %barrier3A = arith.constant 0 : index
    tpu.barrier barrier_id(%barrier3A)
    %eq3A = arith.constant 0 : i32
    %eq3A_1 = arith.cmpi eq, %arg0, %eq3A : i32
    %mul3A_2 = arith.constant 144 : i32
    %mul3A_3 = arith.muli %arg1, %mul3A_2 : i32
    %mul3A_4 = arith.constant 16 : i32
    %mul3A_5 = arith.muli %arg1, %mul3A_4 : i32
    %add3A = arith.constant 2304 : i32
    %add3A_6 = arith.addi %add3A, %mul3A_5 : i32
    %select_n3A = arith.select %eq3A_1, %mul3A_3, %add3A_6 : i32
    %eq3A_7 = arith.constant 0 : i32
    %eq3A_8 = arith.cmpi eq, %arg0, %eq3A_7 : i32
    %jit3A = arith.constant 9 : i32
    %jit3A_9 = arith.constant 1 : i32
    %select_n3A_10 = arith.select %eq3A_8, %jit3A, %jit3A_9 : i32
    %sub3A = arith.constant 0 : i32
    %sub3A_11 = arith.subi %select_n3A_10, %sub3A : i32
    %sub3A_12 = arith.constant 1 : i32
    %sub3A_13 = arith.constant 1 : i32
    %sub3A_14 = arith.subi %sub3A_12, %sub3A_13 : i32
    %add3A_15 = arith.addi %sub3A_11, %sub3A_14 : i32
    %div3A = arith.constant 1 : i32
    %div3A_16 = arith.divsi %add3A_15, %div3A : i32
    %while3A = arith.constant 1 : i32
    %while3A_17 = arith.constant 0 : i32
    %while3A_18 = arith.constant 0 : i32
    %while3A_19 = arith.subi %div3A_16, %while3A_18 : i32
    %while3A_20 = arith.addi %while3A_18, %while3A_19 : i32
    %while3A_21 = arith.constant 1 : i32
    %while3A_22 = arith.divsi %while3A_19, %while3A_21 : i32
    %while3A_23 = arith.muli %while3A_22, %while3A_21 : i32
    %while3A_24 = arith.addi %while3A_18, %while3A_23 : i32
    %while3A_25 = arith.constant 1 : i32
    scf.for %while3A_28 = %while3A_18 to %while3A_24 step %while3A_25  : i32 {
      %mul3A_29 = arith.muli %while3A_28, %while3A : i32
      %add3A_30 = arith.addi %while3A_17, %mul3A_29 : i32
      %mul3A_31 = arith.constant 16 : i32
      %mul3A_32 = arith.muli %add3A_30, %mul3A_31 : i32
      %add3A_33 = arith.addi %select_n3A, %mul3A_32 : i32
      %add3A_34 = arith.constant 0 : i32
      %add3A_35 = arith.addi %add3A_33, %add3A_34 : i32
      %iota3A = tpu.iota {dimensions = array<i32: 0>} : vector<16xi32>
      %add3A_36 = vector.broadcast %add3A_35 : i32 to vector<16xi32>
      %add3A_37 = arith.addi %add3A_36, %iota3A : vector<16xi32>
      %dma_start3A = arith.constant 0 : i32
      %dma_start3A_38 = arith.constant 0 : i32
      %dma_start3A_39 = tpu.memref_slice %arg7[%dma_start3A, %dma_start3A_38] : memref<16x128xi32, #tpu.memory_space<vmem>> -> memref<16x128xi32, #tpu.memory_space<vmem>>
      %dma_start3A_40 = arith.constant 0 : i32
      %dma_start3A_41 = arith.constant 0 : i32
      %dma_start3A_42 = tpu.memref_slice %arg3[%dma_start3A_40, %dma_start3A_41] : memref<2560x128xi32, #tpu.memory_space<hbm>> -> memref<2560x128xi32, #tpu.memory_space<hbm>>
      tpu.enqueue_indirect_dma source(%dma_start3A_42 : memref<2560x128xi32, #tpu.memory_space<hbm>>) target(%dma_start3A_39 : memref<16x128xi32, #tpu.memory_space<vmem>>) offsets(%add3A_37 : vector<16xi32>) semaphore(%arg12 : memref<!tpu.dma_semaphore, #tpu.memory_space<semaphore_mem>>)
      %dma_start3A_43 = arith.constant 0 : i32
      %dma_start3A_44 = arith.constant 0 : i32
      %dma_start3A_45 = tpu.memref_slice %arg8[%dma_start3A_43, %dma_start3A_44] : memref<16x128xi32, #tpu.memory_space<vmem>> -> memref<16x128xi32, #tpu.memory_space<vmem>>
      %dma_start3A_46 = arith.constant 0 : i32
      %dma_start3A_47 = arith.constant 0 : i32
      %dma_start3A_48 = tpu.memref_slice %arg4[%dma_start3A_46, %dma_start3A_47] : memref<2560x128xi32, #tpu.memory_space<hbm>> -> memref<2560x128xi32, #tpu.memory_space<hbm>>
      tpu.enqueue_indirect_dma source(%dma_start3A_48 : memref<2560x128xi32, #tpu.memory_space<hbm>>) target(%dma_start3A_45 : memref<16x128xi32, #tpu.memory_space<vmem>>) offsets(%add3A_37 : vector<16xi32>) semaphore(%arg15 : memref<!tpu.dma_semaphore, #tpu.memory_space<semaphore_mem>>)
      %dma_wait3A = arith.constant 0 : i32
      %dma_wait3A_49 = arith.constant 0 : i32
      %dma_wait3A_50 = tpu.memref_slice %arg3[%dma_wait3A, %dma_wait3A_49] : memref<2560x128xi32, #tpu.memory_space<hbm>> -> memref<16x128xi32, #tpu.memory_space<hbm>>
      %dma_wait3A_51 = arith.constant 0 : i32
      %dma_wait3A_52 = arith.constant 0 : i32
      %dma_wait3A_53 = tpu.memref_slice %arg3[%dma_wait3A_51, %dma_wait3A_52] : memref<2560x128xi32, #tpu.memory_space<hbm>> -> memref<16x128xi32, #tpu.memory_space<hbm>>
      tpu.wait_dma2 semaphore(%arg12 : memref<!tpu.dma_semaphore, #tpu.memory_space<semaphore_mem>>) src(%dma_wait3A_53 : memref<16x128xi32, #tpu.memory_space<hbm>>) dst(%arg7 : memref<16x128xi32, #tpu.memory_space<vmem>>)
      %dma_wait3A_54 = arith.constant 0 : i32
      %dma_wait3A_55 = arith.constant 0 : i32
      %dma_wait3A_56 = tpu.memref_slice %arg4[%dma_wait3A_54, %dma_wait3A_55] : memref<2560x128xi32, #tpu.memory_space<hbm>> -> memref<16x128xi32, #tpu.memory_space<hbm>>
      %dma_wait3A_57 = arith.constant 0 : i32
      %dma_wait3A_58 = arith.constant 0 : i32
      %dma_wait3A_59 = tpu.memref_slice %arg4[%dma_wait3A_57, %dma_wait3A_58] : memref<2560x128xi32, #tpu.memory_space<hbm>> -> memref<16x128xi32, #tpu.memory_space<hbm>>
      tpu.wait_dma2 semaphore(%arg15 : memref<!tpu.dma_semaphore, #tpu.memory_space<semaphore_mem>>) src(%dma_wait3A_59 : memref<16x128xi32, #tpu.memory_space<hbm>>) dst(%arg8 : memref<16x128xi32, #tpu.memory_space<vmem>>)
      %dma_start3A_60 = arith.constant 0 : i32
      %dma_start3A_61 = arith.constant 0 : i32
      %dma_start3A_62 = tpu.memref_slice %arg7[%dma_start3A_60, %dma_start3A_61] : memref<16x128xi32, #tpu.memory_space<vmem>> -> memref<1x128xi32, #tpu.memory_space<vmem>>
      %dma_start3A_63 = tpu.memref_squeeze %dma_start3A_62 : memref<1x128xi32, #tpu.memory_space<vmem>> -> memref<128xi32, #tpu.memory_space<vmem>>
      %dma_start3A_64 = arith.constant 0 : i32
      %dma_start3A_65 = arith.constant 0 : i32
      %dma_start3A_66 = tpu.memref_slice %arg2[%dma_start3A_64, %dma_start3A_65] : memref<10240x128xf32, #tpu.memory_space<hbm>> -> memref<10240x128xf32, #tpu.memory_space<hbm>>
      tpu.enqueue_indirect_dma source(%dma_start3A_66 : memref<10240x128xf32, #tpu.memory_space<hbm>>) target(%arg9 : memref<128x128xf32, #tpu.memory_space<vmem>>) offsets(%dma_start3A_63 : memref<128xi32, #tpu.memory_space<vmem>>) semaphore(%arg13 : memref<!tpu.dma_semaphore, #tpu.memory_space<semaphore_mem>>)
      %dma_start3A_67 = arith.constant 1 : i32
      %dma_start3A_68 = arith.constant 0 : i32
      %dma_start3A_69 = tpu.memref_slice %arg7[%dma_start3A_67, %dma_start3A_68] : memref<16x128xi32, #tpu.memory_space<vmem>> -> memref<1x128xi32, #tpu.memory_space<vmem>>
      %dma_start3A_70 = tpu.memref_squeeze %dma_start3A_69 : memref<1x128xi32, #tpu.memory_space<vmem>> -> memref<128xi32, #tpu.memory_space<vmem>>
      %dma_start3A_71 = arith.constant 0 : i32
      %dma_start3A_72 = arith.constant 0 : i32
      %dma_start3A_73 = tpu.memref_slice %arg2[%dma_start3A_71, %dma_start3A_72] : memref<10240x128xf32, #tpu.memory_space<hbm>> -> memref<10240x128xf32, #tpu.memory_space<hbm>>
      tpu.enqueue_indirect_dma source(%dma_start3A_73 : memref<10240x128xf32, #tpu.memory_space<hbm>>) target(%arg10 : memref<128x128xf32, #tpu.memory_space<vmem>>) offsets(%dma_start3A_70 : memref<128xi32, #tpu.memory_space<vmem>>) semaphore(%arg14 : memref<!tpu.dma_semaphore, #tpu.memory_space<semaphore_mem>>)
      %scan3A = arith.constant 0 : i32
      %scan3A_74 = arith.constant 7 : i32
      %scan3A_75 = arith.addi %scan3A, %scan3A_74 : i32
      %scan3A_76 = arith.constant 1 : i32
      scf.for %scan3A_91 = %scan3A to %scan3A_75 step %scan3A_76  : i32 {
        %mul3A_92 = arith.constant 1 : i32
        %mul3A_93 = arith.muli %scan3A_91, %mul3A_92 : i32
        %add3A_94 = arith.constant 0 : i32
        %add3A_95 = arith.addi %add3A_94, %mul3A_93 : i32
        %mul3A_96 = arith.constant 2 : i32
        %mul3A_97 = arith.muli %add3A_95, %mul3A_96 : i32
        %add3A_98 = arith.constant 0 : i32
        %add3A_99 = arith.addi %mul3A_97, %add3A_98 : i32
        %dma_wait3A_100 = arith.constant 0 : i32
        %dma_wait3A_101 = arith.constant 0 : i32
        %dma_wait3A_102 = tpu.memref_slice %arg2[%dma_wait3A_100, %dma_wait3A_101] : memref<10240x128xf32, #tpu.memory_space<hbm>> -> memref<128x128xf32, #tpu.memory_space<hbm>>
        %dma_wait3A_103 = arith.constant 0 : i32
        %dma_wait3A_104 = arith.constant 0 : i32
        %dma_wait3A_105 = tpu.memref_slice %arg2[%dma_wait3A_103, %dma_wait3A_104] : memref<10240x128xf32, #tpu.memory_space<hbm>> -> memref<128x128xf32, #tpu.memory_space<hbm>>
        tpu.wait_dma2 semaphore(%arg13 : memref<!tpu.dma_semaphore, #tpu.memory_space<semaphore_mem>>) src(%dma_wait3A_105 : memref<128x128xf32, #tpu.memory_space<hbm>>) dst(%arg9 : memref<128x128xf32, #tpu.memory_space<vmem>>)
        "tpu.region"() ({
          %run_scoped3A_132 = tpu.sem_alloc : memref<!tpu.dma_semaphore, #tpu.memory_space<semaphore_mem>>
          %dma_start3A_133 = arith.constant 0 : i32
          %dma_start3A_134 = tpu.memref_slice %arg8[%add3A_99, %dma_start3A_133] : memref<16x128xi32, #tpu.memory_space<vmem>> -> memref<1x128xi32, #tpu.memory_space<vmem>>
          %dma_start3A_135 = tpu.memref_squeeze %dma_start3A_134 : memref<1x128xi32, #tpu.memory_space<vmem>> -> memref<128xi32, #tpu.memory_space<vmem>>
          %dma_start3A_136 = arith.constant 0 : i32
          %dma_start3A_137 = arith.constant 0 : i32
          %dma_start3A_138 = tpu.memref_slice %arg11[%dma_start3A_136, %dma_start3A_137] : memref<10240x128xf32, #tpu.memory_space<vmem_shared>> -> memref<10240x128xf32, #tpu.memory_space<vmem_shared>>
          tpu.enqueue_indirect_dma source(%arg9 : memref<128x128xf32, #tpu.memory_space<vmem>>) target(%dma_start3A_138 : memref<10240x128xf32, #tpu.memory_space<vmem_shared>>) offsets(%dma_start3A_135 : memref<128xi32, #tpu.memory_space<vmem>>) semaphore(%run_scoped3A_132 : memref<!tpu.dma_semaphore, #tpu.memory_space<semaphore_mem>>) {add = true}
          %dma_wait3A_139 = arith.constant 0 : i32
          %dma_wait3A_140 = tpu.memref_slice %arg8[%add3A_99, %dma_wait3A_139] : memref<16x128xi32, #tpu.memory_space<vmem>> -> memref<1x128xi32, #tpu.memory_space<vmem>>
          %dma_wait3A_141 = tpu.memref_squeeze %dma_wait3A_140 : memref<1x128xi32, #tpu.memory_space<vmem>> -> memref<128xi32, #tpu.memory_space<vmem>>
          %dma_wait3A_142 = arith.constant 0 : i32
          %dma_wait3A_143 = arith.constant 0 : i32
          %dma_wait3A_144 = tpu.memref_slice %arg11[%dma_wait3A_142, %dma_wait3A_143] : memref<10240x128xf32, #tpu.memory_space<vmem_shared>> -> memref<10240x128xf32, #tpu.memory_space<vmem_shared>>
          tpu.wait_indirect_dma semaphore(%run_scoped3A_132 : memref<!tpu.dma_semaphore, #tpu.memory_space<semaphore_mem>>) src(%arg9 : memref<128x128xf32, #tpu.memory_space<vmem>>) dst(%dma_wait3A_144 : memref<10240x128xf32, #tpu.memory_space<vmem_shared>>)
          tpu.yield
        }) : () -> ()
        %add3A_106 = arith.constant 2 : i32
        %add3A_107 = arith.addi %add3A_99, %add3A_106 : i32
        %dma_start3A_108 = arith.constant 0 : i32
        %dma_start3A_109 = tpu.memref_slice %arg7[%add3A_107, %dma_start3A_108] : memref<16x128xi32, #tpu.memory_space<vmem>> -> memref<1x128xi32, #tpu.memory_space<vmem>>
        %dma_start3A_110 = tpu.memref_squeeze %dma_start3A_109 : memref<1x128xi32, #tpu.memory_space<vmem>> -> memref<128xi32, #tpu.memory_space<vmem>>
        %dma_start3A_111 = arith.constant 0 : i32
        %dma_start3A_112 = arith.constant 0 : i32
        %dma_start3A_113 = tpu.memref_slice %arg2[%dma_start3A_111, %dma_start3A_112] : memref<10240x128xf32, #tpu.memory_space<hbm>> -> memref<10240x128xf32, #tpu.memory_space<hbm>>
        tpu.enqueue_indirect_dma source(%dma_start3A_113 : memref<10240x128xf32, #tpu.memory_space<hbm>>) target(%arg9 : memref<128x128xf32, #tpu.memory_space<vmem>>) offsets(%dma_start3A_110 : memref<128xi32, #tpu.memory_space<vmem>>) semaphore(%arg13 : memref<!tpu.dma_semaphore, #tpu.memory_space<semaphore_mem>>)
        %mul3A_114 = arith.constant 2 : i32
        %mul3A_115 = arith.muli %add3A_95, %mul3A_114 : i32
        %add3A_116 = arith.constant 1 : i32
        %add3A_117 = arith.addi %mul3A_115, %add3A_116 : i32
        %dma_wait3A_118 = arith.constant 0 : i32
        %dma_wait3A_119 = arith.constant 0 : i32
        %dma_wait3A_120 = tpu.memref_slice %arg2[%dma_wait3A_118, %dma_wait3A_119] : memref<10240x128xf32, #tpu.memory_space<hbm>> -> memref<128x128xf32, #tpu.memory_space<hbm>>
        %dma_wait3A_121 = arith.constant 0 : i32
        %dma_wait3A_122 = arith.constant 0 : i32
        %dma_wait3A_123 = tpu.memref_slice %arg2[%dma_wait3A_121, %dma_wait3A_122] : memref<10240x128xf32, #tpu.memory_space<hbm>> -> memref<128x128xf32, #tpu.memory_space<hbm>>
        tpu.wait_dma2 semaphore(%arg14 : memref<!tpu.dma_semaphore, #tpu.memory_space<semaphore_mem>>) src(%dma_wait3A_123 : memref<128x128xf32, #tpu.memory_space<hbm>>) dst(%arg10 : memref<128x128xf32, #tpu.memory_space<vmem>>)
        "tpu.region"() ({
          %run_scoped3A_132 = tpu.sem_alloc : memref<!tpu.dma_semaphore, #tpu.memory_space<semaphore_mem>>
          %dma_start3A_133 = arith.constant 0 : i32
          %dma_start3A_134 = tpu.memref_slice %arg8[%add3A_117, %dma_start3A_133] : memref<16x128xi32, #tpu.memory_space<vmem>> -> memref<1x128xi32, #tpu.memory_space<vmem>>
          %dma_start3A_135 = tpu.memref_squeeze %dma_start3A_134 : memref<1x128xi32, #tpu.memory_space<vmem>> -> memref<128xi32, #tpu.memory_space<vmem>>
          %dma_start3A_136 = arith.constant 0 : i32
          %dma_start3A_137 = arith.constant 0 : i32
          %dma_start3A_138 = tpu.memref_slice %arg11[%dma_start3A_136, %dma_start3A_137] : memref<10240x128xf32, #tpu.memory_space<vmem_shared>> -> memref<10240x128xf32, #tpu.memory_space<vmem_shared>>
          tpu.enqueue_indirect_dma source(%arg10 : memref<128x128xf32, #tpu.memory_space<vmem>>) target(%dma_start3A_138 : memref<10240x128xf32, #tpu.memory_space<vmem_shared>>) offsets(%dma_start3A_135 : memref<128xi32, #tpu.memory_space<vmem>>) semaphore(%run_scoped3A_132 : memref<!tpu.dma_semaphore, #tpu.memory_space<semaphore_mem>>) {add = true}
          %dma_wait3A_139 = arith.constant 0 : i32
          %dma_wait3A_140 = tpu.memref_slice %arg8[%add3A_117, %dma_wait3A_139] : memref<16x128xi32, #tpu.memory_space<vmem>> -> memref<1x128xi32, #tpu.memory_space<vmem>>
          %dma_wait3A_141 = tpu.memref_squeeze %dma_wait3A_140 : memref<1x128xi32, #tpu.memory_space<vmem>> -> memref<128xi32, #tpu.memory_space<vmem>>
          %dma_wait3A_142 = arith.constant 0 : i32
          %dma_wait3A_143 = arith.constant 0 : i32
          %dma_wait3A_144 = tpu.memref_slice %arg11[%dma_wait3A_142, %dma_wait3A_143] : memref<10240x128xf32, #tpu.memory_space<vmem_shared>> -> memref<10240x128xf32, #tpu.memory_space<vmem_shared>>
          tpu.wait_indirect_dma semaphore(%run_scoped3A_132 : memref<!tpu.dma_semaphore, #tpu.memory_space<semaphore_mem>>) src(%arg10 : memref<128x128xf32, #tpu.memory_space<vmem>>) dst(%dma_wait3A_144 : memref<10240x128xf32, #tpu.memory_space<vmem_shared>>)
          tpu.yield
        }) : () -> ()
        %add3A_124 = arith.constant 2 : i32
        %add3A_125 = arith.addi %add3A_117, %add3A_124 : i32
        %dma_start3A_126 = arith.constant 0 : i32
        %dma_start3A_127 = tpu.memref_slice %arg7[%add3A_125, %dma_start3A_126] : memref<16x128xi32, #tpu.memory_space<vmem>> -> memref<1x128xi32, #tpu.memory_space<vmem>>
        %dma_start3A_128 = tpu.memref_squeeze %dma_start3A_127 : memref<1x128xi32, #tpu.memory_space<vmem>> -> memref<128xi32, #tpu.memory_space<vmem>>
        %dma_start3A_129 = arith.constant 0 : i32
        %dma_start3A_130 = arith.constant 0 : i32
        %dma_start3A_131 = tpu.memref_slice %arg2[%dma_start3A_129, %dma_start3A_130] : memref<10240x128xf32, #tpu.memory_space<hbm>> -> memref<10240x128xf32, #tpu.memory_space<hbm>>
        tpu.enqueue_indirect_dma source(%dma_start3A_131 : memref<10240x128xf32, #tpu.memory_space<hbm>>) target(%arg10 : memref<128x128xf32, #tpu.memory_space<vmem>>) offsets(%dma_start3A_128 : memref<128xi32, #tpu.memory_space<vmem>>) semaphore(%arg14 : memref<!tpu.dma_semaphore, #tpu.memory_space<semaphore_mem>>)
      }
      %scan3A_77 = arith.constant 7 : i32
      %dma_wait3A_78 = arith.constant 0 : i32
      %dma_wait3A_79 = arith.constant 0 : i32
      %dma_wait3A_80 = tpu.memref_slice %arg2[%dma_wait3A_78, %dma_wait3A_79] : memref<10240x128xf32, #tpu.memory_space<hbm>> -> memref<128x128xf32, #tpu.memory_space<hbm>>
      %dma_wait3A_81 = arith.constant 0 : i32
      %dma_wait3A_82 = arith.constant 0 : i32
      %dma_wait3A_83 = tpu.memref_slice %arg2[%dma_wait3A_81, %dma_wait3A_82] : memref<10240x128xf32, #tpu.memory_space<hbm>> -> memref<128x128xf32, #tpu.memory_space<hbm>>
      tpu.wait_dma2 semaphore(%arg13 : memref<!tpu.dma_semaphore, #tpu.memory_space<semaphore_mem>>) src(%dma_wait3A_83 : memref<128x128xf32, #tpu.memory_space<hbm>>) dst(%arg9 : memref<128x128xf32, #tpu.memory_space<vmem>>)
      %run_scoped3A = arith.constant 14 : i32
      "tpu.region"() ({
        %run_scoped3A_91 = tpu.sem_alloc : memref<!tpu.dma_semaphore, #tpu.memory_space<semaphore_mem>>
        %dma_start3A_92 = arith.constant 0 : i32
        %dma_start3A_93 = tpu.memref_slice %arg8[%run_scoped3A, %dma_start3A_92] : memref<16x128xi32, #tpu.memory_space<vmem>> -> memref<1x128xi32, #tpu.memory_space<vmem>>
        %dma_start3A_94 = tpu.memref_squeeze %dma_start3A_93 : memref<1x128xi32, #tpu.memory_space<vmem>> -> memref<128xi32, #tpu.memory_space<vmem>>
        %dma_start3A_95 = arith.constant 0 : i32
        %dma_start3A_96 = arith.constant 0 : i32
        %dma_start3A_97 = tpu.memref_slice %arg11[%dma_start3A_95, %dma_start3A_96] : memref<10240x128xf32, #tpu.memory_space<vmem_shared>> -> memref<10240x128xf32, #tpu.memory_space<vmem_shared>>
        tpu.enqueue_indirect_dma source(%arg9 : memref<128x128xf32, #tpu.memory_space<vmem>>) target(%dma_start3A_97 : memref<10240x128xf32, #tpu.memory_space<vmem_shared>>) offsets(%dma_start3A_94 : memref<128xi32, #tpu.memory_space<vmem>>) semaphore(%run_scoped3A_91 : memref<!tpu.dma_semaphore, #tpu.memory_space<semaphore_mem>>) {add = true}
        %dma_wait3A_98 = arith.constant 0 : i32
        %dma_wait3A_99 = tpu.memref_slice %arg8[%run_scoped3A, %dma_wait3A_98] : memref<16x128xi32, #tpu.memory_space<vmem>> -> memref<1x128xi32, #tpu.memory_space<vmem>>
        %dma_wait3A_100 = tpu.memref_squeeze %dma_wait3A_99 : memref<1x128xi32, #tpu.memory_space<vmem>> -> memref<128xi32, #tpu.memory_space<vmem>>
        %dma_wait3A_101 = arith.constant 0 : i32
        %dma_wait3A_102 = arith.constant 0 : i32
        %dma_wait3A_103 = tpu.memref_slice %arg11[%dma_wait3A_101, %dma_wait3A_102] : memref<10240x128xf32, #tpu.memory_space<vmem_shared>> -> memref<10240x128xf32, #tpu.memory_space<vmem_shared>>
        tpu.wait_indirect_dma semaphore(%run_scoped3A_91 : memref<!tpu.dma_semaphore, #tpu.memory_space<semaphore_mem>>) src(%arg9 : memref<128x128xf32, #tpu.memory_space<vmem>>) dst(%dma_wait3A_103 : memref<10240x128xf32, #tpu.memory_space<vmem_shared>>)
        tpu.yield
      }) : () -> ()
      %dma_wait3A_84 = arith.constant 0 : i32
      %dma_wait3A_85 = arith.constant 0 : i32
      %dma_wait3A_86 = tpu.memref_slice %arg2[%dma_wait3A_84, %dma_wait3A_85] : memref<10240x128xf32, #tpu.memory_space<hbm>> -> memref<128x128xf32, #tpu.memory_space<hbm>>
      %dma_wait3A_87 = arith.constant 0 : i32
      %dma_wait3A_88 = arith.constant 0 : i32
      %dma_wait3A_89 = tpu.memref_slice %arg2[%dma_wait3A_87, %dma_wait3A_88] : memref<10240x128xf32, #tpu.memory_space<hbm>> -> memref<128x128xf32, #tpu.memory_space<hbm>>
      tpu.wait_dma2 semaphore(%arg14 : memref<!tpu.dma_semaphore, #tpu.memory_space<semaphore_mem>>) src(%dma_wait3A_89 : memref<128x128xf32, #tpu.memory_space<hbm>>) dst(%arg10 : memref<128x128xf32, #tpu.memory_space<vmem>>)
      %run_scoped3A_90 = arith.constant 15 : i32
      "tpu.region"() ({
        %run_scoped3A_91 = tpu.sem_alloc : memref<!tpu.dma_semaphore, #tpu.memory_space<semaphore_mem>>
        %dma_start3A_92 = arith.constant 0 : i32
        %dma_start3A_93 = tpu.memref_slice %arg8[%run_scoped3A_90, %dma_start3A_92] : memref<16x128xi32, #tpu.memory_space<vmem>> -> memref<1x128xi32, #tpu.memory_space<vmem>>
        %dma_start3A_94 = tpu.memref_squeeze %dma_start3A_93 : memref<1x128xi32, #tpu.memory_space<vmem>> -> memref<128xi32, #tpu.memory_space<vmem>>
        %dma_start3A_95 = arith.constant 0 : i32
        %dma_start3A_96 = arith.constant 0 : i32
        %dma_start3A_97 = tpu.memref_slice %arg11[%dma_start3A_95, %dma_start3A_96] : memref<10240x128xf32, #tpu.memory_space<vmem_shared>> -> memref<10240x128xf32, #tpu.memory_space<vmem_shared>>
        tpu.enqueue_indirect_dma source(%arg10 : memref<128x128xf32, #tpu.memory_space<vmem>>) target(%dma_start3A_97 : memref<10240x128xf32, #tpu.memory_space<vmem_shared>>) offsets(%dma_start3A_94 : memref<128xi32, #tpu.memory_space<vmem>>) semaphore(%run_scoped3A_91 : memref<!tpu.dma_semaphore, #tpu.memory_space<semaphore_mem>>) {add = true}
        %dma_wait3A_98 = arith.constant 0 : i32
        %dma_wait3A_99 = tpu.memref_slice %arg8[%run_scoped3A_90, %dma_wait3A_98] : memref<16x128xi32, #tpu.memory_space<vmem>> -> memref<1x128xi32, #tpu.memory_space<vmem>>
        %dma_wait3A_100 = tpu.memref_squeeze %dma_wait3A_99 : memref<1x128xi32, #tpu.memory_space<vmem>> -> memref<128xi32, #tpu.memory_space<vmem>>
        %dma_wait3A_101 = arith.constant 0 : i32
        %dma_wait3A_102 = arith.constant 0 : i32
        %dma_wait3A_103 = tpu.memref_slice %arg11[%dma_wait3A_101, %dma_wait3A_102] : memref<10240x128xf32, #tpu.memory_space<vmem_shared>> -> memref<10240x128xf32, #tpu.memory_space<vmem_shared>>
        tpu.wait_indirect_dma semaphore(%run_scoped3A_91 : memref<!tpu.dma_semaphore, #tpu.memory_space<semaphore_mem>>) src(%arg10 : memref<128x128xf32, #tpu.memory_space<vmem>>) dst(%dma_wait3A_103 : memref<10240x128xf32, #tpu.memory_space<vmem_shared>>)
        tpu.yield
      }) : () -> ()
    }
    %while3A_26 = arith.constant 1 : i32
    scf.for %while3A_28 = %while3A_24 to %while3A_20 step %while3A_26  : i32 {
      %mul3A_29 = arith.muli %while3A_28, %while3A : i32
      %add3A_30 = arith.addi %while3A_17, %mul3A_29 : i32
      %mul3A_31 = arith.constant 16 : i32
      %mul3A_32 = arith.muli %add3A_30, %mul3A_31 : i32
      %add3A_33 = arith.addi %select_n3A, %mul3A_32 : i32
      %add3A_34 = arith.constant 0 : i32
      %add3A_35 = arith.addi %add3A_33, %add3A_34 : i32
      %iota3A = tpu.iota {dimensions = array<i32: 0>} : vector<16xi32>
      %add3A_36 = vector.broadcast %add3A_35 : i32 to vector<16xi32>
      %add3A_37 = arith.addi %add3A_36, %iota3A : vector<16xi32>
      %dma_start3A = arith.constant 0 : i32
      %dma_start3A_38 = arith.constant 0 : i32
      %dma_start3A_39 = tpu.memref_slice %arg7[%dma_start3A, %dma_start3A_38] : memref<16x128xi32, #tpu.memory_space<vmem>> -> memref<16x128xi32, #tpu.memory_space<vmem>>
      %dma_start3A_40 = arith.constant 0 : i32
      %dma_start3A_41 = arith.constant 0 : i32
      %dma_start3A_42 = tpu.memref_slice %arg3[%dma_start3A_40, %dma_start3A_41] : memref<2560x128xi32, #tpu.memory_space<hbm>> -> memref<2560x128xi32, #tpu.memory_space<hbm>>
      tpu.enqueue_indirect_dma source(%dma_start3A_42 : memref<2560x128xi32, #tpu.memory_space<hbm>>) target(%dma_start3A_39 : memref<16x128xi32, #tpu.memory_space<vmem>>) offsets(%add3A_37 : vector<16xi32>) semaphore(%arg12 : memref<!tpu.dma_semaphore, #tpu.memory_space<semaphore_mem>>)
      %dma_start3A_43 = arith.constant 0 : i32
      %dma_start3A_44 = arith.constant 0 : i32
      %dma_start3A_45 = tpu.memref_slice %arg8[%dma_start3A_43, %dma_start3A_44] : memref<16x128xi32, #tpu.memory_space<vmem>> -> memref<16x128xi32, #tpu.memory_space<vmem>>
      %dma_start3A_46 = arith.constant 0 : i32
      %dma_start3A_47 = arith.constant 0 : i32
      %dma_start3A_48 = tpu.memref_slice %arg4[%dma_start3A_46, %dma_start3A_47] : memref<2560x128xi32, #tpu.memory_space<hbm>> -> memref<2560x128xi32, #tpu.memory_space<hbm>>
      tpu.enqueue_indirect_dma source(%dma_start3A_48 : memref<2560x128xi32, #tpu.memory_space<hbm>>) target(%dma_start3A_45 : memref<16x128xi32, #tpu.memory_space<vmem>>) offsets(%add3A_37 : vector<16xi32>) semaphore(%arg15 : memref<!tpu.dma_semaphore, #tpu.memory_space<semaphore_mem>>)
      %dma_wait3A = arith.constant 0 : i32
      %dma_wait3A_49 = arith.constant 0 : i32
      %dma_wait3A_50 = tpu.memref_slice %arg3[%dma_wait3A, %dma_wait3A_49] : memref<2560x128xi32, #tpu.memory_space<hbm>> -> memref<16x128xi32, #tpu.memory_space<hbm>>
      %dma_wait3A_51 = arith.constant 0 : i32
      %dma_wait3A_52 = arith.constant 0 : i32
      %dma_wait3A_53 = tpu.memref_slice %arg3[%dma_wait3A_51, %dma_wait3A_52] : memref<2560x128xi32, #tpu.memory_space<hbm>> -> memref<16x128xi32, #tpu.memory_space<hbm>>
      tpu.wait_dma2 semaphore(%arg12 : memref<!tpu.dma_semaphore, #tpu.memory_space<semaphore_mem>>) src(%dma_wait3A_53 : memref<16x128xi32, #tpu.memory_space<hbm>>) dst(%arg7 : memref<16x128xi32, #tpu.memory_space<vmem>>)
      %dma_wait3A_54 = arith.constant 0 : i32
      %dma_wait3A_55 = arith.constant 0 : i32
      %dma_wait3A_56 = tpu.memref_slice %arg4[%dma_wait3A_54, %dma_wait3A_55] : memref<2560x128xi32, #tpu.memory_space<hbm>> -> memref<16x128xi32, #tpu.memory_space<hbm>>
      %dma_wait3A_57 = arith.constant 0 : i32
      %dma_wait3A_58 = arith.constant 0 : i32
      %dma_wait3A_59 = tpu.memref_slice %arg4[%dma_wait3A_57, %dma_wait3A_58] : memref<2560x128xi32, #tpu.memory_space<hbm>> -> memref<16x128xi32, #tpu.memory_space<hbm>>
      tpu.wait_dma2 semaphore(%arg15 : memref<!tpu.dma_semaphore, #tpu.memory_space<semaphore_mem>>) src(%dma_wait3A_59 : memref<16x128xi32, #tpu.memory_space<hbm>>) dst(%arg8 : memref<16x128xi32, #tpu.memory_space<vmem>>)
      %dma_start3A_60 = arith.constant 0 : i32
      %dma_start3A_61 = arith.constant 0 : i32
      %dma_start3A_62 = tpu.memref_slice %arg7[%dma_start3A_60, %dma_start3A_61] : memref<16x128xi32, #tpu.memory_space<vmem>> -> memref<1x128xi32, #tpu.memory_space<vmem>>
      %dma_start3A_63 = tpu.memref_squeeze %dma_start3A_62 : memref<1x128xi32, #tpu.memory_space<vmem>> -> memref<128xi32, #tpu.memory_space<vmem>>
      %dma_start3A_64 = arith.constant 0 : i32
      %dma_start3A_65 = arith.constant 0 : i32
      %dma_start3A_66 = tpu.memref_slice %arg2[%dma_start3A_64, %dma_start3A_65] : memref<10240x128xf32, #tpu.memory_space<hbm>> -> memref<10240x128xf32, #tpu.memory_space<hbm>>
      tpu.enqueue_indirect_dma source(%dma_start3A_66 : memref<10240x128xf32, #tpu.memory_space<hbm>>) target(%arg9 : memref<128x128xf32, #tpu.memory_space<vmem>>) offsets(%dma_start3A_63 : memref<128xi32, #tpu.memory_space<vmem>>) semaphore(%arg13 : memref<!tpu.dma_semaphore, #tpu.memory_space<semaphore_mem>>)
      %dma_start3A_67 = arith.constant 1 : i32
      %dma_start3A_68 = arith.constant 0 : i32
      %dma_start3A_69 = tpu.memref_slice %arg7[%dma_start3A_67, %dma_start3A_68] : memref<16x128xi32, #tpu.memory_space<vmem>> -> memref<1x128xi32, #tpu.memory_space<vmem>>
      %dma_start3A_70 = tpu.memref_squeeze %dma_start3A_69 : memref<1x128xi32, #tpu.memory_space<vmem>> -> memref<128xi32, #tpu.memory_space<vmem>>
      %dma_start3A_71 = arith.constant 0 : i32
      %dma_start3A_72 = arith.constant 0 : i32
      %dma_start3A_73 = tpu.memref_slice %arg2[%dma_start3A_71, %dma_start3A_72] : memref<10240x128xf32, #tpu.memory_space<hbm>> -> memref<10240x128xf32, #tpu.memory_space<hbm>>
      tpu.enqueue_indirect_dma source(%dma_start3A_73 : memref<10240x128xf32, #tpu.memory_space<hbm>>) target(%arg10 : memref<128x128xf32, #tpu.memory_space<vmem>>) offsets(%dma_start3A_70 : memref<128xi32, #tpu.memory_space<vmem>>) semaphore(%arg14 : memref<!tpu.dma_semaphore, #tpu.memory_space<semaphore_mem>>)
      %scan3A = arith.constant 0 : i32
      %scan3A_74 = arith.constant 7 : i32
      %scan3A_75 = arith.addi %scan3A, %scan3A_74 : i32
      %scan3A_76 = arith.constant 1 : i32
      scf.for %scan3A_91 = %scan3A to %scan3A_75 step %scan3A_76  : i32 {
        %mul3A_92 = arith.constant 1 : i32
        %mul3A_93 = arith.muli %scan3A_91, %mul3A_92 : i32
        %add3A_94 = arith.constant 0 : i32
        %add3A_95 = arith.addi %add3A_94, %mul3A_93 : i32
        %mul3A_96 = arith.constant 2 : i32
        %mul3A_97 = arith.muli %add3A_95, %mul3A_96 : i32
        %add3A_98 = arith.constant 0 : i32
        %add3A_99 = arith.addi %mul3A_97, %add3A_98 : i32
        %dma_wait3A_100 = arith.constant 0 : i32
        %dma_wait3A_101 = arith.constant 0 : i32
        %dma_wait3A_102 = tpu.memref_slice %arg2[%dma_wait3A_100, %dma_wait3A_101] : memref<10240x128xf32, #tpu.memory_space<hbm>> -> memref<128x128xf32, #tpu.memory_space<hbm>>
        %dma_wait3A_103 = arith.constant 0 : i32
        %dma_wait3A_104 = arith.constant 0 : i32
        %dma_wait3A_105 = tpu.memref_slice %arg2[%dma_wait3A_103, %dma_wait3A_104] : memref<10240x128xf32, #tpu.memory_space<hbm>> -> memref<128x128xf32, #tpu.memory_space<hbm>>
        tpu.wait_dma2 semaphore(%arg13 : memref<!tpu.dma_semaphore, #tpu.memory_space<semaphore_mem>>) src(%dma_wait3A_105 : memref<128x128xf32, #tpu.memory_space<hbm>>) dst(%arg9 : memref<128x128xf32, #tpu.memory_space<vmem>>)
        "tpu.region"() ({
          %run_scoped3A_132 = tpu.sem_alloc : memref<!tpu.dma_semaphore, #tpu.memory_space<semaphore_mem>>
          %dma_start3A_133 = arith.constant 0 : i32
          %dma_start3A_134 = tpu.memref_slice %arg8[%add3A_99, %dma_start3A_133] : memref<16x128xi32, #tpu.memory_space<vmem>> -> memref<1x128xi32, #tpu.memory_space<vmem>>
          %dma_start3A_135 = tpu.memref_squeeze %dma_start3A_134 : memref<1x128xi32, #tpu.memory_space<vmem>> -> memref<128xi32, #tpu.memory_space<vmem>>
          %dma_start3A_136 = arith.constant 0 : i32
          %dma_start3A_137 = arith.constant 0 : i32
          %dma_start3A_138 = tpu.memref_slice %arg11[%dma_start3A_136, %dma_start3A_137] : memref<10240x128xf32, #tpu.memory_space<vmem_shared>> -> memref<10240x128xf32, #tpu.memory_space<vmem_shared>>
          tpu.enqueue_indirect_dma source(%arg9 : memref<128x128xf32, #tpu.memory_space<vmem>>) target(%dma_start3A_138 : memref<10240x128xf32, #tpu.memory_space<vmem_shared>>) offsets(%dma_start3A_135 : memref<128xi32, #tpu.memory_space<vmem>>) semaphore(%run_scoped3A_132 : memref<!tpu.dma_semaphore, #tpu.memory_space<semaphore_mem>>) {add = true}
          %dma_wait3A_139 = arith.constant 0 : i32
          %dma_wait3A_140 = tpu.memref_slice %arg8[%add3A_99, %dma_wait3A_139] : memref<16x128xi32, #tpu.memory_space<vmem>> -> memref<1x128xi32, #tpu.memory_space<vmem>>
          %dma_wait3A_141 = tpu.memref_squeeze %dma_wait3A_140 : memref<1x128xi32, #tpu.memory_space<vmem>> -> memref<128xi32, #tpu.memory_space<vmem>>
          %dma_wait3A_142 = arith.constant 0 : i32
          %dma_wait3A_143 = arith.constant 0 : i32
          %dma_wait3A_144 = tpu.memref_slice %arg11[%dma_wait3A_142, %dma_wait3A_143] : memref<10240x128xf32, #tpu.memory_space<vmem_shared>> -> memref<10240x128xf32, #tpu.memory_space<vmem_shared>>
          tpu.wait_indirect_dma semaphore(%run_scoped3A_132 : memref<!tpu.dma_semaphore, #tpu.memory_space<semaphore_mem>>) src(%arg9 : memref<128x128xf32, #tpu.memory_space<vmem>>) dst(%dma_wait3A_144 : memref<10240x128xf32, #tpu.memory_space<vmem_shared>>)
          tpu.yield
        }) : () -> ()
        %add3A_106 = arith.constant 2 : i32
        %add3A_107 = arith.addi %add3A_99, %add3A_106 : i32
        %dma_start3A_108 = arith.constant 0 : i32
        %dma_start3A_109 = tpu.memref_slice %arg7[%add3A_107, %dma_start3A_108] : memref<16x128xi32, #tpu.memory_space<vmem>> -> memref<1x128xi32, #tpu.memory_space<vmem>>
        %dma_start3A_110 = tpu.memref_squeeze %dma_start3A_109 : memref<1x128xi32, #tpu.memory_space<vmem>> -> memref<128xi32, #tpu.memory_space<vmem>>
        %dma_start3A_111 = arith.constant 0 : i32
        %dma_start3A_112 = arith.constant 0 : i32
        %dma_start3A_113 = tpu.memref_slice %arg2[%dma_start3A_111, %dma_start3A_112] : memref<10240x128xf32, #tpu.memory_space<hbm>> -> memref<10240x128xf32, #tpu.memory_space<hbm>>
        tpu.enqueue_indirect_dma source(%dma_start3A_113 : memref<10240x128xf32, #tpu.memory_space<hbm>>) target(%arg9 : memref<128x128xf32, #tpu.memory_space<vmem>>) offsets(%dma_start3A_110 : memref<128xi32, #tpu.memory_space<vmem>>) semaphore(%arg13 : memref<!tpu.dma_semaphore, #tpu.memory_space<semaphore_mem>>)
        %mul3A_114 = arith.constant 2 : i32
        %mul3A_115 = arith.muli %add3A_95, %mul3A_114 : i32
        %add3A_116 = arith.constant 1 : i32
        %add3A_117 = arith.addi %mul3A_115, %add3A_116 : i32
        %dma_wait3A_118 = arith.constant 0 : i32
        %dma_wait3A_119 = arith.constant 0 : i32
        %dma_wait3A_120 = tpu.memref_slice %arg2[%dma_wait3A_118, %dma_wait3A_119] : memref<10240x128xf32, #tpu.memory_space<hbm>> -> memref<128x128xf32, #tpu.memory_space<hbm>>
        %dma_wait3A_121 = arith.constant 0 : i32
        %dma_wait3A_122 = arith.constant 0 : i32
        %dma_wait3A_123 = tpu.memref_slice %arg2[%dma_wait3A_121, %dma_wait3A_122] : memref<10240x128xf32, #tpu.memory_space<hbm>> -> memref<128x128xf32, #tpu.memory_space<hbm>>
        tpu.wait_dma2 semaphore(%arg14 : memref<!tpu.dma_semaphore, #tpu.memory_space<semaphore_mem>>) src(%dma_wait3A_123 : memref<128x128xf32, #tpu.memory_space<hbm>>) dst(%arg10 : memref<128x128xf32, #tpu.memory_space<vmem>>)
        "tpu.region"() ({
          %run_scoped3A_132 = tpu.sem_alloc : memref<!tpu.dma_semaphore, #tpu.memory_space<semaphore_mem>>
          %dma_start3A_133 = arith.constant 0 : i32
          %dma_start3A_134 = tpu.memref_slice %arg8[%add3A_117, %dma_start3A_133] : memref<16x128xi32, #tpu.memory_space<vmem>> -> memref<1x128xi32, #tpu.memory_space<vmem>>
          %dma_start3A_135 = tpu.memref_squeeze %dma_start3A_134 : memref<1x128xi32, #tpu.memory_space<vmem>> -> memref<128xi32, #tpu.memory_space<vmem>>
          %dma_start3A_136 = arith.constant 0 : i32
          %dma_start3A_137 = arith.constant 0 : i32
          %dma_start3A_138 = tpu.memref_slice %arg11[%dma_start3A_136, %dma_start3A_137] : memref<10240x128xf32, #tpu.memory_space<vmem_shared>> -> memref<10240x128xf32, #tpu.memory_space<vmem_shared>>
          tpu.enqueue_indirect_dma source(%arg10 : memref<128x128xf32, #tpu.memory_space<vmem>>) target(%dma_start3A_138 : memref<10240x128xf32, #tpu.memory_space<vmem_shared>>) offsets(%dma_start3A_135 : memref<128xi32, #tpu.memory_space<vmem>>) semaphore(%run_scoped3A_132 : memref<!tpu.dma_semaphore, #tpu.memory_space<semaphore_mem>>) {add = true}
          %dma_wait3A_139 = arith.constant 0 : i32
          %dma_wait3A_140 = tpu.memref_slice %arg8[%add3A_117, %dma_wait3A_139] : memref<16x128xi32, #tpu.memory_space<vmem>> -> memref<1x128xi32, #tpu.memory_space<vmem>>
          %dma_wait3A_141 = tpu.memref_squeeze %dma_wait3A_140 : memref<1x128xi32, #tpu.memory_space<vmem>> -> memref<128xi32, #tpu.memory_space<vmem>>
          %dma_wait3A_142 = arith.constant 0 : i32
          %dma_wait3A_143 = arith.constant 0 : i32
          %dma_wait3A_144 = tpu.memref_slice %arg11[%dma_wait3A_142, %dma_wait3A_143] : memref<10240x128xf32, #tpu.memory_space<vmem_shared>> -> memref<10240x128xf32, #tpu.memory_space<vmem_shared>>
          tpu.wait_indirect_dma semaphore(%run_scoped3A_132 : memref<!tpu.dma_semaphore, #tpu.memory_space<semaphore_mem>>) src(%arg10 : memref<128x128xf32, #tpu.memory_space<vmem>>) dst(%dma_wait3A_144 : memref<10240x128xf32, #tpu.memory_space<vmem_shared>>)
          tpu.yield
        }) : () -> ()
        %add3A_124 = arith.constant 2 : i32
        %add3A_125 = arith.addi %add3A_117, %add3A_124 : i32
        %dma_start3A_126 = arith.constant 0 : i32
        %dma_start3A_127 = tpu.memref_slice %arg7[%add3A_125, %dma_start3A_126] : memref<16x128xi32, #tpu.memory_space<vmem>> -> memref<1x128xi32, #tpu.memory_space<vmem>>
        %dma_start3A_128 = tpu.memref_squeeze %dma_start3A_127 : memref<1x128xi32, #tpu.memory_space<vmem>> -> memref<128xi32, #tpu.memory_space<vmem>>
        %dma_start3A_129 = arith.constant 0 : i32
        %dma_start3A_130 = arith.constant 0 : i32
        %dma_start3A_131 = tpu.memref_slice %arg2[%dma_start3A_129, %dma_start3A_130] : memref<10240x128xf32, #tpu.memory_space<hbm>> -> memref<10240x128xf32, #tpu.memory_space<hbm>>
        tpu.enqueue_indirect_dma source(%dma_start3A_131 : memref<10240x128xf32, #tpu.memory_space<hbm>>) target(%arg10 : memref<128x128xf32, #tpu.memory_space<vmem>>) offsets(%dma_start3A_128 : memref<128xi32, #tpu.memory_space<vmem>>) semaphore(%arg14 : memref<!tpu.dma_semaphore, #tpu.memory_space<semaphore_mem>>)
      }
      %scan3A_77 = arith.constant 7 : i32
      %dma_wait3A_78 = arith.constant 0 : i32
      %dma_wait3A_79 = arith.constant 0 : i32
      %dma_wait3A_80 = tpu.memref_slice %arg2[%dma_wait3A_78, %dma_wait3A_79] : memref<10240x128xf32, #tpu.memory_space<hbm>> -> memref<128x128xf32, #tpu.memory_space<hbm>>
      %dma_wait3A_81 = arith.constant 0 : i32
      %dma_wait3A_82 = arith.constant 0 : i32
      %dma_wait3A_83 = tpu.memref_slice %arg2[%dma_wait3A_81, %dma_wait3A_82] : memref<10240x128xf32, #tpu.memory_space<hbm>> -> memref<128x128xf32, #tpu.memory_space<hbm>>
      tpu.wait_dma2 semaphore(%arg13 : memref<!tpu.dma_semaphore, #tpu.memory_space<semaphore_mem>>) src(%dma_wait3A_83 : memref<128x128xf32, #tpu.memory_space<hbm>>) dst(%arg9 : memref<128x128xf32, #tpu.memory_space<vmem>>)
      %run_scoped3A = arith.constant 14 : i32
      "tpu.region"() ({
        %run_scoped3A_91 = tpu.sem_alloc : memref<!tpu.dma_semaphore, #tpu.memory_space<semaphore_mem>>
        %dma_start3A_92 = arith.constant 0 : i32
        %dma_start3A_93 = tpu.memref_slice %arg8[%run_scoped3A, %dma_start3A_92] : memref<16x128xi32, #tpu.memory_space<vmem>> -> memref<1x128xi32, #tpu.memory_space<vmem>>
        %dma_start3A_94 = tpu.memref_squeeze %dma_start3A_93 : memref<1x128xi32, #tpu.memory_space<vmem>> -> memref<128xi32, #tpu.memory_space<vmem>>
        %dma_start3A_95 = arith.constant 0 : i32
        %dma_start3A_96 = arith.constant 0 : i32
        %dma_start3A_97 = tpu.memref_slice %arg11[%dma_start3A_95, %dma_start3A_96] : memref<10240x128xf32, #tpu.memory_space<vmem_shared>> -> memref<10240x128xf32, #tpu.memory_space<vmem_shared>>
        tpu.enqueue_indirect_dma source(%arg9 : memref<128x128xf32, #tpu.memory_space<vmem>>) target(%dma_start3A_97 : memref<10240x128xf32, #tpu.memory_space<vmem_shared>>) offsets(%dma_start3A_94 : memref<128xi32, #tpu.memory_space<vmem>>) semaphore(%run_scoped3A_91 : memref<!tpu.dma_semaphore, #tpu.memory_space<semaphore_mem>>) {add = true}
        %dma_wait3A_98 = arith.constant 0 : i32
        %dma_wait3A_99 = tpu.memref_slice %arg8[%run_scoped3A, %dma_wait3A_98] : memref<16x128xi32, #tpu.memory_space<vmem>> -> memref<1x128xi32, #tpu.memory_space<vmem>>
        %dma_wait3A_100 = tpu.memref_squeeze %dma_wait3A_99 : memref<1x128xi32, #tpu.memory_space<vmem>> -> memref<128xi32, #tpu.memory_space<vmem>>
        %dma_wait3A_101 = arith.constant 0 : i32
        %dma_wait3A_102 = arith.constant 0 : i32
        %dma_wait3A_103 = tpu.memref_slice %arg11[%dma_wait3A_101, %dma_wait3A_102] : memref<10240x128xf32, #tpu.memory_space<vmem_shared>> -> memref<10240x128xf32, #tpu.memory_space<vmem_shared>>
        tpu.wait_indirect_dma semaphore(%run_scoped3A_91 : memref<!tpu.dma_semaphore, #tpu.memory_space<semaphore_mem>>) src(%arg9 : memref<128x128xf32, #tpu.memory_space<vmem>>) dst(%dma_wait3A_103 : memref<10240x128xf32, #tpu.memory_space<vmem_shared>>)
        tpu.yield
      }) : () -> ()
      %dma_wait3A_84 = arith.constant 0 : i32
      %dma_wait3A_85 = arith.constant 0 : i32
      %dma_wait3A_86 = tpu.memref_slice %arg2[%dma_wait3A_84, %dma_wait3A_85] : memref<10240x128xf32, #tpu.memory_space<hbm>> -> memref<128x128xf32, #tpu.memory_space<hbm>>
      %dma_wait3A_87 = arith.constant 0 : i32
      %dma_wait3A_88 = arith.constant 0 : i32
      %dma_wait3A_89 = tpu.memref_slice %arg2[%dma_wait3A_87, %dma_wait3A_88] : memref<10240x128xf32, #tpu.memory_space<hbm>> -> memref<128x128xf32, #tpu.memory_space<hbm>>
      tpu.wait_dma2 semaphore(%arg14 : memref<!tpu.dma_semaphore, #tpu.memory_space<semaphore_mem>>) src(%dma_wait3A_89 : memref<128x128xf32, #tpu.memory_space<hbm>>) dst(%arg10 : memref<128x128xf32, #tpu.memory_space<vmem>>)
      %run_scoped3A_90 = arith.constant 15 : i32
      "tpu.region"() ({
        %run_scoped3A_91 = tpu.sem_alloc : memref<!tpu.dma_semaphore, #tpu.memory_space<semaphore_mem>>
        %dma_start3A_92 = arith.constant 0 : i32
        %dma_start3A_93 = tpu.memref_slice %arg8[%run_scoped3A_90, %dma_start3A_92] : memref<16x128xi32, #tpu.memory_space<vmem>> -> memref<1x128xi32, #tpu.memory_space<vmem>>
        %dma_start3A_94 = tpu.memref_squeeze %dma_start3A_93 : memref<1x128xi32, #tpu.memory_space<vmem>> -> memref<128xi32, #tpu.memory_space<vmem>>
        %dma_start3A_95 = arith.constant 0 : i32
        %dma_start3A_96 = arith.constant 0 : i32
        %dma_start3A_97 = tpu.memref_slice %arg11[%dma_start3A_95, %dma_start3A_96] : memref<10240x128xf32, #tpu.memory_space<vmem_shared>> -> memref<10240x128xf32, #tpu.memory_space<vmem_shared>>
        tpu.enqueue_indirect_dma source(%arg10 : memref<128x128xf32, #tpu.memory_space<vmem>>) target(%dma_start3A_97 : memref<10240x128xf32, #tpu.memory_space<vmem_shared>>) offsets(%dma_start3A_94 : memref<128xi32, #tpu.memory_space<vmem>>) semaphore(%run_scoped3A_91 : memref<!tpu.dma_semaphore, #tpu.memory_space<semaphore_mem>>) {add = true}
        %dma_wait3A_98 = arith.constant 0 : i32
        %dma_wait3A_99 = tpu.memref_slice %arg8[%run_scoped3A_90, %dma_wait3A_98] : memref<16x128xi32, #tpu.memory_space<vmem>> -> memref<1x128xi32, #tpu.memory_space<vmem>>
        %dma_wait3A_100 = tpu.memref_squeeze %dma_wait3A_99 : memref<1x128xi32, #tpu.memory_space<vmem>> -> memref<128xi32, #tpu.memory_space<vmem>>
        %dma_wait3A_101 = arith.constant 0 : i32
        %dma_wait3A_102 = arith.constant 0 : i32
        %dma_wait3A_103 = tpu.memref_slice %arg11[%dma_wait3A_101, %dma_wait3A_102] : memref<10240x128xf32, #tpu.memory_space<vmem_shared>> -> memref<10240x128xf32, #tpu.memory_space<vmem_shared>>
        tpu.wait_indirect_dma semaphore(%run_scoped3A_91 : memref<!tpu.dma_semaphore, #tpu.memory_space<semaphore_mem>>) src(%arg10 : memref<128x128xf32, #tpu.memory_space<vmem>>) dst(%dma_wait3A_103 : memref<10240x128xf32, #tpu.memory_space<vmem_shared>>)
        tpu.yield
      }) : () -> ()
    }
    %barrier3A_27 = arith.constant 0 : index
    tpu.barrier barrier_id(%barrier3A_27)
    "tpu.region"() ({
      %run_scoped3A = tpu.sem_alloc : memref<!tpu.dma_semaphore, #tpu.memory_space<semaphore_mem>>
      %dma_start3A = arith.constant 0 : i32
      %dma_start3A_28 = tpu.memref_slice %arg6[%arg0, %mul3A_0, %dma_start3A] : memref<2x10240x128xf32, #tpu.memory_space<hbm>> -> memref<1x640x128xf32, #tpu.memory_space<hbm>>
      %dma_start3A_29 = tpu.memref_squeeze %dma_start3A_28 : memref<1x640x128xf32, #tpu.memory_space<hbm>> -> memref<640x128xf32, #tpu.memory_space<hbm>>
      %dma_start3A_30 = arith.constant 0 : i32
      %dma_start3A_31 = tpu.memref_slice %arg11[%mul3A_0, %dma_start3A_30] : memref<10240x128xf32, #tpu.memory_space<vmem_shared>> -> memref<640x128xf32, #tpu.memory_space<vmem_shared>>
      tpu.enqueue_dma source(%dma_start3A_31 : memref<640x128xf32, #tpu.memory_space<vmem_shared>>) target(%dma_start3A_29 : memref<640x128xf32, #tpu.memory_space<hbm>>) target_semaphore(%run_scoped3A : memref<!tpu.dma_semaphore, #tpu.memory_space<semaphore_mem>>)
      %dma_wait3A = arith.constant 0 : i32
      %dma_wait3A_32 = tpu.memref_slice %arg6[%arg0, %mul3A_0, %dma_wait3A] : memref<2x10240x128xf32, #tpu.memory_space<hbm>> -> memref<1x640x128xf32, #tpu.memory_space<hbm>>
      %dma_wait3A_33 = tpu.memref_squeeze %dma_wait3A_32 : memref<1x640x128xf32, #tpu.memory_space<hbm>> -> memref<640x128xf32, #tpu.memory_space<hbm>>
      %dma_wait3A_34 = arith.constant 0 : i32
      %dma_wait3A_35 = tpu.memref_slice %arg11[%mul3A_0, %dma_wait3A_34] : memref<10240x128xf32, #tpu.memory_space<vmem_shared>> -> memref<640x128xf32, #tpu.memory_space<vmem_shared>>
      tpu.wait_dma2 semaphore(%run_scoped3A : memref<!tpu.dma_semaphore, #tpu.memory_space<semaphore_mem>>) src(%dma_wait3A_35 : memref<640x128xf32, #tpu.memory_space<vmem_shared>>) dst(%dma_wait3A_33 : memref<640x128xf32, #tpu.memory_space<hbm>>)
      tpu.yield
    }) : () -> ()
    return
  }
}

#map = affine_map<(d0, d1) -> (0, 0)>
#map1 = affine_map<(d0, d1) -> (0, 0, 0)>
module attributes {stable_mosaic.version = 14 : i64} {
  func.func @_segsum_body(%arg0: i32, %arg1: i32, %arg2: memref<10240x128xf32, #tpu.memory_space<hbm>>, %arg3: memref<2560x128xi32, #tpu.memory_space<hbm>>, %arg4: memref<2560x128xi32, #tpu.memory_space<hbm>>, %arg5: memref<10240x128xf32, #tpu.memory_space<hbm>>, %arg6: memref<2x10240x128xf32, #tpu.memory_space<hbm>>, %arg7: memref<16x128xi32, #tpu.memory_space<vmem>>, %arg8: memref<16x128xi32, #tpu.memory_space<vmem>>, %arg9: memref<128x128xf32, #tpu.memory_space<vmem>>, %arg10: memref<128x128xf32, #tpu.memory_space<vmem>>, %arg11: memref<10240x128xf32, #tpu.memory_space<vmem_shared>>, %arg12: memref<!tpu.dma_semaphore, #tpu.memory_space<semaphore_mem>>, %arg13: memref<!tpu.dma_semaphore, #tpu.memory_space<semaphore_mem>>, %arg14: memref<!tpu.dma_semaphore, #tpu.memory_space<semaphore_mem>>, %arg15: memref<!tpu.dma_semaphore, #tpu.memory_space<semaphore_mem>>) attributes {dimension_semantics = [#tpu.dimension_semantics<core_parallel>, #tpu.dimension_semantics<subcore_parallel>], iteration_bounds = array<i64: 2, 16>, scalar_prefetch = 0 : i64, scratch_operands = 9 : i64, tpu.core_type = #tpu.core_type<sc_vector_subcore>, window_params = [{transform_indices = #map}, {transform_indices = #map}, {transform_indices = #map}, {transform_indices = #map}, {transform_indices = #map1}]} {
    %mul3A = arith.constant 640 : i32
    %mul3A_0 = arith.muli %arg1, %mul3A : i32
    "tpu.region"() ({
      %run_scoped3A = tpu.sem_alloc : memref<!tpu.dma_semaphore, #tpu.memory_space<semaphore_mem>>
      %dma_start3A = arith.constant 0 : i32
      %dma_start3A_28 = tpu.memref_slice %arg11[%mul3A_0, %dma_start3A] : memref<10240x128xf32, #tpu.memory_space<vmem_shared>> -> memref<640x128xf32, #tpu.memory_space<vmem_shared>>
      %dma_start3A_29 = arith.constant 0 : i32
      %dma_start3A_30 = tpu.memref_slice %arg5[%mul3A_0, %dma_start3A_29] : memref<10240x128xf32, #tpu.memory_space<hbm>> -> memref<640x128xf32, #tpu.memory_space<hbm>>
      tpu.enqueue_dma source(%dma_start3A_30 : memref<640x128xf32, #tpu.memory_space<hbm>>) target(%dma_start3A_28 : memref<640x128xf32, #tpu.memory_space<vmem_shared>>) target_semaphore(%run_scoped3A : memref<!tpu.dma_semaphore, #tpu.memory_space<semaphore_mem>>)
      %dma_wait3A = arith.constant 0 : i32
      %dma_wait3A_31 = tpu.memref_slice %arg11[%mul3A_0, %dma_wait3A] : memref<10240x128xf32, #tpu.memory_space<vmem_shared>> -> memref<640x128xf32, #tpu.memory_space<vmem_shared>>
      %dma_wait3A_32 = arith.constant 0 : i32
      %dma_wait3A_33 = tpu.memref_slice %arg5[%mul3A_0, %dma_wait3A_32] : memref<10240x128xf32, #tpu.memory_space<hbm>> -> memref<640x128xf32, #tpu.memory_space<hbm>>
      tpu.wait_dma2 semaphore(%run_scoped3A : memref<!tpu.dma_semaphore, #tpu.memory_space<semaphore_mem>>) src(%dma_wait3A_33 : memref<640x128xf32, #tpu.memory_space<hbm>>) dst(%dma_wait3A_31 : memref<640x128xf32, #tpu.memory_space<vmem_shared>>)
      tpu.yield
    }) : () -> ()
    %barrier3A = arith.constant 0 : index
    tpu.barrier barrier_id(%barrier3A)
    %eq3A = arith.constant 0 : i32
    %eq3A_1 = arith.cmpi eq, %arg0, %eq3A : i32
    %mul3A_2 = arith.constant 144 : i32
    %mul3A_3 = arith.muli %arg1, %mul3A_2 : i32
    %mul3A_4 = arith.constant 16 : i32
    %mul3A_5 = arith.muli %arg1, %mul3A_4 : i32
    %add3A = arith.constant 2304 : i32
    %add3A_6 = arith.addi %add3A, %mul3A_5 : i32
    %select_n3A = arith.select %eq3A_1, %mul3A_3, %add3A_6 : i32
    %eq3A_7 = arith.constant 0 : i32
    %eq3A_8 = arith.cmpi eq, %arg0, %eq3A_7 : i32
    %jit3A = arith.constant 9 : i32
    %jit3A_9 = arith.constant 1 : i32
    %select_n3A_10 = arith.select %eq3A_8, %jit3A, %jit3A_9 : i32
    %sub3A = arith.constant 0 : i32
    %sub3A_11 = arith.subi %select_n3A_10, %sub3A : i32
    %sub3A_12 = arith.constant 1 : i32
    %sub3A_13 = arith.constant 1 : i32
    %sub3A_14 = arith.subi %sub3A_12, %sub3A_13 : i32
    %add3A_15 = arith.addi %sub3A_11, %sub3A_14 : i32
    %div3A = arith.constant 1 : i32
    %div3A_16 = arith.divsi %add3A_15, %div3A : i32
    %while3A = arith.constant 1 : i32
    %while3A_17 = arith.constant 0 : i32
    %while3A_18 = arith.constant 0 : i32
    %while3A_19 = arith.subi %div3A_16, %while3A_18 : i32
    %while3A_20 = arith.addi %while3A_18, %while3A_19 : i32
    %while3A_21 = arith.constant 1 : i32
    %while3A_22 = arith.divsi %while3A_19, %while3A_21 : i32
    %while3A_23 = arith.muli %while3A_22, %while3A_21 : i32
    %while3A_24 = arith.addi %while3A_18, %while3A_23 : i32
    %while3A_25 = arith.constant 1 : i32
    scf.for %while3A_28 = %while3A_18 to %while3A_24 step %while3A_25  : i32 {
      %mul3A_29 = arith.muli %while3A_28, %while3A : i32
      %add3A_30 = arith.addi %while3A_17, %mul3A_29 : i32
      %mul3A_31 = arith.constant 16 : i32
      %mul3A_32 = arith.muli %add3A_30, %mul3A_31 : i32
      %add3A_33 = arith.addi %select_n3A, %mul3A_32 : i32
      %add3A_34 = arith.constant 0 : i32
      %add3A_35 = arith.addi %add3A_33, %add3A_34 : i32
      %iota3A = tpu.iota {dimensions = array<i32: 0>} : vector<16xi32>
      %add3A_36 = vector.broadcast %add3A_35 : i32 to vector<16xi32>
      %add3A_37 = arith.addi %add3A_36, %iota3A : vector<16xi32>
      %dma_start3A = arith.constant 0 : i32
      %dma_start3A_38 = arith.constant 0 : i32
      %dma_start3A_39 = tpu.memref_slice %arg7[%dma_start3A, %dma_start3A_38] : memref<16x128xi32, #tpu.memory_space<vmem>> -> memref<16x128xi32, #tpu.memory_space<vmem>>
      %dma_start3A_40 = arith.constant 0 : i32
      %dma_start3A_41 = arith.constant 0 : i32
      %dma_start3A_42 = tpu.memref_slice %arg3[%dma_start3A_40, %dma_start3A_41] : memref<2560x128xi32, #tpu.memory_space<hbm>> -> memref<2560x128xi32, #tpu.memory_space<hbm>>
      tpu.enqueue_indirect_dma source(%dma_start3A_42 : memref<2560x128xi32, #tpu.memory_space<hbm>>) target(%dma_start3A_39 : memref<16x128xi32, #tpu.memory_space<vmem>>) offsets(%add3A_37 : vector<16xi32>) semaphore(%arg12 : memref<!tpu.dma_semaphore, #tpu.memory_space<semaphore_mem>>)
      %dma_start3A_43 = arith.constant 0 : i32
      %dma_start3A_44 = arith.constant 0 : i32
      %dma_start3A_45 = tpu.memref_slice %arg8[%dma_start3A_43, %dma_start3A_44] : memref<16x128xi32, #tpu.memory_space<vmem>> -> memref<16x128xi32, #tpu.memory_space<vmem>>
      %dma_start3A_46 = arith.constant 0 : i32
      %dma_start3A_47 = arith.constant 0 : i32
      %dma_start3A_48 = tpu.memref_slice %arg4[%dma_start3A_46, %dma_start3A_47] : memref<2560x128xi32, #tpu.memory_space<hbm>> -> memref<2560x128xi32, #tpu.memory_space<hbm>>
      tpu.enqueue_indirect_dma source(%dma_start3A_48 : memref<2560x128xi32, #tpu.memory_space<hbm>>) target(%dma_start3A_45 : memref<16x128xi32, #tpu.memory_space<vmem>>) offsets(%add3A_37 : vector<16xi32>) semaphore(%arg15 : memref<!tpu.dma_semaphore, #tpu.memory_space<semaphore_mem>>)
      %dma_wait3A = arith.constant 0 : i32
      %dma_wait3A_49 = arith.constant 0 : i32
      %dma_wait3A_50 = tpu.memref_slice %arg3[%dma_wait3A, %dma_wait3A_49] : memref<2560x128xi32, #tpu.memory_space<hbm>> -> memref<16x128xi32, #tpu.memory_space<hbm>>
      %dma_wait3A_51 = arith.constant 0 : i32
      %dma_wait3A_52 = arith.constant 0 : i32
      %dma_wait3A_53 = tpu.memref_slice %arg3[%dma_wait3A_51, %dma_wait3A_52] : memref<2560x128xi32, #tpu.memory_space<hbm>> -> memref<16x128xi32, #tpu.memory_space<hbm>>
      tpu.wait_dma2 semaphore(%arg12 : memref<!tpu.dma_semaphore, #tpu.memory_space<semaphore_mem>>) src(%dma_wait3A_53 : memref<16x128xi32, #tpu.memory_space<hbm>>) dst(%arg7 : memref<16x128xi32, #tpu.memory_space<vmem>>)
      %dma_wait3A_54 = arith.constant 0 : i32
      %dma_wait3A_55 = arith.constant 0 : i32
      %dma_wait3A_56 = tpu.memref_slice %arg4[%dma_wait3A_54, %dma_wait3A_55] : memref<2560x128xi32, #tpu.memory_space<hbm>> -> memref<16x128xi32, #tpu.memory_space<hbm>>
      %dma_wait3A_57 = arith.constant 0 : i32
      %dma_wait3A_58 = arith.constant 0 : i32
      %dma_wait3A_59 = tpu.memref_slice %arg4[%dma_wait3A_57, %dma_wait3A_58] : memref<2560x128xi32, #tpu.memory_space<hbm>> -> memref<16x128xi32, #tpu.memory_space<hbm>>
      tpu.wait_dma2 semaphore(%arg15 : memref<!tpu.dma_semaphore, #tpu.memory_space<semaphore_mem>>) src(%dma_wait3A_59 : memref<16x128xi32, #tpu.memory_space<hbm>>) dst(%arg8 : memref<16x128xi32, #tpu.memory_space<vmem>>)
      %dma_start3A_60 = arith.constant 0 : i32
      %dma_start3A_61 = arith.constant 0 : i32
      %dma_start3A_62 = tpu.memref_slice %arg7[%dma_start3A_60, %dma_start3A_61] : memref<16x128xi32, #tpu.memory_space<vmem>> -> memref<1x128xi32, #tpu.memory_space<vmem>>
      %dma_start3A_63 = tpu.memref_squeeze %dma_start3A_62 : memref<1x128xi32, #tpu.memory_space<vmem>> -> memref<128xi32, #tpu.memory_space<vmem>>
      %dma_start3A_64 = arith.constant 0 : i32
      %dma_start3A_65 = arith.constant 0 : i32
      %dma_start3A_66 = tpu.memref_slice %arg2[%dma_start3A_64, %dma_start3A_65] : memref<10240x128xf32, #tpu.memory_space<hbm>> -> memref<10240x128xf32, #tpu.memory_space<hbm>>
      tpu.enqueue_indirect_dma source(%dma_start3A_66 : memref<10240x128xf32, #tpu.memory_space<hbm>>) target(%arg9 : memref<128x128xf32, #tpu.memory_space<vmem>>) offsets(%dma_start3A_63 : memref<128xi32, #tpu.memory_space<vmem>>) semaphore(%arg13 : memref<!tpu.dma_semaphore, #tpu.memory_space<semaphore_mem>>)
      %dma_start3A_67 = arith.constant 1 : i32
      %dma_start3A_68 = arith.constant 0 : i32
      %dma_start3A_69 = tpu.memref_slice %arg7[%dma_start3A_67, %dma_start3A_68] : memref<16x128xi32, #tpu.memory_space<vmem>> -> memref<1x128xi32, #tpu.memory_space<vmem>>
      %dma_start3A_70 = tpu.memref_squeeze %dma_start3A_69 : memref<1x128xi32, #tpu.memory_space<vmem>> -> memref<128xi32, #tpu.memory_space<vmem>>
      %dma_start3A_71 = arith.constant 0 : i32
      %dma_start3A_72 = arith.constant 0 : i32
      %dma_start3A_73 = tpu.memref_slice %arg2[%dma_start3A_71, %dma_start3A_72] : memref<10240x128xf32, #tpu.memory_space<hbm>> -> memref<10240x128xf32, #tpu.memory_space<hbm>>
      tpu.enqueue_indirect_dma source(%dma_start3A_73 : memref<10240x128xf32, #tpu.memory_space<hbm>>) target(%arg10 : memref<128x128xf32, #tpu.memory_space<vmem>>) offsets(%dma_start3A_70 : memref<128xi32, #tpu.memory_space<vmem>>) semaphore(%arg14 : memref<!tpu.dma_semaphore, #tpu.memory_space<semaphore_mem>>)
      %scan3A = arith.constant 0 : i32
      %scan3A_74 = arith.constant 7 : i32
      %scan3A_75 = arith.addi %scan3A, %scan3A_74 : i32
      %scan3A_76 = arith.constant 1 : i32
      scf.for %scan3A_91 = %scan3A to %scan3A_75 step %scan3A_76  : i32 {
        %mul3A_92 = arith.constant 1 : i32
        %mul3A_93 = arith.muli %scan3A_91, %mul3A_92 : i32
        %add3A_94 = arith.constant 0 : i32
        %add3A_95 = arith.addi %add3A_94, %mul3A_93 : i32
        %mul3A_96 = arith.constant 2 : i32
        %mul3A_97 = arith.muli %add3A_95, %mul3A_96 : i32
        %add3A_98 = arith.constant 0 : i32
        %add3A_99 = arith.addi %mul3A_97, %add3A_98 : i32
        %dma_wait3A_100 = arith.constant 0 : i32
        %dma_wait3A_101 = arith.constant 0 : i32
        %dma_wait3A_102 = tpu.memref_slice %arg2[%dma_wait3A_100, %dma_wait3A_101] : memref<10240x128xf32, #tpu.memory_space<hbm>> -> memref<128x128xf32, #tpu.memory_space<hbm>>
        %dma_wait3A_103 = arith.constant 0 : i32
        %dma_wait3A_104 = arith.constant 0 : i32
        %dma_wait3A_105 = tpu.memref_slice %arg2[%dma_wait3A_103, %dma_wait3A_104] : memref<10240x128xf32, #tpu.memory_space<hbm>> -> memref<128x128xf32, #tpu.memory_space<hbm>>
        tpu.wait_dma2 semaphore(%arg13 : memref<!tpu.dma_semaphore, #tpu.memory_space<semaphore_mem>>) src(%dma_wait3A_105 : memref<128x128xf32, #tpu.memory_space<hbm>>) dst(%arg9 : memref<128x128xf32, #tpu.memory_space<vmem>>)
        "tpu.region"() ({
          %run_scoped3A_132 = tpu.sem_alloc : memref<!tpu.dma_semaphore, #tpu.memory_space<semaphore_mem>>
          %dma_start3A_133 = arith.constant 0 : i32
          %dma_start3A_134 = tpu.memref_slice %arg8[%add3A_99, %dma_start3A_133] : memref<16x128xi32, #tpu.memory_space<vmem>> -> memref<1x128xi32, #tpu.memory_space<vmem>>
          %dma_start3A_135 = tpu.memref_squeeze %dma_start3A_134 : memref<1x128xi32, #tpu.memory_space<vmem>> -> memref<128xi32, #tpu.memory_space<vmem>>
          %dma_start3A_136 = arith.constant 0 : i32
          %dma_start3A_137 = arith.constant 0 : i32
          %dma_start3A_138 = tpu.memref_slice %arg11[%dma_start3A_136, %dma_start3A_137] : memref<10240x128xf32, #tpu.memory_space<vmem_shared>> -> memref<10240x128xf32, #tpu.memory_space<vmem_shared>>
          tpu.enqueue_indirect_dma source(%arg9 : memref<128x128xf32, #tpu.memory_space<vmem>>) target(%dma_start3A_138 : memref<10240x128xf32, #tpu.memory_space<vmem_shared>>) offsets(%dma_start3A_135 : memref<128xi32, #tpu.memory_space<vmem>>) semaphore(%run_scoped3A_132 : memref<!tpu.dma_semaphore, #tpu.memory_space<semaphore_mem>>) {add = true}
          %dma_wait3A_139 = arith.constant 0 : i32
          %dma_wait3A_140 = tpu.memref_slice %arg8[%add3A_99, %dma_wait3A_139] : memref<16x128xi32, #tpu.memory_space<vmem>> -> memref<1x128xi32, #tpu.memory_space<vmem>>
          %dma_wait3A_141 = tpu.memref_squeeze %dma_wait3A_140 : memref<1x128xi32, #tpu.memory_space<vmem>> -> memref<128xi32, #tpu.memory_space<vmem>>
          %dma_wait3A_142 = arith.constant 0 : i32
          %dma_wait3A_143 = arith.constant 0 : i32
          %dma_wait3A_144 = tpu.memref_slice %arg11[%dma_wait3A_142, %dma_wait3A_143] : memref<10240x128xf32, #tpu.memory_space<vmem_shared>> -> memref<10240x128xf32, #tpu.memory_space<vmem_shared>>
          tpu.wait_indirect_dma semaphore(%run_scoped3A_132 : memref<!tpu.dma_semaphore, #tpu.memory_space<semaphore_mem>>) src(%arg9 : memref<128x128xf32, #tpu.memory_space<vmem>>) dst(%dma_wait3A_144 : memref<10240x128xf32, #tpu.memory_space<vmem_shared>>)
          tpu.yield
        }) : () -> ()
        %add3A_106 = arith.constant 2 : i32
        %add3A_107 = arith.addi %add3A_99, %add3A_106 : i32
        %dma_start3A_108 = arith.constant 0 : i32
        %dma_start3A_109 = tpu.memref_slice %arg7[%add3A_107, %dma_start3A_108] : memref<16x128xi32, #tpu.memory_space<vmem>> -> memref<1x128xi32, #tpu.memory_space<vmem>>
        %dma_start3A_110 = tpu.memref_squeeze %dma_start3A_109 : memref<1x128xi32, #tpu.memory_space<vmem>> -> memref<128xi32, #tpu.memory_space<vmem>>
        %dma_start3A_111 = arith.constant 0 : i32
        %dma_start3A_112 = arith.constant 0 : i32
        %dma_start3A_113 = tpu.memref_slice %arg2[%dma_start3A_111, %dma_start3A_112] : memref<10240x128xf32, #tpu.memory_space<hbm>> -> memref<10240x128xf32, #tpu.memory_space<hbm>>
        tpu.enqueue_indirect_dma source(%dma_start3A_113 : memref<10240x128xf32, #tpu.memory_space<hbm>>) target(%arg9 : memref<128x128xf32, #tpu.memory_space<vmem>>) offsets(%dma_start3A_110 : memref<128xi32, #tpu.memory_space<vmem>>) semaphore(%arg13 : memref<!tpu.dma_semaphore, #tpu.memory_space<semaphore_mem>>)
        %mul3A_114 = arith.constant 2 : i32
        %mul3A_115 = arith.muli %add3A_95, %mul3A_114 : i32
        %add3A_116 = arith.constant 1 : i32
        %add3A_117 = arith.addi %mul3A_115, %add3A_116 : i32
        %dma_wait3A_118 = arith.constant 0 : i32
        %dma_wait3A_119 = arith.constant 0 : i32
        %dma_wait3A_120 = tpu.memref_slice %arg2[%dma_wait3A_118, %dma_wait3A_119] : memref<10240x128xf32, #tpu.memory_space<hbm>> -> memref<128x128xf32, #tpu.memory_space<hbm>>
        %dma_wait3A_121 = arith.constant 0 : i32
        %dma_wait3A_122 = arith.constant 0 : i32
        %dma_wait3A_123 = tpu.memref_slice %arg2[%dma_wait3A_121, %dma_wait3A_122] : memref<10240x128xf32, #tpu.memory_space<hbm>> -> memref<128x128xf32, #tpu.memory_space<hbm>>
        tpu.wait_dma2 semaphore(%arg14 : memref<!tpu.dma_semaphore, #tpu.memory_space<semaphore_mem>>) src(%dma_wait3A_123 : memref<128x128xf32, #tpu.memory_space<hbm>>) dst(%arg10 : memref<128x128xf32, #tpu.memory_space<vmem>>)
        "tpu.region"() ({
          %run_scoped3A_132 = tpu.sem_alloc : memref<!tpu.dma_semaphore, #tpu.memory_space<semaphore_mem>>
          %dma_start3A_133 = arith.constant 0 : i32
          %dma_start3A_134 = tpu.memref_slice %arg8[%add3A_117, %dma_start3A_133] : memref<16x128xi32, #tpu.memory_space<vmem>> -> memref<1x128xi32, #tpu.memory_space<vmem>>
          %dma_start3A_135 = tpu.memref_squeeze %dma_start3A_134 : memref<1x128xi32, #tpu.memory_space<vmem>> -> memref<128xi32, #tpu.memory_space<vmem>>
          %dma_start3A_136 = arith.constant 0 : i32
          %dma_start3A_137 = arith.constant 0 : i32
          %dma_start3A_138 = tpu.memref_slice %arg11[%dma_start3A_136, %dma_start3A_137] : memref<10240x128xf32, #tpu.memory_space<vmem_shared>> -> memref<10240x128xf32, #tpu.memory_space<vmem_shared>>
          tpu.enqueue_indirect_dma source(%arg10 : memref<128x128xf32, #tpu.memory_space<vmem>>) target(%dma_start3A_138 : memref<10240x128xf32, #tpu.memory_space<vmem_shared>>) offsets(%dma_start3A_135 : memref<128xi32, #tpu.memory_space<vmem>>) semaphore(%run_scoped3A_132 : memref<!tpu.dma_semaphore, #tpu.memory_space<semaphore_mem>>) {add = true}
          %dma_wait3A_139 = arith.constant 0 : i32
          %dma_wait3A_140 = tpu.memref_slice %arg8[%add3A_117, %dma_wait3A_139] : memref<16x128xi32, #tpu.memory_space<vmem>> -> memref<1x128xi32, #tpu.memory_space<vmem>>
          %dma_wait3A_141 = tpu.memref_squeeze %dma_wait3A_140 : memref<1x128xi32, #tpu.memory_space<vmem>> -> memref<128xi32, #tpu.memory_space<vmem>>
          %dma_wait3A_142 = arith.constant 0 : i32
          %dma_wait3A_143 = arith.constant 0 : i32
          %dma_wait3A_144 = tpu.memref_slice %arg11[%dma_wait3A_142, %dma_wait3A_143] : memref<10240x128xf32, #tpu.memory_space<vmem_shared>> -> memref<10240x128xf32, #tpu.memory_space<vmem_shared>>
          tpu.wait_indirect_dma semaphore(%run_scoped3A_132 : memref<!tpu.dma_semaphore, #tpu.memory_space<semaphore_mem>>) src(%arg10 : memref<128x128xf32, #tpu.memory_space<vmem>>) dst(%dma_wait3A_144 : memref<10240x128xf32, #tpu.memory_space<vmem_shared>>)
          tpu.yield
        }) : () -> ()
        %add3A_124 = arith.constant 2 : i32
        %add3A_125 = arith.addi %add3A_117, %add3A_124 : i32
        %dma_start3A_126 = arith.constant 0 : i32
        %dma_start3A_127 = tpu.memref_slice %arg7[%add3A_125, %dma_start3A_126] : memref<16x128xi32, #tpu.memory_space<vmem>> -> memref<1x128xi32, #tpu.memory_space<vmem>>
        %dma_start3A_128 = tpu.memref_squeeze %dma_start3A_127 : memref<1x128xi32, #tpu.memory_space<vmem>> -> memref<128xi32, #tpu.memory_space<vmem>>
        %dma_start3A_129 = arith.constant 0 : i32
        %dma_start3A_130 = arith.constant 0 : i32
        %dma_start3A_131 = tpu.memref_slice %arg2[%dma_start3A_129, %dma_start3A_130] : memref<10240x128xf32, #tpu.memory_space<hbm>> -> memref<10240x128xf32, #tpu.memory_space<hbm>>
        tpu.enqueue_indirect_dma source(%dma_start3A_131 : memref<10240x128xf32, #tpu.memory_space<hbm>>) target(%arg10 : memref<128x128xf32, #tpu.memory_space<vmem>>) offsets(%dma_start3A_128 : memref<128xi32, #tpu.memory_space<vmem>>) semaphore(%arg14 : memref<!tpu.dma_semaphore, #tpu.memory_space<semaphore_mem>>)
      }
      %scan3A_77 = arith.constant 7 : i32
      %dma_wait3A_78 = arith.constant 0 : i32
      %dma_wait3A_79 = arith.constant 0 : i32
      %dma_wait3A_80 = tpu.memref_slice %arg2[%dma_wait3A_78, %dma_wait3A_79] : memref<10240x128xf32, #tpu.memory_space<hbm>> -> memref<128x128xf32, #tpu.memory_space<hbm>>
      %dma_wait3A_81 = arith.constant 0 : i32
      %dma_wait3A_82 = arith.constant 0 : i32
      %dma_wait3A_83 = tpu.memref_slice %arg2[%dma_wait3A_81, %dma_wait3A_82] : memref<10240x128xf32, #tpu.memory_space<hbm>> -> memref<128x128xf32, #tpu.memory_space<hbm>>
      tpu.wait_dma2 semaphore(%arg13 : memref<!tpu.dma_semaphore, #tpu.memory_space<semaphore_mem>>) src(%dma_wait3A_83 : memref<128x128xf32, #tpu.memory_space<hbm>>) dst(%arg9 : memref<128x128xf32, #tpu.memory_space<vmem>>)
      %run_scoped3A = arith.constant 14 : i32
      "tpu.region"() ({
        %run_scoped3A_91 = tpu.sem_alloc : memref<!tpu.dma_semaphore, #tpu.memory_space<semaphore_mem>>
        %dma_start3A_92 = arith.constant 0 : i32
        %dma_start3A_93 = tpu.memref_slice %arg8[%run_scoped3A, %dma_start3A_92] : memref<16x128xi32, #tpu.memory_space<vmem>> -> memref<1x128xi32, #tpu.memory_space<vmem>>
        %dma_start3A_94 = tpu.memref_squeeze %dma_start3A_93 : memref<1x128xi32, #tpu.memory_space<vmem>> -> memref<128xi32, #tpu.memory_space<vmem>>
        %dma_start3A_95 = arith.constant 0 : i32
        %dma_start3A_96 = arith.constant 0 : i32
        %dma_start3A_97 = tpu.memref_slice %arg11[%dma_start3A_95, %dma_start3A_96] : memref<10240x128xf32, #tpu.memory_space<vmem_shared>> -> memref<10240x128xf32, #tpu.memory_space<vmem_shared>>
        tpu.enqueue_indirect_dma source(%arg9 : memref<128x128xf32, #tpu.memory_space<vmem>>) target(%dma_start3A_97 : memref<10240x128xf32, #tpu.memory_space<vmem_shared>>) offsets(%dma_start3A_94 : memref<128xi32, #tpu.memory_space<vmem>>) semaphore(%run_scoped3A_91 : memref<!tpu.dma_semaphore, #tpu.memory_space<semaphore_mem>>) {add = true}
        %dma_wait3A_98 = arith.constant 0 : i32
        %dma_wait3A_99 = tpu.memref_slice %arg8[%run_scoped3A, %dma_wait3A_98] : memref<16x128xi32, #tpu.memory_space<vmem>> -> memref<1x128xi32, #tpu.memory_space<vmem>>
        %dma_wait3A_100 = tpu.memref_squeeze %dma_wait3A_99 : memref<1x128xi32, #tpu.memory_space<vmem>> -> memref<128xi32, #tpu.memory_space<vmem>>
        %dma_wait3A_101 = arith.constant 0 : i32
        %dma_wait3A_102 = arith.constant 0 : i32
        %dma_wait3A_103 = tpu.memref_slice %arg11[%dma_wait3A_101, %dma_wait3A_102] : memref<10240x128xf32, #tpu.memory_space<vmem_shared>> -> memref<10240x128xf32, #tpu.memory_space<vmem_shared>>
        tpu.wait_indirect_dma semaphore(%run_scoped3A_91 : memref<!tpu.dma_semaphore, #tpu.memory_space<semaphore_mem>>) src(%arg9 : memref<128x128xf32, #tpu.memory_space<vmem>>) dst(%dma_wait3A_103 : memref<10240x128xf32, #tpu.memory_space<vmem_shared>>)
        tpu.yield
      }) : () -> ()
      %dma_wait3A_84 = arith.constant 0 : i32
      %dma_wait3A_85 = arith.constant 0 : i32
      %dma_wait3A_86 = tpu.memref_slice %arg2[%dma_wait3A_84, %dma_wait3A_85] : memref<10240x128xf32, #tpu.memory_space<hbm>> -> memref<128x128xf32, #tpu.memory_space<hbm>>
      %dma_wait3A_87 = arith.constant 0 : i32
      %dma_wait3A_88 = arith.constant 0 : i32
      %dma_wait3A_89 = tpu.memref_slice %arg2[%dma_wait3A_87, %dma_wait3A_88] : memref<10240x128xf32, #tpu.memory_space<hbm>> -> memref<128x128xf32, #tpu.memory_space<hbm>>
      tpu.wait_dma2 semaphore(%arg14 : memref<!tpu.dma_semaphore, #tpu.memory_space<semaphore_mem>>) src(%dma_wait3A_89 : memref<128x128xf32, #tpu.memory_space<hbm>>) dst(%arg10 : memref<128x128xf32, #tpu.memory_space<vmem>>)
      %run_scoped3A_90 = arith.constant 15 : i32
      "tpu.region"() ({
        %run_scoped3A_91 = tpu.sem_alloc : memref<!tpu.dma_semaphore, #tpu.memory_space<semaphore_mem>>
        %dma_start3A_92 = arith.constant 0 : i32
        %dma_start3A_93 = tpu.memref_slice %arg8[%run_scoped3A_90, %dma_start3A_92] : memref<16x128xi32, #tpu.memory_space<vmem>> -> memref<1x128xi32, #tpu.memory_space<vmem>>
        %dma_start3A_94 = tpu.memref_squeeze %dma_start3A_93 : memref<1x128xi32, #tpu.memory_space<vmem>> -> memref<128xi32, #tpu.memory_space<vmem>>
        %dma_start3A_95 = arith.constant 0 : i32
        %dma_start3A_96 = arith.constant 0 : i32
        %dma_start3A_97 = tpu.memref_slice %arg11[%dma_start3A_95, %dma_start3A_96] : memref<10240x128xf32, #tpu.memory_space<vmem_shared>> -> memref<10240x128xf32, #tpu.memory_space<vmem_shared>>
        tpu.enqueue_indirect_dma source(%arg10 : memref<128x128xf32, #tpu.memory_space<vmem>>) target(%dma_start3A_97 : memref<10240x128xf32, #tpu.memory_space<vmem_shared>>) offsets(%dma_start3A_94 : memref<128xi32, #tpu.memory_space<vmem>>) semaphore(%run_scoped3A_91 : memref<!tpu.dma_semaphore, #tpu.memory_space<semaphore_mem>>) {add = true}
        %dma_wait3A_98 = arith.constant 0 : i32
        %dma_wait3A_99 = tpu.memref_slice %arg8[%run_scoped3A_90, %dma_wait3A_98] : memref<16x128xi32, #tpu.memory_space<vmem>> -> memref<1x128xi32, #tpu.memory_space<vmem>>
        %dma_wait3A_100 = tpu.memref_squeeze %dma_wait3A_99 : memref<1x128xi32, #tpu.memory_space<vmem>> -> memref<128xi32, #tpu.memory_space<vmem>>
        %dma_wait3A_101 = arith.constant 0 : i32
        %dma_wait3A_102 = arith.constant 0 : i32
        %dma_wait3A_103 = tpu.memref_slice %arg11[%dma_wait3A_101, %dma_wait3A_102] : memref<10240x128xf32, #tpu.memory_space<vmem_shared>> -> memref<10240x128xf32, #tpu.memory_space<vmem_shared>>
        tpu.wait_indirect_dma semaphore(%run_scoped3A_91 : memref<!tpu.dma_semaphore, #tpu.memory_space<semaphore_mem>>) src(%arg10 : memref<128x128xf32, #tpu.memory_space<vmem>>) dst(%dma_wait3A_103 : memref<10240x128xf32, #tpu.memory_space<vmem_shared>>)
        tpu.yield
      }) : () -> ()
    }
    %while3A_26 = arith.constant 1 : i32
    scf.for %while3A_28 = %while3A_24 to %while3A_20 step %while3A_26  : i32 {
      %mul3A_29 = arith.muli %while3A_28, %while3A : i32
      %add3A_30 = arith.addi %while3A_17, %mul3A_29 : i32
      %mul3A_31 = arith.constant 16 : i32
      %mul3A_32 = arith.muli %add3A_30, %mul3A_31 : i32
      %add3A_33 = arith.addi %select_n3A, %mul3A_32 : i32
      %add3A_34 = arith.constant 0 : i32
      %add3A_35 = arith.addi %add3A_33, %add3A_34 : i32
      %iota3A = tpu.iota {dimensions = array<i32: 0>} : vector<16xi32>
      %add3A_36 = vector.broadcast %add3A_35 : i32 to vector<16xi32>
      %add3A_37 = arith.addi %add3A_36, %iota3A : vector<16xi32>
      %dma_start3A = arith.constant 0 : i32
      %dma_start3A_38 = arith.constant 0 : i32
      %dma_start3A_39 = tpu.memref_slice %arg7[%dma_start3A, %dma_start3A_38] : memref<16x128xi32, #tpu.memory_space<vmem>> -> memref<16x128xi32, #tpu.memory_space<vmem>>
      %dma_start3A_40 = arith.constant 0 : i32
      %dma_start3A_41 = arith.constant 0 : i32
      %dma_start3A_42 = tpu.memref_slice %arg3[%dma_start3A_40, %dma_start3A_41] : memref<2560x128xi32, #tpu.memory_space<hbm>> -> memref<2560x128xi32, #tpu.memory_space<hbm>>
      tpu.enqueue_indirect_dma source(%dma_start3A_42 : memref<2560x128xi32, #tpu.memory_space<hbm>>) target(%dma_start3A_39 : memref<16x128xi32, #tpu.memory_space<vmem>>) offsets(%add3A_37 : vector<16xi32>) semaphore(%arg12 : memref<!tpu.dma_semaphore, #tpu.memory_space<semaphore_mem>>)
      %dma_start3A_43 = arith.constant 0 : i32
      %dma_start3A_44 = arith.constant 0 : i32
      %dma_start3A_45 = tpu.memref_slice %arg8[%dma_start3A_43, %dma_start3A_44] : memref<16x128xi32, #tpu.memory_space<vmem>> -> memref<16x128xi32, #tpu.memory_space<vmem>>
      %dma_start3A_46 = arith.constant 0 : i32
      %dma_start3A_47 = arith.constant 0 : i32
      %dma_start3A_48 = tpu.memref_slice %arg4[%dma_start3A_46, %dma_start3A_47] : memref<2560x128xi32, #tpu.memory_space<hbm>> -> memref<2560x128xi32, #tpu.memory_space<hbm>>
      tpu.enqueue_indirect_dma source(%dma_start3A_48 : memref<2560x128xi32, #tpu.memory_space<hbm>>) target(%dma_start3A_45 : memref<16x128xi32, #tpu.memory_space<vmem>>) offsets(%add3A_37 : vector<16xi32>) semaphore(%arg15 : memref<!tpu.dma_semaphore, #tpu.memory_space<semaphore_mem>>)
      %dma_wait3A = arith.constant 0 : i32
      %dma_wait3A_49 = arith.constant 0 : i32
      %dma_wait3A_50 = tpu.memref_slice %arg3[%dma_wait3A, %dma_wait3A_49] : memref<2560x128xi32, #tpu.memory_space<hbm>> -> memref<16x128xi32, #tpu.memory_space<hbm>>
      %dma_wait3A_51 = arith.constant 0 : i32
      %dma_wait3A_52 = arith.constant 0 : i32
      %dma_wait3A_53 = tpu.memref_slice %arg3[%dma_wait3A_51, %dma_wait3A_52] : memref<2560x128xi32, #tpu.memory_space<hbm>> -> memref<16x128xi32, #tpu.memory_space<hbm>>
      tpu.wait_dma2 semaphore(%arg12 : memref<!tpu.dma_semaphore, #tpu.memory_space<semaphore_mem>>) src(%dma_wait3A_53 : memref<16x128xi32, #tpu.memory_space<hbm>>) dst(%arg7 : memref<16x128xi32, #tpu.memory_space<vmem>>)
      %dma_wait3A_54 = arith.constant 0 : i32
      %dma_wait3A_55 = arith.constant 0 : i32
      %dma_wait3A_56 = tpu.memref_slice %arg4[%dma_wait3A_54, %dma_wait3A_55] : memref<2560x128xi32, #tpu.memory_space<hbm>> -> memref<16x128xi32, #tpu.memory_space<hbm>>
      %dma_wait3A_57 = arith.constant 0 : i32
      %dma_wait3A_58 = arith.constant 0 : i32
      %dma_wait3A_59 = tpu.memref_slice %arg4[%dma_wait3A_57, %dma_wait3A_58] : memref<2560x128xi32, #tpu.memory_space<hbm>> -> memref<16x128xi32, #tpu.memory_space<hbm>>
      tpu.wait_dma2 semaphore(%arg15 : memref<!tpu.dma_semaphore, #tpu.memory_space<semaphore_mem>>) src(%dma_wait3A_59 : memref<16x128xi32, #tpu.memory_space<hbm>>) dst(%arg8 : memref<16x128xi32, #tpu.memory_space<vmem>>)
      %dma_start3A_60 = arith.constant 0 : i32
      %dma_start3A_61 = arith.constant 0 : i32
      %dma_start3A_62 = tpu.memref_slice %arg7[%dma_start3A_60, %dma_start3A_61] : memref<16x128xi32, #tpu.memory_space<vmem>> -> memref<1x128xi32, #tpu.memory_space<vmem>>
      %dma_start3A_63 = tpu.memref_squeeze %dma_start3A_62 : memref<1x128xi32, #tpu.memory_space<vmem>> -> memref<128xi32, #tpu.memory_space<vmem>>
      %dma_start3A_64 = arith.constant 0 : i32
      %dma_start3A_65 = arith.constant 0 : i32
      %dma_start3A_66 = tpu.memref_slice %arg2[%dma_start3A_64, %dma_start3A_65] : memref<10240x128xf32, #tpu.memory_space<hbm>> -> memref<10240x128xf32, #tpu.memory_space<hbm>>
      tpu.enqueue_indirect_dma source(%dma_start3A_66 : memref<10240x128xf32, #tpu.memory_space<hbm>>) target(%arg9 : memref<128x128xf32, #tpu.memory_space<vmem>>) offsets(%dma_start3A_63 : memref<128xi32, #tpu.memory_space<vmem>>) semaphore(%arg13 : memref<!tpu.dma_semaphore, #tpu.memory_space<semaphore_mem>>)
      %dma_start3A_67 = arith.constant 1 : i32
      %dma_start3A_68 = arith.constant 0 : i32
      %dma_start3A_69 = tpu.memref_slice %arg7[%dma_start3A_67, %dma_start3A_68] : memref<16x128xi32, #tpu.memory_space<vmem>> -> memref<1x128xi32, #tpu.memory_space<vmem>>
      %dma_start3A_70 = tpu.memref_squeeze %dma_start3A_69 : memref<1x128xi32, #tpu.memory_space<vmem>> -> memref<128xi32, #tpu.memory_space<vmem>>
      %dma_start3A_71 = arith.constant 0 : i32
      %dma_start3A_72 = arith.constant 0 : i32
      %dma_start3A_73 = tpu.memref_slice %arg2[%dma_start3A_71, %dma_start3A_72] : memref<10240x128xf32, #tpu.memory_space<hbm>> -> memref<10240x128xf32, #tpu.memory_space<hbm>>
      tpu.enqueue_indirect_dma source(%dma_start3A_73 : memref<10240x128xf32, #tpu.memory_space<hbm>>) target(%arg10 : memref<128x128xf32, #tpu.memory_space<vmem>>) offsets(%dma_start3A_70 : memref<128xi32, #tpu.memory_space<vmem>>) semaphore(%arg14 : memref<!tpu.dma_semaphore, #tpu.memory_space<semaphore_mem>>)
      %scan3A = arith.constant 0 : i32
      %scan3A_74 = arith.constant 7 : i32
      %scan3A_75 = arith.addi %scan3A, %scan3A_74 : i32
      %scan3A_76 = arith.constant 1 : i32
      scf.for %scan3A_91 = %scan3A to %scan3A_75 step %scan3A_76  : i32 {
        %mul3A_92 = arith.constant 1 : i32
        %mul3A_93 = arith.muli %scan3A_91, %mul3A_92 : i32
        %add3A_94 = arith.constant 0 : i32
        %add3A_95 = arith.addi %add3A_94, %mul3A_93 : i32
        %mul3A_96 = arith.constant 2 : i32
        %mul3A_97 = arith.muli %add3A_95, %mul3A_96 : i32
        %add3A_98 = arith.constant 0 : i32
        %add3A_99 = arith.addi %mul3A_97, %add3A_98 : i32
        %dma_wait3A_100 = arith.constant 0 : i32
        %dma_wait3A_101 = arith.constant 0 : i32
        %dma_wait3A_102 = tpu.memref_slice %arg2[%dma_wait3A_100, %dma_wait3A_101] : memref<10240x128xf32, #tpu.memory_space<hbm>> -> memref<128x128xf32, #tpu.memory_space<hbm>>
        %dma_wait3A_103 = arith.constant 0 : i32
        %dma_wait3A_104 = arith.constant 0 : i32
        %dma_wait3A_105 = tpu.memref_slice %arg2[%dma_wait3A_103, %dma_wait3A_104] : memref<10240x128xf32, #tpu.memory_space<hbm>> -> memref<128x128xf32, #tpu.memory_space<hbm>>
        tpu.wait_dma2 semaphore(%arg13 : memref<!tpu.dma_semaphore, #tpu.memory_space<semaphore_mem>>) src(%dma_wait3A_105 : memref<128x128xf32, #tpu.memory_space<hbm>>) dst(%arg9 : memref<128x128xf32, #tpu.memory_space<vmem>>)
        "tpu.region"() ({
          %run_scoped3A_132 = tpu.sem_alloc : memref<!tpu.dma_semaphore, #tpu.memory_space<semaphore_mem>>
          %dma_start3A_133 = arith.constant 0 : i32
          %dma_start3A_134 = tpu.memref_slice %arg8[%add3A_99, %dma_start3A_133] : memref<16x128xi32, #tpu.memory_space<vmem>> -> memref<1x128xi32, #tpu.memory_space<vmem>>
          %dma_start3A_135 = tpu.memref_squeeze %dma_start3A_134 : memref<1x128xi32, #tpu.memory_space<vmem>> -> memref<128xi32, #tpu.memory_space<vmem>>
          %dma_start3A_136 = arith.constant 0 : i32
          %dma_start3A_137 = arith.constant 0 : i32
          %dma_start3A_138 = tpu.memref_slice %arg11[%dma_start3A_136, %dma_start3A_137] : memref<10240x128xf32, #tpu.memory_space<vmem_shared>> -> memref<10240x128xf32, #tpu.memory_space<vmem_shared>>
          tpu.enqueue_indirect_dma source(%arg9 : memref<128x128xf32, #tpu.memory_space<vmem>>) target(%dma_start3A_138 : memref<10240x128xf32, #tpu.memory_space<vmem_shared>>) offsets(%dma_start3A_135 : memref<128xi32, #tpu.memory_space<vmem>>) semaphore(%run_scoped3A_132 : memref<!tpu.dma_semaphore, #tpu.memory_space<semaphore_mem>>) {add = true}
          %dma_wait3A_139 = arith.constant 0 : i32
          %dma_wait3A_140 = tpu.memref_slice %arg8[%add3A_99, %dma_wait3A_139] : memref<16x128xi32, #tpu.memory_space<vmem>> -> memref<1x128xi32, #tpu.memory_space<vmem>>
          %dma_wait3A_141 = tpu.memref_squeeze %dma_wait3A_140 : memref<1x128xi32, #tpu.memory_space<vmem>> -> memref<128xi32, #tpu.memory_space<vmem>>
          %dma_wait3A_142 = arith.constant 0 : i32
          %dma_wait3A_143 = arith.constant 0 : i32
          %dma_wait3A_144 = tpu.memref_slice %arg11[%dma_wait3A_142, %dma_wait3A_143] : memref<10240x128xf32, #tpu.memory_space<vmem_shared>> -> memref<10240x128xf32, #tpu.memory_space<vmem_shared>>
          tpu.wait_indirect_dma semaphore(%run_scoped3A_132 : memref<!tpu.dma_semaphore, #tpu.memory_space<semaphore_mem>>) src(%arg9 : memref<128x128xf32, #tpu.memory_space<vmem>>) dst(%dma_wait3A_144 : memref<10240x128xf32, #tpu.memory_space<vmem_shared>>)
          tpu.yield
        }) : () -> ()
        %add3A_106 = arith.constant 2 : i32
        %add3A_107 = arith.addi %add3A_99, %add3A_106 : i32
        %dma_start3A_108 = arith.constant 0 : i32
        %dma_start3A_109 = tpu.memref_slice %arg7[%add3A_107, %dma_start3A_108] : memref<16x128xi32, #tpu.memory_space<vmem>> -> memref<1x128xi32, #tpu.memory_space<vmem>>
        %dma_start3A_110 = tpu.memref_squeeze %dma_start3A_109 : memref<1x128xi32, #tpu.memory_space<vmem>> -> memref<128xi32, #tpu.memory_space<vmem>>
        %dma_start3A_111 = arith.constant 0 : i32
        %dma_start3A_112 = arith.constant 0 : i32
        %dma_start3A_113 = tpu.memref_slice %arg2[%dma_start3A_111, %dma_start3A_112] : memref<10240x128xf32, #tpu.memory_space<hbm>> -> memref<10240x128xf32, #tpu.memory_space<hbm>>
        tpu.enqueue_indirect_dma source(%dma_start3A_113 : memref<10240x128xf32, #tpu.memory_space<hbm>>) target(%arg9 : memref<128x128xf32, #tpu.memory_space<vmem>>) offsets(%dma_start3A_110 : memref<128xi32, #tpu.memory_space<vmem>>) semaphore(%arg13 : memref<!tpu.dma_semaphore, #tpu.memory_space<semaphore_mem>>)
        %mul3A_114 = arith.constant 2 : i32
        %mul3A_115 = arith.muli %add3A_95, %mul3A_114 : i32
        %add3A_116 = arith.constant 1 : i32
        %add3A_117 = arith.addi %mul3A_115, %add3A_116 : i32
        %dma_wait3A_118 = arith.constant 0 : i32
        %dma_wait3A_119 = arith.constant 0 : i32
        %dma_wait3A_120 = tpu.memref_slice %arg2[%dma_wait3A_118, %dma_wait3A_119] : memref<10240x128xf32, #tpu.memory_space<hbm>> -> memref<128x128xf32, #tpu.memory_space<hbm>>
        %dma_wait3A_121 = arith.constant 0 : i32
        %dma_wait3A_122 = arith.constant 0 : i32
        %dma_wait3A_123 = tpu.memref_slice %arg2[%dma_wait3A_121, %dma_wait3A_122] : memref<10240x128xf32, #tpu.memory_space<hbm>> -> memref<128x128xf32, #tpu.memory_space<hbm>>
        tpu.wait_dma2 semaphore(%arg14 : memref<!tpu.dma_semaphore, #tpu.memory_space<semaphore_mem>>) src(%dma_wait3A_123 : memref<128x128xf32, #tpu.memory_space<hbm>>) dst(%arg10 : memref<128x128xf32, #tpu.memory_space<vmem>>)
        "tpu.region"() ({
          %run_scoped3A_132 = tpu.sem_alloc : memref<!tpu.dma_semaphore, #tpu.memory_space<semaphore_mem>>
          %dma_start3A_133 = arith.constant 0 : i32
          %dma_start3A_134 = tpu.memref_slice %arg8[%add3A_117, %dma_start3A_133] : memref<16x128xi32, #tpu.memory_space<vmem>> -> memref<1x128xi32, #tpu.memory_space<vmem>>
          %dma_start3A_135 = tpu.memref_squeeze %dma_start3A_134 : memref<1x128xi32, #tpu.memory_space<vmem>> -> memref<128xi32, #tpu.memory_space<vmem>>
          %dma_start3A_136 = arith.constant 0 : i32
          %dma_start3A_137 = arith.constant 0 : i32
          %dma_start3A_138 = tpu.memref_slice %arg11[%dma_start3A_136, %dma_start3A_137] : memref<10240x128xf32, #tpu.memory_space<vmem_shared>> -> memref<10240x128xf32, #tpu.memory_space<vmem_shared>>
          tpu.enqueue_indirect_dma source(%arg10 : memref<128x128xf32, #tpu.memory_space<vmem>>) target(%dma_start3A_138 : memref<10240x128xf32, #tpu.memory_space<vmem_shared>>) offsets(%dma_start3A_135 : memref<128xi32, #tpu.memory_space<vmem>>) semaphore(%run_scoped3A_132 : memref<!tpu.dma_semaphore, #tpu.memory_space<semaphore_mem>>) {add = true}
          %dma_wait3A_139 = arith.constant 0 : i32
          %dma_wait3A_140 = tpu.memref_slice %arg8[%add3A_117, %dma_wait3A_139] : memref<16x128xi32, #tpu.memory_space<vmem>> -> memref<1x128xi32, #tpu.memory_space<vmem>>
          %dma_wait3A_141 = tpu.memref_squeeze %dma_wait3A_140 : memref<1x128xi32, #tpu.memory_space<vmem>> -> memref<128xi32, #tpu.memory_space<vmem>>
          %dma_wait3A_142 = arith.constant 0 : i32
          %dma_wait3A_143 = arith.constant 0 : i32
          %dma_wait3A_144 = tpu.memref_slice %arg11[%dma_wait3A_142, %dma_wait3A_143] : memref<10240x128xf32, #tpu.memory_space<vmem_shared>> -> memref<10240x128xf32, #tpu.memory_space<vmem_shared>>
          tpu.wait_indirect_dma semaphore(%run_scoped3A_132 : memref<!tpu.dma_semaphore, #tpu.memory_space<semaphore_mem>>) src(%arg10 : memref<128x128xf32, #tpu.memory_space<vmem>>) dst(%dma_wait3A_144 : memref<10240x128xf32, #tpu.memory_space<vmem_shared>>)
          tpu.yield
        }) : () -> ()
        %add3A_124 = arith.constant 2 : i32
        %add3A_125 = arith.addi %add3A_117, %add3A_124 : i32
        %dma_start3A_126 = arith.constant 0 : i32
        %dma_start3A_127 = tpu.memref_slice %arg7[%add3A_125, %dma_start3A_126] : memref<16x128xi32, #tpu.memory_space<vmem>> -> memref<1x128xi32, #tpu.memory_space<vmem>>
        %dma_start3A_128 = tpu.memref_squeeze %dma_start3A_127 : memref<1x128xi32, #tpu.memory_space<vmem>> -> memref<128xi32, #tpu.memory_space<vmem>>
        %dma_start3A_129 = arith.constant 0 : i32
        %dma_start3A_130 = arith.constant 0 : i32
        %dma_start3A_131 = tpu.memref_slice %arg2[%dma_start3A_129, %dma_start3A_130] : memref<10240x128xf32, #tpu.memory_space<hbm>> -> memref<10240x128xf32, #tpu.memory_space<hbm>>
        tpu.enqueue_indirect_dma source(%dma_start3A_131 : memref<10240x128xf32, #tpu.memory_space<hbm>>) target(%arg10 : memref<128x128xf32, #tpu.memory_space<vmem>>) offsets(%dma_start3A_128 : memref<128xi32, #tpu.memory_space<vmem>>) semaphore(%arg14 : memref<!tpu.dma_semaphore, #tpu.memory_space<semaphore_mem>>)
      }
      %scan3A_77 = arith.constant 7 : i32
      %dma_wait3A_78 = arith.constant 0 : i32
      %dma_wait3A_79 = arith.constant 0 : i32
      %dma_wait3A_80 = tpu.memref_slice %arg2[%dma_wait3A_78, %dma_wait3A_79] : memref<10240x128xf32, #tpu.memory_space<hbm>> -> memref<128x128xf32, #tpu.memory_space<hbm>>
      %dma_wait3A_81 = arith.constant 0 : i32
      %dma_wait3A_82 = arith.constant 0 : i32
      %dma_wait3A_83 = tpu.memref_slice %arg2[%dma_wait3A_81, %dma_wait3A_82] : memref<10240x128xf32, #tpu.memory_space<hbm>> -> memref<128x128xf32, #tpu.memory_space<hbm>>
      tpu.wait_dma2 semaphore(%arg13 : memref<!tpu.dma_semaphore, #tpu.memory_space<semaphore_mem>>) src(%dma_wait3A_83 : memref<128x128xf32, #tpu.memory_space<hbm>>) dst(%arg9 : memref<128x128xf32, #tpu.memory_space<vmem>>)
      %run_scoped3A = arith.constant 14 : i32
      "tpu.region"() ({
        %run_scoped3A_91 = tpu.sem_alloc : memref<!tpu.dma_semaphore, #tpu.memory_space<semaphore_mem>>
        %dma_start3A_92 = arith.constant 0 : i32
        %dma_start3A_93 = tpu.memref_slice %arg8[%run_scoped3A, %dma_start3A_92] : memref<16x128xi32, #tpu.memory_space<vmem>> -> memref<1x128xi32, #tpu.memory_space<vmem>>
        %dma_start3A_94 = tpu.memref_squeeze %dma_start3A_93 : memref<1x128xi32, #tpu.memory_space<vmem>> -> memref<128xi32, #tpu.memory_space<vmem>>
        %dma_start3A_95 = arith.constant 0 : i32
        %dma_start3A_96 = arith.constant 0 : i32
        %dma_start3A_97 = tpu.memref_slice %arg11[%dma_start3A_95, %dma_start3A_96] : memref<10240x128xf32, #tpu.memory_space<vmem_shared>> -> memref<10240x128xf32, #tpu.memory_space<vmem_shared>>
        tpu.enqueue_indirect_dma source(%arg9 : memref<128x128xf32, #tpu.memory_space<vmem>>) target(%dma_start3A_97 : memref<10240x128xf32, #tpu.memory_space<vmem_shared>>) offsets(%dma_start3A_94 : memref<128xi32, #tpu.memory_space<vmem>>) semaphore(%run_scoped3A_91 : memref<!tpu.dma_semaphore, #tpu.memory_space<semaphore_mem>>) {add = true}
        %dma_wait3A_98 = arith.constant 0 : i32
        %dma_wait3A_99 = tpu.memref_slice %arg8[%run_scoped3A, %dma_wait3A_98] : memref<16x128xi32, #tpu.memory_space<vmem>> -> memref<1x128xi32, #tpu.memory_space<vmem>>
        %dma_wait3A_100 = tpu.memref_squeeze %dma_wait3A_99 : memref<1x128xi32, #tpu.memory_space<vmem>> -> memref<128xi32, #tpu.memory_space<vmem>>
        %dma_wait3A_101 = arith.constant 0 : i32
        %dma_wait3A_102 = arith.constant 0 : i32
        %dma_wait3A_103 = tpu.memref_slice %arg11[%dma_wait3A_101, %dma_wait3A_102] : memref<10240x128xf32, #tpu.memory_space<vmem_shared>> -> memref<10240x128xf32, #tpu.memory_space<vmem_shared>>
        tpu.wait_indirect_dma semaphore(%run_scoped3A_91 : memref<!tpu.dma_semaphore, #tpu.memory_space<semaphore_mem>>) src(%arg9 : memref<128x128xf32, #tpu.memory_space<vmem>>) dst(%dma_wait3A_103 : memref<10240x128xf32, #tpu.memory_space<vmem_shared>>)
        tpu.yield
      }) : () -> ()
      %dma_wait3A_84 = arith.constant 0 : i32
      %dma_wait3A_85 = arith.constant 0 : i32
      %dma_wait3A_86 = tpu.memref_slice %arg2[%dma_wait3A_84, %dma_wait3A_85] : memref<10240x128xf32, #tpu.memory_space<hbm>> -> memref<128x128xf32, #tpu.memory_space<hbm>>
      %dma_wait3A_87 = arith.constant 0 : i32
      %dma_wait3A_88 = arith.constant 0 : i32
      %dma_wait3A_89 = tpu.memref_slice %arg2[%dma_wait3A_87, %dma_wait3A_88] : memref<10240x128xf32, #tpu.memory_space<hbm>> -> memref<128x128xf32, #tpu.memory_space<hbm>>
      tpu.wait_dma2 semaphore(%arg14 : memref<!tpu.dma_semaphore, #tpu.memory_space<semaphore_mem>>) src(%dma_wait3A_89 : memref<128x128xf32, #tpu.memory_space<hbm>>) dst(%arg10 : memref<128x128xf32, #tpu.memory_space<vmem>>)
      %run_scoped3A_90 = arith.constant 15 : i32
      "tpu.region"() ({
        %run_scoped3A_91 = tpu.sem_alloc : memref<!tpu.dma_semaphore, #tpu.memory_space<semaphore_mem>>
        %dma_start3A_92 = arith.constant 0 : i32
        %dma_start3A_93 = tpu.memref_slice %arg8[%run_scoped3A_90, %dma_start3A_92] : memref<16x128xi32, #tpu.memory_space<vmem>> -> memref<1x128xi32, #tpu.memory_space<vmem>>
        %dma_start3A_94 = tpu.memref_squeeze %dma_start3A_93 : memref<1x128xi32, #tpu.memory_space<vmem>> -> memref<128xi32, #tpu.memory_space<vmem>>
        %dma_start3A_95 = arith.constant 0 : i32
        %dma_start3A_96 = arith.constant 0 : i32
        %dma_start3A_97 = tpu.memref_slice %arg11[%dma_start3A_95, %dma_start3A_96] : memref<10240x128xf32, #tpu.memory_space<vmem_shared>> -> memref<10240x128xf32, #tpu.memory_space<vmem_shared>>
        tpu.enqueue_indirect_dma source(%arg10 : memref<128x128xf32, #tpu.memory_space<vmem>>) target(%dma_start3A_97 : memref<10240x128xf32, #tpu.memory_space<vmem_shared>>) offsets(%dma_start3A_94 : memref<128xi32, #tpu.memory_space<vmem>>) semaphore(%run_scoped3A_91 : memref<!tpu.dma_semaphore, #tpu.memory_space<semaphore_mem>>) {add = true}
        %dma_wait3A_98 = arith.constant 0 : i32
        %dma_wait3A_99 = tpu.memref_slice %arg8[%run_scoped3A_90, %dma_wait3A_98] : memref<16x128xi32, #tpu.memory_space<vmem>> -> memref<1x128xi32, #tpu.memory_space<vmem>>
        %dma_wait3A_100 = tpu.memref_squeeze %dma_wait3A_99 : memref<1x128xi32, #tpu.memory_space<vmem>> -> memref<128xi32, #tpu.memory_space<vmem>>
        %dma_wait3A_101 = arith.constant 0 : i32
        %dma_wait3A_102 = arith.constant 0 : i32
        %dma_wait3A_103 = tpu.memref_slice %arg11[%dma_wait3A_101, %dma_wait3A_102] : memref<10240x128xf32, #tpu.memory_space<vmem_shared>> -> memref<10240x128xf32, #tpu.memory_space<vmem_shared>>
        tpu.wait_indirect_dma semaphore(%run_scoped3A_91 : memref<!tpu.dma_semaphore, #tpu.memory_space<semaphore_mem>>) src(%arg10 : memref<128x128xf32, #tpu.memory_space<vmem>>) dst(%dma_wait3A_103 : memref<10240x128xf32, #tpu.memory_space<vmem_shared>>)
        tpu.yield
      }) : () -> ()
    }
    %barrier3A_27 = arith.constant 0 : index
    tpu.barrier barrier_id(%barrier3A_27)
    "tpu.region"() ({
      %run_scoped3A = tpu.sem_alloc : memref<!tpu.dma_semaphore, #tpu.memory_space<semaphore_mem>>
      %dma_start3A = arith.constant 0 : i32
      %dma_start3A_28 = tpu.memref_slice %arg6[%arg0, %mul3A_0, %dma_start3A] : memref<2x10240x128xf32, #tpu.memory_space<hbm>> -> memref<1x640x128xf32, #tpu.memory_space<hbm>>
      %dma_start3A_29 = tpu.memref_squeeze %dma_start3A_28 : memref<1x640x128xf32, #tpu.memory_space<hbm>> -> memref<640x128xf32, #tpu.memory_space<hbm>>
      %dma_start3A_30 = arith.constant 0 : i32
      %dma_start3A_31 = tpu.memref_slice %arg11[%mul3A_0, %dma_start3A_30] : memref<10240x128xf32, #tpu.memory_space<vmem_shared>> -> memref<640x128xf32, #tpu.memory_space<vmem_shared>>
      tpu.enqueue_dma source(%dma_start3A_31 : memref<640x128xf32, #tpu.memory_space<vmem_shared>>) target(%dma_start3A_29 : memref<640x128xf32, #tpu.memory_space<hbm>>) target_semaphore(%run_scoped3A : memref<!tpu.dma_semaphore, #tpu.memory_space<semaphore_mem>>)
      %dma_wait3A = arith.constant 0 : i32
      %dma_wait3A_32 = tpu.memref_slice %arg6[%arg0, %mul3A_0, %dma_wait3A] : memref<2x10240x128xf32, #tpu.memory_space<hbm>> -> memref<1x640x128xf32, #tpu.memory_space<hbm>>
      %dma_wait3A_33 = tpu.memref_squeeze %dma_wait3A_32 : memref<1x640x128xf32, #tpu.memory_space<hbm>> -> memref<640x128xf32, #tpu.memory_space<hbm>>
      %dma_wait3A_34 = arith.constant 0 : i32
      %dma_wait3A_35 = tpu.memref_slice %arg11[%mul3A_0, %dma_wait3A_34] : memref<10240x128xf32, #tpu.memory_space<vmem_shared>> -> memref<640x128xf32, #tpu.memory_space<vmem_shared>>
      tpu.wait_dma2 semaphore(%run_scoped3A : memref<!tpu.dma_semaphore, #tpu.memory_space<semaphore_mem>>) src(%dma_wait3A_35 : memref<640x128xf32, #tpu.memory_space<vmem_shared>>) dst(%dma_wait3A_33 : memref<640x128xf32, #tpu.memory_space<hbm>>)
      tpu.yield
    }) : () -> ()
    return
  }
}

#map = affine_map<(d0, d1) -> (0, 0)>
#map1 = affine_map<(d0, d1) -> (0, 0, 0)>
module attributes {stable_mosaic.version = 14 : i64} {
  func.func @_segsum_body(%arg0: i32, %arg1: i32, %arg2: memref<10240x128xf32, #tpu.memory_space<hbm>>, %arg3: memref<2560x128xi32, #tpu.memory_space<hbm>>, %arg4: memref<2560x128xi32, #tpu.memory_space<hbm>>, %arg5: memref<10240x128xf32, #tpu.memory_space<hbm>>, %arg6: memref<2x10240x128xf32, #tpu.memory_space<hbm>>, %arg7: memref<16x128xi32, #tpu.memory_space<vmem>>, %arg8: memref<16x128xi32, #tpu.memory_space<vmem>>, %arg9: memref<128x128xf32, #tpu.memory_space<vmem>>, %arg10: memref<128x128xf32, #tpu.memory_space<vmem>>, %arg11: memref<10240x128xf32, #tpu.memory_space<vmem_shared>>, %arg12: memref<!tpu.dma_semaphore, #tpu.memory_space<semaphore_mem>>, %arg13: memref<!tpu.dma_semaphore, #tpu.memory_space<semaphore_mem>>, %arg14: memref<!tpu.dma_semaphore, #tpu.memory_space<semaphore_mem>>, %arg15: memref<!tpu.dma_semaphore, #tpu.memory_space<semaphore_mem>>) attributes {dimension_semantics = [#tpu.dimension_semantics<core_parallel>, #tpu.dimension_semantics<subcore_parallel>], iteration_bounds = array<i64: 2, 16>, scalar_prefetch = 0 : i64, scratch_operands = 9 : i64, tpu.core_type = #tpu.core_type<sc_vector_subcore>, window_params = [{transform_indices = #map}, {transform_indices = #map}, {transform_indices = #map}, {transform_indices = #map}, {transform_indices = #map1}]} {
    %mul3A = arith.constant 640 : i32
    %mul3A_0 = arith.muli %arg1, %mul3A : i32
    "tpu.region"() ({
      %run_scoped3A = tpu.sem_alloc : memref<!tpu.dma_semaphore, #tpu.memory_space<semaphore_mem>>
      %dma_start3A = arith.constant 0 : i32
      %dma_start3A_28 = tpu.memref_slice %arg11[%mul3A_0, %dma_start3A] : memref<10240x128xf32, #tpu.memory_space<vmem_shared>> -> memref<640x128xf32, #tpu.memory_space<vmem_shared>>
      %dma_start3A_29 = arith.constant 0 : i32
      %dma_start3A_30 = tpu.memref_slice %arg5[%mul3A_0, %dma_start3A_29] : memref<10240x128xf32, #tpu.memory_space<hbm>> -> memref<640x128xf32, #tpu.memory_space<hbm>>
      tpu.enqueue_dma source(%dma_start3A_30 : memref<640x128xf32, #tpu.memory_space<hbm>>) target(%dma_start3A_28 : memref<640x128xf32, #tpu.memory_space<vmem_shared>>) target_semaphore(%run_scoped3A : memref<!tpu.dma_semaphore, #tpu.memory_space<semaphore_mem>>)
      %dma_wait3A = arith.constant 0 : i32
      %dma_wait3A_31 = tpu.memref_slice %arg11[%mul3A_0, %dma_wait3A] : memref<10240x128xf32, #tpu.memory_space<vmem_shared>> -> memref<640x128xf32, #tpu.memory_space<vmem_shared>>
      %dma_wait3A_32 = arith.constant 0 : i32
      %dma_wait3A_33 = tpu.memref_slice %arg5[%mul3A_0, %dma_wait3A_32] : memref<10240x128xf32, #tpu.memory_space<hbm>> -> memref<640x128xf32, #tpu.memory_space<hbm>>
      tpu.wait_dma2 semaphore(%run_scoped3A : memref<!tpu.dma_semaphore, #tpu.memory_space<semaphore_mem>>) src(%dma_wait3A_33 : memref<640x128xf32, #tpu.memory_space<hbm>>) dst(%dma_wait3A_31 : memref<640x128xf32, #tpu.memory_space<vmem_shared>>)
      tpu.yield
    }) : () -> ()
    %barrier3A = arith.constant 0 : index
    tpu.barrier barrier_id(%barrier3A)
    %eq3A = arith.constant 0 : i32
    %eq3A_1 = arith.cmpi eq, %arg0, %eq3A : i32
    %mul3A_2 = arith.constant 144 : i32
    %mul3A_3 = arith.muli %arg1, %mul3A_2 : i32
    %mul3A_4 = arith.constant 16 : i32
    %mul3A_5 = arith.muli %arg1, %mul3A_4 : i32
    %add3A = arith.constant 2304 : i32
    %add3A_6 = arith.addi %add3A, %mul3A_5 : i32
    %select_n3A = arith.select %eq3A_1, %mul3A_3, %add3A_6 : i32
    %eq3A_7 = arith.constant 0 : i32
    %eq3A_8 = arith.cmpi eq, %arg0, %eq3A_7 : i32
    %jit3A = arith.constant 9 : i32
    %jit3A_9 = arith.constant 1 : i32
    %select_n3A_10 = arith.select %eq3A_8, %jit3A, %jit3A_9 : i32
    %sub3A = arith.constant 0 : i32
    %sub3A_11 = arith.subi %select_n3A_10, %sub3A : i32
    %sub3A_12 = arith.constant 1 : i32
    %sub3A_13 = arith.constant 1 : i32
    %sub3A_14 = arith.subi %sub3A_12, %sub3A_13 : i32
    %add3A_15 = arith.addi %sub3A_11, %sub3A_14 : i32
    %div3A = arith.constant 1 : i32
    %div3A_16 = arith.divsi %add3A_15, %div3A : i32
    %while3A = arith.constant 1 : i32
    %while3A_17 = arith.constant 0 : i32
    %while3A_18 = arith.constant 0 : i32
    %while3A_19 = arith.subi %div3A_16, %while3A_18 : i32
    %while3A_20 = arith.addi %while3A_18, %while3A_19 : i32
    %while3A_21 = arith.constant 1 : i32
    %while3A_22 = arith.divsi %while3A_19, %while3A_21 : i32
    %while3A_23 = arith.muli %while3A_22, %while3A_21 : i32
    %while3A_24 = arith.addi %while3A_18, %while3A_23 : i32
    %while3A_25 = arith.constant 1 : i32
    scf.for %while3A_28 = %while3A_18 to %while3A_24 step %while3A_25  : i32 {
      %mul3A_29 = arith.muli %while3A_28, %while3A : i32
      %add3A_30 = arith.addi %while3A_17, %mul3A_29 : i32
      %mul3A_31 = arith.constant 16 : i32
      %mul3A_32 = arith.muli %add3A_30, %mul3A_31 : i32
      %add3A_33 = arith.addi %select_n3A, %mul3A_32 : i32
      %add3A_34 = arith.constant 0 : i32
      %add3A_35 = arith.addi %add3A_33, %add3A_34 : i32
      %iota3A = tpu.iota {dimensions = array<i32: 0>} : vector<16xi32>
      %add3A_36 = vector.broadcast %add3A_35 : i32 to vector<16xi32>
      %add3A_37 = arith.addi %add3A_36, %iota3A : vector<16xi32>
      %dma_start3A = arith.constant 0 : i32
      %dma_start3A_38 = arith.constant 0 : i32
      %dma_start3A_39 = tpu.memref_slice %arg7[%dma_start3A, %dma_start3A_38] : memref<16x128xi32, #tpu.memory_space<vmem>> -> memref<16x128xi32, #tpu.memory_space<vmem>>
      %dma_start3A_40 = arith.constant 0 : i32
      %dma_start3A_41 = arith.constant 0 : i32
      %dma_start3A_42 = tpu.memref_slice %arg3[%dma_start3A_40, %dma_start3A_41] : memref<2560x128xi32, #tpu.memory_space<hbm>> -> memref<2560x128xi32, #tpu.memory_space<hbm>>
      tpu.enqueue_indirect_dma source(%dma_start3A_42 : memref<2560x128xi32, #tpu.memory_space<hbm>>) target(%dma_start3A_39 : memref<16x128xi32, #tpu.memory_space<vmem>>) offsets(%add3A_37 : vector<16xi32>) semaphore(%arg12 : memref<!tpu.dma_semaphore, #tpu.memory_space<semaphore_mem>>)
      %dma_start3A_43 = arith.constant 0 : i32
      %dma_start3A_44 = arith.constant 0 : i32
      %dma_start3A_45 = tpu.memref_slice %arg8[%dma_start3A_43, %dma_start3A_44] : memref<16x128xi32, #tpu.memory_space<vmem>> -> memref<16x128xi32, #tpu.memory_space<vmem>>
      %dma_start3A_46 = arith.constant 0 : i32
      %dma_start3A_47 = arith.constant 0 : i32
      %dma_start3A_48 = tpu.memref_slice %arg4[%dma_start3A_46, %dma_start3A_47] : memref<2560x128xi32, #tpu.memory_space<hbm>> -> memref<2560x128xi32, #tpu.memory_space<hbm>>
      tpu.enqueue_indirect_dma source(%dma_start3A_48 : memref<2560x128xi32, #tpu.memory_space<hbm>>) target(%dma_start3A_45 : memref<16x128xi32, #tpu.memory_space<vmem>>) offsets(%add3A_37 : vector<16xi32>) semaphore(%arg15 : memref<!tpu.dma_semaphore, #tpu.memory_space<semaphore_mem>>)
      %dma_wait3A = arith.constant 0 : i32
      %dma_wait3A_49 = arith.constant 0 : i32
      %dma_wait3A_50 = tpu.memref_slice %arg3[%dma_wait3A, %dma_wait3A_49] : memref<2560x128xi32, #tpu.memory_space<hbm>> -> memref<16x128xi32, #tpu.memory_space<hbm>>
      %dma_wait3A_51 = arith.constant 0 : i32
      %dma_wait3A_52 = arith.constant 0 : i32
      %dma_wait3A_53 = tpu.memref_slice %arg3[%dma_wait3A_51, %dma_wait3A_52] : memref<2560x128xi32, #tpu.memory_space<hbm>> -> memref<16x128xi32, #tpu.memory_space<hbm>>
      tpu.wait_dma2 semaphore(%arg12 : memref<!tpu.dma_semaphore, #tpu.memory_space<semaphore_mem>>) src(%dma_wait3A_53 : memref<16x128xi32, #tpu.memory_space<hbm>>) dst(%arg7 : memref<16x128xi32, #tpu.memory_space<vmem>>)
      %dma_wait3A_54 = arith.constant 0 : i32
      %dma_wait3A_55 = arith.constant 0 : i32
      %dma_wait3A_56 = tpu.memref_slice %arg4[%dma_wait3A_54, %dma_wait3A_55] : memref<2560x128xi32, #tpu.memory_space<hbm>> -> memref<16x128xi32, #tpu.memory_space<hbm>>
      %dma_wait3A_57 = arith.constant 0 : i32
      %dma_wait3A_58 = arith.constant 0 : i32
      %dma_wait3A_59 = tpu.memref_slice %arg4[%dma_wait3A_57, %dma_wait3A_58] : memref<2560x128xi32, #tpu.memory_space<hbm>> -> memref<16x128xi32, #tpu.memory_space<hbm>>
      tpu.wait_dma2 semaphore(%arg15 : memref<!tpu.dma_semaphore, #tpu.memory_space<semaphore_mem>>) src(%dma_wait3A_59 : memref<16x128xi32, #tpu.memory_space<hbm>>) dst(%arg8 : memref<16x128xi32, #tpu.memory_space<vmem>>)
      %dma_start3A_60 = arith.constant 0 : i32
      %dma_start3A_61 = arith.constant 0 : i32
      %dma_start3A_62 = tpu.memref_slice %arg7[%dma_start3A_60, %dma_start3A_61] : memref<16x128xi32, #tpu.memory_space<vmem>> -> memref<1x128xi32, #tpu.memory_space<vmem>>
      %dma_start3A_63 = tpu.memref_squeeze %dma_start3A_62 : memref<1x128xi32, #tpu.memory_space<vmem>> -> memref<128xi32, #tpu.memory_space<vmem>>
      %dma_start3A_64 = arith.constant 0 : i32
      %dma_start3A_65 = arith.constant 0 : i32
      %dma_start3A_66 = tpu.memref_slice %arg2[%dma_start3A_64, %dma_start3A_65] : memref<10240x128xf32, #tpu.memory_space<hbm>> -> memref<10240x128xf32, #tpu.memory_space<hbm>>
      tpu.enqueue_indirect_dma source(%dma_start3A_66 : memref<10240x128xf32, #tpu.memory_space<hbm>>) target(%arg9 : memref<128x128xf32, #tpu.memory_space<vmem>>) offsets(%dma_start3A_63 : memref<128xi32, #tpu.memory_space<vmem>>) semaphore(%arg13 : memref<!tpu.dma_semaphore, #tpu.memory_space<semaphore_mem>>)
      %dma_start3A_67 = arith.constant 1 : i32
      %dma_start3A_68 = arith.constant 0 : i32
      %dma_start3A_69 = tpu.memref_slice %arg7[%dma_start3A_67, %dma_start3A_68] : memref<16x128xi32, #tpu.memory_space<vmem>> -> memref<1x128xi32, #tpu.memory_space<vmem>>
      %dma_start3A_70 = tpu.memref_squeeze %dma_start3A_69 : memref<1x128xi32, #tpu.memory_space<vmem>> -> memref<128xi32, #tpu.memory_space<vmem>>
      %dma_start3A_71 = arith.constant 0 : i32
      %dma_start3A_72 = arith.constant 0 : i32
      %dma_start3A_73 = tpu.memref_slice %arg2[%dma_start3A_71, %dma_start3A_72] : memref<10240x128xf32, #tpu.memory_space<hbm>> -> memref<10240x128xf32, #tpu.memory_space<hbm>>
      tpu.enqueue_indirect_dma source(%dma_start3A_73 : memref<10240x128xf32, #tpu.memory_space<hbm>>) target(%arg10 : memref<128x128xf32, #tpu.memory_space<vmem>>) offsets(%dma_start3A_70 : memref<128xi32, #tpu.memory_space<vmem>>) semaphore(%arg14 : memref<!tpu.dma_semaphore, #tpu.memory_space<semaphore_mem>>)
      %scan3A = arith.constant 0 : i32
      %scan3A_74 = arith.constant 7 : i32
      %scan3A_75 = arith.addi %scan3A, %scan3A_74 : i32
      %scan3A_76 = arith.constant 1 : i32
      scf.for %scan3A_91 = %scan3A to %scan3A_75 step %scan3A_76  : i32 {
        %mul3A_92 = arith.constant 1 : i32
        %mul3A_93 = arith.muli %scan3A_91, %mul3A_92 : i32
        %add3A_94 = arith.constant 0 : i32
        %add3A_95 = arith.addi %add3A_94, %mul3A_93 : i32
        %mul3A_96 = arith.constant 2 : i32
        %mul3A_97 = arith.muli %add3A_95, %mul3A_96 : i32
        %add3A_98 = arith.constant 0 : i32
        %add3A_99 = arith.addi %mul3A_97, %add3A_98 : i32
        %dma_wait3A_100 = arith.constant 0 : i32
        %dma_wait3A_101 = arith.constant 0 : i32
        %dma_wait3A_102 = tpu.memref_slice %arg2[%dma_wait3A_100, %dma_wait3A_101] : memref<10240x128xf32, #tpu.memory_space<hbm>> -> memref<128x128xf32, #tpu.memory_space<hbm>>
        %dma_wait3A_103 = arith.constant 0 : i32
        %dma_wait3A_104 = arith.constant 0 : i32
        %dma_wait3A_105 = tpu.memref_slice %arg2[%dma_wait3A_103, %dma_wait3A_104] : memref<10240x128xf32, #tpu.memory_space<hbm>> -> memref<128x128xf32, #tpu.memory_space<hbm>>
        tpu.wait_dma2 semaphore(%arg13 : memref<!tpu.dma_semaphore, #tpu.memory_space<semaphore_mem>>) src(%dma_wait3A_105 : memref<128x128xf32, #tpu.memory_space<hbm>>) dst(%arg9 : memref<128x128xf32, #tpu.memory_space<vmem>>)
        "tpu.region"() ({
          %run_scoped3A_132 = tpu.sem_alloc : memref<!tpu.dma_semaphore, #tpu.memory_space<semaphore_mem>>
          %dma_start3A_133 = arith.constant 0 : i32
          %dma_start3A_134 = tpu.memref_slice %arg8[%add3A_99, %dma_start3A_133] : memref<16x128xi32, #tpu.memory_space<vmem>> -> memref<1x128xi32, #tpu.memory_space<vmem>>
          %dma_start3A_135 = tpu.memref_squeeze %dma_start3A_134 : memref<1x128xi32, #tpu.memory_space<vmem>> -> memref<128xi32, #tpu.memory_space<vmem>>
          %dma_start3A_136 = arith.constant 0 : i32
          %dma_start3A_137 = arith.constant 0 : i32
          %dma_start3A_138 = tpu.memref_slice %arg11[%dma_start3A_136, %dma_start3A_137] : memref<10240x128xf32, #tpu.memory_space<vmem_shared>> -> memref<10240x128xf32, #tpu.memory_space<vmem_shared>>
          tpu.enqueue_indirect_dma source(%arg9 : memref<128x128xf32, #tpu.memory_space<vmem>>) target(%dma_start3A_138 : memref<10240x128xf32, #tpu.memory_space<vmem_shared>>) offsets(%dma_start3A_135 : memref<128xi32, #tpu.memory_space<vmem>>) semaphore(%run_scoped3A_132 : memref<!tpu.dma_semaphore, #tpu.memory_space<semaphore_mem>>) {add = true}
          %dma_wait3A_139 = arith.constant 0 : i32
          %dma_wait3A_140 = tpu.memref_slice %arg8[%add3A_99, %dma_wait3A_139] : memref<16x128xi32, #tpu.memory_space<vmem>> -> memref<1x128xi32, #tpu.memory_space<vmem>>
          %dma_wait3A_141 = tpu.memref_squeeze %dma_wait3A_140 : memref<1x128xi32, #tpu.memory_space<vmem>> -> memref<128xi32, #tpu.memory_space<vmem>>
          %dma_wait3A_142 = arith.constant 0 : i32
          %dma_wait3A_143 = arith.constant 0 : i32
          %dma_wait3A_144 = tpu.memref_slice %arg11[%dma_wait3A_142, %dma_wait3A_143] : memref<10240x128xf32, #tpu.memory_space<vmem_shared>> -> memref<10240x128xf32, #tpu.memory_space<vmem_shared>>
          tpu.wait_indirect_dma semaphore(%run_scoped3A_132 : memref<!tpu.dma_semaphore, #tpu.memory_space<semaphore_mem>>) src(%arg9 : memref<128x128xf32, #tpu.memory_space<vmem>>) dst(%dma_wait3A_144 : memref<10240x128xf32, #tpu.memory_space<vmem_shared>>)
          tpu.yield
        }) : () -> ()
        %add3A_106 = arith.constant 2 : i32
        %add3A_107 = arith.addi %add3A_99, %add3A_106 : i32
        %dma_start3A_108 = arith.constant 0 : i32
        %dma_start3A_109 = tpu.memref_slice %arg7[%add3A_107, %dma_start3A_108] : memref<16x128xi32, #tpu.memory_space<vmem>> -> memref<1x128xi32, #tpu.memory_space<vmem>>
        %dma_start3A_110 = tpu.memref_squeeze %dma_start3A_109 : memref<1x128xi32, #tpu.memory_space<vmem>> -> memref<128xi32, #tpu.memory_space<vmem>>
        %dma_start3A_111 = arith.constant 0 : i32
        %dma_start3A_112 = arith.constant 0 : i32
        %dma_start3A_113 = tpu.memref_slice %arg2[%dma_start3A_111, %dma_start3A_112] : memref<10240x128xf32, #tpu.memory_space<hbm>> -> memref<10240x128xf32, #tpu.memory_space<hbm>>
        tpu.enqueue_indirect_dma source(%dma_start3A_113 : memref<10240x128xf32, #tpu.memory_space<hbm>>) target(%arg9 : memref<128x128xf32, #tpu.memory_space<vmem>>) offsets(%dma_start3A_110 : memref<128xi32, #tpu.memory_space<vmem>>) semaphore(%arg13 : memref<!tpu.dma_semaphore, #tpu.memory_space<semaphore_mem>>)
        %mul3A_114 = arith.constant 2 : i32
        %mul3A_115 = arith.muli %add3A_95, %mul3A_114 : i32
        %add3A_116 = arith.constant 1 : i32
        %add3A_117 = arith.addi %mul3A_115, %add3A_116 : i32
        %dma_wait3A_118 = arith.constant 0 : i32
        %dma_wait3A_119 = arith.constant 0 : i32
        %dma_wait3A_120 = tpu.memref_slice %arg2[%dma_wait3A_118, %dma_wait3A_119] : memref<10240x128xf32, #tpu.memory_space<hbm>> -> memref<128x128xf32, #tpu.memory_space<hbm>>
        %dma_wait3A_121 = arith.constant 0 : i32
        %dma_wait3A_122 = arith.constant 0 : i32
        %dma_wait3A_123 = tpu.memref_slice %arg2[%dma_wait3A_121, %dma_wait3A_122] : memref<10240x128xf32, #tpu.memory_space<hbm>> -> memref<128x128xf32, #tpu.memory_space<hbm>>
        tpu.wait_dma2 semaphore(%arg14 : memref<!tpu.dma_semaphore, #tpu.memory_space<semaphore_mem>>) src(%dma_wait3A_123 : memref<128x128xf32, #tpu.memory_space<hbm>>) dst(%arg10 : memref<128x128xf32, #tpu.memory_space<vmem>>)
        "tpu.region"() ({
          %run_scoped3A_132 = tpu.sem_alloc : memref<!tpu.dma_semaphore, #tpu.memory_space<semaphore_mem>>
          %dma_start3A_133 = arith.constant 0 : i32
          %dma_start3A_134 = tpu.memref_slice %arg8[%add3A_117, %dma_start3A_133] : memref<16x128xi32, #tpu.memory_space<vmem>> -> memref<1x128xi32, #tpu.memory_space<vmem>>
          %dma_start3A_135 = tpu.memref_squeeze %dma_start3A_134 : memref<1x128xi32, #tpu.memory_space<vmem>> -> memref<128xi32, #tpu.memory_space<vmem>>
          %dma_start3A_136 = arith.constant 0 : i32
          %dma_start3A_137 = arith.constant 0 : i32
          %dma_start3A_138 = tpu.memref_slice %arg11[%dma_start3A_136, %dma_start3A_137] : memref<10240x128xf32, #tpu.memory_space<vmem_shared>> -> memref<10240x128xf32, #tpu.memory_space<vmem_shared>>
          tpu.enqueue_indirect_dma source(%arg10 : memref<128x128xf32, #tpu.memory_space<vmem>>) target(%dma_start3A_138 : memref<10240x128xf32, #tpu.memory_space<vmem_shared>>) offsets(%dma_start3A_135 : memref<128xi32, #tpu.memory_space<vmem>>) semaphore(%run_scoped3A_132 : memref<!tpu.dma_semaphore, #tpu.memory_space<semaphore_mem>>) {add = true}
          %dma_wait3A_139 = arith.constant 0 : i32
          %dma_wait3A_140 = tpu.memref_slice %arg8[%add3A_117, %dma_wait3A_139] : memref<16x128xi32, #tpu.memory_space<vmem>> -> memref<1x128xi32, #tpu.memory_space<vmem>>
          %dma_wait3A_141 = tpu.memref_squeeze %dma_wait3A_140 : memref<1x128xi32, #tpu.memory_space<vmem>> -> memref<128xi32, #tpu.memory_space<vmem>>
          %dma_wait3A_142 = arith.constant 0 : i32
          %dma_wait3A_143 = arith.constant 0 : i32
          %dma_wait3A_144 = tpu.memref_slice %arg11[%dma_wait3A_142, %dma_wait3A_143] : memref<10240x128xf32, #tpu.memory_space<vmem_shared>> -> memref<10240x128xf32, #tpu.memory_space<vmem_shared>>
          tpu.wait_indirect_dma semaphore(%run_scoped3A_132 : memref<!tpu.dma_semaphore, #tpu.memory_space<semaphore_mem>>) src(%arg10 : memref<128x128xf32, #tpu.memory_space<vmem>>) dst(%dma_wait3A_144 : memref<10240x128xf32, #tpu.memory_space<vmem_shared>>)
          tpu.yield
        }) : () -> ()
        %add3A_124 = arith.constant 2 : i32
        %add3A_125 = arith.addi %add3A_117, %add3A_124 : i32
        %dma_start3A_126 = arith.constant 0 : i32
        %dma_start3A_127 = tpu.memref_slice %arg7[%add3A_125, %dma_start3A_126] : memref<16x128xi32, #tpu.memory_space<vmem>> -> memref<1x128xi32, #tpu.memory_space<vmem>>
        %dma_start3A_128 = tpu.memref_squeeze %dma_start3A_127 : memref<1x128xi32, #tpu.memory_space<vmem>> -> memref<128xi32, #tpu.memory_space<vmem>>
        %dma_start3A_129 = arith.constant 0 : i32
        %dma_start3A_130 = arith.constant 0 : i32
        %dma_start3A_131 = tpu.memref_slice %arg2[%dma_start3A_129, %dma_start3A_130] : memref<10240x128xf32, #tpu.memory_space<hbm>> -> memref<10240x128xf32, #tpu.memory_space<hbm>>
        tpu.enqueue_indirect_dma source(%dma_start3A_131 : memref<10240x128xf32, #tpu.memory_space<hbm>>) target(%arg10 : memref<128x128xf32, #tpu.memory_space<vmem>>) offsets(%dma_start3A_128 : memref<128xi32, #tpu.memory_space<vmem>>) semaphore(%arg14 : memref<!tpu.dma_semaphore, #tpu.memory_space<semaphore_mem>>)
      }
      %scan3A_77 = arith.constant 7 : i32
      %dma_wait3A_78 = arith.constant 0 : i32
      %dma_wait3A_79 = arith.constant 0 : i32
      %dma_wait3A_80 = tpu.memref_slice %arg2[%dma_wait3A_78, %dma_wait3A_79] : memref<10240x128xf32, #tpu.memory_space<hbm>> -> memref<128x128xf32, #tpu.memory_space<hbm>>
      %dma_wait3A_81 = arith.constant 0 : i32
      %dma_wait3A_82 = arith.constant 0 : i32
      %dma_wait3A_83 = tpu.memref_slice %arg2[%dma_wait3A_81, %dma_wait3A_82] : memref<10240x128xf32, #tpu.memory_space<hbm>> -> memref<128x128xf32, #tpu.memory_space<hbm>>
      tpu.wait_dma2 semaphore(%arg13 : memref<!tpu.dma_semaphore, #tpu.memory_space<semaphore_mem>>) src(%dma_wait3A_83 : memref<128x128xf32, #tpu.memory_space<hbm>>) dst(%arg9 : memref<128x128xf32, #tpu.memory_space<vmem>>)
      %run_scoped3A = arith.constant 14 : i32
      "tpu.region"() ({
        %run_scoped3A_91 = tpu.sem_alloc : memref<!tpu.dma_semaphore, #tpu.memory_space<semaphore_mem>>
        %dma_start3A_92 = arith.constant 0 : i32
        %dma_start3A_93 = tpu.memref_slice %arg8[%run_scoped3A, %dma_start3A_92] : memref<16x128xi32, #tpu.memory_space<vmem>> -> memref<1x128xi32, #tpu.memory_space<vmem>>
        %dma_start3A_94 = tpu.memref_squeeze %dma_start3A_93 : memref<1x128xi32, #tpu.memory_space<vmem>> -> memref<128xi32, #tpu.memory_space<vmem>>
        %dma_start3A_95 = arith.constant 0 : i32
        %dma_start3A_96 = arith.constant 0 : i32
        %dma_start3A_97 = tpu.memref_slice %arg11[%dma_start3A_95, %dma_start3A_96] : memref<10240x128xf32, #tpu.memory_space<vmem_shared>> -> memref<10240x128xf32, #tpu.memory_space<vmem_shared>>
        tpu.enqueue_indirect_dma source(%arg9 : memref<128x128xf32, #tpu.memory_space<vmem>>) target(%dma_start3A_97 : memref<10240x128xf32, #tpu.memory_space<vmem_shared>>) offsets(%dma_start3A_94 : memref<128xi32, #tpu.memory_space<vmem>>) semaphore(%run_scoped3A_91 : memref<!tpu.dma_semaphore, #tpu.memory_space<semaphore_mem>>) {add = true}
        %dma_wait3A_98 = arith.constant 0 : i32
        %dma_wait3A_99 = tpu.memref_slice %arg8[%run_scoped3A, %dma_wait3A_98] : memref<16x128xi32, #tpu.memory_space<vmem>> -> memref<1x128xi32, #tpu.memory_space<vmem>>
        %dma_wait3A_100 = tpu.memref_squeeze %dma_wait3A_99 : memref<1x128xi32, #tpu.memory_space<vmem>> -> memref<128xi32, #tpu.memory_space<vmem>>
        %dma_wait3A_101 = arith.constant 0 : i32
        %dma_wait3A_102 = arith.constant 0 : i32
        %dma_wait3A_103 = tpu.memref_slice %arg11[%dma_wait3A_101, %dma_wait3A_102] : memref<10240x128xf32, #tpu.memory_space<vmem_shared>> -> memref<10240x128xf32, #tpu.memory_space<vmem_shared>>
        tpu.wait_indirect_dma semaphore(%run_scoped3A_91 : memref<!tpu.dma_semaphore, #tpu.memory_space<semaphore_mem>>) src(%arg9 : memref<128x128xf32, #tpu.memory_space<vmem>>) dst(%dma_wait3A_103 : memref<10240x128xf32, #tpu.memory_space<vmem_shared>>)
        tpu.yield
      }) : () -> ()
      %dma_wait3A_84 = arith.constant 0 : i32
      %dma_wait3A_85 = arith.constant 0 : i32
      %dma_wait3A_86 = tpu.memref_slice %arg2[%dma_wait3A_84, %dma_wait3A_85] : memref<10240x128xf32, #tpu.memory_space<hbm>> -> memref<128x128xf32, #tpu.memory_space<hbm>>
      %dma_wait3A_87 = arith.constant 0 : i32
      %dma_wait3A_88 = arith.constant 0 : i32
      %dma_wait3A_89 = tpu.memref_slice %arg2[%dma_wait3A_87, %dma_wait3A_88] : memref<10240x128xf32, #tpu.memory_space<hbm>> -> memref<128x128xf32, #tpu.memory_space<hbm>>
      tpu.wait_dma2 semaphore(%arg14 : memref<!tpu.dma_semaphore, #tpu.memory_space<semaphore_mem>>) src(%dma_wait3A_89 : memref<128x128xf32, #tpu.memory_space<hbm>>) dst(%arg10 : memref<128x128xf32, #tpu.memory_space<vmem>>)
      %run_scoped3A_90 = arith.constant 15 : i32
      "tpu.region"() ({
        %run_scoped3A_91 = tpu.sem_alloc : memref<!tpu.dma_semaphore, #tpu.memory_space<semaphore_mem>>
        %dma_start3A_92 = arith.constant 0 : i32
        %dma_start3A_93 = tpu.memref_slice %arg8[%run_scoped3A_90, %dma_start3A_92] : memref<16x128xi32, #tpu.memory_space<vmem>> -> memref<1x128xi32, #tpu.memory_space<vmem>>
        %dma_start3A_94 = tpu.memref_squeeze %dma_start3A_93 : memref<1x128xi32, #tpu.memory_space<vmem>> -> memref<128xi32, #tpu.memory_space<vmem>>
        %dma_start3A_95 = arith.constant 0 : i32
        %dma_start3A_96 = arith.constant 0 : i32
        %dma_start3A_97 = tpu.memref_slice %arg11[%dma_start3A_95, %dma_start3A_96] : memref<10240x128xf32, #tpu.memory_space<vmem_shared>> -> memref<10240x128xf32, #tpu.memory_space<vmem_shared>>
        tpu.enqueue_indirect_dma source(%arg10 : memref<128x128xf32, #tpu.memory_space<vmem>>) target(%dma_start3A_97 : memref<10240x128xf32, #tpu.memory_space<vmem_shared>>) offsets(%dma_start3A_94 : memref<128xi32, #tpu.memory_space<vmem>>) semaphore(%run_scoped3A_91 : memref<!tpu.dma_semaphore, #tpu.memory_space<semaphore_mem>>) {add = true}
        %dma_wait3A_98 = arith.constant 0 : i32
        %dma_wait3A_99 = tpu.memref_slice %arg8[%run_scoped3A_90, %dma_wait3A_98] : memref<16x128xi32, #tpu.memory_space<vmem>> -> memref<1x128xi32, #tpu.memory_space<vmem>>
        %dma_wait3A_100 = tpu.memref_squeeze %dma_wait3A_99 : memref<1x128xi32, #tpu.memory_space<vmem>> -> memref<128xi32, #tpu.memory_space<vmem>>
        %dma_wait3A_101 = arith.constant 0 : i32
        %dma_wait3A_102 = arith.constant 0 : i32
        %dma_wait3A_103 = tpu.memref_slice %arg11[%dma_wait3A_101, %dma_wait3A_102] : memref<10240x128xf32, #tpu.memory_space<vmem_shared>> -> memref<10240x128xf32, #tpu.memory_space<vmem_shared>>
        tpu.wait_indirect_dma semaphore(%run_scoped3A_91 : memref<!tpu.dma_semaphore, #tpu.memory_space<semaphore_mem>>) src(%arg10 : memref<128x128xf32, #tpu.memory_space<vmem>>) dst(%dma_wait3A_103 : memref<10240x128xf32, #tpu.memory_space<vmem_shared>>)
        tpu.yield
      }) : () -> ()
    }
    %while3A_26 = arith.constant 1 : i32
    scf.for %while3A_28 = %while3A_24 to %while3A_20 step %while3A_26  : i32 {
      %mul3A_29 = arith.muli %while3A_28, %while3A : i32
      %add3A_30 = arith.addi %while3A_17, %mul3A_29 : i32
      %mul3A_31 = arith.constant 16 : i32
      %mul3A_32 = arith.muli %add3A_30, %mul3A_31 : i32
      %add3A_33 = arith.addi %select_n3A, %mul3A_32 : i32
      %add3A_34 = arith.constant 0 : i32
      %add3A_35 = arith.addi %add3A_33, %add3A_34 : i32
      %iota3A = tpu.iota {dimensions = array<i32: 0>} : vector<16xi32>
      %add3A_36 = vector.broadcast %add3A_35 : i32 to vector<16xi32>
      %add3A_37 = arith.addi %add3A_36, %iota3A : vector<16xi32>
      %dma_start3A = arith.constant 0 : i32
      %dma_start3A_38 = arith.constant 0 : i32
      %dma_start3A_39 = tpu.memref_slice %arg7[%dma_start3A, %dma_start3A_38] : memref<16x128xi32, #tpu.memory_space<vmem>> -> memref<16x128xi32, #tpu.memory_space<vmem>>
      %dma_start3A_40 = arith.constant 0 : i32
      %dma_start3A_41 = arith.constant 0 : i32
      %dma_start3A_42 = tpu.memref_slice %arg3[%dma_start3A_40, %dma_start3A_41] : memref<2560x128xi32, #tpu.memory_space<hbm>> -> memref<2560x128xi32, #tpu.memory_space<hbm>>
      tpu.enqueue_indirect_dma source(%dma_start3A_42 : memref<2560x128xi32, #tpu.memory_space<hbm>>) target(%dma_start3A_39 : memref<16x128xi32, #tpu.memory_space<vmem>>) offsets(%add3A_37 : vector<16xi32>) semaphore(%arg12 : memref<!tpu.dma_semaphore, #tpu.memory_space<semaphore_mem>>)
      %dma_start3A_43 = arith.constant 0 : i32
      %dma_start3A_44 = arith.constant 0 : i32
      %dma_start3A_45 = tpu.memref_slice %arg8[%dma_start3A_43, %dma_start3A_44] : memref<16x128xi32, #tpu.memory_space<vmem>> -> memref<16x128xi32, #tpu.memory_space<vmem>>
      %dma_start3A_46 = arith.constant 0 : i32
      %dma_start3A_47 = arith.constant 0 : i32
      %dma_start3A_48 = tpu.memref_slice %arg4[%dma_start3A_46, %dma_start3A_47] : memref<2560x128xi32, #tpu.memory_space<hbm>> -> memref<2560x128xi32, #tpu.memory_space<hbm>>
      tpu.enqueue_indirect_dma source(%dma_start3A_48 : memref<2560x128xi32, #tpu.memory_space<hbm>>) target(%dma_start3A_45 : memref<16x128xi32, #tpu.memory_space<vmem>>) offsets(%add3A_37 : vector<16xi32>) semaphore(%arg15 : memref<!tpu.dma_semaphore, #tpu.memory_space<semaphore_mem>>)
      %dma_wait3A = arith.constant 0 : i32
      %dma_wait3A_49 = arith.constant 0 : i32
      %dma_wait3A_50 = tpu.memref_slice %arg3[%dma_wait3A, %dma_wait3A_49] : memref<2560x128xi32, #tpu.memory_space<hbm>> -> memref<16x128xi32, #tpu.memory_space<hbm>>
      %dma_wait3A_51 = arith.constant 0 : i32
      %dma_wait3A_52 = arith.constant 0 : i32
      %dma_wait3A_53 = tpu.memref_slice %arg3[%dma_wait3A_51, %dma_wait3A_52] : memref<2560x128xi32, #tpu.memory_space<hbm>> -> memref<16x128xi32, #tpu.memory_space<hbm>>
      tpu.wait_dma2 semaphore(%arg12 : memref<!tpu.dma_semaphore, #tpu.memory_space<semaphore_mem>>) src(%dma_wait3A_53 : memref<16x128xi32, #tpu.memory_space<hbm>>) dst(%arg7 : memref<16x128xi32, #tpu.memory_space<vmem>>)
      %dma_wait3A_54 = arith.constant 0 : i32
      %dma_wait3A_55 = arith.constant 0 : i32
      %dma_wait3A_56 = tpu.memref_slice %arg4[%dma_wait3A_54, %dma_wait3A_55] : memref<2560x128xi32, #tpu.memory_space<hbm>> -> memref<16x128xi32, #tpu.memory_space<hbm>>
      %dma_wait3A_57 = arith.constant 0 : i32
      %dma_wait3A_58 = arith.constant 0 : i32
      %dma_wait3A_59 = tpu.memref_slice %arg4[%dma_wait3A_57, %dma_wait3A_58] : memref<2560x128xi32, #tpu.memory_space<hbm>> -> memref<16x128xi32, #tpu.memory_space<hbm>>
      tpu.wait_dma2 semaphore(%arg15 : memref<!tpu.dma_semaphore, #tpu.memory_space<semaphore_mem>>) src(%dma_wait3A_59 : memref<16x128xi32, #tpu.memory_space<hbm>>) dst(%arg8 : memref<16x128xi32, #tpu.memory_space<vmem>>)
      %dma_start3A_60 = arith.constant 0 : i32
      %dma_start3A_61 = arith.constant 0 : i32
      %dma_start3A_62 = tpu.memref_slice %arg7[%dma_start3A_60, %dma_start3A_61] : memref<16x128xi32, #tpu.memory_space<vmem>> -> memref<1x128xi32, #tpu.memory_space<vmem>>
      %dma_start3A_63 = tpu.memref_squeeze %dma_start3A_62 : memref<1x128xi32, #tpu.memory_space<vmem>> -> memref<128xi32, #tpu.memory_space<vmem>>
      %dma_start3A_64 = arith.constant 0 : i32
      %dma_start3A_65 = arith.constant 0 : i32
      %dma_start3A_66 = tpu.memref_slice %arg2[%dma_start3A_64, %dma_start3A_65] : memref<10240x128xf32, #tpu.memory_space<hbm>> -> memref<10240x128xf32, #tpu.memory_space<hbm>>
      tpu.enqueue_indirect_dma source(%dma_start3A_66 : memref<10240x128xf32, #tpu.memory_space<hbm>>) target(%arg9 : memref<128x128xf32, #tpu.memory_space<vmem>>) offsets(%dma_start3A_63 : memref<128xi32, #tpu.memory_space<vmem>>) semaphore(%arg13 : memref<!tpu.dma_semaphore, #tpu.memory_space<semaphore_mem>>)
      %dma_start3A_67 = arith.constant 1 : i32
      %dma_start3A_68 = arith.constant 0 : i32
      %dma_start3A_69 = tpu.memref_slice %arg7[%dma_start3A_67, %dma_start3A_68] : memref<16x128xi32, #tpu.memory_space<vmem>> -> memref<1x128xi32, #tpu.memory_space<vmem>>
      %dma_start3A_70 = tpu.memref_squeeze %dma_start3A_69 : memref<1x128xi32, #tpu.memory_space<vmem>> -> memref<128xi32, #tpu.memory_space<vmem>>
      %dma_start3A_71 = arith.constant 0 : i32
      %dma_start3A_72 = arith.constant 0 : i32
      %dma_start3A_73 = tpu.memref_slice %arg2[%dma_start3A_71, %dma_start3A_72] : memref<10240x128xf32, #tpu.memory_space<hbm>> -> memref<10240x128xf32, #tpu.memory_space<hbm>>
      tpu.enqueue_indirect_dma source(%dma_start3A_73 : memref<10240x128xf32, #tpu.memory_space<hbm>>) target(%arg10 : memref<128x128xf32, #tpu.memory_space<vmem>>) offsets(%dma_start3A_70 : memref<128xi32, #tpu.memory_space<vmem>>) semaphore(%arg14 : memref<!tpu.dma_semaphore, #tpu.memory_space<semaphore_mem>>)
      %scan3A = arith.constant 0 : i32
      %scan3A_74 = arith.constant 7 : i32
      %scan3A_75 = arith.addi %scan3A, %scan3A_74 : i32
      %scan3A_76 = arith.constant 1 : i32
      scf.for %scan3A_91 = %scan3A to %scan3A_75 step %scan3A_76  : i32 {
        %mul3A_92 = arith.constant 1 : i32
        %mul3A_93 = arith.muli %scan3A_91, %mul3A_92 : i32
        %add3A_94 = arith.constant 0 : i32
        %add3A_95 = arith.addi %add3A_94, %mul3A_93 : i32
        %mul3A_96 = arith.constant 2 : i32
        %mul3A_97 = arith.muli %add3A_95, %mul3A_96 : i32
        %add3A_98 = arith.constant 0 : i32
        %add3A_99 = arith.addi %mul3A_97, %add3A_98 : i32
        %dma_wait3A_100 = arith.constant 0 : i32
        %dma_wait3A_101 = arith.constant 0 : i32
        %dma_wait3A_102 = tpu.memref_slice %arg2[%dma_wait3A_100, %dma_wait3A_101] : memref<10240x128xf32, #tpu.memory_space<hbm>> -> memref<128x128xf32, #tpu.memory_space<hbm>>
        %dma_wait3A_103 = arith.constant 0 : i32
        %dma_wait3A_104 = arith.constant 0 : i32
        %dma_wait3A_105 = tpu.memref_slice %arg2[%dma_wait3A_103, %dma_wait3A_104] : memref<10240x128xf32, #tpu.memory_space<hbm>> -> memref<128x128xf32, #tpu.memory_space<hbm>>
        tpu.wait_dma2 semaphore(%arg13 : memref<!tpu.dma_semaphore, #tpu.memory_space<semaphore_mem>>) src(%dma_wait3A_105 : memref<128x128xf32, #tpu.memory_space<hbm>>) dst(%arg9 : memref<128x128xf32, #tpu.memory_space<vmem>>)
        "tpu.region"() ({
          %run_scoped3A_132 = tpu.sem_alloc : memref<!tpu.dma_semaphore, #tpu.memory_space<semaphore_mem>>
          %dma_start3A_133 = arith.constant 0 : i32
          %dma_start3A_134 = tpu.memref_slice %arg8[%add3A_99, %dma_start3A_133] : memref<16x128xi32, #tpu.memory_space<vmem>> -> memref<1x128xi32, #tpu.memory_space<vmem>>
          %dma_start3A_135 = tpu.memref_squeeze %dma_start3A_134 : memref<1x128xi32, #tpu.memory_space<vmem>> -> memref<128xi32, #tpu.memory_space<vmem>>
          %dma_start3A_136 = arith.constant 0 : i32
          %dma_start3A_137 = arith.constant 0 : i32
          %dma_start3A_138 = tpu.memref_slice %arg11[%dma_start3A_136, %dma_start3A_137] : memref<10240x128xf32, #tpu.memory_space<vmem_shared>> -> memref<10240x128xf32, #tpu.memory_space<vmem_shared>>
          tpu.enqueue_indirect_dma source(%arg9 : memref<128x128xf32, #tpu.memory_space<vmem>>) target(%dma_start3A_138 : memref<10240x128xf32, #tpu.memory_space<vmem_shared>>) offsets(%dma_start3A_135 : memref<128xi32, #tpu.memory_space<vmem>>) semaphore(%run_scoped3A_132 : memref<!tpu.dma_semaphore, #tpu.memory_space<semaphore_mem>>) {add = true}
          %dma_wait3A_139 = arith.constant 0 : i32
          %dma_wait3A_140 = tpu.memref_slice %arg8[%add3A_99, %dma_wait3A_139] : memref<16x128xi32, #tpu.memory_space<vmem>> -> memref<1x128xi32, #tpu.memory_space<vmem>>
          %dma_wait3A_141 = tpu.memref_squeeze %dma_wait3A_140 : memref<1x128xi32, #tpu.memory_space<vmem>> -> memref<128xi32, #tpu.memory_space<vmem>>
          %dma_wait3A_142 = arith.constant 0 : i32
          %dma_wait3A_143 = arith.constant 0 : i32
          %dma_wait3A_144 = tpu.memref_slice %arg11[%dma_wait3A_142, %dma_wait3A_143] : memref<10240x128xf32, #tpu.memory_space<vmem_shared>> -> memref<10240x128xf32, #tpu.memory_space<vmem_shared>>
          tpu.wait_indirect_dma semaphore(%run_scoped3A_132 : memref<!tpu.dma_semaphore, #tpu.memory_space<semaphore_mem>>) src(%arg9 : memref<128x128xf32, #tpu.memory_space<vmem>>) dst(%dma_wait3A_144 : memref<10240x128xf32, #tpu.memory_space<vmem_shared>>)
          tpu.yield
        }) : () -> ()
        %add3A_106 = arith.constant 2 : i32
        %add3A_107 = arith.addi %add3A_99, %add3A_106 : i32
        %dma_start3A_108 = arith.constant 0 : i32
        %dma_start3A_109 = tpu.memref_slice %arg7[%add3A_107, %dma_start3A_108] : memref<16x128xi32, #tpu.memory_space<vmem>> -> memref<1x128xi32, #tpu.memory_space<vmem>>
        %dma_start3A_110 = tpu.memref_squeeze %dma_start3A_109 : memref<1x128xi32, #tpu.memory_space<vmem>> -> memref<128xi32, #tpu.memory_space<vmem>>
        %dma_start3A_111 = arith.constant 0 : i32
        %dma_start3A_112 = arith.constant 0 : i32
        %dma_start3A_113 = tpu.memref_slice %arg2[%dma_start3A_111, %dma_start3A_112] : memref<10240x128xf32, #tpu.memory_space<hbm>> -> memref<10240x128xf32, #tpu.memory_space<hbm>>
        tpu.enqueue_indirect_dma source(%dma_start3A_113 : memref<10240x128xf32, #tpu.memory_space<hbm>>) target(%arg9 : memref<128x128xf32, #tpu.memory_space<vmem>>) offsets(%dma_start3A_110 : memref<128xi32, #tpu.memory_space<vmem>>) semaphore(%arg13 : memref<!tpu.dma_semaphore, #tpu.memory_space<semaphore_mem>>)
        %mul3A_114 = arith.constant 2 : i32
        %mul3A_115 = arith.muli %add3A_95, %mul3A_114 : i32
        %add3A_116 = arith.constant 1 : i32
        %add3A_117 = arith.addi %mul3A_115, %add3A_116 : i32
        %dma_wait3A_118 = arith.constant 0 : i32
        %dma_wait3A_119 = arith.constant 0 : i32
        %dma_wait3A_120 = tpu.memref_slice %arg2[%dma_wait3A_118, %dma_wait3A_119] : memref<10240x128xf32, #tpu.memory_space<hbm>> -> memref<128x128xf32, #tpu.memory_space<hbm>>
        %dma_wait3A_121 = arith.constant 0 : i32
        %dma_wait3A_122 = arith.constant 0 : i32
        %dma_wait3A_123 = tpu.memref_slice %arg2[%dma_wait3A_121, %dma_wait3A_122] : memref<10240x128xf32, #tpu.memory_space<hbm>> -> memref<128x128xf32, #tpu.memory_space<hbm>>
        tpu.wait_dma2 semaphore(%arg14 : memref<!tpu.dma_semaphore, #tpu.memory_space<semaphore_mem>>) src(%dma_wait3A_123 : memref<128x128xf32, #tpu.memory_space<hbm>>) dst(%arg10 : memref<128x128xf32, #tpu.memory_space<vmem>>)
        "tpu.region"() ({
          %run_scoped3A_132 = tpu.sem_alloc : memref<!tpu.dma_semaphore, #tpu.memory_space<semaphore_mem>>
          %dma_start3A_133 = arith.constant 0 : i32
          %dma_start3A_134 = tpu.memref_slice %arg8[%add3A_117, %dma_start3A_133] : memref<16x128xi32, #tpu.memory_space<vmem>> -> memref<1x128xi32, #tpu.memory_space<vmem>>
          %dma_start3A_135 = tpu.memref_squeeze %dma_start3A_134 : memref<1x128xi32, #tpu.memory_space<vmem>> -> memref<128xi32, #tpu.memory_space<vmem>>
          %dma_start3A_136 = arith.constant 0 : i32
          %dma_start3A_137 = arith.constant 0 : i32
          %dma_start3A_138 = tpu.memref_slice %arg11[%dma_start3A_136, %dma_start3A_137] : memref<10240x128xf32, #tpu.memory_space<vmem_shared>> -> memref<10240x128xf32, #tpu.memory_space<vmem_shared>>
          tpu.enqueue_indirect_dma source(%arg10 : memref<128x128xf32, #tpu.memory_space<vmem>>) target(%dma_start3A_138 : memref<10240x128xf32, #tpu.memory_space<vmem_shared>>) offsets(%dma_start3A_135 : memref<128xi32, #tpu.memory_space<vmem>>) semaphore(%run_scoped3A_132 : memref<!tpu.dma_semaphore, #tpu.memory_space<semaphore_mem>>) {add = true}
          %dma_wait3A_139 = arith.constant 0 : i32
          %dma_wait3A_140 = tpu.memref_slice %arg8[%add3A_117, %dma_wait3A_139] : memref<16x128xi32, #tpu.memory_space<vmem>> -> memref<1x128xi32, #tpu.memory_space<vmem>>
          %dma_wait3A_141 = tpu.memref_squeeze %dma_wait3A_140 : memref<1x128xi32, #tpu.memory_space<vmem>> -> memref<128xi32, #tpu.memory_space<vmem>>
          %dma_wait3A_142 = arith.constant 0 : i32
          %dma_wait3A_143 = arith.constant 0 : i32
          %dma_wait3A_144 = tpu.memref_slice %arg11[%dma_wait3A_142, %dma_wait3A_143] : memref<10240x128xf32, #tpu.memory_space<vmem_shared>> -> memref<10240x128xf32, #tpu.memory_space<vmem_shared>>
          tpu.wait_indirect_dma semaphore(%run_scoped3A_132 : memref<!tpu.dma_semaphore, #tpu.memory_space<semaphore_mem>>) src(%arg10 : memref<128x128xf32, #tpu.memory_space<vmem>>) dst(%dma_wait3A_144 : memref<10240x128xf32, #tpu.memory_space<vmem_shared>>)
          tpu.yield
        }) : () -> ()
        %add3A_124 = arith.constant 2 : i32
        %add3A_125 = arith.addi %add3A_117, %add3A_124 : i32
        %dma_start3A_126 = arith.constant 0 : i32
        %dma_start3A_127 = tpu.memref_slice %arg7[%add3A_125, %dma_start3A_126] : memref<16x128xi32, #tpu.memory_space<vmem>> -> memref<1x128xi32, #tpu.memory_space<vmem>>
        %dma_start3A_128 = tpu.memref_squeeze %dma_start3A_127 : memref<1x128xi32, #tpu.memory_space<vmem>> -> memref<128xi32, #tpu.memory_space<vmem>>
        %dma_start3A_129 = arith.constant 0 : i32
        %dma_start3A_130 = arith.constant 0 : i32
        %dma_start3A_131 = tpu.memref_slice %arg2[%dma_start3A_129, %dma_start3A_130] : memref<10240x128xf32, #tpu.memory_space<hbm>> -> memref<10240x128xf32, #tpu.memory_space<hbm>>
        tpu.enqueue_indirect_dma source(%dma_start3A_131 : memref<10240x128xf32, #tpu.memory_space<hbm>>) target(%arg10 : memref<128x128xf32, #tpu.memory_space<vmem>>) offsets(%dma_start3A_128 : memref<128xi32, #tpu.memory_space<vmem>>) semaphore(%arg14 : memref<!tpu.dma_semaphore, #tpu.memory_space<semaphore_mem>>)
      }
      %scan3A_77 = arith.constant 7 : i32
      %dma_wait3A_78 = arith.constant 0 : i32
      %dma_wait3A_79 = arith.constant 0 : i32
      %dma_wait3A_80 = tpu.memref_slice %arg2[%dma_wait3A_78, %dma_wait3A_79] : memref<10240x128xf32, #tpu.memory_space<hbm>> -> memref<128x128xf32, #tpu.memory_space<hbm>>
      %dma_wait3A_81 = arith.constant 0 : i32
      %dma_wait3A_82 = arith.constant 0 : i32
      %dma_wait3A_83 = tpu.memref_slice %arg2[%dma_wait3A_81, %dma_wait3A_82] : memref<10240x128xf32, #tpu.memory_space<hbm>> -> memref<128x128xf32, #tpu.memory_space<hbm>>
      tpu.wait_dma2 semaphore(%arg13 : memref<!tpu.dma_semaphore, #tpu.memory_space<semaphore_mem>>) src(%dma_wait3A_83 : memref<128x128xf32, #tpu.memory_space<hbm>>) dst(%arg9 : memref<128x128xf32, #tpu.memory_space<vmem>>)
      %run_scoped3A = arith.constant 14 : i32
      "tpu.region"() ({
        %run_scoped3A_91 = tpu.sem_alloc : memref<!tpu.dma_semaphore, #tpu.memory_space<semaphore_mem>>
        %dma_start3A_92 = arith.constant 0 : i32
        %dma_start3A_93 = tpu.memref_slice %arg8[%run_scoped3A, %dma_start3A_92] : memref<16x128xi32, #tpu.memory_space<vmem>> -> memref<1x128xi32, #tpu.memory_space<vmem>>
        %dma_start3A_94 = tpu.memref_squeeze %dma_start3A_93 : memref<1x128xi32, #tpu.memory_space<vmem>> -> memref<128xi32, #tpu.memory_space<vmem>>
        %dma_start3A_95 = arith.constant 0 : i32
        %dma_start3A_96 = arith.constant 0 : i32
        %dma_start3A_97 = tpu.memref_slice %arg11[%dma_start3A_95, %dma_start3A_96] : memref<10240x128xf32, #tpu.memory_space<vmem_shared>> -> memref<10240x128xf32, #tpu.memory_space<vmem_shared>>
        tpu.enqueue_indirect_dma source(%arg9 : memref<128x128xf32, #tpu.memory_space<vmem>>) target(%dma_start3A_97 : memref<10240x128xf32, #tpu.memory_space<vmem_shared>>) offsets(%dma_start3A_94 : memref<128xi32, #tpu.memory_space<vmem>>) semaphore(%run_scoped3A_91 : memref<!tpu.dma_semaphore, #tpu.memory_space<semaphore_mem>>) {add = true}
        %dma_wait3A_98 = arith.constant 0 : i32
        %dma_wait3A_99 = tpu.memref_slice %arg8[%run_scoped3A, %dma_wait3A_98] : memref<16x128xi32, #tpu.memory_space<vmem>> -> memref<1x128xi32, #tpu.memory_space<vmem>>
        %dma_wait3A_100 = tpu.memref_squeeze %dma_wait3A_99 : memref<1x128xi32, #tpu.memory_space<vmem>> -> memref<128xi32, #tpu.memory_space<vmem>>
        %dma_wait3A_101 = arith.constant 0 : i32
        %dma_wait3A_102 = arith.constant 0 : i32
        %dma_wait3A_103 = tpu.memref_slice %arg11[%dma_wait3A_101, %dma_wait3A_102] : memref<10240x128xf32, #tpu.memory_space<vmem_shared>> -> memref<10240x128xf32, #tpu.memory_space<vmem_shared>>
        tpu.wait_indirect_dma semaphore(%run_scoped3A_91 : memref<!tpu.dma_semaphore, #tpu.memory_space<semaphore_mem>>) src(%arg9 : memref<128x128xf32, #tpu.memory_space<vmem>>) dst(%dma_wait3A_103 : memref<10240x128xf32, #tpu.memory_space<vmem_shared>>)
        tpu.yield
      }) : () -> ()
      %dma_wait3A_84 = arith.constant 0 : i32
      %dma_wait3A_85 = arith.constant 0 : i32
      %dma_wait3A_86 = tpu.memref_slice %arg2[%dma_wait3A_84, %dma_wait3A_85] : memref<10240x128xf32, #tpu.memory_space<hbm>> -> memref<128x128xf32, #tpu.memory_space<hbm>>
      %dma_wait3A_87 = arith.constant 0 : i32
      %dma_wait3A_88 = arith.constant 0 : i32
      %dma_wait3A_89 = tpu.memref_slice %arg2[%dma_wait3A_87, %dma_wait3A_88] : memref<10240x128xf32, #tpu.memory_space<hbm>> -> memref<128x128xf32, #tpu.memory_space<hbm>>
      tpu.wait_dma2 semaphore(%arg14 : memref<!tpu.dma_semaphore, #tpu.memory_space<semaphore_mem>>) src(%dma_wait3A_89 : memref<128x128xf32, #tpu.memory_space<hbm>>) dst(%arg10 : memref<128x128xf32, #tpu.memory_space<vmem>>)
      %run_scoped3A_90 = arith.constant 15 : i32
      "tpu.region"() ({
        %run_scoped3A_91 = tpu.sem_alloc : memref<!tpu.dma_semaphore, #tpu.memory_space<semaphore_mem>>
        %dma_start3A_92 = arith.constant 0 : i32
        %dma_start3A_93 = tpu.memref_slice %arg8[%run_scoped3A_90, %dma_start3A_92] : memref<16x128xi32, #tpu.memory_space<vmem>> -> memref<1x128xi32, #tpu.memory_space<vmem>>
        %dma_start3A_94 = tpu.memref_squeeze %dma_start3A_93 : memref<1x128xi32, #tpu.memory_space<vmem>> -> memref<128xi32, #tpu.memory_space<vmem>>
        %dma_start3A_95 = arith.constant 0 : i32
        %dma_start3A_96 = arith.constant 0 : i32
        %dma_start3A_97 = tpu.memref_slice %arg11[%dma_start3A_95, %dma_start3A_96] : memref<10240x128xf32, #tpu.memory_space<vmem_shared>> -> memref<10240x128xf32, #tpu.memory_space<vmem_shared>>
        tpu.enqueue_indirect_dma source(%arg10 : memref<128x128xf32, #tpu.memory_space<vmem>>) target(%dma_start3A_97 : memref<10240x128xf32, #tpu.memory_space<vmem_shared>>) offsets(%dma_start3A_94 : memref<128xi32, #tpu.memory_space<vmem>>) semaphore(%run_scoped3A_91 : memref<!tpu.dma_semaphore, #tpu.memory_space<semaphore_mem>>) {add = true}
        %dma_wait3A_98 = arith.constant 0 : i32
        %dma_wait3A_99 = tpu.memref_slice %arg8[%run_scoped3A_90, %dma_wait3A_98] : memref<16x128xi32, #tpu.memory_space<vmem>> -> memref<1x128xi32, #tpu.memory_space<vmem>>
        %dma_wait3A_100 = tpu.memref_squeeze %dma_wait3A_99 : memref<1x128xi32, #tpu.memory_space<vmem>> -> memref<128xi32, #tpu.memory_space<vmem>>
        %dma_wait3A_101 = arith.constant 0 : i32
        %dma_wait3A_102 = arith.constant 0 : i32
        %dma_wait3A_103 = tpu.memref_slice %arg11[%dma_wait3A_101, %dma_wait3A_102] : memref<10240x128xf32, #tpu.memory_space<vmem_shared>> -> memref<10240x128xf32, #tpu.memory_space<vmem_shared>>
        tpu.wait_indirect_dma semaphore(%run_scoped3A_91 : memref<!tpu.dma_semaphore, #tpu.memory_space<semaphore_mem>>) src(%arg10 : memref<128x128xf32, #tpu.memory_space<vmem>>) dst(%dma_wait3A_103 : memref<10240x128xf32, #tpu.memory_space<vmem_shared>>)
        tpu.yield
      }) : () -> ()
    }
    %barrier3A_27 = arith.constant 0 : index
    tpu.barrier barrier_id(%barrier3A_27)
    "tpu.region"() ({
      %run_scoped3A = tpu.sem_alloc : memref<!tpu.dma_semaphore, #tpu.memory_space<semaphore_mem>>
      %dma_start3A = arith.constant 0 : i32
      %dma_start3A_28 = tpu.memref_slice %arg6[%arg0, %mul3A_0, %dma_start3A] : memref<2x10240x128xf32, #tpu.memory_space<hbm>> -> memref<1x640x128xf32, #tpu.memory_space<hbm>>
      %dma_start3A_29 = tpu.memref_squeeze %dma_start3A_28 : memref<1x640x128xf32, #tpu.memory_space<hbm>> -> memref<640x128xf32, #tpu.memory_space<hbm>>
      %dma_start3A_30 = arith.constant 0 : i32
      %dma_start3A_31 = tpu.memref_slice %arg11[%mul3A_0, %dma_start3A_30] : memref<10240x128xf32, #tpu.memory_space<vmem_shared>> -> memref<640x128xf32, #tpu.memory_space<vmem_shared>>
      tpu.enqueue_dma source(%dma_start3A_31 : memref<640x128xf32, #tpu.memory_space<vmem_shared>>) target(%dma_start3A_29 : memref<640x128xf32, #tpu.memory_space<hbm>>) target_semaphore(%run_scoped3A : memref<!tpu.dma_semaphore, #tpu.memory_space<semaphore_mem>>)
      %dma_wait3A = arith.constant 0 : i32
      %dma_wait3A_32 = tpu.memref_slice %arg6[%arg0, %mul3A_0, %dma_wait3A] : memref<2x10240x128xf32, #tpu.memory_space<hbm>> -> memref<1x640x128xf32, #tpu.memory_space<hbm>>
      %dma_wait3A_33 = tpu.memref_squeeze %dma_wait3A_32 : memref<1x640x128xf32, #tpu.memory_space<hbm>> -> memref<640x128xf32, #tpu.memory_space<hbm>>
      %dma_wait3A_34 = arith.constant 0 : i32
      %dma_wait3A_35 = tpu.memref_slice %arg11[%mul3A_0, %dma_wait3A_34] : memref<10240x128xf32, #tpu.memory_space<vmem_shared>> -> memref<640x128xf32, #tpu.memory_space<vmem_shared>>
      tpu.wait_dma2 semaphore(%run_scoped3A : memref<!tpu.dma_semaphore, #tpu.memory_space<semaphore_mem>>) src(%dma_wait3A_35 : memref<640x128xf32, #tpu.memory_space<vmem_shared>>) dst(%dma_wait3A_33 : memref<640x128xf32, #tpu.memory_space<hbm>>)
      tpu.yield
    }) : () -> ()
    return
  }
}

#map = affine_map<(d0, d1) -> (0, 0)>
#map1 = affine_map<(d0, d1) -> (0, 0, 0)>
module attributes {stable_mosaic.version = 14 : i64} {
  func.func @_deg_body(%arg0: i32, %arg1: i32, %arg2: memref<2560x128xi32, #tpu.memory_space<hbm>>, %arg3: memref<10240x128xf32, #tpu.memory_space<hbm>>, %arg4: memref<128x128xf32, #tpu.memory_space<hbm>>, %arg5: memref<2x10240x128xf32, #tpu.memory_space<hbm>>, %arg6: memref<80x128xi32, #tpu.memory_space<vmem>>, %arg7: memref<128x128xf32, #tpu.memory_space<vmem>>, %arg8: memref<10240x128xf32, #tpu.memory_space<vmem_shared>>) attributes {dimension_semantics = [#tpu.dimension_semantics<core_parallel>, #tpu.dimension_semantics<subcore_parallel>], iteration_bounds = array<i64: 2, 16>, scalar_prefetch = 0 : i64, scratch_operands = 3 : i64, tpu.core_type = #tpu.core_type<sc_vector_subcore>, window_params = [{transform_indices = #map}, {transform_indices = #map}, {transform_indices = #map}, {transform_indices = #map1}]} {
    %mul3A = arith.constant 2 : i32
    %mul3A_0 = arith.muli %arg1, %mul3A : i32
    %add3A = arith.addi %mul3A_0, %arg0 : i32
    %mul3A_1 = arith.constant 640 : i32
    %mul3A_2 = arith.muli %arg1, %mul3A_1 : i32
    "tpu.region"() ({
      %run_scoped3A = tpu.sem_alloc : memref<!tpu.dma_semaphore, #tpu.memory_space<semaphore_mem>>
      %dma_start3A = arith.constant 0 : i32
      %dma_start3A_10 = tpu.memref_slice %arg8[%mul3A_2, %dma_start3A] : memref<10240x128xf32, #tpu.memory_space<vmem_shared>> -> memref<640x128xf32, #tpu.memory_space<vmem_shared>>
      %dma_start3A_11 = arith.constant 0 : i32
      %dma_start3A_12 = tpu.memref_slice %arg3[%mul3A_2, %dma_start3A_11] : memref<10240x128xf32, #tpu.memory_space<hbm>> -> memref<640x128xf32, #tpu.memory_space<hbm>>
      tpu.enqueue_dma source(%dma_start3A_12 : memref<640x128xf32, #tpu.memory_space<hbm>>) target(%dma_start3A_10 : memref<640x128xf32, #tpu.memory_space<vmem_shared>>) target_semaphore(%run_scoped3A : memref<!tpu.dma_semaphore, #tpu.memory_space<semaphore_mem>>)
      %dma_wait3A = arith.constant 0 : i32
      %dma_wait3A_13 = tpu.memref_slice %arg8[%mul3A_2, %dma_wait3A] : memref<10240x128xf32, #tpu.memory_space<vmem_shared>> -> memref<640x128xf32, #tpu.memory_space<vmem_shared>>
      %dma_wait3A_14 = arith.constant 0 : i32
      %dma_wait3A_15 = tpu.memref_slice %arg3[%mul3A_2, %dma_wait3A_14] : memref<10240x128xf32, #tpu.memory_space<hbm>> -> memref<640x128xf32, #tpu.memory_space<hbm>>
      tpu.wait_dma2 semaphore(%run_scoped3A : memref<!tpu.dma_semaphore, #tpu.memory_space<semaphore_mem>>) src(%dma_wait3A_15 : memref<640x128xf32, #tpu.memory_space<hbm>>) dst(%dma_wait3A_13 : memref<640x128xf32, #tpu.memory_space<vmem_shared>>)
      tpu.yield
    }) : () -> ()
    %mul3A_3 = arith.constant 80 : i32
    %mul3A_4 = arith.muli %add3A, %mul3A_3 : i32
    "tpu.region"() ({
      %run_scoped3A = tpu.sem_alloc : memref<!tpu.dma_semaphore, #tpu.memory_space<semaphore_mem>>
      %dma_start3A = arith.constant 0 : i32
      %dma_start3A_10 = tpu.memref_slice %arg2[%mul3A_4, %dma_start3A] : memref<2560x128xi32, #tpu.memory_space<hbm>> -> memref<80x128xi32, #tpu.memory_space<hbm>>
      %dma_start3A_11 = arith.constant 0 : i32
      %dma_start3A_12 = tpu.memref_slice %arg2[%mul3A_4, %dma_start3A_11] : memref<2560x128xi32, #tpu.memory_space<hbm>> -> memref<80x128xi32, #tpu.memory_space<hbm>>
      tpu.enqueue_dma source(%dma_start3A_12 : memref<80x128xi32, #tpu.memory_space<hbm>>) target(%arg6 : memref<80x128xi32, #tpu.memory_space<vmem>>) target_semaphore(%run_scoped3A : memref<!tpu.dma_semaphore, #tpu.memory_space<semaphore_mem>>)
      %dma_wait3A = arith.constant 0 : i32
      %dma_wait3A_13 = tpu.memref_slice %arg2[%mul3A_4, %dma_wait3A] : memref<2560x128xi32, #tpu.memory_space<hbm>> -> memref<80x128xi32, #tpu.memory_space<hbm>>
      %dma_wait3A_14 = arith.constant 0 : i32
      %dma_wait3A_15 = tpu.memref_slice %arg2[%mul3A_4, %dma_wait3A_14] : memref<2560x128xi32, #tpu.memory_space<hbm>> -> memref<80x128xi32, #tpu.memory_space<hbm>>
      tpu.wait_dma2 semaphore(%run_scoped3A : memref<!tpu.dma_semaphore, #tpu.memory_space<semaphore_mem>>) src(%dma_wait3A_15 : memref<80x128xi32, #tpu.memory_space<hbm>>) dst(%arg6 : memref<80x128xi32, #tpu.memory_space<vmem>>)
      tpu.yield
    }) : () -> ()
    "tpu.region"() ({
      %run_scoped3A = tpu.sem_alloc : memref<!tpu.dma_semaphore, #tpu.memory_space<semaphore_mem>>
      tpu.enqueue_dma source(%arg4 : memref<128x128xf32, #tpu.memory_space<hbm>>) target(%arg7 : memref<128x128xf32, #tpu.memory_space<vmem>>) target_semaphore(%run_scoped3A : memref<!tpu.dma_semaphore, #tpu.memory_space<semaphore_mem>>)
      tpu.wait_dma2 semaphore(%run_scoped3A : memref<!tpu.dma_semaphore, #tpu.memory_space<semaphore_mem>>) src(%arg4 : memref<128x128xf32, #tpu.memory_space<hbm>>) dst(%arg7 : memref<128x128xf32, #tpu.memory_space<vmem>>)
      tpu.yield
    }) : () -> ()
    %barrier3A = arith.constant 0 : index
    tpu.barrier barrier_id(%barrier3A)
    %scan3A = arith.constant 0 : i32
    %scan3A_5 = arith.constant 80 : i32
    %scan3A_6 = arith.addi %scan3A, %scan3A_5 : i32
    %scan3A_7 = arith.constant 1 : i32
    scf.for %scan3A_10 = %scan3A to %scan3A_6 step %scan3A_7  : i32 {
      %mul3A_11 = arith.constant 1 : i32
      %mul3A_12 = arith.muli %scan3A_10, %mul3A_11 : i32
      %add3A_13 = arith.constant 0 : i32
      %add3A_14 = arith.addi %add3A_13, %mul3A_12 : i32
      "tpu.region"() ({
        %run_scoped3A = tpu.sem_alloc : memref<!tpu.dma_semaphore, #tpu.memory_space<semaphore_mem>>
        %dma_start3A = arith.constant 0 : i32
        %dma_start3A_15 = tpu.memref_slice %arg6[%add3A_14, %dma_start3A] : memref<80x128xi32, #tpu.memory_space<vmem>> -> memref<1x128xi32, #tpu.memory_space<vmem>>
        %dma_start3A_16 = tpu.memref_squeeze %dma_start3A_15 : memref<1x128xi32, #tpu.memory_space<vmem>> -> memref<128xi32, #tpu.memory_space<vmem>>
        %dma_start3A_17 = arith.constant 0 : i32
        %dma_start3A_18 = arith.constant 0 : i32
        %dma_start3A_19 = tpu.memref_slice %arg8[%dma_start3A_17, %dma_start3A_18] : memref<10240x128xf32, #tpu.memory_space<vmem_shared>> -> memref<10240x128xf32, #tpu.memory_space<vmem_shared>>
        tpu.enqueue_indirect_dma source(%arg7 : memref<128x128xf32, #tpu.memory_space<vmem>>) target(%dma_start3A_19 : memref<10240x128xf32, #tpu.memory_space<vmem_shared>>) offsets(%dma_start3A_16 : memref<128xi32, #tpu.memory_space<vmem>>) semaphore(%run_scoped3A : memref<!tpu.dma_semaphore, #tpu.memory_space<semaphore_mem>>) {add = true}
        %dma_wait3A = arith.constant 0 : i32
        %dma_wait3A_20 = tpu.memref_slice %arg6[%add3A_14, %dma_wait3A] : memref<80x128xi32, #tpu.memory_space<vmem>> -> memref<1x128xi32, #tpu.memory_space<vmem>>
        %dma_wait3A_21 = tpu.memref_squeeze %dma_wait3A_20 : memref<1x128xi32, #tpu.memory_space<vmem>> -> memref<128xi32, #tpu.memory_space<vmem>>
        %dma_wait3A_22 = arith.constant 0 : i32
        %dma_wait3A_23 = arith.constant 0 : i32
        %dma_wait3A_24 = tpu.memref_slice %arg8[%dma_wait3A_22, %dma_wait3A_23] : memref<10240x128xf32, #tpu.memory_space<vmem_shared>> -> memref<10240x128xf32, #tpu.memory_space<vmem_shared>>
        tpu.wait_indirect_dma semaphore(%run_scoped3A : memref<!tpu.dma_semaphore, #tpu.memory_space<semaphore_mem>>) src(%arg7 : memref<128x128xf32, #tpu.memory_space<vmem>>) dst(%dma_wait3A_24 : memref<10240x128xf32, #tpu.memory_space<vmem_shared>>)
        tpu.yield
      }) : () -> ()
    }
    %scan3A_8 = arith.constant 80 : i32
    %barrier3A_9 = arith.constant 0 : index
    tpu.barrier barrier_id(%barrier3A_9)
    "tpu.region"() ({
      %run_scoped3A = tpu.sem_alloc : memref<!tpu.dma_semaphore, #tpu.memory_space<semaphore_mem>>
      %dma_start3A = arith.constant 0 : i32
      %dma_start3A_10 = tpu.memref_slice %arg5[%arg0, %mul3A_2, %dma_start3A] : memref<2x10240x128xf32, #tpu.memory_space<hbm>> -> memref<1x640x128xf32, #tpu.memory_space<hbm>>
      %dma_start3A_11 = tpu.memref_squeeze %dma_start3A_10 : memref<1x640x128xf32, #tpu.memory_space<hbm>> -> memref<640x128xf32, #tpu.memory_space<hbm>>
      %dma_start3A_12 = arith.constant 0 : i32
      %dma_start3A_13 = tpu.memref_slice %arg8[%mul3A_2, %dma_start3A_12] : memref<10240x128xf32, #tpu.memory_space<vmem_shared>> -> memref<640x128xf32, #tpu.memory_space<vmem_shared>>
      tpu.enqueue_dma source(%dma_start3A_13 : memref<640x128xf32, #tpu.memory_space<vmem_shared>>) target(%dma_start3A_11 : memref<640x128xf32, #tpu.memory_space<hbm>>) target_semaphore(%run_scoped3A : memref<!tpu.dma_semaphore, #tpu.memory_space<semaphore_mem>>)
      %dma_wait3A = arith.constant 0 : i32
      %dma_wait3A_14 = tpu.memref_slice %arg5[%arg0, %mul3A_2, %dma_wait3A] : memref<2x10240x128xf32, #tpu.memory_space<hbm>> -> memref<1x640x128xf32, #tpu.memory_space<hbm>>
      %dma_wait3A_15 = tpu.memref_squeeze %dma_wait3A_14 : memref<1x640x128xf32, #tpu.memory_space<hbm>> -> memref<640x128xf32, #tpu.memory_space<hbm>>
      %dma_wait3A_16 = arith.constant 0 : i32
      %dma_wait3A_17 = tpu.memref_slice %arg8[%mul3A_2, %dma_wait3A_16] : memref<10240x128xf32, #tpu.memory_space<vmem_shared>> -> memref<640x128xf32, #tpu.memory_space<vmem_shared>>
      tpu.wait_dma2 semaphore(%run_scoped3A : memref<!tpu.dma_semaphore, #tpu.memory_space<semaphore_mem>>) src(%dma_wait3A_17 : memref<640x128xf32, #tpu.memory_space<vmem_shared>>) dst(%dma_wait3A_15 : memref<640x128xf32, #tpu.memory_space<hbm>>)
      tpu.yield
    }) : () -> ()
    return
  }
}

#map = affine_map<(d0, d1) -> (0, 0)>
#map1 = affine_map<(d0, d1) -> (0, 0, 0)>
module attributes {stable_mosaic.version = 14 : i64} {
  func.func @_segsum_body(%arg0: i32, %arg1: i32, %arg2: memref<10240x128xf32, #tpu.memory_space<hbm>>, %arg3: memref<2560x128xi32, #tpu.memory_space<hbm>>, %arg4: memref<2560x128xi32, #tpu.memory_space<hbm>>, %arg5: memref<10240x128xf32, #tpu.memory_space<hbm>>, %arg6: memref<2x10240x128xf32, #tpu.memory_space<hbm>>, %arg7: memref<16x128xi32, #tpu.memory_space<vmem>>, %arg8: memref<16x128xi32, #tpu.memory_space<vmem>>, %arg9: memref<128x128xf32, #tpu.memory_space<vmem>>, %arg10: memref<128x128xf32, #tpu.memory_space<vmem>>, %arg11: memref<10240x128xf32, #tpu.memory_space<vmem_shared>>, %arg12: memref<!tpu.dma_semaphore, #tpu.memory_space<semaphore_mem>>, %arg13: memref<!tpu.dma_semaphore, #tpu.memory_space<semaphore_mem>>, %arg14: memref<!tpu.dma_semaphore, #tpu.memory_space<semaphore_mem>>, %arg15: memref<!tpu.dma_semaphore, #tpu.memory_space<semaphore_mem>>) attributes {dimension_semantics = [#tpu.dimension_semantics<core_parallel>, #tpu.dimension_semantics<subcore_parallel>], iteration_bounds = array<i64: 2, 16>, scalar_prefetch = 0 : i64, scratch_operands = 9 : i64, tpu.core_type = #tpu.core_type<sc_vector_subcore>, window_params = [{transform_indices = #map}, {transform_indices = #map}, {transform_indices = #map}, {transform_indices = #map}, {transform_indices = #map1}]} {
    %mul3A = arith.constant 640 : i32
    %mul3A_0 = arith.muli %arg1, %mul3A : i32
    "tpu.region"() ({
      %run_scoped3A = tpu.sem_alloc : memref<!tpu.dma_semaphore, #tpu.memory_space<semaphore_mem>>
      %dma_start3A = arith.constant 0 : i32
      %dma_start3A_28 = tpu.memref_slice %arg11[%mul3A_0, %dma_start3A] : memref<10240x128xf32, #tpu.memory_space<vmem_shared>> -> memref<640x128xf32, #tpu.memory_space<vmem_shared>>
      %dma_start3A_29 = arith.constant 0 : i32
      %dma_start3A_30 = tpu.memref_slice %arg5[%mul3A_0, %dma_start3A_29] : memref<10240x128xf32, #tpu.memory_space<hbm>> -> memref<640x128xf32, #tpu.memory_space<hbm>>
      tpu.enqueue_dma source(%dma_start3A_30 : memref<640x128xf32, #tpu.memory_space<hbm>>) target(%dma_start3A_28 : memref<640x128xf32, #tpu.memory_space<vmem_shared>>) target_semaphore(%run_scoped3A : memref<!tpu.dma_semaphore, #tpu.memory_space<semaphore_mem>>)
      %dma_wait3A = arith.constant 0 : i32
      %dma_wait3A_31 = tpu.memref_slice %arg11[%mul3A_0, %dma_wait3A] : memref<10240x128xf32, #tpu.memory_space<vmem_shared>> -> memref<640x128xf32, #tpu.memory_space<vmem_shared>>
      %dma_wait3A_32 = arith.constant 0 : i32
      %dma_wait3A_33 = tpu.memref_slice %arg5[%mul3A_0, %dma_wait3A_32] : memref<10240x128xf32, #tpu.memory_space<hbm>> -> memref<640x128xf32, #tpu.memory_space<hbm>>
      tpu.wait_dma2 semaphore(%run_scoped3A : memref<!tpu.dma_semaphore, #tpu.memory_space<semaphore_mem>>) src(%dma_wait3A_33 : memref<640x128xf32, #tpu.memory_space<hbm>>) dst(%dma_wait3A_31 : memref<640x128xf32, #tpu.memory_space<vmem_shared>>)
      tpu.yield
    }) : () -> ()
    %barrier3A = arith.constant 0 : index
    tpu.barrier barrier_id(%barrier3A)
    %eq3A = arith.constant 0 : i32
    %eq3A_1 = arith.cmpi eq, %arg0, %eq3A : i32
    %mul3A_2 = arith.constant 144 : i32
    %mul3A_3 = arith.muli %arg1, %mul3A_2 : i32
    %mul3A_4 = arith.constant 16 : i32
    %mul3A_5 = arith.muli %arg1, %mul3A_4 : i32
    %add3A = arith.constant 2304 : i32
    %add3A_6 = arith.addi %add3A, %mul3A_5 : i32
    %select_n3A = arith.select %eq3A_1, %mul3A_3, %add3A_6 : i32
    %eq3A_7 = arith.constant 0 : i32
    %eq3A_8 = arith.cmpi eq, %arg0, %eq3A_7 : i32
    %jit3A = arith.constant 9 : i32
    %jit3A_9 = arith.constant 1 : i32
    %select_n3A_10 = arith.select %eq3A_8, %jit3A, %jit3A_9 : i32
    %sub3A = arith.constant 0 : i32
    %sub3A_11 = arith.subi %select_n3A_10, %sub3A : i32
    %sub3A_12 = arith.constant 1 : i32
    %sub3A_13 = arith.constant 1 : i32
    %sub3A_14 = arith.subi %sub3A_12, %sub3A_13 : i32
    %add3A_15 = arith.addi %sub3A_11, %sub3A_14 : i32
    %div3A = arith.constant 1 : i32
    %div3A_16 = arith.divsi %add3A_15, %div3A : i32
    %while3A = arith.constant 1 : i32
    %while3A_17 = arith.constant 0 : i32
    %while3A_18 = arith.constant 0 : i32
    %while3A_19 = arith.subi %div3A_16, %while3A_18 : i32
    %while3A_20 = arith.addi %while3A_18, %while3A_19 : i32
    %while3A_21 = arith.constant 1 : i32
    %while3A_22 = arith.divsi %while3A_19, %while3A_21 : i32
    %while3A_23 = arith.muli %while3A_22, %while3A_21 : i32
    %while3A_24 = arith.addi %while3A_18, %while3A_23 : i32
    %while3A_25 = arith.constant 1 : i32
    scf.for %while3A_28 = %while3A_18 to %while3A_24 step %while3A_25  : i32 {
      %mul3A_29 = arith.muli %while3A_28, %while3A : i32
      %add3A_30 = arith.addi %while3A_17, %mul3A_29 : i32
      %mul3A_31 = arith.constant 16 : i32
      %mul3A_32 = arith.muli %add3A_30, %mul3A_31 : i32
      %add3A_33 = arith.addi %select_n3A, %mul3A_32 : i32
      %add3A_34 = arith.constant 0 : i32
      %add3A_35 = arith.addi %add3A_33, %add3A_34 : i32
      %iota3A = tpu.iota {dimensions = array<i32: 0>} : vector<16xi32>
      %add3A_36 = vector.broadcast %add3A_35 : i32 to vector<16xi32>
      %add3A_37 = arith.addi %add3A_36, %iota3A : vector<16xi32>
      %dma_start3A = arith.constant 0 : i32
      %dma_start3A_38 = arith.constant 0 : i32
      %dma_start3A_39 = tpu.memref_slice %arg7[%dma_start3A, %dma_start3A_38] : memref<16x128xi32, #tpu.memory_space<vmem>> -> memref<16x128xi32, #tpu.memory_space<vmem>>
      %dma_start3A_40 = arith.constant 0 : i32
      %dma_start3A_41 = arith.constant 0 : i32
      %dma_start3A_42 = tpu.memref_slice %arg3[%dma_start3A_40, %dma_start3A_41] : memref<2560x128xi32, #tpu.memory_space<hbm>> -> memref<2560x128xi32, #tpu.memory_space<hbm>>
      tpu.enqueue_indirect_dma source(%dma_start3A_42 : memref<2560x128xi32, #tpu.memory_space<hbm>>) target(%dma_start3A_39 : memref<16x128xi32, #tpu.memory_space<vmem>>) offsets(%add3A_37 : vector<16xi32>) semaphore(%arg12 : memref<!tpu.dma_semaphore, #tpu.memory_space<semaphore_mem>>)
      %dma_start3A_43 = arith.constant 0 : i32
      %dma_start3A_44 = arith.constant 0 : i32
      %dma_start3A_45 = tpu.memref_slice %arg8[%dma_start3A_43, %dma_start3A_44] : memref<16x128xi32, #tpu.memory_space<vmem>> -> memref<16x128xi32, #tpu.memory_space<vmem>>
      %dma_start3A_46 = arith.constant 0 : i32
      %dma_start3A_47 = arith.constant 0 : i32
      %dma_start3A_48 = tpu.memref_slice %arg4[%dma_start3A_46, %dma_start3A_47] : memref<2560x128xi32, #tpu.memory_space<hbm>> -> memref<2560x128xi32, #tpu.memory_space<hbm>>
      tpu.enqueue_indirect_dma source(%dma_start3A_48 : memref<2560x128xi32, #tpu.memory_space<hbm>>) target(%dma_start3A_45 : memref<16x128xi32, #tpu.memory_space<vmem>>) offsets(%add3A_37 : vector<16xi32>) semaphore(%arg15 : memref<!tpu.dma_semaphore, #tpu.memory_space<semaphore_mem>>)
      %dma_wait3A = arith.constant 0 : i32
      %dma_wait3A_49 = arith.constant 0 : i32
      %dma_wait3A_50 = tpu.memref_slice %arg3[%dma_wait3A, %dma_wait3A_49] : memref<2560x128xi32, #tpu.memory_space<hbm>> -> memref<16x128xi32, #tpu.memory_space<hbm>>
      %dma_wait3A_51 = arith.constant 0 : i32
      %dma_wait3A_52 = arith.constant 0 : i32
      %dma_wait3A_53 = tpu.memref_slice %arg3[%dma_wait3A_51, %dma_wait3A_52] : memref<2560x128xi32, #tpu.memory_space<hbm>> -> memref<16x128xi32, #tpu.memory_space<hbm>>
      tpu.wait_dma2 semaphore(%arg12 : memref<!tpu.dma_semaphore, #tpu.memory_space<semaphore_mem>>) src(%dma_wait3A_53 : memref<16x128xi32, #tpu.memory_space<hbm>>) dst(%arg7 : memref<16x128xi32, #tpu.memory_space<vmem>>)
      %dma_wait3A_54 = arith.constant 0 : i32
      %dma_wait3A_55 = arith.constant 0 : i32
      %dma_wait3A_56 = tpu.memref_slice %arg4[%dma_wait3A_54, %dma_wait3A_55] : memref<2560x128xi32, #tpu.memory_space<hbm>> -> memref<16x128xi32, #tpu.memory_space<hbm>>
      %dma_wait3A_57 = arith.constant 0 : i32
      %dma_wait3A_58 = arith.constant 0 : i32
      %dma_wait3A_59 = tpu.memref_slice %arg4[%dma_wait3A_57, %dma_wait3A_58] : memref<2560x128xi32, #tpu.memory_space<hbm>> -> memref<16x128xi32, #tpu.memory_space<hbm>>
      tpu.wait_dma2 semaphore(%arg15 : memref<!tpu.dma_semaphore, #tpu.memory_space<semaphore_mem>>) src(%dma_wait3A_59 : memref<16x128xi32, #tpu.memory_space<hbm>>) dst(%arg8 : memref<16x128xi32, #tpu.memory_space<vmem>>)
      %dma_start3A_60 = arith.constant 0 : i32
      %dma_start3A_61 = arith.constant 0 : i32
      %dma_start3A_62 = tpu.memref_slice %arg7[%dma_start3A_60, %dma_start3A_61] : memref<16x128xi32, #tpu.memory_space<vmem>> -> memref<1x128xi32, #tpu.memory_space<vmem>>
      %dma_start3A_63 = tpu.memref_squeeze %dma_start3A_62 : memref<1x128xi32, #tpu.memory_space<vmem>> -> memref<128xi32, #tpu.memory_space<vmem>>
      %dma_start3A_64 = arith.constant 0 : i32
      %dma_start3A_65 = arith.constant 0 : i32
      %dma_start3A_66 = tpu.memref_slice %arg2[%dma_start3A_64, %dma_start3A_65] : memref<10240x128xf32, #tpu.memory_space<hbm>> -> memref<10240x128xf32, #tpu.memory_space<hbm>>
      tpu.enqueue_indirect_dma source(%dma_start3A_66 : memref<10240x128xf32, #tpu.memory_space<hbm>>) target(%arg9 : memref<128x128xf32, #tpu.memory_space<vmem>>) offsets(%dma_start3A_63 : memref<128xi32, #tpu.memory_space<vmem>>) semaphore(%arg13 : memref<!tpu.dma_semaphore, #tpu.memory_space<semaphore_mem>>)
      %dma_start3A_67 = arith.constant 1 : i32
      %dma_start3A_68 = arith.constant 0 : i32
      %dma_start3A_69 = tpu.memref_slice %arg7[%dma_start3A_67, %dma_start3A_68] : memref<16x128xi32, #tpu.memory_space<vmem>> -> memref<1x128xi32, #tpu.memory_space<vmem>>
      %dma_start3A_70 = tpu.memref_squeeze %dma_start3A_69 : memref<1x128xi32, #tpu.memory_space<vmem>> -> memref<128xi32, #tpu.memory_space<vmem>>
      %dma_start3A_71 = arith.constant 0 : i32
      %dma_start3A_72 = arith.constant 0 : i32
      %dma_start3A_73 = tpu.memref_slice %arg2[%dma_start3A_71, %dma_start3A_72] : memref<10240x128xf32, #tpu.memory_space<hbm>> -> memref<10240x128xf32, #tpu.memory_space<hbm>>
      tpu.enqueue_indirect_dma source(%dma_start3A_73 : memref<10240x128xf32, #tpu.memory_space<hbm>>) target(%arg10 : memref<128x128xf32, #tpu.memory_space<vmem>>) offsets(%dma_start3A_70 : memref<128xi32, #tpu.memory_space<vmem>>) semaphore(%arg14 : memref<!tpu.dma_semaphore, #tpu.memory_space<semaphore_mem>>)
      %scan3A = arith.constant 0 : i32
      %scan3A_74 = arith.constant 7 : i32
      %scan3A_75 = arith.addi %scan3A, %scan3A_74 : i32
      %scan3A_76 = arith.constant 1 : i32
      scf.for %scan3A_91 = %scan3A to %scan3A_75 step %scan3A_76  : i32 {
        %mul3A_92 = arith.constant 1 : i32
        %mul3A_93 = arith.muli %scan3A_91, %mul3A_92 : i32
        %add3A_94 = arith.constant 0 : i32
        %add3A_95 = arith.addi %add3A_94, %mul3A_93 : i32
        %mul3A_96 = arith.constant 2 : i32
        %mul3A_97 = arith.muli %add3A_95, %mul3A_96 : i32
        %add3A_98 = arith.constant 0 : i32
        %add3A_99 = arith.addi %mul3A_97, %add3A_98 : i32
        %dma_wait3A_100 = arith.constant 0 : i32
        %dma_wait3A_101 = arith.constant 0 : i32
        %dma_wait3A_102 = tpu.memref_slice %arg2[%dma_wait3A_100, %dma_wait3A_101] : memref<10240x128xf32, #tpu.memory_space<hbm>> -> memref<128x128xf32, #tpu.memory_space<hbm>>
        %dma_wait3A_103 = arith.constant 0 : i32
        %dma_wait3A_104 = arith.constant 0 : i32
        %dma_wait3A_105 = tpu.memref_slice %arg2[%dma_wait3A_103, %dma_wait3A_104] : memref<10240x128xf32, #tpu.memory_space<hbm>> -> memref<128x128xf32, #tpu.memory_space<hbm>>
        tpu.wait_dma2 semaphore(%arg13 : memref<!tpu.dma_semaphore, #tpu.memory_space<semaphore_mem>>) src(%dma_wait3A_105 : memref<128x128xf32, #tpu.memory_space<hbm>>) dst(%arg9 : memref<128x128xf32, #tpu.memory_space<vmem>>)
        "tpu.region"() ({
          %run_scoped3A_132 = tpu.sem_alloc : memref<!tpu.dma_semaphore, #tpu.memory_space<semaphore_mem>>
          %dma_start3A_133 = arith.constant 0 : i32
          %dma_start3A_134 = tpu.memref_slice %arg8[%add3A_99, %dma_start3A_133] : memref<16x128xi32, #tpu.memory_space<vmem>> -> memref<1x128xi32, #tpu.memory_space<vmem>>
          %dma_start3A_135 = tpu.memref_squeeze %dma_start3A_134 : memref<1x128xi32, #tpu.memory_space<vmem>> -> memref<128xi32, #tpu.memory_space<vmem>>
          %dma_start3A_136 = arith.constant 0 : i32
          %dma_start3A_137 = arith.constant 0 : i32
          %dma_start3A_138 = tpu.memref_slice %arg11[%dma_start3A_136, %dma_start3A_137] : memref<10240x128xf32, #tpu.memory_space<vmem_shared>> -> memref<10240x128xf32, #tpu.memory_space<vmem_shared>>
          tpu.enqueue_indirect_dma source(%arg9 : memref<128x128xf32, #tpu.memory_space<vmem>>) target(%dma_start3A_138 : memref<10240x128xf32, #tpu.memory_space<vmem_shared>>) offsets(%dma_start3A_135 : memref<128xi32, #tpu.memory_space<vmem>>) semaphore(%run_scoped3A_132 : memref<!tpu.dma_semaphore, #tpu.memory_space<semaphore_mem>>) {add = true}
          %dma_wait3A_139 = arith.constant 0 : i32
          %dma_wait3A_140 = tpu.memref_slice %arg8[%add3A_99, %dma_wait3A_139] : memref<16x128xi32, #tpu.memory_space<vmem>> -> memref<1x128xi32, #tpu.memory_space<vmem>>
          %dma_wait3A_141 = tpu.memref_squeeze %dma_wait3A_140 : memref<1x128xi32, #tpu.memory_space<vmem>> -> memref<128xi32, #tpu.memory_space<vmem>>
          %dma_wait3A_142 = arith.constant 0 : i32
          %dma_wait3A_143 = arith.constant 0 : i32
          %dma_wait3A_144 = tpu.memref_slice %arg11[%dma_wait3A_142, %dma_wait3A_143] : memref<10240x128xf32, #tpu.memory_space<vmem_shared>> -> memref<10240x128xf32, #tpu.memory_space<vmem_shared>>
          tpu.wait_indirect_dma semaphore(%run_scoped3A_132 : memref<!tpu.dma_semaphore, #tpu.memory_space<semaphore_mem>>) src(%arg9 : memref<128x128xf32, #tpu.memory_space<vmem>>) dst(%dma_wait3A_144 : memref<10240x128xf32, #tpu.memory_space<vmem_shared>>)
          tpu.yield
        }) : () -> ()
        %add3A_106 = arith.constant 2 : i32
        %add3A_107 = arith.addi %add3A_99, %add3A_106 : i32
        %dma_start3A_108 = arith.constant 0 : i32
        %dma_start3A_109 = tpu.memref_slice %arg7[%add3A_107, %dma_start3A_108] : memref<16x128xi32, #tpu.memory_space<vmem>> -> memref<1x128xi32, #tpu.memory_space<vmem>>
        %dma_start3A_110 = tpu.memref_squeeze %dma_start3A_109 : memref<1x128xi32, #tpu.memory_space<vmem>> -> memref<128xi32, #tpu.memory_space<vmem>>
        %dma_start3A_111 = arith.constant 0 : i32
        %dma_start3A_112 = arith.constant 0 : i32
        %dma_start3A_113 = tpu.memref_slice %arg2[%dma_start3A_111, %dma_start3A_112] : memref<10240x128xf32, #tpu.memory_space<hbm>> -> memref<10240x128xf32, #tpu.memory_space<hbm>>
        tpu.enqueue_indirect_dma source(%dma_start3A_113 : memref<10240x128xf32, #tpu.memory_space<hbm>>) target(%arg9 : memref<128x128xf32, #tpu.memory_space<vmem>>) offsets(%dma_start3A_110 : memref<128xi32, #tpu.memory_space<vmem>>) semaphore(%arg13 : memref<!tpu.dma_semaphore, #tpu.memory_space<semaphore_mem>>)
        %mul3A_114 = arith.constant 2 : i32
        %mul3A_115 = arith.muli %add3A_95, %mul3A_114 : i32
        %add3A_116 = arith.constant 1 : i32
        %add3A_117 = arith.addi %mul3A_115, %add3A_116 : i32
        %dma_wait3A_118 = arith.constant 0 : i32
        %dma_wait3A_119 = arith.constant 0 : i32
        %dma_wait3A_120 = tpu.memref_slice %arg2[%dma_wait3A_118, %dma_wait3A_119] : memref<10240x128xf32, #tpu.memory_space<hbm>> -> memref<128x128xf32, #tpu.memory_space<hbm>>
        %dma_wait3A_121 = arith.constant 0 : i32
        %dma_wait3A_122 = arith.constant 0 : i32
        %dma_wait3A_123 = tpu.memref_slice %arg2[%dma_wait3A_121, %dma_wait3A_122] : memref<10240x128xf32, #tpu.memory_space<hbm>> -> memref<128x128xf32, #tpu.memory_space<hbm>>
        tpu.wait_dma2 semaphore(%arg14 : memref<!tpu.dma_semaphore, #tpu.memory_space<semaphore_mem>>) src(%dma_wait3A_123 : memref<128x128xf32, #tpu.memory_space<hbm>>) dst(%arg10 : memref<128x128xf32, #tpu.memory_space<vmem>>)
        "tpu.region"() ({
          %run_scoped3A_132 = tpu.sem_alloc : memref<!tpu.dma_semaphore, #tpu.memory_space<semaphore_mem>>
          %dma_start3A_133 = arith.constant 0 : i32
          %dma_start3A_134 = tpu.memref_slice %arg8[%add3A_117, %dma_start3A_133] : memref<16x128xi32, #tpu.memory_space<vmem>> -> memref<1x128xi32, #tpu.memory_space<vmem>>
          %dma_start3A_135 = tpu.memref_squeeze %dma_start3A_134 : memref<1x128xi32, #tpu.memory_space<vmem>> -> memref<128xi32, #tpu.memory_space<vmem>>
          %dma_start3A_136 = arith.constant 0 : i32
          %dma_start3A_137 = arith.constant 0 : i32
          %dma_start3A_138 = tpu.memref_slice %arg11[%dma_start3A_136, %dma_start3A_137] : memref<10240x128xf32, #tpu.memory_space<vmem_shared>> -> memref<10240x128xf32, #tpu.memory_space<vmem_shared>>
          tpu.enqueue_indirect_dma source(%arg10 : memref<128x128xf32, #tpu.memory_space<vmem>>) target(%dma_start3A_138 : memref<10240x128xf32, #tpu.memory_space<vmem_shared>>) offsets(%dma_start3A_135 : memref<128xi32, #tpu.memory_space<vmem>>) semaphore(%run_scoped3A_132 : memref<!tpu.dma_semaphore, #tpu.memory_space<semaphore_mem>>) {add = true}
          %dma_wait3A_139 = arith.constant 0 : i32
          %dma_wait3A_140 = tpu.memref_slice %arg8[%add3A_117, %dma_wait3A_139] : memref<16x128xi32, #tpu.memory_space<vmem>> -> memref<1x128xi32, #tpu.memory_space<vmem>>
          %dma_wait3A_141 = tpu.memref_squeeze %dma_wait3A_140 : memref<1x128xi32, #tpu.memory_space<vmem>> -> memref<128xi32, #tpu.memory_space<vmem>>
          %dma_wait3A_142 = arith.constant 0 : i32
          %dma_wait3A_143 = arith.constant 0 : i32
          %dma_wait3A_144 = tpu.memref_slice %arg11[%dma_wait3A_142, %dma_wait3A_143] : memref<10240x128xf32, #tpu.memory_space<vmem_shared>> -> memref<10240x128xf32, #tpu.memory_space<vmem_shared>>
          tpu.wait_indirect_dma semaphore(%run_scoped3A_132 : memref<!tpu.dma_semaphore, #tpu.memory_space<semaphore_mem>>) src(%arg10 : memref<128x128xf32, #tpu.memory_space<vmem>>) dst(%dma_wait3A_144 : memref<10240x128xf32, #tpu.memory_space<vmem_shared>>)
          tpu.yield
        }) : () -> ()
        %add3A_124 = arith.constant 2 : i32
        %add3A_125 = arith.addi %add3A_117, %add3A_124 : i32
        %dma_start3A_126 = arith.constant 0 : i32
        %dma_start3A_127 = tpu.memref_slice %arg7[%add3A_125, %dma_start3A_126] : memref<16x128xi32, #tpu.memory_space<vmem>> -> memref<1x128xi32, #tpu.memory_space<vmem>>
        %dma_start3A_128 = tpu.memref_squeeze %dma_start3A_127 : memref<1x128xi32, #tpu.memory_space<vmem>> -> memref<128xi32, #tpu.memory_space<vmem>>
        %dma_start3A_129 = arith.constant 0 : i32
        %dma_start3A_130 = arith.constant 0 : i32
        %dma_start3A_131 = tpu.memref_slice %arg2[%dma_start3A_129, %dma_start3A_130] : memref<10240x128xf32, #tpu.memory_space<hbm>> -> memref<10240x128xf32, #tpu.memory_space<hbm>>
        tpu.enqueue_indirect_dma source(%dma_start3A_131 : memref<10240x128xf32, #tpu.memory_space<hbm>>) target(%arg10 : memref<128x128xf32, #tpu.memory_space<vmem>>) offsets(%dma_start3A_128 : memref<128xi32, #tpu.memory_space<vmem>>) semaphore(%arg14 : memref<!tpu.dma_semaphore, #tpu.memory_space<semaphore_mem>>)
      }
      %scan3A_77 = arith.constant 7 : i32
      %dma_wait3A_78 = arith.constant 0 : i32
      %dma_wait3A_79 = arith.constant 0 : i32
      %dma_wait3A_80 = tpu.memref_slice %arg2[%dma_wait3A_78, %dma_wait3A_79] : memref<10240x128xf32, #tpu.memory_space<hbm>> -> memref<128x128xf32, #tpu.memory_space<hbm>>
      %dma_wait3A_81 = arith.constant 0 : i32
      %dma_wait3A_82 = arith.constant 0 : i32
      %dma_wait3A_83 = tpu.memref_slice %arg2[%dma_wait3A_81, %dma_wait3A_82] : memref<10240x128xf32, #tpu.memory_space<hbm>> -> memref<128x128xf32, #tpu.memory_space<hbm>>
      tpu.wait_dma2 semaphore(%arg13 : memref<!tpu.dma_semaphore, #tpu.memory_space<semaphore_mem>>) src(%dma_wait3A_83 : memref<128x128xf32, #tpu.memory_space<hbm>>) dst(%arg9 : memref<128x128xf32, #tpu.memory_space<vmem>>)
      %run_scoped3A = arith.constant 14 : i32
      "tpu.region"() ({
        %run_scoped3A_91 = tpu.sem_alloc : memref<!tpu.dma_semaphore, #tpu.memory_space<semaphore_mem>>
        %dma_start3A_92 = arith.constant 0 : i32
        %dma_start3A_93 = tpu.memref_slice %arg8[%run_scoped3A, %dma_start3A_92] : memref<16x128xi32, #tpu.memory_space<vmem>> -> memref<1x128xi32, #tpu.memory_space<vmem>>
        %dma_start3A_94 = tpu.memref_squeeze %dma_start3A_93 : memref<1x128xi32, #tpu.memory_space<vmem>> -> memref<128xi32, #tpu.memory_space<vmem>>
        %dma_start3A_95 = arith.constant 0 : i32
        %dma_start3A_96 = arith.constant 0 : i32
        %dma_start3A_97 = tpu.memref_slice %arg11[%dma_start3A_95, %dma_start3A_96] : memref<10240x128xf32, #tpu.memory_space<vmem_shared>> -> memref<10240x128xf32, #tpu.memory_space<vmem_shared>>
        tpu.enqueue_indirect_dma source(%arg9 : memref<128x128xf32, #tpu.memory_space<vmem>>) target(%dma_start3A_97 : memref<10240x128xf32, #tpu.memory_space<vmem_shared>>) offsets(%dma_start3A_94 : memref<128xi32, #tpu.memory_space<vmem>>) semaphore(%run_scoped3A_91 : memref<!tpu.dma_semaphore, #tpu.memory_space<semaphore_mem>>) {add = true}
        %dma_wait3A_98 = arith.constant 0 : i32
        %dma_wait3A_99 = tpu.memref_slice %arg8[%run_scoped3A, %dma_wait3A_98] : memref<16x128xi32, #tpu.memory_space<vmem>> -> memref<1x128xi32, #tpu.memory_space<vmem>>
        %dma_wait3A_100 = tpu.memref_squeeze %dma_wait3A_99 : memref<1x128xi32, #tpu.memory_space<vmem>> -> memref<128xi32, #tpu.memory_space<vmem>>
        %dma_wait3A_101 = arith.constant 0 : i32
        %dma_wait3A_102 = arith.constant 0 : i32
        %dma_wait3A_103 = tpu.memref_slice %arg11[%dma_wait3A_101, %dma_wait3A_102] : memref<10240x128xf32, #tpu.memory_space<vmem_shared>> -> memref<10240x128xf32, #tpu.memory_space<vmem_shared>>
        tpu.wait_indirect_dma semaphore(%run_scoped3A_91 : memref<!tpu.dma_semaphore, #tpu.memory_space<semaphore_mem>>) src(%arg9 : memref<128x128xf32, #tpu.memory_space<vmem>>) dst(%dma_wait3A_103 : memref<10240x128xf32, #tpu.memory_space<vmem_shared>>)
        tpu.yield
      }) : () -> ()
      %dma_wait3A_84 = arith.constant 0 : i32
      %dma_wait3A_85 = arith.constant 0 : i32
      %dma_wait3A_86 = tpu.memref_slice %arg2[%dma_wait3A_84, %dma_wait3A_85] : memref<10240x128xf32, #tpu.memory_space<hbm>> -> memref<128x128xf32, #tpu.memory_space<hbm>>
      %dma_wait3A_87 = arith.constant 0 : i32
      %dma_wait3A_88 = arith.constant 0 : i32
      %dma_wait3A_89 = tpu.memref_slice %arg2[%dma_wait3A_87, %dma_wait3A_88] : memref<10240x128xf32, #tpu.memory_space<hbm>> -> memref<128x128xf32, #tpu.memory_space<hbm>>
      tpu.wait_dma2 semaphore(%arg14 : memref<!tpu.dma_semaphore, #tpu.memory_space<semaphore_mem>>) src(%dma_wait3A_89 : memref<128x128xf32, #tpu.memory_space<hbm>>) dst(%arg10 : memref<128x128xf32, #tpu.memory_space<vmem>>)
      %run_scoped3A_90 = arith.constant 15 : i32
      "tpu.region"() ({
        %run_scoped3A_91 = tpu.sem_alloc : memref<!tpu.dma_semaphore, #tpu.memory_space<semaphore_mem>>
        %dma_start3A_92 = arith.constant 0 : i32
        %dma_start3A_93 = tpu.memref_slice %arg8[%run_scoped3A_90, %dma_start3A_92] : memref<16x128xi32, #tpu.memory_space<vmem>> -> memref<1x128xi32, #tpu.memory_space<vmem>>
        %dma_start3A_94 = tpu.memref_squeeze %dma_start3A_93 : memref<1x128xi32, #tpu.memory_space<vmem>> -> memref<128xi32, #tpu.memory_space<vmem>>
        %dma_start3A_95 = arith.constant 0 : i32
        %dma_start3A_96 = arith.constant 0 : i32
        %dma_start3A_97 = tpu.memref_slice %arg11[%dma_start3A_95, %dma_start3A_96] : memref<10240x128xf32, #tpu.memory_space<vmem_shared>> -> memref<10240x128xf32, #tpu.memory_space<vmem_shared>>
        tpu.enqueue_indirect_dma source(%arg10 : memref<128x128xf32, #tpu.memory_space<vmem>>) target(%dma_start3A_97 : memref<10240x128xf32, #tpu.memory_space<vmem_shared>>) offsets(%dma_start3A_94 : memref<128xi32, #tpu.memory_space<vmem>>) semaphore(%run_scoped3A_91 : memref<!tpu.dma_semaphore, #tpu.memory_space<semaphore_mem>>) {add = true}
        %dma_wait3A_98 = arith.constant 0 : i32
        %dma_wait3A_99 = tpu.memref_slice %arg8[%run_scoped3A_90, %dma_wait3A_98] : memref<16x128xi32, #tpu.memory_space<vmem>> -> memref<1x128xi32, #tpu.memory_space<vmem>>
        %dma_wait3A_100 = tpu.memref_squeeze %dma_wait3A_99 : memref<1x128xi32, #tpu.memory_space<vmem>> -> memref<128xi32, #tpu.memory_space<vmem>>
        %dma_wait3A_101 = arith.constant 0 : i32
        %dma_wait3A_102 = arith.constant 0 : i32
        %dma_wait3A_103 = tpu.memref_slice %arg11[%dma_wait3A_101, %dma_wait3A_102] : memref<10240x128xf32, #tpu.memory_space<vmem_shared>> -> memref<10240x128xf32, #tpu.memory_space<vmem_shared>>
        tpu.wait_indirect_dma semaphore(%run_scoped3A_91 : memref<!tpu.dma_semaphore, #tpu.memory_space<semaphore_mem>>) src(%arg10 : memref<128x128xf32, #tpu.memory_space<vmem>>) dst(%dma_wait3A_103 : memref<10240x128xf32, #tpu.memory_space<vmem_shared>>)
        tpu.yield
      }) : () -> ()
    }
    %while3A_26 = arith.constant 1 : i32
    scf.for %while3A_28 = %while3A_24 to %while3A_20 step %while3A_26  : i32 {
      %mul3A_29 = arith.muli %while3A_28, %while3A : i32
      %add3A_30 = arith.addi %while3A_17, %mul3A_29 : i32
      %mul3A_31 = arith.constant 16 : i32
      %mul3A_32 = arith.muli %add3A_30, %mul3A_31 : i32
      %add3A_33 = arith.addi %select_n3A, %mul3A_32 : i32
      %add3A_34 = arith.constant 0 : i32
      %add3A_35 = arith.addi %add3A_33, %add3A_34 : i32
      %iota3A = tpu.iota {dimensions = array<i32: 0>} : vector<16xi32>
      %add3A_36 = vector.broadcast %add3A_35 : i32 to vector<16xi32>
      %add3A_37 = arith.addi %add3A_36, %iota3A : vector<16xi32>
      %dma_start3A = arith.constant 0 : i32
      %dma_start3A_38 = arith.constant 0 : i32
      %dma_start3A_39 = tpu.memref_slice %arg7[%dma_start3A, %dma_start3A_38] : memref<16x128xi32, #tpu.memory_space<vmem>> -> memref<16x128xi32, #tpu.memory_space<vmem>>
      %dma_start3A_40 = arith.constant 0 : i32
      %dma_start3A_41 = arith.constant 0 : i32
      %dma_start3A_42 = tpu.memref_slice %arg3[%dma_start3A_40, %dma_start3A_41] : memref<2560x128xi32, #tpu.memory_space<hbm>> -> memref<2560x128xi32, #tpu.memory_space<hbm>>
      tpu.enqueue_indirect_dma source(%dma_start3A_42 : memref<2560x128xi32, #tpu.memory_space<hbm>>) target(%dma_start3A_39 : memref<16x128xi32, #tpu.memory_space<vmem>>) offsets(%add3A_37 : vector<16xi32>) semaphore(%arg12 : memref<!tpu.dma_semaphore, #tpu.memory_space<semaphore_mem>>)
      %dma_start3A_43 = arith.constant 0 : i32
      %dma_start3A_44 = arith.constant 0 : i32
      %dma_start3A_45 = tpu.memref_slice %arg8[%dma_start3A_43, %dma_start3A_44] : memref<16x128xi32, #tpu.memory_space<vmem>> -> memref<16x128xi32, #tpu.memory_space<vmem>>
      %dma_start3A_46 = arith.constant 0 : i32
      %dma_start3A_47 = arith.constant 0 : i32
      %dma_start3A_48 = tpu.memref_slice %arg4[%dma_start3A_46, %dma_start3A_47] : memref<2560x128xi32, #tpu.memory_space<hbm>> -> memref<2560x128xi32, #tpu.memory_space<hbm>>
      tpu.enqueue_indirect_dma source(%dma_start3A_48 : memref<2560x128xi32, #tpu.memory_space<hbm>>) target(%dma_start3A_45 : memref<16x128xi32, #tpu.memory_space<vmem>>) offsets(%add3A_37 : vector<16xi32>) semaphore(%arg15 : memref<!tpu.dma_semaphore, #tpu.memory_space<semaphore_mem>>)
      %dma_wait3A = arith.constant 0 : i32
      %dma_wait3A_49 = arith.constant 0 : i32
      %dma_wait3A_50 = tpu.memref_slice %arg3[%dma_wait3A, %dma_wait3A_49] : memref<2560x128xi32, #tpu.memory_space<hbm>> -> memref<16x128xi32, #tpu.memory_space<hbm>>
      %dma_wait3A_51 = arith.constant 0 : i32
      %dma_wait3A_52 = arith.constant 0 : i32
      %dma_wait3A_53 = tpu.memref_slice %arg3[%dma_wait3A_51, %dma_wait3A_52] : memref<2560x128xi32, #tpu.memory_space<hbm>> -> memref<16x128xi32, #tpu.memory_space<hbm>>
      tpu.wait_dma2 semaphore(%arg12 : memref<!tpu.dma_semaphore, #tpu.memory_space<semaphore_mem>>) src(%dma_wait3A_53 : memref<16x128xi32, #tpu.memory_space<hbm>>) dst(%arg7 : memref<16x128xi32, #tpu.memory_space<vmem>>)
      %dma_wait3A_54 = arith.constant 0 : i32
      %dma_wait3A_55 = arith.constant 0 : i32
      %dma_wait3A_56 = tpu.memref_slice %arg4[%dma_wait3A_54, %dma_wait3A_55] : memref<2560x128xi32, #tpu.memory_space<hbm>> -> memref<16x128xi32, #tpu.memory_space<hbm>>
      %dma_wait3A_57 = arith.constant 0 : i32
      %dma_wait3A_58 = arith.constant 0 : i32
      %dma_wait3A_59 = tpu.memref_slice %arg4[%dma_wait3A_57, %dma_wait3A_58] : memref<2560x128xi32, #tpu.memory_space<hbm>> -> memref<16x128xi32, #tpu.memory_space<hbm>>
      tpu.wait_dma2 semaphore(%arg15 : memref<!tpu.dma_semaphore, #tpu.memory_space<semaphore_mem>>) src(%dma_wait3A_59 : memref<16x128xi32, #tpu.memory_space<hbm>>) dst(%arg8 : memref<16x128xi32, #tpu.memory_space<vmem>>)
      %dma_start3A_60 = arith.constant 0 : i32
      %dma_start3A_61 = arith.constant 0 : i32
      %dma_start3A_62 = tpu.memref_slice %arg7[%dma_start3A_60, %dma_start3A_61] : memref<16x128xi32, #tpu.memory_space<vmem>> -> memref<1x128xi32, #tpu.memory_space<vmem>>
      %dma_start3A_63 = tpu.memref_squeeze %dma_start3A_62 : memref<1x128xi32, #tpu.memory_space<vmem>> -> memref<128xi32, #tpu.memory_space<vmem>>
      %dma_start3A_64 = arith.constant 0 : i32
      %dma_start3A_65 = arith.constant 0 : i32
      %dma_start3A_66 = tpu.memref_slice %arg2[%dma_start3A_64, %dma_start3A_65] : memref<10240x128xf32, #tpu.memory_space<hbm>> -> memref<10240x128xf32, #tpu.memory_space<hbm>>
      tpu.enqueue_indirect_dma source(%dma_start3A_66 : memref<10240x128xf32, #tpu.memory_space<hbm>>) target(%arg9 : memref<128x128xf32, #tpu.memory_space<vmem>>) offsets(%dma_start3A_63 : memref<128xi32, #tpu.memory_space<vmem>>) semaphore(%arg13 : memref<!tpu.dma_semaphore, #tpu.memory_space<semaphore_mem>>)
      %dma_start3A_67 = arith.constant 1 : i32
      %dma_start3A_68 = arith.constant 0 : i32
      %dma_start3A_69 = tpu.memref_slice %arg7[%dma_start3A_67, %dma_start3A_68] : memref<16x128xi32, #tpu.memory_space<vmem>> -> memref<1x128xi32, #tpu.memory_space<vmem>>
      %dma_start3A_70 = tpu.memref_squeeze %dma_start3A_69 : memref<1x128xi32, #tpu.memory_space<vmem>> -> memref<128xi32, #tpu.memory_space<vmem>>
      %dma_start3A_71 = arith.constant 0 : i32
      %dma_start3A_72 = arith.constant 0 : i32
      %dma_start3A_73 = tpu.memref_slice %arg2[%dma_start3A_71, %dma_start3A_72] : memref<10240x128xf32, #tpu.memory_space<hbm>> -> memref<10240x128xf32, #tpu.memory_space<hbm>>
      tpu.enqueue_indirect_dma source(%dma_start3A_73 : memref<10240x128xf32, #tpu.memory_space<hbm>>) target(%arg10 : memref<128x128xf32, #tpu.memory_space<vmem>>) offsets(%dma_start3A_70 : memref<128xi32, #tpu.memory_space<vmem>>) semaphore(%arg14 : memref<!tpu.dma_semaphore, #tpu.memory_space<semaphore_mem>>)
      %scan3A = arith.constant 0 : i32
      %scan3A_74 = arith.constant 7 : i32
      %scan3A_75 = arith.addi %scan3A, %scan3A_74 : i32
      %scan3A_76 = arith.constant 1 : i32
      scf.for %scan3A_91 = %scan3A to %scan3A_75 step %scan3A_76  : i32 {
        %mul3A_92 = arith.constant 1 : i32
        %mul3A_93 = arith.muli %scan3A_91, %mul3A_92 : i32
        %add3A_94 = arith.constant 0 : i32
        %add3A_95 = arith.addi %add3A_94, %mul3A_93 : i32
        %mul3A_96 = arith.constant 2 : i32
        %mul3A_97 = arith.muli %add3A_95, %mul3A_96 : i32
        %add3A_98 = arith.constant 0 : i32
        %add3A_99 = arith.addi %mul3A_97, %add3A_98 : i32
        %dma_wait3A_100 = arith.constant 0 : i32
        %dma_wait3A_101 = arith.constant 0 : i32
        %dma_wait3A_102 = tpu.memref_slice %arg2[%dma_wait3A_100, %dma_wait3A_101] : memref<10240x128xf32, #tpu.memory_space<hbm>> -> memref<128x128xf32, #tpu.memory_space<hbm>>
        %dma_wait3A_103 = arith.constant 0 : i32
        %dma_wait3A_104 = arith.constant 0 : i32
        %dma_wait3A_105 = tpu.memref_slice %arg2[%dma_wait3A_103, %dma_wait3A_104] : memref<10240x128xf32, #tpu.memory_space<hbm>> -> memref<128x128xf32, #tpu.memory_space<hbm>>
        tpu.wait_dma2 semaphore(%arg13 : memref<!tpu.dma_semaphore, #tpu.memory_space<semaphore_mem>>) src(%dma_wait3A_105 : memref<128x128xf32, #tpu.memory_space<hbm>>) dst(%arg9 : memref<128x128xf32, #tpu.memory_space<vmem>>)
        "tpu.region"() ({
          %run_scoped3A_132 = tpu.sem_alloc : memref<!tpu.dma_semaphore, #tpu.memory_space<semaphore_mem>>
          %dma_start3A_133 = arith.constant 0 : i32
          %dma_start3A_134 = tpu.memref_slice %arg8[%add3A_99, %dma_start3A_133] : memref<16x128xi32, #tpu.memory_space<vmem>> -> memref<1x128xi32, #tpu.memory_space<vmem>>
          %dma_start3A_135 = tpu.memref_squeeze %dma_start3A_134 : memref<1x128xi32, #tpu.memory_space<vmem>> -> memref<128xi32, #tpu.memory_space<vmem>>
          %dma_start3A_136 = arith.constant 0 : i32
          %dma_start3A_137 = arith.constant 0 : i32
          %dma_start3A_138 = tpu.memref_slice %arg11[%dma_start3A_136, %dma_start3A_137] : memref<10240x128xf32, #tpu.memory_space<vmem_shared>> -> memref<10240x128xf32, #tpu.memory_space<vmem_shared>>
          tpu.enqueue_indirect_dma source(%arg9 : memref<128x128xf32, #tpu.memory_space<vmem>>) target(%dma_start3A_138 : memref<10240x128xf32, #tpu.memory_space<vmem_shared>>) offsets(%dma_start3A_135 : memref<128xi32, #tpu.memory_space<vmem>>) semaphore(%run_scoped3A_132 : memref<!tpu.dma_semaphore, #tpu.memory_space<semaphore_mem>>) {add = true}
          %dma_wait3A_139 = arith.constant 0 : i32
          %dma_wait3A_140 = tpu.memref_slice %arg8[%add3A_99, %dma_wait3A_139] : memref<16x128xi32, #tpu.memory_space<vmem>> -> memref<1x128xi32, #tpu.memory_space<vmem>>
          %dma_wait3A_141 = tpu.memref_squeeze %dma_wait3A_140 : memref<1x128xi32, #tpu.memory_space<vmem>> -> memref<128xi32, #tpu.memory_space<vmem>>
          %dma_wait3A_142 = arith.constant 0 : i32
          %dma_wait3A_143 = arith.constant 0 : i32
          %dma_wait3A_144 = tpu.memref_slice %arg11[%dma_wait3A_142, %dma_wait3A_143] : memref<10240x128xf32, #tpu.memory_space<vmem_shared>> -> memref<10240x128xf32, #tpu.memory_space<vmem_shared>>
          tpu.wait_indirect_dma semaphore(%run_scoped3A_132 : memref<!tpu.dma_semaphore, #tpu.memory_space<semaphore_mem>>) src(%arg9 : memref<128x128xf32, #tpu.memory_space<vmem>>) dst(%dma_wait3A_144 : memref<10240x128xf32, #tpu.memory_space<vmem_shared>>)
          tpu.yield
        }) : () -> ()
        %add3A_106 = arith.constant 2 : i32
        %add3A_107 = arith.addi %add3A_99, %add3A_106 : i32
        %dma_start3A_108 = arith.constant 0 : i32
        %dma_start3A_109 = tpu.memref_slice %arg7[%add3A_107, %dma_start3A_108] : memref<16x128xi32, #tpu.memory_space<vmem>> -> memref<1x128xi32, #tpu.memory_space<vmem>>
        %dma_start3A_110 = tpu.memref_squeeze %dma_start3A_109 : memref<1x128xi32, #tpu.memory_space<vmem>> -> memref<128xi32, #tpu.memory_space<vmem>>
        %dma_start3A_111 = arith.constant 0 : i32
        %dma_start3A_112 = arith.constant 0 : i32
        %dma_start3A_113 = tpu.memref_slice %arg2[%dma_start3A_111, %dma_start3A_112] : memref<10240x128xf32, #tpu.memory_space<hbm>> -> memref<10240x128xf32, #tpu.memory_space<hbm>>
        tpu.enqueue_indirect_dma source(%dma_start3A_113 : memref<10240x128xf32, #tpu.memory_space<hbm>>) target(%arg9 : memref<128x128xf32, #tpu.memory_space<vmem>>) offsets(%dma_start3A_110 : memref<128xi32, #tpu.memory_space<vmem>>) semaphore(%arg13 : memref<!tpu.dma_semaphore, #tpu.memory_space<semaphore_mem>>)
        %mul3A_114 = arith.constant 2 : i32
        %mul3A_115 = arith.muli %add3A_95, %mul3A_114 : i32
        %add3A_116 = arith.constant 1 : i32
        %add3A_117 = arith.addi %mul3A_115, %add3A_116 : i32
        %dma_wait3A_118 = arith.constant 0 : i32
        %dma_wait3A_119 = arith.constant 0 : i32
        %dma_wait3A_120 = tpu.memref_slice %arg2[%dma_wait3A_118, %dma_wait3A_119] : memref<10240x128xf32, #tpu.memory_space<hbm>> -> memref<128x128xf32, #tpu.memory_space<hbm>>
        %dma_wait3A_121 = arith.constant 0 : i32
        %dma_wait3A_122 = arith.constant 0 : i32
        %dma_wait3A_123 = tpu.memref_slice %arg2[%dma_wait3A_121, %dma_wait3A_122] : memref<10240x128xf32, #tpu.memory_space<hbm>> -> memref<128x128xf32, #tpu.memory_space<hbm>>
        tpu.wait_dma2 semaphore(%arg14 : memref<!tpu.dma_semaphore, #tpu.memory_space<semaphore_mem>>) src(%dma_wait3A_123 : memref<128x128xf32, #tpu.memory_space<hbm>>) dst(%arg10 : memref<128x128xf32, #tpu.memory_space<vmem>>)
        "tpu.region"() ({
          %run_scoped3A_132 = tpu.sem_alloc : memref<!tpu.dma_semaphore, #tpu.memory_space<semaphore_mem>>
          %dma_start3A_133 = arith.constant 0 : i32
          %dma_start3A_134 = tpu.memref_slice %arg8[%add3A_117, %dma_start3A_133] : memref<16x128xi32, #tpu.memory_space<vmem>> -> memref<1x128xi32, #tpu.memory_space<vmem>>
          %dma_start3A_135 = tpu.memref_squeeze %dma_start3A_134 : memref<1x128xi32, #tpu.memory_space<vmem>> -> memref<128xi32, #tpu.memory_space<vmem>>
          %dma_start3A_136 = arith.constant 0 : i32
          %dma_start3A_137 = arith.constant 0 : i32
          %dma_start3A_138 = tpu.memref_slice %arg11[%dma_start3A_136, %dma_start3A_137] : memref<10240x128xf32, #tpu.memory_space<vmem_shared>> -> memref<10240x128xf32, #tpu.memory_space<vmem_shared>>
          tpu.enqueue_indirect_dma source(%arg10 : memref<128x128xf32, #tpu.memory_space<vmem>>) target(%dma_start3A_138 : memref<10240x128xf32, #tpu.memory_space<vmem_shared>>) offsets(%dma_start3A_135 : memref<128xi32, #tpu.memory_space<vmem>>) semaphore(%run_scoped3A_132 : memref<!tpu.dma_semaphore, #tpu.memory_space<semaphore_mem>>) {add = true}
          %dma_wait3A_139 = arith.constant 0 : i32
          %dma_wait3A_140 = tpu.memref_slice %arg8[%add3A_117, %dma_wait3A_139] : memref<16x128xi32, #tpu.memory_space<vmem>> -> memref<1x128xi32, #tpu.memory_space<vmem>>
          %dma_wait3A_141 = tpu.memref_squeeze %dma_wait3A_140 : memref<1x128xi32, #tpu.memory_space<vmem>> -> memref<128xi32, #tpu.memory_space<vmem>>
          %dma_wait3A_142 = arith.constant 0 : i32
          %dma_wait3A_143 = arith.constant 0 : i32
          %dma_wait3A_144 = tpu.memref_slice %arg11[%dma_wait3A_142, %dma_wait3A_143] : memref<10240x128xf32, #tpu.memory_space<vmem_shared>> -> memref<10240x128xf32, #tpu.memory_space<vmem_shared>>
          tpu.wait_indirect_dma semaphore(%run_scoped3A_132 : memref<!tpu.dma_semaphore, #tpu.memory_space<semaphore_mem>>) src(%arg10 : memref<128x128xf32, #tpu.memory_space<vmem>>) dst(%dma_wait3A_144 : memref<10240x128xf32, #tpu.memory_space<vmem_shared>>)
          tpu.yield
        }) : () -> ()
        %add3A_124 = arith.constant 2 : i32
        %add3A_125 = arith.addi %add3A_117, %add3A_124 : i32
        %dma_start3A_126 = arith.constant 0 : i32
        %dma_start3A_127 = tpu.memref_slice %arg7[%add3A_125, %dma_start3A_126] : memref<16x128xi32, #tpu.memory_space<vmem>> -> memref<1x128xi32, #tpu.memory_space<vmem>>
        %dma_start3A_128 = tpu.memref_squeeze %dma_start3A_127 : memref<1x128xi32, #tpu.memory_space<vmem>> -> memref<128xi32, #tpu.memory_space<vmem>>
        %dma_start3A_129 = arith.constant 0 : i32
        %dma_start3A_130 = arith.constant 0 : i32
        %dma_start3A_131 = tpu.memref_slice %arg2[%dma_start3A_129, %dma_start3A_130] : memref<10240x128xf32, #tpu.memory_space<hbm>> -> memref<10240x128xf32, #tpu.memory_space<hbm>>
        tpu.enqueue_indirect_dma source(%dma_start3A_131 : memref<10240x128xf32, #tpu.memory_space<hbm>>) target(%arg10 : memref<128x128xf32, #tpu.memory_space<vmem>>) offsets(%dma_start3A_128 : memref<128xi32, #tpu.memory_space<vmem>>) semaphore(%arg14 : memref<!tpu.dma_semaphore, #tpu.memory_space<semaphore_mem>>)
      }
      %scan3A_77 = arith.constant 7 : i32
      %dma_wait3A_78 = arith.constant 0 : i32
      %dma_wait3A_79 = arith.constant 0 : i32
      %dma_wait3A_80 = tpu.memref_slice %arg2[%dma_wait3A_78, %dma_wait3A_79] : memref<10240x128xf32, #tpu.memory_space<hbm>> -> memref<128x128xf32, #tpu.memory_space<hbm>>
      %dma_wait3A_81 = arith.constant 0 : i32
      %dma_wait3A_82 = arith.constant 0 : i32
      %dma_wait3A_83 = tpu.memref_slice %arg2[%dma_wait3A_81, %dma_wait3A_82] : memref<10240x128xf32, #tpu.memory_space<hbm>> -> memref<128x128xf32, #tpu.memory_space<hbm>>
      tpu.wait_dma2 semaphore(%arg13 : memref<!tpu.dma_semaphore, #tpu.memory_space<semaphore_mem>>) src(%dma_wait3A_83 : memref<128x128xf32, #tpu.memory_space<hbm>>) dst(%arg9 : memref<128x128xf32, #tpu.memory_space<vmem>>)
      %run_scoped3A = arith.constant 14 : i32
      "tpu.region"() ({
        %run_scoped3A_91 = tpu.sem_alloc : memref<!tpu.dma_semaphore, #tpu.memory_space<semaphore_mem>>
        %dma_start3A_92 = arith.constant 0 : i32
        %dma_start3A_93 = tpu.memref_slice %arg8[%run_scoped3A, %dma_start3A_92] : memref<16x128xi32, #tpu.memory_space<vmem>> -> memref<1x128xi32, #tpu.memory_space<vmem>>
        %dma_start3A_94 = tpu.memref_squeeze %dma_start3A_93 : memref<1x128xi32, #tpu.memory_space<vmem>> -> memref<128xi32, #tpu.memory_space<vmem>>
        %dma_start3A_95 = arith.constant 0 : i32
        %dma_start3A_96 = arith.constant 0 : i32
        %dma_start3A_97 = tpu.memref_slice %arg11[%dma_start3A_95, %dma_start3A_96] : memref<10240x128xf32, #tpu.memory_space<vmem_shared>> -> memref<10240x128xf32, #tpu.memory_space<vmem_shared>>
        tpu.enqueue_indirect_dma source(%arg9 : memref<128x128xf32, #tpu.memory_space<vmem>>) target(%dma_start3A_97 : memref<10240x128xf32, #tpu.memory_space<vmem_shared>>) offsets(%dma_start3A_94 : memref<128xi32, #tpu.memory_space<vmem>>) semaphore(%run_scoped3A_91 : memref<!tpu.dma_semaphore, #tpu.memory_space<semaphore_mem>>) {add = true}
        %dma_wait3A_98 = arith.constant 0 : i32
        %dma_wait3A_99 = tpu.memref_slice %arg8[%run_scoped3A, %dma_wait3A_98] : memref<16x128xi32, #tpu.memory_space<vmem>> -> memref<1x128xi32, #tpu.memory_space<vmem>>
        %dma_wait3A_100 = tpu.memref_squeeze %dma_wait3A_99 : memref<1x128xi32, #tpu.memory_space<vmem>> -> memref<128xi32, #tpu.memory_space<vmem>>
        %dma_wait3A_101 = arith.constant 0 : i32
        %dma_wait3A_102 = arith.constant 0 : i32
        %dma_wait3A_103 = tpu.memref_slice %arg11[%dma_wait3A_101, %dma_wait3A_102] : memref<10240x128xf32, #tpu.memory_space<vmem_shared>> -> memref<10240x128xf32, #tpu.memory_space<vmem_shared>>
        tpu.wait_indirect_dma semaphore(%run_scoped3A_91 : memref<!tpu.dma_semaphore, #tpu.memory_space<semaphore_mem>>) src(%arg9 : memref<128x128xf32, #tpu.memory_space<vmem>>) dst(%dma_wait3A_103 : memref<10240x128xf32, #tpu.memory_space<vmem_shared>>)
        tpu.yield
      }) : () -> ()
      %dma_wait3A_84 = arith.constant 0 : i32
      %dma_wait3A_85 = arith.constant 0 : i32
      %dma_wait3A_86 = tpu.memref_slice %arg2[%dma_wait3A_84, %dma_wait3A_85] : memref<10240x128xf32, #tpu.memory_space<hbm>> -> memref<128x128xf32, #tpu.memory_space<hbm>>
      %dma_wait3A_87 = arith.constant 0 : i32
      %dma_wait3A_88 = arith.constant 0 : i32
      %dma_wait3A_89 = tpu.memref_slice %arg2[%dma_wait3A_87, %dma_wait3A_88] : memref<10240x128xf32, #tpu.memory_space<hbm>> -> memref<128x128xf32, #tpu.memory_space<hbm>>
      tpu.wait_dma2 semaphore(%arg14 : memref<!tpu.dma_semaphore, #tpu.memory_space<semaphore_mem>>) src(%dma_wait3A_89 : memref<128x128xf32, #tpu.memory_space<hbm>>) dst(%arg10 : memref<128x128xf32, #tpu.memory_space<vmem>>)
      %run_scoped3A_90 = arith.constant 15 : i32
      "tpu.region"() ({
        %run_scoped3A_91 = tpu.sem_alloc : memref<!tpu.dma_semaphore, #tpu.memory_space<semaphore_mem>>
        %dma_start3A_92 = arith.constant 0 : i32
        %dma_start3A_93 = tpu.memref_slice %arg8[%run_scoped3A_90, %dma_start3A_92] : memref<16x128xi32, #tpu.memory_space<vmem>> -> memref<1x128xi32, #tpu.memory_space<vmem>>
        %dma_start3A_94 = tpu.memref_squeeze %dma_start3A_93 : memref<1x128xi32, #tpu.memory_space<vmem>> -> memref<128xi32, #tpu.memory_space<vmem>>
        %dma_start3A_95 = arith.constant 0 : i32
        %dma_start3A_96 = arith.constant 0 : i32
        %dma_start3A_97 = tpu.memref_slice %arg11[%dma_start3A_95, %dma_start3A_96] : memref<10240x128xf32, #tpu.memory_space<vmem_shared>> -> memref<10240x128xf32, #tpu.memory_space<vmem_shared>>
        tpu.enqueue_indirect_dma source(%arg10 : memref<128x128xf32, #tpu.memory_space<vmem>>) target(%dma_start3A_97 : memref<10240x128xf32, #tpu.memory_space<vmem_shared>>) offsets(%dma_start3A_94 : memref<128xi32, #tpu.memory_space<vmem>>) semaphore(%run_scoped3A_91 : memref<!tpu.dma_semaphore, #tpu.memory_space<semaphore_mem>>) {add = true}
        %dma_wait3A_98 = arith.constant 0 : i32
        %dma_wait3A_99 = tpu.memref_slice %arg8[%run_scoped3A_90, %dma_wait3A_98] : memref<16x128xi32, #tpu.memory_space<vmem>> -> memref<1x128xi32, #tpu.memory_space<vmem>>
        %dma_wait3A_100 = tpu.memref_squeeze %dma_wait3A_99 : memref<1x128xi32, #tpu.memory_space<vmem>> -> memref<128xi32, #tpu.memory_space<vmem>>
        %dma_wait3A_101 = arith.constant 0 : i32
        %dma_wait3A_102 = arith.constant 0 : i32
        %dma_wait3A_103 = tpu.memref_slice %arg11[%dma_wait3A_101, %dma_wait3A_102] : memref<10240x128xf32, #tpu.memory_space<vmem_shared>> -> memref<10240x128xf32, #tpu.memory_space<vmem_shared>>
        tpu.wait_indirect_dma semaphore(%run_scoped3A_91 : memref<!tpu.dma_semaphore, #tpu.memory_space<semaphore_mem>>) src(%arg10 : memref<128x128xf32, #tpu.memory_space<vmem>>) dst(%dma_wait3A_103 : memref<10240x128xf32, #tpu.memory_space<vmem_shared>>)
        tpu.yield
      }) : () -> ()
    }
    %barrier3A_27 = arith.constant 0 : index
    tpu.barrier barrier_id(%barrier3A_27)
    "tpu.region"() ({
      %run_scoped3A = tpu.sem_alloc : memref<!tpu.dma_semaphore, #tpu.memory_space<semaphore_mem>>
      %dma_start3A = arith.constant 0 : i32
      %dma_start3A_28 = tpu.memref_slice %arg6[%arg0, %mul3A_0, %dma_start3A] : memref<2x10240x128xf32, #tpu.memory_space<hbm>> -> memref<1x640x128xf32, #tpu.memory_space<hbm>>
      %dma_start3A_29 = tpu.memref_squeeze %dma_start3A_28 : memref<1x640x128xf32, #tpu.memory_space<hbm>> -> memref<640x128xf32, #tpu.memory_space<hbm>>
      %dma_start3A_30 = arith.constant 0 : i32
      %dma_start3A_31 = tpu.memref_slice %arg11[%mul3A_0, %dma_start3A_30] : memref<10240x128xf32, #tpu.memory_space<vmem_shared>> -> memref<640x128xf32, #tpu.memory_space<vmem_shared>>
      tpu.enqueue_dma source(%dma_start3A_31 : memref<640x128xf32, #tpu.memory_space<vmem_shared>>) target(%dma_start3A_29 : memref<640x128xf32, #tpu.memory_space<hbm>>) target_semaphore(%run_scoped3A : memref<!tpu.dma_semaphore, #tpu.memory_space<semaphore_mem>>)
      %dma_wait3A = arith.constant 0 : i32
      %dma_wait3A_32 = tpu.memref_slice %arg6[%arg0, %mul3A_0, %dma_wait3A] : memref<2x10240x128xf32, #tpu.memory_space<hbm>> -> memref<1x640x128xf32, #tpu.memory_space<hbm>>
      %dma_wait3A_33 = tpu.memref_squeeze %dma_wait3A_32 : memref<1x640x128xf32, #tpu.memory_space<hbm>> -> memref<640x128xf32, #tpu.memory_space<hbm>>
      %dma_wait3A_34 = arith.constant 0 : i32
      %dma_wait3A_35 = tpu.memref_slice %arg11[%mul3A_0, %dma_wait3A_34] : memref<10240x128xf32, #tpu.memory_space<vmem_shared>> -> memref<640x128xf32, #tpu.memory_space<vmem_shared>>
      tpu.wait_dma2 semaphore(%run_scoped3A : memref<!tpu.dma_semaphore, #tpu.memory_space<semaphore_mem>>) src(%dma_wait3A_35 : memref<640x128xf32, #tpu.memory_space<vmem_shared>>) dst(%dma_wait3A_33 : memref<640x128xf32, #tpu.memory_space<hbm>>)
      tpu.yield
    }) : () -> ()
    return
  }
}

module attributes {stable_mosaic.version = 14 : i64} {
  func.func @_mat0_body(%arg0: i32, %arg1: memref<1024x128xf32, #tpu.memory_space<vmem>>, %arg2: memref<128x128xf32, #tpu.memory_space<vmem>>, %arg3: memref<1x128xf32, #tpu.memory_space<vmem>>, %arg4: memref<1024x128xf32, #tpu.memory_space<vmem>>) attributes {dimension_semantics = [#tpu.dimension_semantics<arbitrary>], iteration_bounds = array<i64: 10>, scalar_prefetch = 0 : i64, scratch_operands = 0 : i64, tpu.core_type = #tpu.core_type<tc>, window_params = [{transform_indices = @transform_0, window_bounds = array<i64: 1024, 128>}, {pipeline_mode = #tpu.pipeline_mode<synchronous>, transform_indices = @transform_1, window_bounds = array<i64: 128, 128>}, {pipeline_mode = #tpu.pipeline_mode<synchronous>, transform_indices = @transform_2, window_bounds = array<i64: 1, 128>}, {transform_indices = @transform_3, window_bounds = array<i64: 1024, 128>}]} {
    %get3A = arith.constant 0 : index
    %get3A_0 = arith.constant 0 : index
    %get3A_1 = vector.load %arg1[%get3A, %get3A_0] : memref<1024x128xf32, #tpu.memory_space<vmem>>, vector<1024x128xf32>
    %get3A_2 = arith.constant 0 : index
    %get3A_3 = arith.constant 0 : index
    %get3A_4 = vector.load %arg2[%get3A_2, %get3A_3] : memref<128x128xf32, #tpu.memory_space<vmem>>, vector<128x128xf32>
    %dot_general3A = arith.constant dense<0.000000e+00> : vector<1024x128xf32>
    %dot_general3A_5 = tpu.matmul %get3A_1, %get3A_4, %dot_general3A {dimension_numbers = #tpu.dot_dimension_numbers<[1], [0], [0], [1], [0, 0, 1, 1], [], []>, transpose_lhs_hint = false} : vector<1024x128xf32>, vector<128x128xf32>, vector<1024x128xf32> -> vector<1024x128xf32>
    %get3A_6 = arith.constant 0 : index
    %get3A_7 = arith.constant 0 : index
    %get3A_8 = vector.load %arg3[%get3A_6, %get3A_7] : memref<1x128xf32, #tpu.memory_space<vmem>>, vector<1x128xf32>
    %add3A = vector.broadcast %get3A_8 : vector<1x128xf32> to vector<1024x128xf32>
    %add3A_9 = arith.addf %dot_general3A_5, %add3A : vector<1024x128xf32>
    %swap3A = arith.constant 0 : index
    %swap3A_10 = arith.constant 0 : index
    %swap3A_11 = vector.load %arg4[%swap3A, %swap3A_10] : memref<1024x128xf32, #tpu.memory_space<vmem>>, vector<1024x128xf32>
    tpu.vector_store %arg4[%swap3A, %swap3A_10], %add3A_9 {strides = array<i32>} : memref<1024x128xf32, #tpu.memory_space<vmem>>, vector<1024x128xf32>,
    return
  }
  func.func @transform_0(%arg0: i32) -> (i32, i32) {
    %c0_i32 = arith.constant 0 : i32
    %c0_i32_0 = arith.constant 0 : i32
    return %arg0, %c0_i32 : i32, i32
  }
  func.func @transform_1(%arg0: i32) -> (i32, i32) {
    %c0_i32 = arith.constant 0 : i32
    %c0_i32_0 = arith.constant 0 : i32
    %c0_i32_1 = arith.constant 0 : i32
    return %c0_i32, %c0_i32_0 : i32, i32
  }
  func.func @transform_2(%arg0: i32) -> (i32, i32) {
    %c0_i32 = arith.constant 0 : i32
    %c0_i32_0 = arith.constant 0 : i32
    %c0_i32_1 = arith.constant 0 : i32
    return %c0_i32, %c0_i32_0 : i32, i32
  }
  func.func @transform_3(%arg0: i32) -> (i32, i32) {
    %c0_i32 = arith.constant 0 : i32
    %c0_i32_0 = arith.constant 0 : i32
    return %arg0, %c0_i32 : i32, i32
  }
}

module attributes {stable_mosaic.version = 14 : i64} {
  func.func @_combine1_body(%arg0: i32, %arg1: memref<1024x128xf32, #tpu.memory_space<vmem>>, %arg2: memref<1024x128xf32, #tpu.memory_space<vmem>>, %arg3: memref<1024x128xf32, #tpu.memory_space<vmem>>, %arg4: memref<1024x128xf32, #tpu.memory_space<vmem>>, %arg5: memref<1024x128xf32, #tpu.memory_space<vmem>>, %arg6: memref<1024x128xf32, #tpu.memory_space<vmem>>) attributes {dimension_semantics = [#tpu.dimension_semantics<arbitrary>], iteration_bounds = array<i64: 10>, scalar_prefetch = 0 : i64, scratch_operands = 0 : i64, tpu.core_type = #tpu.core_type<tc>, window_params = [{transform_indices = @transform_0, window_bounds = array<i64: 1024, 128>}, {transform_indices = @transform_1, window_bounds = array<i64: 1024, 128>}, {transform_indices = @transform_2, window_bounds = array<i64: 1024, 128>}, {transform_indices = @transform_3, window_bounds = array<i64: 1024, 128>}, {transform_indices = @transform_4, window_bounds = array<i64: 1024, 128>}, {transform_indices = @transform_5, window_bounds = array<i64: 1024, 128>}]} {
    %get3A = arith.constant 0 : index
    %get3A_0 = arith.constant 0 : index
    %get3A_1 = vector.load %arg1[%get3A, %get3A_0] : memref<1024x128xf32, #tpu.memory_space<vmem>>, vector<1024x128xf32>
    %get3A_2 = arith.constant 0 : index
    %get3A_3 = arith.constant 0 : index
    %get3A_4 = vector.load %arg2[%get3A_2, %get3A_3] : memref<1024x128xf32, #tpu.memory_space<vmem>>, vector<1024x128xf32>
    %add3A = arith.addf %get3A_1, %get3A_4 : vector<1024x128xf32>
    %get3A_5 = arith.constant 0 : index
    %get3A_6 = arith.constant 0 : index
    %get3A_7 = vector.load %arg3[%get3A_5, %get3A_6] : memref<1024x128xf32, #tpu.memory_space<vmem>>, vector<1024x1xf32>
    %get3A_8 = arith.constant 0 : index
    %get3A_9 = arith.constant 0 : index
    %get3A_10 = vector.load %arg4[%get3A_8, %get3A_9] : memref<1024x128xf32, #tpu.memory_space<vmem>>, vector<1024x1xf32>
    %add3A_11 = arith.addf %get3A_7, %get3A_10 : vector<1024x1xf32>
    %max3A = arith.constant 1.000000e+00 : f32
    %max3A_12 = vector.broadcast %max3A : f32 to vector<1024x1xf32>
    %max3A_13 = arith.maximumf %add3A_11, %max3A_12 : vector<1024x1xf32>
    %div3A = arith.constant 1.000000e+00 : f32
    %div3A_14 = vector.broadcast %div3A : f32 to vector<1024x1xf32>
    %div3A_15 = arith.divf %div3A_14, %max3A_13 : vector<1024x1xf32>
    %swap3A = arith.constant 0 : index
    %swap3A_16 = arith.constant 0 : index
    %swap3A_17 = vector.load %arg5[%swap3A, %swap3A_16] : memref<1024x128xf32, #tpu.memory_space<vmem>>, vector<1024x128xf32>
    tpu.vector_store %arg5[%swap3A, %swap3A_16], %add3A {strides = array<i32>} : memref<1024x128xf32, #tpu.memory_space<vmem>>, vector<1024x128xf32>,
    %mul3A = vector.broadcast %div3A_15 : vector<1024x1xf32> to vector<1024x128xf32>
    %mul3A_18 = arith.mulf %add3A, %mul3A : vector<1024x128xf32>
    %swap3A_19 = arith.constant 0 : index
    %swap3A_20 = arith.constant 0 : index
    %swap3A_21 = vector.load %arg6[%swap3A_19, %swap3A_20] : memref<1024x128xf32, #tpu.memory_space<vmem>>, vector<1024x128xf32>
    tpu.vector_store %arg6[%swap3A_19, %swap3A_20], %mul3A_18 {strides = array<i32>} : memref<1024x128xf32, #tpu.memory_space<vmem>>, vector<1024x128xf32>,
    return
  }
  func.func @transform_0(%arg0: i32) -> (i32, i32) {
    %c0_i32 = arith.constant 0 : i32
    %c0_i32_0 = arith.constant 0 : i32
    return %arg0, %c0_i32 : i32, i32
  }
  func.func @transform_1(%arg0: i32) -> (i32, i32) {
    %c0_i32 = arith.constant 0 : i32
    %c0_i32_0 = arith.constant 0 : i32
    return %arg0, %c0_i32 : i32, i32
  }
  func.func @transform_2(%arg0: i32) -> (i32, i32) {
    %c0_i32 = arith.constant 0 : i32
    %c0_i32_0 = arith.constant 0 : i32
    return %arg0, %c0_i32 : i32, i32
  }
  func.func @transform_3(%arg0: i32) -> (i32, i32) {
    %c0_i32 = arith.constant 0 : i32
    %c0_i32_0 = arith.constant 0 : i32
    return %arg0, %c0_i32 : i32, i32
  }
  func.func @transform_4(%arg0: i32) -> (i32, i32) {
    %c0_i32 = arith.constant 0 : i32
    %c0_i32_0 = arith.constant 0 : i32
    return %arg0, %c0_i32 : i32, i32
  }
  func.func @transform_5(%arg0: i32) -> (i32, i32) {
    %c0_i32 = arith.constant 0 : i32
    %c0_i32_0 = arith.constant 0 : i32
    return %arg0, %c0_i32 : i32, i32
  }
}

module attributes {stable_mosaic.version = 14 : i64} {
  func.func @_layer_body(%arg0: i32, %arg1: memref<1024x128xf32, #tpu.memory_space<vmem>>, %arg2: memref<1024x128xf32, #tpu.memory_space<vmem>>, %arg3: memref<1024x128xf32, #tpu.memory_space<vmem>>, %arg4: memref<128x128xf32, #tpu.memory_space<vmem>>, %arg5: memref<1x128xf32, #tpu.memory_space<vmem>>, %arg6: memref<1024x128xf32, #tpu.memory_space<vmem>>, %arg7: memref<1024x128xf32, #tpu.memory_space<vmem>>, %arg8: memref<1024x128xf32, #tpu.memory_space<vmem>>, %arg9: memref<1024x128xf32, #tpu.memory_space<vmem>>) attributes {dimension_semantics = [#tpu.dimension_semantics<arbitrary>], iteration_bounds = array<i64: 10>, scalar_prefetch = 0 : i64, scratch_operands = 0 : i64, tpu.core_type = #tpu.core_type<tc>, window_params = [{transform_indices = @transform_0, window_bounds = array<i64: 1024, 128>}, {transform_indices = @transform_1, window_bounds = array<i64: 1024, 128>}, {transform_indices = @transform_2, window_bounds = array<i64: 1024, 128>}, {pipeline_mode = #tpu.pipeline_mode<synchronous>, transform_indices = @transform_3, window_bounds = array<i64: 128, 128>}, {pipeline_mode = #tpu.pipeline_mode<synchronous>, transform_indices = @transform_4, window_bounds = array<i64: 1, 128>}, {transform_indices = @transform_5, window_bounds = array<i64: 1024, 128>}, {transform_indices = @transform_6, window_bounds = array<i64: 1024, 128>}, {transform_indices = @transform_7, window_bounds = array<i64: 1024, 128>}, {transform_indices = @transform_8, window_bounds = array<i64: 1024, 128>}]} {
    %get3A = arith.constant 0 : index
    %get3A_0 = arith.constant 0 : index
    %get3A_1 = vector.load %arg1[%get3A, %get3A_0] : memref<1024x128xf32, #tpu.memory_space<vmem>>, vector<1024x128xf32>
    %get3A_2 = arith.constant 0 : index
    %get3A_3 = arith.constant 0 : index
    %get3A_4 = vector.load %arg2[%get3A_2, %get3A_3] : memref<1024x128xf32, #tpu.memory_space<vmem>>, vector<1024x128xf32>
    %add3A = arith.addf %get3A_1, %get3A_4 : vector<1024x128xf32>
    %get3A_5 = arith.constant 0 : index
    %get3A_6 = arith.constant 0 : index
    %get3A_7 = vector.load %arg3[%get3A_5, %get3A_6] : memref<1024x128xf32, #tpu.memory_space<vmem>>, vector<1024x128xf32>
    %add3A_8 = arith.addf %add3A, %get3A_7 : vector<1024x128xf32>
    %get3A_9 = arith.constant 0 : index
    %get3A_10 = arith.constant 0 : index
    %get3A_11 = vector.load %arg4[%get3A_9, %get3A_10] : memref<128x128xf32, #tpu.memory_space<vmem>>, vector<128x128xf32>
    %dot_general3A = arith.constant dense<0.000000e+00> : vector<1024x128xf32>
    %dot_general3A_12 = tpu.matmul %add3A_8, %get3A_11, %dot_general3A {dimension_numbers = #tpu.dot_dimension_numbers<[1], [0], [0], [1], [0, 0, 1, 1], [], []>, transpose_lhs_hint = false} : vector<1024x128xf32>, vector<128x128xf32>, vector<1024x128xf32> -> vector<1024x128xf32>
    %get3A_13 = arith.constant 0 : index
    %get3A_14 = arith.constant 0 : index
    %get3A_15 = vector.load %arg5[%get3A_13, %get3A_14] : memref<1x128xf32, #tpu.memory_space<vmem>>, vector<1x128xf32>
    %add3A_16 = vector.broadcast %get3A_15 : vector<1x128xf32> to vector<1024x128xf32>
    %add3A_17 = arith.addf %dot_general3A_12, %add3A_16 : vector<1024x128xf32>
    %get3A_18 = arith.constant 0 : index
    %get3A_19 = arith.constant 0 : index
    %get3A_20 = vector.load %arg6[%get3A_18, %get3A_19] : memref<1024x128xf32, #tpu.memory_space<vmem>>, vector<1024x1xf32>
    %get3A_21 = arith.constant 0 : index
    %get3A_22 = arith.constant 0 : index
    %get3A_23 = vector.load %arg7[%get3A_21, %get3A_22] : memref<1024x128xf32, #tpu.memory_space<vmem>>, vector<1024x1xf32>
    %add3A_24 = arith.addf %get3A_20, %get3A_23 : vector<1024x1xf32>
    %max3A = arith.constant 1.000000e+00 : f32
    %max3A_25 = vector.broadcast %max3A : f32 to vector<1024x1xf32>
    %max3A_26 = arith.maximumf %add3A_24, %max3A_25 : vector<1024x1xf32>
    %div3A = arith.constant 1.000000e+00 : f32
    %div3A_27 = vector.broadcast %div3A : f32 to vector<1024x1xf32>
    %div3A_28 = arith.divf %div3A_27, %max3A_26 : vector<1024x1xf32>
    %swap3A = arith.constant 0 : index
    %swap3A_29 = arith.constant 0 : index
    %swap3A_30 = vector.load %arg8[%swap3A, %swap3A_29] : memref<1024x128xf32, #tpu.memory_space<vmem>>, vector<1024x128xf32>
    tpu.vector_store %arg8[%swap3A, %swap3A_29], %add3A_17 {strides = array<i32>} : memref<1024x128xf32, #tpu.memory_space<vmem>>, vector<1024x128xf32>,
    %mul3A = vector.broadcast %div3A_28 : vector<1024x1xf32> to vector<1024x128xf32>
    %mul3A_31 = arith.mulf %add3A_17, %mul3A : vector<1024x128xf32>
    %swap3A_32 = arith.constant 0 : index
    %swap3A_33 = arith.constant 0 : index
    %swap3A_34 = vector.load %arg9[%swap3A_32, %swap3A_33] : memref<1024x128xf32, #tpu.memory_space<vmem>>, vector<1024x128xf32>
    tpu.vector_store %arg9[%swap3A_32, %swap3A_33], %mul3A_31 {strides = array<i32>} : memref<1024x128xf32, #tpu.memory_space<vmem>>, vector<1024x128xf32>,
    return
  }
  func.func @transform_0(%arg0: i32) -> (i32, i32) {
    %c0_i32 = arith.constant 0 : i32
    %c0_i32_0 = arith.constant 0 : i32
    return %arg0, %c0_i32 : i32, i32
  }
  func.func @transform_1(%arg0: i32) -> (i32, i32) {
    %c0_i32 = arith.constant 0 : i32
    %c0_i32_0 = arith.constant 0 : i32
    return %arg0, %c0_i32 : i32, i32
  }
  func.func @transform_2(%arg0: i32) -> (i32, i32) {
    %c0_i32 = arith.constant 0 : i32
    %c0_i32_0 = arith.constant 0 : i32
    return %arg0, %c0_i32 : i32, i32
  }
  func.func @transform_3(%arg0: i32) -> (i32, i32) {
    %c0_i32 = arith.constant 0 : i32
    %c0_i32_0 = arith.constant 0 : i32
    %c0_i32_1 = arith.constant 0 : i32
    return %c0_i32, %c0_i32_0 : i32, i32
  }
  func.func @transform_4(%arg0: i32) -> (i32, i32) {
    %c0_i32 = arith.constant 0 : i32
    %c0_i32_0 = arith.constant 0 : i32
    %c0_i32_1 = arith.constant 0 : i32
    return %c0_i32, %c0_i32_0 : i32, i32
  }
  func.func @transform_5(%arg0: i32) -> (i32, i32) {
    %c0_i32 = arith.constant 0 : i32
    %c0_i32_0 = arith.constant 0 : i32
    return %arg0, %c0_i32 : i32, i32
  }
  func.func @transform_6(%arg0: i32) -> (i32, i32) {
    %c0_i32 = arith.constant 0 : i32
    %c0_i32_0 = arith.constant 0 : i32
    return %arg0, %c0_i32 : i32, i32
  }
  func.func @transform_7(%arg0: i32) -> (i32, i32) {
    %c0_i32 = arith.constant 0 : i32
    %c0_i32_0 = arith.constant 0 : i32
    return %arg0, %c0_i32 : i32, i32
  }
  func.func @transform_8(%arg0: i32) -> (i32, i32) {
    %c0_i32 = arith.constant 0 : i32
    %c0_i32_0 = arith.constant 0 : i32
    return %arg0, %c0_i32 : i32, i32
  }
}

module attributes {stable_mosaic.version = 14 : i64} {
  func.func @_layer_body(%arg0: i32, %arg1: memref<1024x128xf32, #tpu.memory_space<vmem>>, %arg2: memref<1024x128xf32, #tpu.memory_space<vmem>>, %arg3: memref<1024x128xf32, #tpu.memory_space<vmem>>, %arg4: memref<128x128xf32, #tpu.memory_space<vmem>>, %arg5: memref<1x128xf32, #tpu.memory_space<vmem>>, %arg6: memref<1024x128xf32, #tpu.memory_space<vmem>>, %arg7: memref<1024x128xf32, #tpu.memory_space<vmem>>, %arg8: memref<1024x128xf32, #tpu.memory_space<vmem>>, %arg9: memref<1024x128xf32, #tpu.memory_space<vmem>>) attributes {dimension_semantics = [#tpu.dimension_semantics<arbitrary>], iteration_bounds = array<i64: 10>, scalar_prefetch = 0 : i64, scratch_operands = 0 : i64, tpu.core_type = #tpu.core_type<tc>, window_params = [{transform_indices = @transform_0, window_bounds = array<i64: 1024, 128>}, {transform_indices = @transform_1, window_bounds = array<i64: 1024, 128>}, {transform_indices = @transform_2, window_bounds = array<i64: 1024, 128>}, {pipeline_mode = #tpu.pipeline_mode<synchronous>, transform_indices = @transform_3, window_bounds = array<i64: 128, 128>}, {pipeline_mode = #tpu.pipeline_mode<synchronous>, transform_indices = @transform_4, window_bounds = array<i64: 1, 128>}, {transform_indices = @transform_5, window_bounds = array<i64: 1024, 128>}, {transform_indices = @transform_6, window_bounds = array<i64: 1024, 128>}, {transform_indices = @transform_7, window_bounds = array<i64: 1024, 128>}, {transform_indices = @transform_8, window_bounds = array<i64: 1024, 128>}]} {
    %get3A = arith.constant 0 : index
    %get3A_0 = arith.constant 0 : index
    %get3A_1 = vector.load %arg1[%get3A, %get3A_0] : memref<1024x128xf32, #tpu.memory_space<vmem>>, vector<1024x128xf32>
    %get3A_2 = arith.constant 0 : index
    %get3A_3 = arith.constant 0 : index
    %get3A_4 = vector.load %arg2[%get3A_2, %get3A_3] : memref<1024x128xf32, #tpu.memory_space<vmem>>, vector<1024x128xf32>
    %add3A = arith.addf %get3A_1, %get3A_4 : vector<1024x128xf32>
    %get3A_5 = arith.constant 0 : index
    %get3A_6 = arith.constant 0 : index
    %get3A_7 = vector.load %arg3[%get3A_5, %get3A_6] : memref<1024x128xf32, #tpu.memory_space<vmem>>, vector<1024x128xf32>
    %add3A_8 = arith.addf %add3A, %get3A_7 : vector<1024x128xf32>
    %get3A_9 = arith.constant 0 : index
    %get3A_10 = arith.constant 0 : index
    %get3A_11 = vector.load %arg4[%get3A_9, %get3A_10] : memref<128x128xf32, #tpu.memory_space<vmem>>, vector<128x128xf32>
    %dot_general3A = arith.constant dense<0.000000e+00> : vector<1024x128xf32>
    %dot_general3A_12 = tpu.matmul %add3A_8, %get3A_11, %dot_general3A {dimension_numbers = #tpu.dot_dimension_numbers<[1], [0], [0], [1], [0, 0, 1, 1], [], []>, transpose_lhs_hint = false} : vector<1024x128xf32>, vector<128x128xf32>, vector<1024x128xf32> -> vector<1024x128xf32>
    %get3A_13 = arith.constant 0 : index
    %get3A_14 = arith.constant 0 : index
    %get3A_15 = vector.load %arg5[%get3A_13, %get3A_14] : memref<1x128xf32, #tpu.memory_space<vmem>>, vector<1x128xf32>
    %add3A_16 = vector.broadcast %get3A_15 : vector<1x128xf32> to vector<1024x128xf32>
    %add3A_17 = arith.addf %dot_general3A_12, %add3A_16 : vector<1024x128xf32>
    %get3A_18 = arith.constant 0 : index
    %get3A_19 = arith.constant 0 : index
    %get3A_20 = vector.load %arg6[%get3A_18, %get3A_19] : memref<1024x128xf32, #tpu.memory_space<vmem>>, vector<1024x1xf32>
    %get3A_21 = arith.constant 0 : index
    %get3A_22 = arith.constant 0 : index
    %get3A_23 = vector.load %arg7[%get3A_21, %get3A_22] : memref<1024x128xf32, #tpu.memory_space<vmem>>, vector<1024x1xf32>
    %add3A_24 = arith.addf %get3A_20, %get3A_23 : vector<1024x1xf32>
    %max3A = arith.constant 1.000000e+00 : f32
    %max3A_25 = vector.broadcast %max3A : f32 to vector<1024x1xf32>
    %max3A_26 = arith.maximumf %add3A_24, %max3A_25 : vector<1024x1xf32>
    %div3A = arith.constant 1.000000e+00 : f32
    %div3A_27 = vector.broadcast %div3A : f32 to vector<1024x1xf32>
    %div3A_28 = arith.divf %div3A_27, %max3A_26 : vector<1024x1xf32>
    %swap3A = arith.constant 0 : index
    %swap3A_29 = arith.constant 0 : index
    %swap3A_30 = vector.load %arg8[%swap3A, %swap3A_29] : memref<1024x128xf32, #tpu.memory_space<vmem>>, vector<1024x128xf32>
    tpu.vector_store %arg8[%swap3A, %swap3A_29], %add3A_17 {strides = array<i32>} : memref<1024x128xf32, #tpu.memory_space<vmem>>, vector<1024x128xf32>,
    %mul3A = vector.broadcast %div3A_28 : vector<1024x1xf32> to vector<1024x128xf32>
    %mul3A_31 = arith.mulf %add3A_17, %mul3A : vector<1024x128xf32>
    %swap3A_32 = arith.constant 0 : index
    %swap3A_33 = arith.constant 0 : index
    %swap3A_34 = vector.load %arg9[%swap3A_32, %swap3A_33] : memref<1024x128xf32, #tpu.memory_space<vmem>>, vector<1024x128xf32>
    tpu.vector_store %arg9[%swap3A_32, %swap3A_33], %mul3A_31 {strides = array<i32>} : memref<1024x128xf32, #tpu.memory_space<vmem>>, vector<1024x128xf32>,
    return
  }
  func.func @transform_0(%arg0: i32) -> (i32, i32) {
    %c0_i32 = arith.constant 0 : i32
    %c0_i32_0 = arith.constant 0 : i32
    return %arg0, %c0_i32 : i32, i32
  }
  func.func @transform_1(%arg0: i32) -> (i32, i32) {
    %c0_i32 = arith.constant 0 : i32
    %c0_i32_0 = arith.constant 0 : i32
    return %arg0, %c0_i32 : i32, i32
  }
  func.func @transform_2(%arg0: i32) -> (i32, i32) {
    %c0_i32 = arith.constant 0 : i32
    %c0_i32_0 = arith.constant 0 : i32
    return %arg0, %c0_i32 : i32, i32
  }
  func.func @transform_3(%arg0: i32) -> (i32, i32) {
    %c0_i32 = arith.constant 0 : i32
    %c0_i32_0 = arith.constant 0 : i32
    %c0_i32_1 = arith.constant 0 : i32
    return %c0_i32, %c0_i32_0 : i32, i32
  }
  func.func @transform_4(%arg0: i32) -> (i32, i32) {
    %c0_i32 = arith.constant 0 : i32
    %c0_i32_0 = arith.constant 0 : i32
    %c0_i32_1 = arith.constant 0 : i32
    return %c0_i32, %c0_i32_0 : i32, i32
  }
  func.func @transform_5(%arg0: i32) -> (i32, i32) {
    %c0_i32 = arith.constant 0 : i32
    %c0_i32_0 = arith.constant 0 : i32
    return %arg0, %c0_i32 : i32, i32
  }
  func.func @transform_6(%arg0: i32) -> (i32, i32) {
    %c0_i32 = arith.constant 0 : i32
    %c0_i32_0 = arith.constant 0 : i32
    return %arg0, %c0_i32 : i32, i32
  }
  func.func @transform_7(%arg0: i32) -> (i32, i32) {
    %c0_i32 = arith.constant 0 : i32
    %c0_i32_0 = arith.constant 0 : i32
    return %arg0, %c0_i32 : i32, i32
  }
  func.func @transform_8(%arg0: i32) -> (i32, i32) {
    %c0_i32 = arith.constant 0 : i32
    %c0_i32_0 = arith.constant 0 : i32
    return %arg0, %c0_i32 : i32, i32
  }
}

module attributes {stable_mosaic.version = 14 : i64} {
  func.func @_final_body(%arg0: i32, %arg1: memref<1024x128xf32, #tpu.memory_space<vmem>>, %arg2: memref<128x128xf32, #tpu.memory_space<vmem>>, %arg3: memref<1x128xf32, #tpu.memory_space<vmem>>, %arg4: memref<1x128xf32, #tpu.memory_space<vmem>>, %arg5: memref<1x128xf32, #tpu.memory_space<vmem>>) attributes {dimension_semantics = [#tpu.dimension_semantics<arbitrary>], iteration_bounds = array<i64: 10>, scalar_prefetch = 0 : i64, scratch_operands = 1 : i64, tpu.core_type = #tpu.core_type<tc>, window_params = [{transform_indices = @transform_0, window_bounds = array<i64: 1024, 128>}, {pipeline_mode = #tpu.pipeline_mode<synchronous>, transform_indices = @transform_1, window_bounds = array<i64: 128, 128>}, {pipeline_mode = #tpu.pipeline_mode<synchronous>, transform_indices = @transform_2, window_bounds = array<i64: 1, 128>}, {pipeline_mode = #tpu.pipeline_mode<synchronous>, transform_indices = @transform_3, window_bounds = array<i64: 1, 128>}]} {
    %eq3A = arith.constant 0 : i32
    %eq3A_0 = arith.cmpi eq, %arg0, %eq3A : i32
    %convert_element_type3A = arith.extui %eq3A_0 : i1 to i32
    %cond3A = arith.constant 0 : i32
    %cond3A_1 = arith.cmpi ne, %convert_element_type3A, %cond3A : i32
    scf.if %cond3A_1 {
      %broadcast_in_dim3A_21 = arith.constant 0.000000e+00 : f32
      %broadcast_in_dim3A_22 = vector.broadcast %broadcast_in_dim3A_21 : f32 to vector<1x128xf32>
      %swap3A_23 = arith.constant 0 : index
      %swap3A_24 = arith.constant 0 : index
      %swap3A_25 = vector.load %arg5[%swap3A_23, %swap3A_24] : memref<1x128xf32, #tpu.memory_space<vmem>>, vector<1x128xf32>
      tpu.vector_store %arg5[%swap3A_23, %swap3A_24], %broadcast_in_dim3A_22 {strides = array<i32>} : memref<1x128xf32, #tpu.memory_space<vmem>>, vector<1x128xf32>,
    } else {
    }
    %iota3A = tpu.iota {dimensions = array<i32: 0>} : vector<1024x128xi32>
    %mul3A = arith.constant 1024 : i32
    %mul3A_2 = arith.muli %arg0, %mul3A : i32
    %add3A = vector.broadcast %mul3A_2 : i32 to vector<1024x128xi32>
    %add3A_3 = arith.addi %iota3A, %add3A : vector<1024x128xi32>
    %lt3A = arith.constant 10000 : i32
    %lt3A_4 = vector.broadcast %lt3A : i32 to vector<1024x128xi32>
    %lt3A_5 = arith.cmpi slt, %add3A_3, %lt3A_4 : vector<1024x128xi32>
    %get3A = arith.constant 0 : index
    %get3A_6 = arith.constant 0 : index
    %get3A_7 = vector.load %arg1[%get3A, %get3A_6] : memref<1024x128xf32, #tpu.memory_space<vmem>>, vector<1024x128xf32>
    %jit3A = arith.constant 0.000000e+00 : f32
    %broadcast_in_dim3A = vector.broadcast %jit3A : f32 to vector<1024x128xf32>
    %select_n3A = arith.select %lt3A_5, %get3A_7, %broadcast_in_dim3A : vector<1024x128xi1>, vector<1024x128xf32>
    %get3A_8 = arith.constant 0 : index
    %get3A_9 = arith.constant 0 : index
    %get3A_10 = vector.load %arg5[%get3A_8, %get3A_9] : memref<1x128xf32, #tpu.memory_space<vmem>>, vector<1x128xf32>
    %reduce_sum3A = arith.constant dense<0.000000e+00> : vector<128xf32>
    %reduce_sum3A_11 = vector.multi_reduction <add>, %select_n3A, %reduce_sum3A [0] : vector<1024x128xf32> to vector<128xf32>
    %broadcast_in_dim3A_12 = vector.shape_cast %reduce_sum3A_11 : vector<128xf32> to vector<1x128xf32>
    %add3A_13 = arith.addf %get3A_10, %broadcast_in_dim3A_12 : vector<1x128xf32>
    %swap3A = arith.constant 0 : index
    %swap3A_14 = arith.constant 0 : index
    %swap3A_15 = vector.load %arg5[%swap3A, %swap3A_14] : memref<1x128xf32, #tpu.memory_space<vmem>>, vector<1x128xf32>
    tpu.vector_store %arg5[%swap3A, %swap3A_14], %add3A_13 {strides = array<i32>} : memref<1x128xf32, #tpu.memory_space<vmem>>, vector<1x128xf32>,
    %eq3A_16 = arith.constant 9 : i32
    %eq3A_17 = arith.cmpi eq, %arg0, %eq3A_16 : i32
    %convert_element_type3A_18 = arith.extui %eq3A_17 : i1 to i32
    %cond3A_19 = arith.constant 0 : i32
    %cond3A_20 = arith.cmpi ne, %convert_element_type3A_18, %cond3A_19 : i32
    scf.if %cond3A_20 {
      %get3A_21 = arith.constant 0 : index
      %get3A_22 = arith.constant 0 : index
      %get3A_23 = vector.load %arg5[%get3A_21, %get3A_22] : memref<1x128xf32, #tpu.memory_space<vmem>>, vector<1x128xf32>
      %mul3A_24 = arith.constant 9.99999974E-5 : f32
      %mul3A_25 = vector.broadcast %mul3A_24 : f32 to vector<1x128xf32>
      %mul3A_26 = arith.mulf %get3A_23, %mul3A_25 : vector<1x128xf32>
      %get3A_27 = arith.constant 0 : index
      %get3A_28 = arith.constant 0 : index
      %get3A_29 = vector.load %arg2[%get3A_27, %get3A_28] : memref<128x128xf32, #tpu.memory_space<vmem>>, vector<128x128xf32>
      %dot_general3A = arith.constant dense<0.000000e+00> : vector<1x128xf32>
      %dot_general3A_30 = tpu.matmul %mul3A_26, %get3A_29, %dot_general3A {dimension_numbers = #tpu.dot_dimension_numbers<[1], [0], [0], [1], [0, 0, 1, 1], [], []>, transpose_lhs_hint = false} : vector<1x128xf32>, vector<128x128xf32>, vector<1x128xf32> -> vector<1x128xf32>
      %get3A_31 = arith.constant 0 : index
      %get3A_32 = arith.constant 0 : index
      %get3A_33 = vector.load %arg3[%get3A_31, %get3A_32] : memref<1x128xf32, #tpu.memory_space<vmem>>, vector<1x128xf32>
      %add3A_34 = arith.addf %dot_general3A_30, %get3A_33 : vector<1x128xf32>
      %iota3A_35 = tpu.iota {dimensions = array<i32: 1>} : vector<1x128xi32>
      %lt3A_36 = arith.constant 16 : i32
      %lt3A_37 = vector.broadcast %lt3A_36 : i32 to vector<1x128xi32>
      %lt3A_38 = arith.cmpi slt, %iota3A_35, %lt3A_37 : vector<1x128xi32>
      %jit3A_39 = arith.constant -1.000000e+30 : f32
      %broadcast_in_dim3A_40 = vector.broadcast %jit3A_39 : f32 to vector<1x128xf32>
      %select_n3A_41 = arith.select %lt3A_38, %add3A_34, %broadcast_in_dim3A_40 : vector<1x128xi1>, vector<1x128xf32>
      %reduce_max3A = arith.constant dense<0xFF800000> : vector<1xf32>
      %reduce_max3A_42 = vector.multi_reduction <maximumf>, %select_n3A_41, %reduce_max3A [1] : vector<1x128xf32> to vector<1xf32>
      %broadcast_in_dim3A_43 = vector.shape_cast %reduce_max3A_42 : vector<1xf32> to vector<1x1xf32>
      %sub3A = vector.broadcast %broadcast_in_dim3A_43 : vector<1x1xf32> to vector<1x128xf32>
      %sub3A_44 = arith.subf %select_n3A_41, %sub3A : vector<1x128xf32>
      %exp3A = math.exp %sub3A_44 : vector<1x128xf32>
      %jit3A_45 = arith.constant 0.000000e+00 : f32
      %broadcast_in_dim3A_46 = vector.broadcast %jit3A_45 : f32 to vector<1x128xf32>
      %select_n3A_47 = arith.select %lt3A_38, %exp3A, %broadcast_in_dim3A_46 : vector<1x128xi1>, vector<1x128xf32>
      %reduce_sum3A_48 = arith.constant dense<0.000000e+00> : vector<1xf32>
      %reduce_sum3A_49 = vector.multi_reduction <add>, %select_n3A_47, %reduce_sum3A_48 [1] : vector<1x128xf32> to vector<1xf32>
      %broadcast_in_dim3A_50 = vector.shape_cast %reduce_sum3A_49 : vector<1xf32> to vector<1x1xf32>
      %div3A = vector.broadcast %broadcast_in_dim3A_50 : vector<1x1xf32> to vector<1x128xf32>
      %div3A_51 = arith.divf %select_n3A_47, %div3A : vector<1x128xf32>
      %swap3A_52 = arith.constant 0 : index
      %swap3A_53 = arith.constant 0 : index
      %swap3A_54 = vector.load %arg4[%swap3A_52, %swap3A_53] : memref<1x128xf32, #tpu.memory_space<vmem>>, vector<1x128xf32>
      tpu.vector_store %arg4[%swap3A_52, %swap3A_53], %div3A_51 {strides = array<i32>} : memref<1x128xf32, #tpu.memory_space<vmem>>, vector<1x128xf32>,
    } else {
    }
    return
  }
  func.func @transform_0(%arg0: i32) -> (i32, i32) {
    %c0_i32 = arith.constant 0 : i32
    %c0_i32_0 = arith.constant 0 : i32
    return %arg0, %c0_i32 : i32, i32
  }
  func.func @transform_1(%arg0: i32) -> (i32, i32) {
    %c0_i32 = arith.constant 0 : i32
    %c0_i32_0 = arith.constant 0 : i32
    %c0_i32_1 = arith.constant 0 : i32
    return %c0_i32, %c0_i32_0 : i32, i32
  }
  func.func @transform_2(%arg0: i32) -> (i32, i32) {
    %c0_i32 = arith.constant 0 : i32
    %c0_i32_0 = arith.constant 0 : i32
    %c0_i32_1 = arith.constant 0 : i32
    return %c0_i32, %c0_i32_0 : i32, i32
  }
  func.func @transform_3(%arg0: i32) -> (i32, i32) {
    %c0_i32 = arith.constant 0 : i32
    %c0_i32_0 = arith.constant 0 : i32
    %c0_i32_1 = arith.constant 0 : i32
    return %c0_i32, %c0_i32_0 : i32, i32
  }
}

</mosaic_0001>

<sc_bundles>
// kernel: kernel.13.cloned.1.call-start
scs
__scs_entry_jumppad:
0x0: {  	(pc) =	sbr.rel $0x88, $3  }
0x1: {  	(tag) =	ssettag $0x0;
	lr =	simm.s32 $0x1  }
0x2: {  	[smem:$0x3F99] =	sst lr;
	_ =	strace $0xD0000000  }
0x3: {  	_ = 	snop  }
0x4: {  	_ = 	snop  }
0x5: {  	_ = 	snop  }
0x6: {  	_ = 	snop  }
0x7: {  	_ = 	snop  }
__scs_overlays_trampoline_lowered:
0x8: {  	[smem:$0x3FA8] =	sst s0  }
0x9: {  	[smem:$0x3FA9] =	sst s1  }
0xa: {  	[smem:$0x3FAA] =	sst s2  }
0xb: {  	[smem:$0x3FAB] =	sst s3  }
0xc: {  	[smem:$0x3FAC] =	sst s4  }
0xd: {  	[smem:$0x3FAD] =	sst s5  }
0xe: {  	[smem:$0x3FAE] =	sst s6  }
0xf: {  	[smem:$0x3FAF] =	sst s7  }
0x10: {  	[smem:$0x3FB0] =	sst s8  }
0x11: {  	[smem:$0x3FB1] =	sst s9;
	s0 =	simm.s32 @!p0 $0x0  }
0x12: {  	s1 =	sld [smem:$0x3F97];
	s0 =	simm.s32 @p0 $0x1  }
0x13: {  	[smem:$0x3FB2] =	sst s0;
	s0 =	simm.s32 @!p1 $0x0  }
0x14: {  	s2 =	sld [smem:$0x3F96];
	s0 =	simm.s32 @p1 $0x1  }
0x15: {  	[smem:$0x3FB3] =	sst s0;
	s0 =	simm.s32 @!p2 $0x0  }
0x16: {  	s3 =	sld [smem:$0x3FDB];
	s0 =	simm.s32 @p2 $0x1  }
0x17: {  	s4 =	simm.s32 $0x1BF5;
	[smem:$0x3FB5] =	sst s0  }
0x18: {  	s0 =	sld [smem:$0x3F98];
	_ =	swait.ge [sflag:s4], $0x0  }
0x19: {  	s7 =	sld [smem:$0x3F99]  }
0x1a: {  	s8 =	sadd.s32 $0xFFFFE003, lr  }
0x1b: {  	s9 =	sadd.s32 $0xFFFFFEF7, lr;
	s5 =	simm.s32 $0xFFFFFFFF;
	p2 =	slt.u32 s8, $0xFFFFF086  }
0x1c: {  	p1 =	slt.u32 s9, $0xF7A;
	s5 =	simm.s32 @!p2 $0x0  }
0x1d: {  	s5 =	simm.s32 @p1 $0x1;
	p0 =	seq.s32 s7, s2  }
0x1e: {  	s7 =	smul.u32 @!p0 $0xF7A, s2;
	p2 =	seq.s32 @!p0 s5, $0x0  }
0x1f: {  	s9 =	smul.u32 $0xF7A, s1;
	s8 =	simm.s32 @!p0 $0x1BF5;
	p2 =	por !p2, p0  }
0x20: {  	[sflag:s8] =	ssyncset.s32 @!p0 $0xFFFFF086;
	s6 =	sadd.s32 @!p0 s3, s7;
	s7 =	simm.s32 @!p0 $0x108  }
0x21: {  	s3 =	sadd.s32 s3, s9;
	s6 =	sadd.s32 @!p0 $0x88, s6;
	s7 =	simm.s32 @p2 $0x1082  }
0x22: {  	[simem:s7], [sflag:s8] =	dma.local @!p0 [hbm:s6], $0xF7A  }
0x23: {  	s9 =	sor.u32 $0xD0000000, s2;
	s6 =	simm.s32 $0x108;
	_ =	swait.ge @!p0 [sflag:s8], $0x0  }
0x24: {  	s3 =	sadd.s32 $0x88, s3;
	s6 =	simm.s32 @!p1 $0x1082;
	[sflag:s4] =	ssyncset.s32 $0xFFFFF086  }
0x25: {  	[simem:s6], [sflag:s4] =	dma.local [hbm:s3], $0xF7A  }
0x26: {  	[smem:$0x3F99] =	sst s1;
	(tag) =	ssettag s2;
	_ =	strace s9  }
0x27: {  	s1 =	sld [smem:$0x3FA9]  }
0x28: {  	s2 =	sld [smem:$0x3FAA]  }
0x29: {  	s4 =	sld [smem:$0x3FAC]  }
0x2a: {  	p0 =	seq.s32 s5, $0x0;
	s5 =	sld [smem:$0x3FAD]  }
0x2b: {  	s6 =	sld [smem:$0x3FAE]  }
0x2c: {  	s7 =	sld [smem:$0x3FAF]  }
0x2d: {  	s3 =	simm.s32 $0x108;
	s8 =	sld [smem:$0x3FB0]  }
0x2e: {  	s3 =	simm.s32 @!p0 $0x1082;
	s9 =	sld [smem:$0x3FB1]  }
0x2f: {  	lr =	sadd.s32 s0, s3;
	s0 =	sld [smem:$0x3FA8]  }
0x30: {  	s3 =	sld [smem:$0x3FAB]  }
0x31: {  	[smem:$0x3FB4] =	sst s10  }
0x32: {  	s10 =	sld [smem:$0x3FB2];
	_ =	sdelay $0x3  }
0x33: {  	p0 =	seq.s32 s10, $0x1;
	s10 =	sld [smem:$0x3FB4];
	_ =	sdelay $0x3  }
0x34: {  	[smem:$0x3FB4] =	sst s10  }
0x35: {  	s10 =	sld [smem:$0x3FB3];
	_ =	sdelay $0x3  }
0x36: {  	p1 =	seq.s32 s10, $0x1;
	s10 =	sld [smem:$0x3FB4];
	_ =	sdelay $0x3  }
0x37: {  	[smem:$0x3FB4] =	sst s10  }
0x38: {  	s10 =	sld [smem:$0x3FB5]  }
0x39: {  	_ = 	snop;
	(pc) =	sbr.ind lr, $3  }
0x3a: {  	_ = 	snop  }
0x3b: {  	_ = 	snop  }
0x3c: {  	p2 =	seq.s32 s10, $0x1;
	s10 =	sld [smem:$0x3FB4]  }
0x3d: {  	_ =	shalt  }
0x3e: {  	_ =	shalt  }
0x3f: {  	_ =	shalt  }
0x40: {  	_ =	shalt  }
0x41: {  	_ =	shalt  }
0x42: {  	_ =	shalt  }
0x43: {  	_ =	shalt  }
0x44: {  	_ =	shalt  }
0x45: {  	_ =	shalt  }
0x46: {  	_ =	shalt  }
0x47: {  	_ =	shalt  }
0x48: {  	_ =	shalt  }
0x49: {  	_ =	shalt  }
0x4a: {  	_ =	shalt  }
0x4b: {  	_ =	shalt  }
0x4c: {  	_ =	shalt  }
0x4d: {  	_ =	shalt  }
0x4e: {  	_ =	shalt  }
0x4f: {  	_ =	shalt  }
0x50: {  	_ =	shalt  }
0x51: {  	_ =	shalt  }
0x52: {  	_ =	shalt  }
0x53: {  	_ =	shalt  }
0x54: {  	_ =	shalt  }
0x55: {  	_ =	shalt  }
0x56: {  	_ =	shalt  }
0x57: {  	_ =	shalt  }
0x58: {  	_ =	shalt  }
0x59: {  	_ =	shalt  }
0x5a: {  	_ =	shalt  }
0x5b: {  	_ =	shalt  }
0x5c: {  	_ =	shalt  }
0x5d: {  	_ =	shalt  }
0x5e: {  	_ =	shalt  }
0x5f: {  	_ =	shalt  }
0x60: {  	_ =	shalt  }
0x61: {  	_ =	shalt  }
0x62: {  	_ =	shalt  }
0x63: {  	_ =	shalt  }
0x64: {  	_ =	shalt  }
0x65: {  	_ =	shalt  }
0x66: {  	_ =	shalt  }
0x67: {  	_ =	shalt  }
0x68: {  	_ =	shalt  }
0x69: {  	_ =	shalt  }
0x6a: {  	_ =	shalt  }
0x6b: {  	_ =	shalt  }
0x6c: {  	_ =	shalt  }
0x6d: {  	_ =	shalt  }
0x6e: {  	_ =	shalt  }
0x6f: {  	_ =	shalt  }
0x70: {  	_ =	shalt  }
0x71: {  	_ =	shalt  }
0x72: {  	_ =	shalt  }
0x73: {  	_ =	shalt  }
0x74: {  	_ =	shalt  }
0x75: {  	_ =	shalt  }
0x76: {  	_ =	shalt  }
0x77: {  	_ =	shalt  }
0x78: {  	_ =	shalt  }
0x79: {  	_ =	shalt  }
0x7a: {  	_ =	shalt  }
0x7b: {  	_ =	shalt  }
0x7c: {  	_ =	shalt  }
0x7d: {  	_ =	shalt  }
0x7e: {  	_ =	shalt  }
0x7f: {  	_ =	shalt  }
0x80: {  	_ =	shalt  }
0x81: {  	_ =	shalt  }
0x82: {  	_ =	shalt  }
0x83: {  	_ =	shalt  }
0x84: {  	_ =	shalt  }
0x85: {  	_ =	shalt  }
0x86: {  	_ =	shalt  }
0x87: {  	_ =	shalt  }
.Lfunc_end0:
.L_simem_size_0:
called_computation_lowered:
.L_overlay_start_0:
0x88: {  	s2 =	sld [smem:$0x3FD9]  }
0x89: {  	s3 =	sld [smem:$0x3FFE];
	_ =	sdelay $0x1  }
0x8a: {  	s1 =	srdreg.scid  }
0x8b: {  	s0 =	sand.u32 $0x1, s1  }
0x8c: {  	s17 =	sshll.u32 s0, $0xA;
	s2 =	sadd.s32 s3, s2  }
0x8d: {  	s2 =	sadd.s32 s2, s17  }
0x8e: {  	[smem:$0x3FC0] =	sst s2  }
0x8f: {  	_ = 	snop  }
0x90: {  	(tm) =	ssettm $0x1  }
0x91: {  	s18 =	sld [smem:$0x3FFB];
	_ =	sdelay $0x3  }
0x92: {  	_ =	strace s18  }
0x93: {  	s2 =	sld [smem:$0x3FFC];
	_ =	sdelay $0x3  }
0x94: {  	_ =	strace s2  }
0x95: {  	s2 =	sld [smem:$0x3FFD];
	_ =	sdelay $0x3  }
0x96: {  	_ =	strace s2  }
0x97: {  	_ =	strace $0x8FFFFFFF  }
0x98: {  	s19 =	sld [smem:$0x3FDB];
	_ =	sdelay $0x1  }
0x99: {  	s20 =	simm.s32 $_scs_section_size  }
0x9a: {  	s4 =	simm.s32 $_size__tile_overlayer_lowered;
	s5 =	simm.s32 $_tile_overlayer_lowered  }
0x9b: {  	s6 =	simm.s32 $0x1BFF;
	s21 =	sshll.u32 s5, $0x1;
	s3 =	sadd.s32 s20, s19  }
0x9c: {  	s22 =	simm.s32 $0x0;
	s4 =	sshll.u32 s4, $0x1;
	s5 =	sadd.s32 s21, s3  }
0x9d: {  	[timem:s22], [sflag:s6] =	dma.local [hbm:s5], s4  }
0x9e: {  	_ =	swait.ge [sflag:s6], s4  }
0x9f: {  	s4 =	ssub.s32 $0x0, s4;
	[sflag:s6] =	ssyncset.done $0x0  }
0xa0: {  	[sflag:s6] =	ssyncadd.s32 s4;
	_ =	sdelay $0x1  }
0xa1: {  	s23 =	simm.s32 $0x1B8B  }
0xa2: {  	_ =	swait.ge [sflag:s23], $0x1  }
0xa3: {  	[sflag:s23] =	ssyncset.done $0x0  }
0xa4: {  	[sflag:s23] =	ssyncadd.s32 $0xFFFFFFFF  }
0xa5: {  	s4 =	sld [smem:$0x0]  }
0xa6: {  	s5 =	sand.u32 $0xFFFFFFFE, s1  }
0xa7: {  	p0 =	sne.s32 s1, s5  }
0xa8: {  	s5 =	sshll.u32 @p0 s5, $0xE  }
0xa9: {  	s5 =	sadd.s32 @p0 $0x11B8D, s5;
	s6 =	sshll.u32 @p0 s4, $0x11  }
0xaa: {  	s5 =	sor.u32 @p0 s6, s5  }
0xab: {  	[sflag:s5] =	ssyncadd.remote.s32 @p0 $0x1;
	_ =	sdelay $0x1  }
0xac: {  	s5 =	simm.s32 @p0 $0x1B8D  }
0xad: {  	_ =	swait.eq @p0 [sflag:s5], $0x1  }
0xae: {  	[sflag:s5] =	ssyncadd.s32 @p0 $0xFFFFFFFF  }
0xaf: {  	s6 =	sshll.u32 @!p0 s1, $0xE  }
0xb0: {  	s6 =	sor.u32 @!p0 $0x4000, s6;
	s5 =	simm.s32 @!p0 $0x1B8D  }
0xb1: {  	s4 =	sshll.u32 @!p0 s4, $0x11;
	s6 =	sadd.s32 @!p0 $0x11B8D, s6;
	_ =	swait.eq @!p0 [sflag:s5], $0x1  }
0xb2: {  	s4 =	sor.u32 @!p0 s4, s6;
	[sflag:s5] =	ssyncadd.s32 @!p0 $0xFFFFFFFF  }
0xb3: {  	s25 =	simm.s32 $0x1B8E;
	s24 =	sld [smem:$0x3FFE];
	[sflag:s4] =	ssyncadd.remote.s32 @!p0 $0x1  }
0xb4: {  	s26 =	simm.s32 $execute0_lowered;
	[smem:$0x3FD2] =	sst s25  }
0xb5: {  	s5 =	sshll.u32 s26, $0x1;
	_ =	strace $0x80000049;
	[dreg:$0x1] =	wrdreg $0xFFFFFFFF  }
0xb6: {  	s28 =	simm.s32 $_size_execute0_lowered;
	s3 =	sadd.s32 s3, s5;
	[dreg:$0x0] =	wrdreg $0x0  }
0xb7: {  	s5 =	sshll.u32 s28, $0x1;
	[dreg:$0x2] =	wrdreg s3  }
0xb8: {  	[dreg:$0x3] =	wrdreg s5  }
0xb9: {  	[dreg:$0x4] =	wrdreg $0xC0  }
0xba: {  	_ =	task [dreg:s22], $0x5FFFF  }
0xbb: {  	[dreg:$0x1] =	wrdreg $0xFFFFFFFF  }
0xbc: {  	[dreg:$0x0] =	wrdreg $0x60  }
0xbd: {  	[dreg:$0x2] =	wrdreg s24  }
0xbe: {  	[dreg:$0x3] =	wrdreg $0x68000  }
0xbf: {  	[dreg:$0x4] =	wrdreg $0x9  }
0xc0: {  	_ =	task.clear_ibuf [dreg:s22], $0x5FFFF;
	_ =	strace $0x90000049  }
0xc1: {  	s29 =	simm.s32 $0x9;
	_ =	strace $0x8000004B  }
0xc2: {  	_ =	swait.ge [sflag:s29], $0x1  }
0xc3: {  	[sflag:s29] =	ssyncadd.s32 $0xFFFFFFFF  }
0xc4: {  	_ =	strace $0x9000004B  }
0xc5: {  	_ =	sfence  }
0xc6: {  	s30 =	sld [smem:$0x0];
	_ =	sdelay $0x2  }
0xc7: {  	s31 =	sshll.u32 s1, $0xD;
	s1 =	sshrl.u32 s1, $0x2  }
0xc8: {  	s4 =	sand.u32 $0x4000, s31;
	s1 =	sadd.s32 s1, s30  }
0xc9: {  	s0 =	sor.u32 s4, s0;
	s1 =	sshll.u32 s1, $0x11  }
0xca: {  	s0 =	sor.u32 s1, s0  }
0xcb: {  	s0 =	sadd.s32 $0x8F2B, s0  }
0xcc: {  	[sflag:s0] =	ssyncadd.remote.s32 $0x1  }
0xcd: {  	_ =	sfence.sel $0xFFFF  }
0xce: {  	[dreg:$0x0] =	wrdreg $0xFFFFFFFF;
	(pc) =	sbr.abs _section_cstart, $3  }
0xcf: {  	[dreg:$0x1] =	wrdreg $0xFFFFFFFF  }
0xd0: {  	_ =	task.clear_ibuf [dreg:s22], $0x2FFFF;
	_ =	strace $0x9FFFFFFF  }
0xd1: {  	(tm) =	ssettm $0x7FFFFFFF  }
tec
execute0_lowered:
.L_overlay_start_1:
0x0: {  	(tag) =	ssettag $0x1  }
0x1: {  	s1 =	srdreg.scid;
	s5 =	rddreg [dreg:$0x0]  }
0x2: {  	s0 =	stileid.u32;
	s2 =	rddreg [dreg:$0x1];
	s3 =	simm.s32 $0x0  }
0x3: {  	s14 =	simm.s32 $0x0;
	s4 =	sand.u32 $0x1, s1;
	s1 =	rddreg [dreg:$0x2]  }
0x4: {  	s25 =	sshll.u32 s0, $0x1;
	s7 =	smul.u32 $0x14000, s0;
	[smem:$0x7FF] =	sst s3  }
0x5: {  	s29 =	smul.u32 $0x50000, s0;
	s31 =	sshll.u32 s0, $0x6;
	s6 =	sor.u32 s4, s25  }
0x6: {  	s9 =	smul.u32 $0x140000, s4;
	_ =	strace $0x8000004A;
	s28 =	ssub.s32 $0x2, s4  }
0x7: {  	s4 =	sadd.s32 $0xB7C00, s5;
	s6 =	smul.u32 $0x500, s6;
	s8 =	sshrl.u32 s7, $0x3  }
0x8: {  	s11 =	sshrl.u32 s28, $0x1;
	s30 =	sshrl.u32 s29, $0x2;
	s26 =	sadd.s32 s8, s5  }
0x9: {  	s7 =	sadd.s32 s7, s9;
	s11 =	ssub.s32 s28, s11;
	s13 =	sadd.s32 s30, s2  }
0xa: {  	s10 =	sadd.s32 s6, s5;
	s7 =	sshrl.u32 s7, $0x3;
	s6 =	sor.u32 $0x1C01, s31  }
0xb: {  	s9 =	smax.u32 s11, $0x1;
	s11 =	simm.s32 $0x1;
	s12 =	sadd.s32 s7, s5  }
0xc: {  	s5 =	sadd.s32 $0x3FC00, s26;
	s7 =	sadd.s32 $0xDC00, s10;
	s10 =	sshrl.u32 s13, $0x3  }
0xd: {  	s13 =	simm.s32 $0x80;
	s8 =	sadd.s32 $0xB8400, s12;
	s12 =	simm.s32 $0x2800  }
.LBB2_1:
0xe: {  	[spmem:s10], [sflag:s6] =	dma.local [hbm:s5], $0x2800  }
0xf: {  	_ =	swait.ge [sflag:s11], $0x2800  }
0x10: {  	[sflag:s11] =	ssyncset.done $0x0  }
0x11: {  	[sflag:s11] =	ssyncadd.s32 $0xFFFFD800  }
0x12: {  	[tilespmem:s3], [sflag:$0x1] =	stream.linear.gather [hbm4b:s7+s3], $0x2800, $0x38;
	[tilespmem:$0x1A800] =	vst v63  }
0x13: {  	_ =	swait.ge [sflag:s11], $0x2800  }
0x14: {  	[sflag:s11] =	ssyncset.done $0x0  }
0x15: {  	[sflag:s11] =	ssyncadd.s32 $0xFFFFD800  }
0x16: {  	[tilespmem:s12], [sflag:$0x1] =	stream.linear.gather [hbm4b:s4+s3], $0x4000, $0x38;
	[tilespmem:$0x1A800] =	vst v63  }
0x17: {  	_ =	swait.ge [sflag:s11], $0x4000  }
0x18: {  	[sflag:s11] =	ssyncset.done $0x0  }
0x19: {  	[sflag:s11] =	ssyncadd.s32 $0xFFFFC000  }
0x1a: {  	s15 =	simm.s32 $0x0;
	[bflag:$0x0] =	sbarrier.arrive $0xFFFF  }
0x1b: {  	[spmem:s2] =	stream.indirect.scatter.add.f32 [tilespmem:s12], [sflag:$0x1], $0x80, s15, s13, $0xb8;
	[tilespmem:$0x1A800] =	vst v63  }
0x1c: {  	_ =	swait.ge [sflag:s11], $0x4000  }
0x1d: {  	s15 =	simm.s32 $0x200;
	[sflag:s11] =	ssyncset.done $0x0  }
.LBB2_2:
0x1e: {  	s16 =	sshra.s32 s15, $0x2;
	[sflag:s11] =	ssyncadd.s32 $0xFFFFC000;
	p0 =	sne.s32 s15, $0x9E00  }
0x1f: {  	[spmem:s2] =	stream.indirect.scatter.add.f32 [tilespmem:s12], [sflag:$0x1], $0x80, s16, s13, $0xb8;
	[tilespmem:$0x1A800] =	vst v63  }
.Ltmp0:
0x20: {  	_ = 	snop;
	(pc) =	sbr.rel @p0 .LBB2_2-.Ltmp0, $4  }
0x21: {  	_ = 	snop  }
0x22: {  	s15 =	sadd.s32 $0x200, s15  }
0x23: {  	_ =	swait.ge [sflag:s11], $0x4000  }
0x24: {  	[sflag:s11] =	ssyncset.done $0x0  }
0x25: {  	s14 =	sadd.s32 $0x1, s14  }
0x26: {  	[sflag:s11] =	ssyncadd.s32 $0xFFFFC000;
	p0 =	sne.s32 s14, s9  }
.Ltmp1:
0x27: {  	[bflag:$0x0] =	sbarrier.arrive $0xFFFF;
	(pc) =	sbr.rel @p0 .LBB2_1-.Ltmp1, $4  }
0x28: {  	[hbm:s8], [sflag:s6] =	dma.local [spmem:s10], $0x2800  }
0x29: {  	_ =	swait.ge [sflag:s11], $0x2800  }
0x2a: {  	[sflag:s11] =	ssyncset.done $0x0  }
0x2b: {  	[sflag:s11] =	ssyncadd.s32 $0xFFFFD800  }
0x2c: {  	_ =	sfence.sel $0x180000  }
0x2d: {  	[bflag:$0x0] =	sbarrier.arrive $0xFFFF  }
0x2e: {  	p0 =	sne.s32 s0, $0x0;
	_ =	strace $0x9000004A  }
0x2f: {  	s0 =	sadd.s32 @!p0 $0x100000, s1;
	[bflag:$0x2] =	sbarrier.arrive $0xFFFF  }
0x30: {  	[sflag:s0] =	ssyncadd.tile.s32 @!p0 $0x1;
	_ =	shalt  }
.Lfunc_end2:
_tile_overlayer_lowered:
.L_overlay_start_2:
0x31: {  	(tag) =	ssettag $0x2  }
0x32: {  	s0 =	rddreg [dreg:$0x0];
	s2 =	stileid.u32  }
0x33: {  	s1 =	rddreg [dreg:$0x1];
	p0 =	sne.s32 s2, $0x0  }
0x34: {  	s3 =	rddreg [dreg:$0x2];
	[bflag:$0x3] =	sbarrier.arrive $0xFFFF;
	s2 =	simm.s32 @!p0 $0x1C01  }
0x35: {  	[timem:s3], [sflag:s2] =	dma.local @!p0 [hbm:s0], s1  }
0x36: {  	s0 =	simm.s32 @!p0 $0x1  }
0x37: {  	_ =	swait.ge @!p0 [sflag:s0], s1  }
0x38: {  	s1 =	ssub.s32 @!p0 $0x0, s1;
	[sflag:s0] =	ssyncset.done @!p0 $0x0  }
0x39: {  	[sflag:s0] =	ssyncadd.s32 @!p0 s1  }
0x3a: {  	[bflag:$0x3] =	sbarrier.arrive $0xFFFF  }
0x3b: {  	_ =	shalt  }

// kernel: kernel.16.cloned.1.call-start
scs
__scs_entry_jumppad:
0x0: {  	(pc) =	sbr.rel $0x88, $3  }
0x1: {  	(tag) =	ssettag $0x0;
	lr =	simm.s32 $0x1  }
0x2: {  	[smem:$0x3F99] =	sst lr;
	_ =	strace $0xD0000000  }
0x3: {  	_ = 	snop  }
0x4: {  	_ = 	snop  }
0x5: {  	_ = 	snop  }
0x6: {  	_ = 	snop  }
0x7: {  	_ = 	snop  }
__scs_overlays_trampoline_lowered:
0x8: {  	[smem:$0x3FA8] =	sst s0  }
0x9: {  	[smem:$0x3FA9] =	sst s1  }
0xa: {  	[smem:$0x3FAA] =	sst s2  }
0xb: {  	[smem:$0x3FAB] =	sst s3  }
0xc: {  	[smem:$0x3FAC] =	sst s4  }
0xd: {  	[smem:$0x3FAD] =	sst s5  }
0xe: {  	[smem:$0x3FAE] =	sst s6  }
0xf: {  	[smem:$0x3FAF] =	sst s7  }
0x10: {  	[smem:$0x3FB0] =	sst s8  }
0x11: {  	[smem:$0x3FB1] =	sst s9;
	s0 =	simm.s32 @!p0 $0x0  }
0x12: {  	s1 =	sld [smem:$0x3F97];
	s0 =	simm.s32 @p0 $0x1  }
0x13: {  	[smem:$0x3FB2] =	sst s0;
	s0 =	simm.s32 @!p1 $0x0  }
0x14: {  	s2 =	sld [smem:$0x3F96];
	s0 =	simm.s32 @p1 $0x1  }
0x15: {  	[smem:$0x3FB3] =	sst s0;
	s0 =	simm.s32 @!p2 $0x0  }
0x16: {  	s3 =	sld [smem:$0x3FDB];
	s0 =	simm.s32 @p2 $0x1  }
0x17: {  	s4 =	simm.s32 $0x1BF5;
	[smem:$0x3FB5] =	sst s0  }
0x18: {  	s0 =	sld [smem:$0x3F98];
	_ =	swait.ge [sflag:s4], $0x0  }
0x19: {  	s7 =	sld [smem:$0x3F99]  }
0x1a: {  	s8 =	sadd.s32 $0xFFFFE003, lr  }
0x1b: {  	s9 =	sadd.s32 $0xFFFFFEF7, lr;
	s5 =	simm.s32 $0xFFFFFFFF;
	p2 =	slt.u32 s8, $0xFFFFF086  }
0x1c: {  	p1 =	slt.u32 s9, $0xF7A;
	s5 =	simm.s32 @!p2 $0x0  }
0x1d: {  	s5 =	simm.s32 @p1 $0x1;
	p0 =	seq.s32 s7, s2  }
0x1e: {  	s7 =	smul.u32 @!p0 $0xF7A, s2;
	p2 =	seq.s32 @!p0 s5, $0x0  }
0x1f: {  	s9 =	smul.u32 $0xF7A, s1;
	s8 =	simm.s32 @!p0 $0x1BF5;
	p2 =	por !p2, p0  }
0x20: {  	[sflag:s8] =	ssyncset.s32 @!p0 $0xFFFFF086;
	s6 =	sadd.s32 @!p0 s3, s7;
	s7 =	simm.s32 @!p0 $0x108  }
0x21: {  	s3 =	sadd.s32 s3, s9;
	s6 =	sadd.s32 @!p0 $0x88, s6;
	s7 =	simm.s32 @p2 $0x1082  }
0x22: {  	[simem:s7], [sflag:s8] =	dma.local @!p0 [hbm:s6], $0xF7A  }
0x23: {  	s9 =	sor.u32 $0xD0000000, s2;
	s6 =	simm.s32 $0x108;
	_ =	swait.ge @!p0 [sflag:s8], $0x0  }
0x24: {  	s3 =	sadd.s32 $0x88, s3;
	s6 =	simm.s32 @!p1 $0x1082;
	[sflag:s4] =	ssyncset.s32 $0xFFFFF086  }
0x25: {  	[simem:s6], [sflag:s4] =	dma.local [hbm:s3], $0xF7A  }
0x26: {  	[smem:$0x3F99] =	sst s1;
	(tag) =	ssettag s2;
	_ =	strace s9  }
0x27: {  	s1 =	sld [smem:$0x3FA9]  }
0x28: {  	s2 =	sld [smem:$0x3FAA]  }
0x29: {  	s4 =	sld [smem:$0x3FAC]  }
0x2a: {  	p0 =	seq.s32 s5, $0x0;
	s5 =	sld [smem:$0x3FAD]  }
0x2b: {  	s6 =	sld [smem:$0x3FAE]  }
0x2c: {  	s7 =	sld [smem:$0x3FAF]  }
0x2d: {  	s3 =	simm.s32 $0x108;
	s8 =	sld [smem:$0x3FB0]  }
0x2e: {  	s3 =	simm.s32 @!p0 $0x1082;
	s9 =	sld [smem:$0x3FB1]  }
0x2f: {  	lr =	sadd.s32 s0, s3;
	s0 =	sld [smem:$0x3FA8]  }
0x30: {  	s3 =	sld [smem:$0x3FAB]  }
0x31: {  	[smem:$0x3FB4] =	sst s10  }
0x32: {  	s10 =	sld [smem:$0x3FB2];
	_ =	sdelay $0x3  }
0x33: {  	p0 =	seq.s32 s10, $0x1;
	s10 =	sld [smem:$0x3FB4];
	_ =	sdelay $0x3  }
0x34: {  	[smem:$0x3FB4] =	sst s10  }
0x35: {  	s10 =	sld [smem:$0x3FB3];
	_ =	sdelay $0x3  }
0x36: {  	p1 =	seq.s32 s10, $0x1;
	s10 =	sld [smem:$0x3FB4];
	_ =	sdelay $0x3  }
0x37: {  	[smem:$0x3FB4] =	sst s10  }
0x38: {  	s10 =	sld [smem:$0x3FB5]  }
0x39: {  	_ = 	snop;
	(pc) =	sbr.ind lr, $3  }
0x3a: {  	_ = 	snop  }
0x3b: {  	_ = 	snop  }
0x3c: {  	p2 =	seq.s32 s10, $0x1;
	s10 =	sld [smem:$0x3FB4]  }
0x3d: {  	_ =	shalt  }
0x3e: {  	_ =	shalt  }
0x3f: {  	_ =	shalt  }
0x40: {  	_ =	shalt  }
0x41: {  	_ =	shalt  }
0x42: {  	_ =	shalt  }
0x43: {  	_ =	shalt  }
0x44: {  	_ =	shalt  }
0x45: {  	_ =	shalt  }
0x46: {  	_ =	shalt  }
0x47: {  	_ =	shalt  }
0x48: {  	_ =	shalt  }
0x49: {  	_ =	shalt  }
0x4a: {  	_ =	shalt  }
0x4b: {  	_ =	shalt  }
0x4c: {  	_ =	shalt  }
0x4d: {  	_ =	shalt  }
0x4e: {  	_ =	shalt  }
0x4f: {  	_ =	shalt  }
0x50: {  	_ =	shalt  }
0x51: {  	_ =	shalt  }
0x52: {  	_ =	shalt  }
0x53: {  	_ =	shalt  }
0x54: {  	_ =	shalt  }
0x55: {  	_ =	shalt  }
0x56: {  	_ =	shalt  }
0x57: {  	_ =	shalt  }
0x58: {  	_ =	shalt  }
0x59: {  	_ =	shalt  }
0x5a: {  	_ =	shalt  }
0x5b: {  	_ =	shalt  }
0x5c: {  	_ =	shalt  }
0x5d: {  	_ =	shalt  }
0x5e: {  	_ =	shalt  }
0x5f: {  	_ =	shalt  }
0x60: {  	_ =	shalt  }
0x61: {  	_ =	shalt  }
0x62: {  	_ =	shalt  }
0x63: {  	_ =	shalt  }
0x64: {  	_ =	shalt  }
0x65: {  	_ =	shalt  }
0x66: {  	_ =	shalt  }
0x67: {  	_ =	shalt  }
0x68: {  	_ =	shalt  }
0x69: {  	_ =	shalt  }
0x6a: {  	_ =	shalt  }
0x6b: {  	_ =	shalt  }
0x6c: {  	_ =	shalt  }
0x6d: {  	_ =	shalt  }
0x6e: {  	_ =	shalt  }
0x6f: {  	_ =	shalt  }
0x70: {  	_ =	shalt  }
0x71: {  	_ =	shalt  }
0x72: {  	_ =	shalt  }
0x73: {  	_ =	shalt  }
0x74: {  	_ =	shalt  }
0x75: {  	_ =	shalt  }
0x76: {  	_ =	shalt  }
0x77: {  	_ =	shalt  }
0x78: {  	_ =	shalt  }
0x79: {  	_ =	shalt  }
0x7a: {  	_ =	shalt  }
0x7b: {  	_ =	shalt  }
0x7c: {  	_ =	shalt  }
0x7d: {  	_ =	shalt  }
0x7e: {  	_ =	shalt  }
0x7f: {  	_ =	shalt  }
0x80: {  	_ =	shalt  }
0x81: {  	_ =	shalt  }
0x82: {  	_ =	shalt  }
0x83: {  	_ =	shalt  }
0x84: {  	_ =	shalt  }
0x85: {  	_ =	shalt  }
0x86: {  	_ =	shalt  }
0x87: {  	_ =	shalt  }
.Lfunc_end0:
.L_simem_size_0:
called_computation.1_lowered:
.L_overlay_start_0:
0x88: {  	s2 =	sld [smem:$0x3FD9]  }
0x89: {  	s3 =	sld [smem:$0x3FFE];
	_ =	sdelay $0x1  }
0x8a: {  	s1 =	srdreg.scid  }
0x8b: {  	s0 =	sand.u32 $0x1, s1  }
0x8c: {  	s16 =	sshll.u32 s0, $0xA;
	s2 =	sadd.s32 s3, s2  }
0x8d: {  	s2 =	sadd.s32 s2, s16  }
0x8e: {  	[smem:$0x3FC0] =	sst s2  }
0x8f: {  	_ = 	snop  }
0x90: {  	(tm) =	ssettm $0x1  }
0x91: {  	s17 =	sld [smem:$0x3FFB];
	_ =	sdelay $0x3  }
0x92: {  	_ =	strace s17  }
0x93: {  	s2 =	sld [smem:$0x3FFC];
	_ =	sdelay $0x3  }
0x94: {  	_ =	strace s2  }
0x95: {  	s2 =	sld [smem:$0x3FFD];
	_ =	sdelay $0x3  }
0x96: {  	_ =	strace s2  }
0x97: {  	_ =	strace $0x8FFFFFFF  }
0x98: {  	s18 =	sld [smem:$0x3FDB];
	_ =	sdelay $0x1  }
0x99: {  	s19 =	simm.s32 $_scs_section_size  }
0x9a: {  	s4 =	simm.s32 $_size__tile_overlayer_lowered;
	s5 =	simm.s32 $_tile_overlayer_lowered  }
0x9b: {  	s22 =	simm.s32 $0x1BFF;
	s21 =	sshll.u32 s5, $0x1;
	s2 =	sadd.s32 s19, s18  }
0x9c: {  	s6 =	simm.s32 $0x0;
	s20 =	sshll.u32 s4, $0x1;
	s4 =	sadd.s32 s21, s2  }
0x9d: {  	[timem:s6], [sflag:s22] =	dma.local [hbm:s4], s20  }
0x9e: {  	_ =	swait.ge [sflag:s22], s20  }
0x9f: {  	s3 =	ssub.s32 $0x0, s20;
	[sflag:s22] =	ssyncset.done $0x0  }
0xa0: {  	[sflag:s22] =	ssyncadd.s32 s3;
	_ =	sdelay $0x1  }
0xa1: {  	s23 =	simm.s32 $0x1B8B  }
0xa2: {  	_ =	swait.ge [sflag:s23], $0x1  }
0xa3: {  	[sflag:s23] =	ssyncset.done $0x0  }
0xa4: {  	s25 =	simm.s32 $0x1B8E;
	s24 =	sld [smem:$0x3FFE];
	[sflag:s23] =	ssyncadd.s32 $0xFFFFFFFF  }
0xa5: {  	s26 =	simm.s32 $execute0_lowered;
	[smem:$0x3FD2] =	sst s25  }
0xa6: {  	s4 =	sshll.u32 s26, $0x1;
	_ =	strace $0x80000046;
	[dreg:$0x1] =	wrdreg $0xFFFFFFFF  }
0xa7: {  	s28 =	simm.s32 $_size_execute0_lowered;
	s2 =	sadd.s32 s2, s4;
	[dreg:$0x0] =	wrdreg $0x0  }
0xa8: {  	s4 =	sshll.u32 s28, $0x1;
	[dreg:$0x2] =	wrdreg s2  }
0xa9: {  	[dreg:$0x3] =	wrdreg s4  }
0xaa: {  	[dreg:$0x4] =	wrdreg $0xC0  }
0xab: {  	_ =	task [dreg:s6], $0x5FFFF  }
0xac: {  	[dreg:$0x1] =	wrdreg $0xFFFFFFFF  }
0xad: {  	[dreg:$0x0] =	wrdreg $0x60  }
0xae: {  	[dreg:$0x2] =	wrdreg s24  }
0xaf: {  	[dreg:$0x3] =	wrdreg $0x90000  }
0xb0: {  	[dreg:$0x4] =	wrdreg $0xA  }
0xb1: {  	_ =	task.clear_ibuf [dreg:s6], $0x5FFFF;
	_ =	strace $0x90000046  }
0xb2: {  	s29 =	simm.s32 $0xA;
	_ =	strace $0x80000048  }
0xb3: {  	_ =	swait.ge [sflag:s29], $0x1  }
0xb4: {  	[sflag:s29] =	ssyncadd.s32 $0xFFFFFFFF  }
0xb5: {  	_ =	strace $0x90000048  }
0xb6: {  	_ =	sfence  }
0xb7: {  	s30 =	sld [smem:$0x0];
	_ =	sdelay $0x2  }
0xb8: {  	s31 =	sshll.u32 s1, $0xD;
	s1 =	sshrl.u32 s1, $0x2  }
0xb9: {  	s3 =	sand.u32 $0x4000, s31;
	s1 =	sadd.s32 s1, s30  }
0xba: {  	s0 =	sor.u32 s3, s0;
	s1 =	sshll.u32 s1, $0x11  }
0xbb: {  	s0 =	sor.u32 s1, s0  }
0xbc: {  	s0 =	sadd.s32 $0x8F2B, s0  }
0xbd: {  	[sflag:s0] =	ssyncadd.remote.s32 $0x1  }
0xbe: {  	_ =	sfence.sel $0xFFFF  }
0xbf: {  	[dreg:$0x0] =	wrdreg $0xFFFFFFFF;
	(pc) =	sbr.abs _section_cstart, $3  }
0xc0: {  	[dreg:$0x1] =	wrdreg $0xFFFFFFFF  }
0xc1: {  	_ =	task.clear_ibuf [dreg:s6], $0x2FFFF;
	_ =	strace $0x9FFFFFFF  }
0xc2: {  	(tm) =	ssettm $0x7FFFFFFF  }
0xc3: {  	_ =	shalt  }
tec
execute0_lowered:
.L_overlay_start_1:
0x0: {  	(tag) =	ssettag $0x1  }
0x1: {  	s0 =	rddreg [dreg:$0x0]  }
0x2: {  	s2 =	rddreg [dreg:$0x1];
	s3 =	simm.s32 $0x0;
	s12 =	stileid.u32  }
0x3: {  	s1 =	srdreg.scid;
	s13 =	simm.s32 $0x5;
	s14 =	simm.s32 $0x800  }
0x4: {  	s15 =	simm.s32 $0x1;
	s16 =	simm.s32 $0x4;
	s17 =	simm.s32 $0x80  }
0x5: {  	s18 =	simm.s32 $0x1000;
	s19 =	simm.s32 $0x5000;
	s20 =	simm.s32 $0x2  }
0x6: {  	s28 =	simm.s32 $0xE00;
	s29 =	simm.s32 $0x700;
	s30 =	simm.s32 $0xE80  }
0x7: {  	s31 =	simm.s32 $0x780;
	[smem:$0x7FF] =	sst s3;
	s7 =	smul.u32 $0x14000, s12  }
0x8: {  	s1 =	sand.u32 $0x1, s1;
	s4 =	sadd.s32 $0x17C00, s0;
	s5 =	sadd.s32 $0xDC00, s0  }
0x9: {  	s6 =	sadd.s32 $0x3C00, s0;
	s10 =	smul.u32 $0x50000, s12;
	s24 =	sshll.u32 s12, $0x4  }
0xa: {  	s25 =	sshll.u32 s12, $0x6;
	_ =	strace $0x80000047;
	s8 =	smul.u32 $0x140000, s1  }
0xb: {  	s21 =	ssub.s32 $0x2, s1;
	p0 =	seq.s32 s1, $0x0;
	s9 =	sshrl.u32 s7, $0x3  }
0xc: {  	s11 =	sshrl.u32 s21, $0x1;
	s10 =	sshrl.u32 s10, $0x2;
	s9 =	sadd.s32 s9, s0  }
0xd: {  	s7 =	sadd.s32 s7, s8;
	s22 =	ssub.s32 s21, s11;
	s23 =	sadd.s32 s10, s2  }
0xe: {  	s10 =	sor.u32 $0x900, s24;
	s8 =	simm.s32 $0xC00;
	s21 =	simm.s32 $0x580  }
0xf: {  	s24 =	simm.s32 $0x600;
	s7 =	sshrl.u32 s7, $0x3;
	s9 =	sadd.s32 $0x3FC00, s9  }
0x10: {  	s26 =	smax.u32 s22, $0x1;
	s11 =	sshrl.u32 s23, $0x3;
	s22 =	simm.s32 $0x3  }
0x11: {  	s23 =	simm.s32 $0xD00;
	s0 =	sadd.s32 s7, s0;
	[dreg:$0x3] =	wrdreg s9  }
0x12: {  	s9 =	smul.u32 $0x90, s12;
	s12 =	sor.u32 $0x1C05, s25;
	[dreg:$0x7] =	wrdreg s26  }
0x13: {  	[dreg:$0x8] =	wrdreg s11;
	s25 =	simm.s32 $0xD80;
	s26 =	simm.s32 $0x680  }
0x14: {  	s0 =	sadd.s32 $0x67C00, s0;
	[dreg:$0x5] =	wrdreg s12;
	s10 =	smov.u32 @p0 s9  }
0x15: {  	[dreg:$0x6] =	wrdreg s0;
	p0 =	sne.s32 s1, $0x0;
	s0 =	simm.s32 $0x0  }
0x16: {  	v0 =	vlaneseq.u32;
	vm0 =	vmmov $0xffff;
	s9 =	simm.s32 $0x500;
	s1 =	simm.s32 $0xF80;
	[dreg:$0x4] =	wrdreg s10  }
.LBB2_1:
0x17: {  	[dreg:$0x9] =	wrdreg s0  }
0x18: {  	s10 =	rddreg [dreg:$0x3]  }
0x19: {  	[spmem:s11], [sflag:s12] =	dma.local [hbm:s10], $0x2800  }
0x1a: {  	_ =	swait.ge [sflag:s13], $0x2800  }
0x1b: {  	[sflag:s13] =	ssyncset.done $0x0  }
0x1c: {  	[sflag:s13] =	ssyncadd.s32 $0xFFFFD800  }
0x1d: {  	s0 =	simm.s32 $0xF00;
	[bflag:$0x0] =	sbarrier.arrive $0xFFFF  }
0x1e: {  	s11 =	simm.s32 $0x0;
	s12 =	simm.s32 $0xC80;
	s10 =	rddreg [dreg:$0x4]  }
.LBB2_2:
0x1f: {  	v1 =	vor.u32 s10, v0;
	_ =	sdelay $0x4  }
0x20: {  	[tilespmem:s3], [sflag:$0x1] =	stream.indirect_vreg.gather [hbm4b:s5+s3], $0x80, v1, vm0, $0xb8;
	[tilespmem:$0x1D000] =	vst v63  }
0x21: {  	_ = 	snop  }
0x22: {  	[tilespmem:s14], [sflag:$0x4] =	stream.indirect_vreg.gather [hbm4b:s6+s3], $0x80, v1, vm0, $0xb8;
	[tilespmem:$0x1D000] =	vst v63  }
0x23: {  	_ =	swait.ge [sflag:s15], $0x800  }
0x24: {  	[sflag:s15] =	ssyncset.done $0x0  }
0x25: {  	[sflag:s15] =	ssyncadd.s32 $0xFFFFF800  }
0x26: {  	_ =	swait.ge [sflag:s16], $0x800  }
0x27: {  	[sflag:s16] =	ssyncset.done $0x0  }
0x28: {  	[sflag:s16] =	ssyncadd.s32 $0xFFFFF800  }
0x29: {  	[tilespmem:s18], [sflag:$0x2] =	stream.indirect.gather [hbm4b:s4+s17], $0x80, s3, s17, $0xb8;
	[tilespmem:$0x1D000] =	vst v63  }
0x2a: {  	_ = 	snop  }
0x2b: {  	[tilespmem:s19], [sflag:$0x3] =	stream.indirect.gather [hbm4b:s4+s17], $0x80, s17, s17, $0xb8;
	[tilespmem:$0x1D000] =	vst v63  }
0x2c: {  	_ =	swait.ge [sflag:s20], $0x4000  }
0x2d: {  	[sflag:s20] =	ssyncset.done $0x0  }
0x2e: {  	[sflag:s20] =	ssyncadd.s32 $0xFFFFC000  }
0x2f: {  	[spmem:s2] =	stream.indirect.scatter.add.f32 [tilespmem:s18], [sflag:$0x5], $0x80, s14, s17, $0xb8;
	[tilespmem:$0x1D000] =	vst v63  }
0x30: {  	_ =	swait.ge [sflag:s13], $0x4000  }
0x31: {  	[sflag:s13] =	ssyncset.done $0x0  }
0x32: {  	s7 =	simm.s32 $0x100;
	[sflag:s13] =	ssyncadd.s32 $0xFFFFC000  }
0x33: {  	[tilespmem:s18], [sflag:$0x2] =	stream.indirect.gather [hbm4b:s4+s17], $0x80, s7, s17, $0xb8;
	[tilespmem:$0x1D000] =	vst v63  }
0x34: {  	_ =	swait.ge [sflag:s22], $0x4000  }
0x35: {  	[sflag:s22] =	ssyncset.done $0x0  }
0x36: {  	s7 =	simm.s32 $0x880;
	[sflag:s22] =	ssyncadd.s32 $0xFFFFC000  }
0x37: {  	[spmem:s2] =	stream.indirect.scatter.add.f32 [tilespmem:s19], [sflag:$0x5], $0x80, s7, s17, $0xb8;
	[tilespmem:$0x1D000] =	vst v63  }
0x38: {  	_ =	swait.ge [sflag:s13], $0x4000  }
0x39: {  	[sflag:s13] =	ssyncset.done $0x0  }
0x3a: {  	s7 =	simm.s32 $0x180;
	[sflag:s13] =	ssyncadd.s32 $0xFFFFC000  }
0x3b: {  	[tilespmem:s19], [sflag:$0x3] =	stream.indirect.gather [hbm4b:s4+s17], $0x80, s7, s17, $0xb8;
	[tilespmem:$0x1D000] =	vst v63  }
0x3c: {  	_ =	swait.ge [sflag:s20], $0x4000  }
0x3d: {  	[sflag:s20] =	ssyncset.done $0x0  }
0x3e: {  	s7 =	simm.s32 $0x900;
	[sflag:s20] =	ssyncadd.s32 $0xFFFFC000  }
0x3f: {  	[spmem:s2] =	stream.indirect.scatter.add.f32 [tilespmem:s18], [sflag:$0x5], $0x80, s7, s17, $0xb8;
	[tilespmem:$0x1D000] =	vst v63  }
0x40: {  	_ =	swait.ge [sflag:s13], $0x4000  }
0x41: {  	[sflag:s13] =	ssyncset.done $0x0  }
0x42: {  	s7 =	simm.s32 $0x200;
	[sflag:s13] =	ssyncadd.s32 $0xFFFFC000  }
0x43: {  	[tilespmem:s18], [sflag:$0x2] =	stream.indirect.gather [hbm4b:s4+s17], $0x80, s7, s17, $0xb8;
	[tilespmem:$0x1D000] =	vst v63  }
0x44: {  	_ =	swait.ge [sflag:s22], $0x4000  }
0x45: {  	[sflag:s22] =	ssyncset.done $0x0  }
0x46: {  	s7 =	simm.s32 $0x980;
	[sflag:s22] =	ssyncadd.s32 $0xFFFFC000  }
0x47: {  	[spmem:s2] =	stream.indirect.scatter.add.f32 [tilespmem:s19], [sflag:$0x5], $0x80, s7, s17, $0xb8;
	[tilespmem:$0x1D000] =	vst v63  }
0x48: {  	_ =	swait.ge [sflag:s13], $0x4000  }
0x49: {  	[sflag:s13] =	ssyncset.done $0x0  }
0x4a: {  	s7 =	simm.s32 $0x280;
	[sflag:s13] =	ssyncadd.s32 $0xFFFFC000  }
0x4b: {  	[tilespmem:s19], [sflag:$0x3] =	stream.indirect.gather [hbm4b:s4+s17], $0x80, s7, s17, $0xb8;
	[tilespmem:$0x1D000] =	vst v63  }
0x4c: {  	_ =	swait.ge [sflag:s20], $0x4000  }
0x4d: {  	[sflag:s20] =	ssyncset.done $0x0  }
0x4e: {  	s7 =	simm.s32 $0xA00;
	[sflag:s20] =	ssyncadd.s32 $0xFFFFC000  }
0x4f: {  	[spmem:s2] =	stream.indirect.scatter.add.f32 [tilespmem:s18], [sflag:$0x5], $0x80, s7, s17, $0xb8;
	[tilespmem:$0x1D000] =	vst v63  }
0x50: {  	_ =	swait.ge [sflag:s13], $0x4000  }
0x51: {  	[sflag:s13] =	ssyncset.done $0x0  }
0x52: {  	s7 =	simm.s32 $0x300;
	[sflag:s13] =	ssyncadd.s32 $0xFFFFC000  }
0x53: {  	[tilespmem:s18], [sflag:$0x2] =	stream.indirect.gather [hbm4b:s4+s17], $0x80, s7, s17, $0xb8;
	[tilespmem:$0x1D000] =	vst v63  }
0x54: {  	_ =	swait.ge [sflag:s22], $0x4000  }
0x55: {  	[sflag:s22] =	ssyncset.done $0x0  }
0x56: {  	s7 =	simm.s32 $0xA80;
	[sflag:s22] =	ssyncadd.s32 $0xFFFFC000  }
0x57: {  	[spmem:s2] =	stream.indirect.scatter.add.f32 [tilespmem:s19], [sflag:$0x5], $0x80, s7, s17, $0xb8;
	[tilespmem:$0x1D000] =	vst v63  }
0x58: {  	_ =	swait.ge [sflag:s13], $0x4000  }
0x59: {  	[sflag:s13] =	ssyncset.done $0x0  }
0x5a: {  	s7 =	simm.s32 $0x380;
	[sflag:s13] =	ssyncadd.s32 $0xFFFFC000  }
0x5b: {  	[tilespmem:s19], [sflag:$0x3] =	stream.indirect.gather [hbm4b:s4+s17], $0x80, s7, s17, $0xb8;
	[tilespmem:$0x1D000] =	vst v63  }
0x5c: {  	_ =	swait.ge [sflag:s20], $0x4000  }
0x5d: {  	[sflag:s20] =	ssyncset.done $0x0  }
0x5e: {  	s7 =	simm.s32 $0xB00;
	[sflag:s20] =	ssyncadd.s32 $0xFFFFC000  }
0x5f: {  	[spmem:s2] =	stream.indirect.scatter.add.f32 [tilespmem:s18], [sflag:$0x5], $0x80, s7, s17, $0xb8;
	[tilespmem:$0x1D000] =	vst v63  }
0x60: {  	_ =	swait.ge [sflag:s13], $0x4000  }
0x61: {  	[sflag:s13] =	ssyncset.done $0x0  }
0x62: {  	s7 =	simm.s32 $0x400;
	[sflag:s13] =	ssyncadd.s32 $0xFFFFC000  }
0x63: {  	[tilespmem:s18], [sflag:$0x2] =	stream.indirect.gather [hbm4b:s4+s17], $0x80, s7, s17, $0xb8;
	[tilespmem:$0x1D000] =	vst v63  }
0x64: {  	_ =	swait.ge [sflag:s22], $0x4000  }
0x65: {  	[sflag:s22] =	ssyncset.done $0x0  }
0x66: {  	s7 =	simm.s32 $0xB80;
	[sflag:s22] =	ssyncadd.s32 $0xFFFFC000  }
0x67: {  	[spmem:s2] =	stream.indirect.scatter.add.f32 [tilespmem:s19], [sflag:$0x5], $0x80, s7, s17, $0xb8;
	[tilespmem:$0x1D000] =	vst v63  }
0x68: {  	_ =	swait.ge [sflag:s13], $0x4000  }
0x69: {  	[sflag:s13] =	ssyncset.done $0x0  }
0x6a: {  	s7 =	simm.s32 $0x480;
	[sflag:s13] =	ssyncadd.s32 $0xFFFFC000  }
0x6b: {  	[tilespmem:s19], [sflag:$0x3] =	stream.indirect.gather [hbm4b:s4+s17], $0x80, s7, s17, $0xb8;
	[tilespmem:$0x1D000] =	vst v63  }
0x6c: {  	_ =	swait.ge [sflag:s20], $0x4000  }
0x6d: {  	[sflag:s20] =	ssyncset.done $0x0  }
0x6e: {  	[sflag:s20] =	ssyncadd.s32 $0xFFFFC000  }
0x6f: {  	[spmem:s2] =	stream.indirect.scatter.add.f32 [tilespmem:s18], [sflag:$0x5], $0x80, s8, s17, $0xb8;
	[tilespmem:$0x1D000] =	vst v63  }
0x70: {  	_ =	swait.ge [sflag:s13], $0x4000  }
0x71: {  	[sflag:s13] =	ssyncset.done $0x0  }
0x72: {  	[sflag:s13] =	ssyncadd.s32 $0xFFFFC000  }
0x73: {  	[tilespmem:s18], [sflag:$0x2] =	stream.indirect.gather [hbm4b:s4+s17], $0x80, s9, s17, $0xb8;
	[tilespmem:$0x1D000] =	vst v63  }
0x74: {  	_ =	swait.ge [sflag:s22], $0x4000  }
0x75: {  	[sflag:s22] =	ssyncset.done $0x0  }
0x76: {  	[sflag:s22] =	ssyncadd.s32 $0xFFFFC000  }
0x77: {  	[spmem:s2] =	stream.indirect.scatter.add.f32 [tilespmem:s19], [sflag:$0x5], $0x80, s12, s17, $0xb8;
	[tilespmem:$0x1D000] =	vst v63  }
0x78: {  	_ =	swait.ge [sflag:s13], $0x4000  }
0x79: {  	[sflag:s13] =	ssyncset.done $0x0  }
0x7a: {  	[sflag:s13] =	ssyncadd.s32 $0xFFFFC000  }
0x7b: {  	[tilespmem:s19], [sflag:$0x3] =	stream.indirect.gather [hbm4b:s4+s17], $0x80, s21, s17, $0xb8;
	[tilespmem:$0x1D000] =	vst v63  }
0x7c: {  	_ =	swait.ge [sflag:s20], $0x4000  }
0x7d: {  	[sflag:s20] =	ssyncset.done $0x0  }
0x7e: {  	[sflag:s20] =	ssyncadd.s32 $0xFFFFC000  }
0x7f: {  	[spmem:s2] =	stream.indirect.scatter.add.f32 [tilespmem:s18], [sflag:$0x5], $0x80, s23, s17, $0xb8;
	[tilespmem:$0x1D000] =	vst v63  }
0x80: {  	_ =	swait.ge [sflag:s13], $0x4000  }
0x81: {  	[sflag:s13] =	ssyncset.done $0x0  }
0x82: {  	[sflag:s13] =	ssyncadd.s32 $0xFFFFC000  }
0x83: {  	[tilespmem:s18], [sflag:$0x2] =	stream.indirect.gather [hbm4b:s4+s17], $0x80, s24, s17, $0xb8;
	[tilespmem:$0x1D000] =	vst v63  }
0x84: {  	_ =	swait.ge [sflag:s22], $0x4000  }
0x85: {  	[sflag:s22] =	ssyncset.done $0x0  }
0x86: {  	[sflag:s22] =	ssyncadd.s32 $0xFFFFC000  }
0x87: {  	[spmem:s2] =	stream.indirect.scatter.add.f32 [tilespmem:s19], [sflag:$0x5], $0x80, s25, s17, $0xb8;
	[tilespmem:$0x1D000] =	vst v63  }
0x88: {  	_ =	swait.ge [sflag:s13], $0x4000  }
0x89: {  	[sflag:s13] =	ssyncset.done $0x0  }
0x8a: {  	[sflag:s13] =	ssyncadd.s32 $0xFFFFC000  }
0x8b: {  	[tilespmem:s19], [sflag:$0x3] =	stream.indirect.gather [hbm4b:s4+s17], $0x80, s26, s17, $0xb8;
	[tilespmem:$0x1D000] =	vst v63  }
0x8c: {  	_ =	swait.ge [sflag:s20], $0x4000  }
0x8d: {  	[sflag:s20] =	ssyncset.done $0x0  }
0x8e: {  	[sflag:s20] =	ssyncadd.s32 $0xFFFFC000  }
0x8f: {  	[spmem:s2] =	stream.indirect.scatter.add.f32 [tilespmem:s18], [sflag:$0x5], $0x80, s28, s17, $0xb8;
	[tilespmem:$0x1D000] =	vst v63  }
0x90: {  	_ =	swait.ge [sflag:s13], $0x4000  }
0x91: {  	[sflag:s13] =	ssyncset.done $0x0  }
0x92: {  	[sflag:s13] =	ssyncadd.s32 $0xFFFFC000  }
0x93: {  	[tilespmem:s18], [sflag:$0x2] =	stream.indirect.gather [hbm4b:s4+s17], $0x80, s29, s17, $0xb8;
	[tilespmem:$0x1D000] =	vst v63  }
0x94: {  	_ =	swait.ge [sflag:s22], $0x4000  }
0x95: {  	[sflag:s22] =	ssyncset.done $0x0  }
0x96: {  	[sflag:s22] =	ssyncadd.s32 $0xFFFFC000  }
0x97: {  	[spmem:s2] =	stream.indirect.scatter.add.f32 [tilespmem:s19], [sflag:$0x5], $0x80, s30, s17, $0xb8;
	[tilespmem:$0x1D000] =	vst v63  }
0x98: {  	_ =	swait.ge [sflag:s13], $0x4000  }
0x99: {  	[sflag:s13] =	ssyncset.done $0x0  }
0x9a: {  	[sflag:s13] =	ssyncadd.s32 $0xFFFFC000  }
0x9b: {  	[tilespmem:s19], [sflag:$0x3] =	stream.indirect.gather [hbm4b:s4+s17], $0x80, s31, s17, $0xb8;
	[tilespmem:$0x1D000] =	vst v63  }
0x9c: {  	_ =	swait.ge [sflag:s20], $0x4000  }
0x9d: {  	[sflag:s20] =	ssyncset.done $0x0  }
0x9e: {  	[sflag:s20] =	ssyncadd.s32 $0xFFFFC000  }
0x9f: {  	[spmem:s2] =	stream.indirect.scatter.add.f32 [tilespmem:s18], [sflag:$0x5], $0x80, s0, s17, $0xb8;
	[tilespmem:$0x1D000] =	vst v63  }
0xa0: {  	_ =	swait.ge [sflag:s13], $0x4000  }
0xa1: {  	[sflag:s13] =	ssyncset.done $0x0  }
0xa2: {  	[sflag:s13] =	ssyncadd.s32 $0xFFFFC000  }
0xa3: {  	p1 =	slt.u32 @!p0 s11, $0x8;
	_ =	swait.ge [sflag:s22], $0x4000  }
0xa4: {  	p1 =	por p0, !p1;
	[sflag:s22] =	ssyncset.done $0x0  }
.Ltmp0:
0xa5: {  	[sflag:s22] =	ssyncadd.s32 $0xFFFFC000;
	(pc) =	sbr.rel @!p1 .LBB2_2-.Ltmp0, $4  }
0xa6: {  	[spmem:s2] =	stream.indirect.scatter.add.f32 [tilespmem:s19], [sflag:$0x5], $0x80, s1, s17, $0xb8;
	[tilespmem:$0x1D000] =	vst v63  }
0xa7: {  	_ =	swait.ge [sflag:s13], $0x4000  }
0xa8: {  	[sflag:s13] =	ssyncset.done $0x0  }
0xa9: {  	s11 =	sadd.s32 $0x1, s11;
	s10 =	sadd.s32 $0x10, s10;
	[sflag:s13] =	ssyncadd.s32 $0xFFFFC000  }
0xaa: {  	[bflag:$0x0] =	sbarrier.arrive $0xFFFF  }
0xab: {  	s12 =	rddreg [dreg:$0x5]  }
0xac: {  	s10 =	rddreg [dreg:$0x6]  }
0xad: {  	s11 =	rddreg [dreg:$0x8]  }
0xae: {  	[hbm:s10], [sflag:s12] =	dma.local [spmem:s11], $0x2800  }
0xaf: {  	_ =	swait.ge [sflag:s13], $0x2800  }
0xb0: {  	s0 =	rddreg [dreg:$0x9]  }
0xb1: {  	s7 =	rddreg [dreg:$0x7];
	s0 =	sadd.s32 $0x1, s0  }
0xb2: {  	p1 =	sne.s32 s0, s7  }
.Ltmp1:
0xb3: {  	_ = 	snop;
	(pc) =	sbr.rel @p1 .LBB2_1-.Ltmp1, $3  }
0xb4: {  	_ =	sdelay $0x1  }
0xb5: {  	[sflag:s13] =	ssyncset.done $0x0  }
0xb6: {  	[sflag:s13] =	ssyncadd.s32 $0xFFFFD800  }
0xb7: {  	_ =	sfence.sel $0x180000  }
0xb8: {  	[bflag:$0x0] =	sbarrier.arrive $0xFFFF  }
0xb9: {  	_ =	strace $0x90000047  }
0xba: {  	s0 =	stileid.u32;
	[bflag:$0x2] =	sbarrier.arrive $0xFFFF  }
0xbb: {  	p0 =	sne.s32 s0, $0x0;
	s0 =	rddreg [dreg:$0x2]  }
0xbc: {  	s0 =	sadd.s32 @!p0 $0x100000, s0  }
0xbd: {  	[sflag:s0] =	ssyncadd.tile.s32 @!p0 $0x1;
	_ =	shalt  }
.Lfunc_end2:
_tile_overlayer_lowered:
.L_overlay_start_2:
0xbe: {  	(tag) =	ssettag $0x2  }
0xbf: {  	s0 =	rddreg [dreg:$0x0];
	s2 =	stileid.u32  }
0xc0: {  	s1 =	rddreg [dreg:$0x1];
	p0 =	sne.s32 s2, $0x0  }
0xc1: {  	s3 =	rddreg [dreg:$0x2];
	[bflag:$0x3] =	sbarrier.arrive $0xFFFF;
	s2 =	simm.s32 @!p0 $0x1C05  }
0xc2: {  	[timem:s3], [sflag:s2] =	dma.local @!p0 [hbm:s0], s1  }
0xc3: {  	s0 =	simm.s32 @!p0 $0x5  }
0xc4: {  	_ =	swait.ge @!p0 [sflag:s0], s1  }
0xc5: {  	s1 =	ssub.s32 @!p0 $0x0, s1;
	[sflag:s0] =	ssyncset.done @!p0 $0x0  }
0xc6: {  	[sflag:s0] =	ssyncadd.s32 @!p0 s1  }
0xc7: {  	[bflag:$0x3] =	sbarrier.arrive $0xFFFF  }
0xc8: {  	_ =	shalt  }

// kernel: kernel.19.cloned.1.call-start
scs
__scs_entry_jumppad:
0x0: {  	(pc) =	sbr.rel $0x88, $3  }
0x1: {  	(tag) =	ssettag $0x0;
	lr =	simm.s32 $0x1  }
0x2: {  	[smem:$0x3F99] =	sst lr;
	_ =	strace $0xD0000000  }
0x3: {  	_ = 	snop  }
0x4: {  	_ = 	snop  }
0x5: {  	_ = 	snop  }
0x6: {  	_ = 	snop  }
0x7: {  	_ = 	snop  }
__scs_overlays_trampoline_lowered:
0x8: {  	[smem:$0x3FA8] =	sst s0  }
0x9: {  	[smem:$0x3FA9] =	sst s1  }
0xa: {  	[smem:$0x3FAA] =	sst s2  }
0xb: {  	[smem:$0x3FAB] =	sst s3  }
0xc: {  	[smem:$0x3FAC] =	sst s4  }
0xd: {  	[smem:$0x3FAD] =	sst s5  }
0xe: {  	[smem:$0x3FAE] =	sst s6  }
0xf: {  	[smem:$0x3FAF] =	sst s7  }
0x10: {  	[smem:$0x3FB0] =	sst s8  }
0x11: {  	[smem:$0x3FB1] =	sst s9;
	s0 =	simm.s32 @!p0 $0x0  }
0x12: {  	s1 =	sld [smem:$0x3F97];
	s0 =	simm.s32 @p0 $0x1  }
0x13: {  	[smem:$0x3FB2] =	sst s0;
	s0 =	simm.s32 @!p1 $0x0  }
0x14: {  	s2 =	sld [smem:$0x3F96];
	s0 =	simm.s32 @p1 $0x1  }
0x15: {  	[smem:$0x3FB3] =	sst s0;
	s0 =	simm.s32 @!p2 $0x0  }
0x16: {  	s3 =	sld [smem:$0x3FDB];
	s0 =	simm.s32 @p2 $0x1  }
0x17: {  	s4 =	simm.s32 $0x1BF5;
	[smem:$0x3FB5] =	sst s0  }
0x18: {  	s0 =	sld [smem:$0x3F98];
	_ =	swait.ge [sflag:s4], $0x0  }
0x19: {  	s7 =	sld [smem:$0x3F99]  }
0x1a: {  	s8 =	sadd.s32 $0xFFFFE003, lr  }
0x1b: {  	s9 =	sadd.s32 $0xFFFFFEF7, lr;
	s5 =	simm.s32 $0xFFFFFFFF;
	p2 =	slt.u32 s8, $0xFFFFF086  }
0x1c: {  	p1 =	slt.u32 s9, $0xF7A;
	s5 =	simm.s32 @!p2 $0x0  }
0x1d: {  	s5 =	simm.s32 @p1 $0x1;
	p0 =	seq.s32 s7, s2  }
0x1e: {  	s7 =	smul.u32 @!p0 $0xF7A, s2;
	p2 =	seq.s32 @!p0 s5, $0x0  }
0x1f: {  	s9 =	smul.u32 $0xF7A, s1;
	s8 =	simm.s32 @!p0 $0x1BF5;
	p2 =	por !p2, p0  }
0x20: {  	[sflag:s8] =	ssyncset.s32 @!p0 $0xFFFFF086;
	s6 =	sadd.s32 @!p0 s3, s7;
	s7 =	simm.s32 @!p0 $0x108  }
0x21: {  	s3 =	sadd.s32 s3, s9;
	s6 =	sadd.s32 @!p0 $0x88, s6;
	s7 =	simm.s32 @p2 $0x1082  }
0x22: {  	[simem:s7], [sflag:s8] =	dma.local @!p0 [hbm:s6], $0xF7A  }
0x23: {  	s9 =	sor.u32 $0xD0000000, s2;
	s6 =	simm.s32 $0x108;
	_ =	swait.ge @!p0 [sflag:s8], $0x0  }
0x24: {  	s3 =	sadd.s32 $0x88, s3;
	s6 =	simm.s32 @!p1 $0x1082;
	[sflag:s4] =	ssyncset.s32 $0xFFFFF086  }
0x25: {  	[simem:s6], [sflag:s4] =	dma.local [hbm:s3], $0xF7A  }
0x26: {  	[smem:$0x3F99] =	sst s1;
	(tag) =	ssettag s2;
	_ =	strace s9  }
0x27: {  	s1 =	sld [smem:$0x3FA9]  }
0x28: {  	s2 =	sld [smem:$0x3FAA]  }
0x29: {  	s4 =	sld [smem:$0x3FAC]  }
0x2a: {  	p0 =	seq.s32 s5, $0x0;
	s5 =	sld [smem:$0x3FAD]  }
0x2b: {  	s6 =	sld [smem:$0x3FAE]  }
0x2c: {  	s7 =	sld [smem:$0x3FAF]  }
0x2d: {  	s3 =	simm.s32 $0x108;
	s8 =	sld [smem:$0x3FB0]  }
0x2e: {  	s3 =	simm.s32 @!p0 $0x1082;
	s9 =	sld [smem:$0x3FB1]  }
0x2f: {  	lr =	sadd.s32 s0, s3;
	s0 =	sld [smem:$0x3FA8]  }
0x30: {  	s3 =	sld [smem:$0x3FAB]  }
0x31: {  	[smem:$0x3FB4] =	sst s10  }
0x32: {  	s10 =	sld [smem:$0x3FB2];
	_ =	sdelay $0x3  }
0x33: {  	p0 =	seq.s32 s10, $0x1;
	s10 =	sld [smem:$0x3FB4];
	_ =	sdelay $0x3  }
0x34: {  	[smem:$0x3FB4] =	sst s10  }
0x35: {  	s10 =	sld [smem:$0x3FB3];
	_ =	sdelay $0x3  }
0x36: {  	p1 =	seq.s32 s10, $0x1;
	s10 =	sld [smem:$0x3FB4];
	_ =	sdelay $0x3  }
0x37: {  	[smem:$0x3FB4] =	sst s10  }
0x38: {  	s10 =	sld [smem:$0x3FB5]  }
0x39: {  	_ = 	snop;
	(pc) =	sbr.ind lr, $3  }
0x3a: {  	_ = 	snop  }
0x3b: {  	_ = 	snop  }
0x3c: {  	p2 =	seq.s32 s10, $0x1;
	s10 =	sld [smem:$0x3FB4]  }
0x3d: {  	_ =	shalt  }
0x3e: {  	_ =	shalt  }
0x3f: {  	_ =	shalt  }
0x40: {  	_ =	shalt  }
0x41: {  	_ =	shalt  }
0x42: {  	_ =	shalt  }
0x43: {  	_ =	shalt  }
0x44: {  	_ =	shalt  }
0x45: {  	_ =	shalt  }
0x46: {  	_ =	shalt  }
0x47: {  	_ =	shalt  }
0x48: {  	_ =	shalt  }
0x49: {  	_ =	shalt  }
0x4a: {  	_ =	shalt  }
0x4b: {  	_ =	shalt  }
0x4c: {  	_ =	shalt  }
0x4d: {  	_ =	shalt  }
0x4e: {  	_ =	shalt  }
0x4f: {  	_ =	shalt  }
0x50: {  	_ =	shalt  }
0x51: {  	_ =	shalt  }
0x52: {  	_ =	shalt  }
0x53: {  	_ =	shalt  }
0x54: {  	_ =	shalt  }
0x55: {  	_ =	shalt  }
0x56: {  	_ =	shalt  }
0x57: {  	_ =	shalt  }
0x58: {  	_ =	shalt  }
0x59: {  	_ =	shalt  }
0x5a: {  	_ =	shalt  }
0x5b: {  	_ =	shalt  }
0x5c: {  	_ =	shalt  }
0x5d: {  	_ =	shalt  }
0x5e: {  	_ =	shalt  }
0x5f: {  	_ =	shalt  }
0x60: {  	_ =	shalt  }
0x61: {  	_ =	shalt  }
0x62: {  	_ =	shalt  }
0x63: {  	_ =	shalt  }
0x64: {  	_ =	shalt  }
0x65: {  	_ =	shalt  }
0x66: {  	_ =	shalt  }
0x67: {  	_ =	shalt  }
0x68: {  	_ =	shalt  }
0x69: {  	_ =	shalt  }
0x6a: {  	_ =	shalt  }
0x6b: {  	_ =	shalt  }
0x6c: {  	_ =	shalt  }
0x6d: {  	_ =	shalt  }
0x6e: {  	_ =	shalt  }
0x6f: {  	_ =	shalt  }
0x70: {  	_ =	shalt  }
0x71: {  	_ =	shalt  }
0x72: {  	_ =	shalt  }
0x73: {  	_ =	shalt  }
0x74: {  	_ =	shalt  }
0x75: {  	_ =	shalt  }
0x76: {  	_ =	shalt  }
0x77: {  	_ =	shalt  }
0x78: {  	_ =	shalt  }
0x79: {  	_ =	shalt  }
0x7a: {  	_ =	shalt  }
0x7b: {  	_ =	shalt  }
0x7c: {  	_ =	shalt  }
0x7d: {  	_ =	shalt  }
0x7e: {  	_ =	shalt  }
0x7f: {  	_ =	shalt  }
0x80: {  	_ =	shalt  }
0x81: {  	_ =	shalt  }
0x82: {  	_ =	shalt  }
0x83: {  	_ =	shalt  }
0x84: {  	_ =	shalt  }
0x85: {  	_ =	shalt  }
0x86: {  	_ =	shalt  }
0x87: {  	_ =	shalt  }
.Lfunc_end0:
.L_simem_size_0:
called_computation.2_lowered:
.L_overlay_start_0:
0x88: {  	s2 =	sld [smem:$0x3FD9]  }
0x89: {  	s3 =	sld [smem:$0x3FFE];
	_ =	sdelay $0x1  }
0x8a: {  	s1 =	srdreg.scid  }
0x8b: {  	s0 =	sand.u32 $0x1, s1  }
0x8c: {  	s16 =	sshll.u32 s0, $0xA;
	s2 =	sadd.s32 s3, s2  }
0x8d: {  	s2 =	sadd.s32 s2, s16  }
0x8e: {  	[smem:$0x3FC0] =	sst s2  }
0x8f: {  	_ = 	snop  }
0x90: {  	(tm) =	ssettm $0x1  }
0x91: {  	s17 =	sld [smem:$0x3FFB];
	_ =	sdelay $0x3  }
0x92: {  	_ =	strace s17  }
0x93: {  	s2 =	sld [smem:$0x3FFC];
	_ =	sdelay $0x3  }
0x94: {  	_ =	strace s2  }
0x95: {  	s2 =	sld [smem:$0x3FFD];
	_ =	sdelay $0x3  }
0x96: {  	_ =	strace s2  }
0x97: {  	_ =	strace $0x8FFFFFFF  }
0x98: {  	s18 =	sld [smem:$0x3FDB];
	_ =	sdelay $0x1  }
0x99: {  	s19 =	simm.s32 $_scs_section_size  }
0x9a: {  	s4 =	simm.s32 $_size__tile_overlayer_lowered;
	s5 =	simm.s32 $_tile_overlayer_lowered  }
0x9b: {  	s22 =	simm.s32 $0x1BFF;
	s21 =	sshll.u32 s5, $0x1;
	s2 =	sadd.s32 s19, s18  }
0x9c: {  	s6 =	simm.s32 $0x0;
	s20 =	sshll.u32 s4, $0x1;
	s4 =	sadd.s32 s21, s2  }
0x9d: {  	[timem:s6], [sflag:s22] =	dma.local [hbm:s4], s20  }
0x9e: {  	_ =	swait.ge [sflag:s22], s20  }
0x9f: {  	s3 =	ssub.s32 $0x0, s20;
	[sflag:s22] =	ssyncset.done $0x0  }
0xa0: {  	[sflag:s22] =	ssyncadd.s32 s3;
	_ =	sdelay $0x1  }
0xa1: {  	s23 =	simm.s32 $0x1B8B  }
0xa2: {  	_ =	swait.ge [sflag:s23], $0x1  }
0xa3: {  	[sflag:s23] =	ssyncset.done $0x0  }
0xa4: {  	s25 =	simm.s32 $0x1B8E;
	s24 =	sld [smem:$0x3FFE];
	[sflag:s23] =	ssyncadd.s32 $0xFFFFFFFF  }
0xa5: {  	s26 =	simm.s32 $execute0_lowered;
	[smem:$0x3FD2] =	sst s25  }
0xa6: {  	s4 =	sshll.u32 s26, $0x1;
	_ =	strace $0x8000004C;
	[dreg:$0x1] =	wrdreg $0xFFFFFFFF  }
0xa7: {  	s28 =	simm.s32 $_size_execute0_lowered;
	s2 =	sadd.s32 s2, s4;
	[dreg:$0x0] =	wrdreg $0x0  }
0xa8: {  	s4 =	sshll.u32 s28, $0x1;
	[dreg:$0x2] =	wrdreg s2  }
0xa9: {  	[dreg:$0x3] =	wrdreg s4  }
0xaa: {  	[dreg:$0x4] =	wrdreg $0xC0  }
0xab: {  	_ =	task [dreg:s6], $0x5FFFF  }
0xac: {  	[dreg:$0x1] =	wrdreg $0xFFFFFFFF  }
0xad: {  	[dreg:$0x0] =	wrdreg $0x60  }
0xae: {  	[dreg:$0x2] =	wrdreg s24  }
0xaf: {  	[dreg:$0x3] =	wrdreg $0x90000  }
0xb0: {  	[dreg:$0x4] =	wrdreg $0x9  }
0xb1: {  	_ =	task.clear_ibuf [dreg:s6], $0x5FFFF;
	_ =	strace $0x9000004C  }
0xb2: {  	s29 =	simm.s32 $0x9;
	_ =	strace $0x8000004E  }
0xb3: {  	_ =	swait.ge [sflag:s29], $0x1  }
0xb4: {  	[sflag:s29] =	ssyncadd.s32 $0xFFFFFFFF  }
0xb5: {  	_ =	strace $0x9000004E  }
0xb6: {  	_ =	sfence  }
0xb7: {  	s30 =	sld [smem:$0x0];
	_ =	sdelay $0x2  }
0xb8: {  	s31 =	sshll.u32 s1, $0xD;
	s1 =	sshrl.u32 s1, $0x2  }
0xb9: {  	s3 =	sand.u32 $0x4000, s31;
	s1 =	sadd.s32 s1, s30  }
0xba: {  	s0 =	sor.u32 s3, s0;
	s1 =	sshll.u32 s1, $0x11  }
0xbb: {  	s0 =	sor.u32 s1, s0  }
0xbc: {  	s0 =	sadd.s32 $0x8F2B, s0  }
0xbd: {  	[sflag:s0] =	ssyncadd.remote.s32 $0x1  }
0xbe: {  	_ =	sfence.sel $0xFFFF  }
0xbf: {  	[dreg:$0x0] =	wrdreg $0xFFFFFFFF;
	(pc) =	sbr.abs _section_cstart, $3  }
0xc0: {  	[dreg:$0x1] =	wrdreg $0xFFFFFFFF  }
0xc1: {  	_ =	task.clear_ibuf [dreg:s6], $0x2FFFF;
	_ =	strace $0x9FFFFFFF  }
0xc2: {  	(tm) =	ssettm $0x7FFFFFFF  }
0xc3: {  	_ =	shalt  }
tec
execute0_lowered:
.L_overlay_start_1:
0x0: {  	(tag) =	ssettag $0x1  }
0x1: {  	s0 =	rddreg [dreg:$0x0]  }
0x2: {  	s2 =	rddreg [dreg:$0x1];
	s3 =	simm.s32 $0x0;
	s12 =	stileid.u32  }
0x3: {  	s1 =	srdreg.scid;
	s13 =	simm.s32 $0x5;
	s14 =	simm.s32 $0x800  }
0x4: {  	s15 =	simm.s32 $0x1;
	s16 =	simm.s32 $0x4;
	s17 =	simm.s32 $0x80  }
0x5: {  	s18 =	simm.s32 $0x1000;
	s19 =	simm.s32 $0x5000;
	s20 =	simm.s32 $0x2  }
0x6: {  	s28 =	simm.s32 $0xE00;
	s29 =	simm.s32 $0x700;
	s30 =	simm.s32 $0xE80  }
0x7: {  	s31 =	simm.s32 $0x780;
	[smem:$0x7FF] =	sst s3;
	s7 =	smul.u32 $0x14000, s12  }
0x8: {  	s1 =	sand.u32 $0x1, s1;
	s4 =	sadd.s32 $0x8FC00, s0;
	s5 =	sadd.s32 $0xDC00, s0  }
0x9: {  	s6 =	sadd.s32 $0x3C00, s0;
	s10 =	smul.u32 $0x50000, s12;
	s24 =	sshll.u32 s12, $0x4  }
0xa: {  	s25 =	sshll.u32 s12, $0x6;
	_ =	strace $0x8000004D;
	s8 =	smul.u32 $0x140000, s1  }
0xb: {  	s21 =	ssub.s32 $0x2, s1;
	p0 =	seq.s32 s1, $0x0;
	s9 =	sshrl.u32 s7, $0x3  }
0xc: {  	s11 =	sshrl.u32 s21, $0x1;
	s10 =	sshrl.u32 s10, $0x2;
	s9 =	sadd.s32 s9, s0  }
0xd: {  	s7 =	sadd.s32 s7, s8;
	s22 =	ssub.s32 s21, s11;
	s23 =	sadd.s32 s10, s2  }
0xe: {  	s10 =	sor.u32 $0x900, s24;
	s8 =	simm.s32 $0xC00;
	s21 =	simm.s32 $0x580  }
0xf: {  	s24 =	simm.s32 $0x600;
	s7 =	sshrl.u32 s7, $0x3;
	s9 =	sadd.s32 $0x3FC00, s9  }
0x10: {  	s26 =	smax.u32 s22, $0x1;
	s11 =	sshrl.u32 s23, $0x3;
	s22 =	simm.s32 $0x3  }
0x11: {  	s23 =	simm.s32 $0xD00;
	s0 =	sadd.s32 s7, s0;
	[dreg:$0x3] =	wrdreg s9  }
0x12: {  	s9 =	smul.u32 $0x90, s12;
	s12 =	sor.u32 $0x1C05, s25;
	[dreg:$0x7] =	wrdreg s26  }
0x13: {  	[dreg:$0x8] =	wrdreg s11;
	s25 =	simm.s32 $0xD80;
	s26 =	simm.s32 $0x680  }
0x14: {  	s0 =	sadd.s32 $0xDFC00, s0;
	[dreg:$0x5] =	wrdreg s12;
	s10 =	smov.u32 @p0 s9  }
0x15: {  	[dreg:$0x6] =	wrdreg s0;
	p0 =	sne.s32 s1, $0x0;
	s0 =	simm.s32 $0x0  }
0x16: {  	v0 =	vlaneseq.u32;
	vm0 =	vmmov $0xffff;
	s9 =	simm.s32 $0x500;
	s1 =	simm.s32 $0xF80;
	[dreg:$0x4] =	wrdreg s10  }
.LBB2_1:
0x17: {  	[dreg:$0x9] =	wrdreg s0  }
0x18: {  	s10 =	rddreg [dreg:$0x3]  }
0x19: {  	[spmem:s11], [sflag:s12] =	dma.local [hbm:s10], $0x2800  }
0x1a: {  	_ =	swait.ge [sflag:s13], $0x2800  }
0x1b: {  	[sflag:s13] =	ssyncset.done $0x0  }
0x1c: {  	[sflag:s13] =	ssyncadd.s32 $0xFFFFD800  }
0x1d: {  	s0 =	simm.s32 $0xF00;
	[bflag:$0x0] =	sbarrier.arrive $0xFFFF  }
0x1e: {  	s11 =	simm.s32 $0x0;
	s12 =	simm.s32 $0xC80;
	s10 =	rddreg [dreg:$0x4]  }
.LBB2_2:
0x1f: {  	v1 =	vor.u32 s10, v0;
	_ =	sdelay $0x4  }
0x20: {  	[tilespmem:s3], [sflag:$0x1] =	stream.indirect_vreg.gather [hbm4b:s5+s3], $0x80, v1, vm0, $0xb8;
	[tilespmem:$0x1D000] =	vst v63  }
0x21: {  	_ = 	snop  }
0x22: {  	[tilespmem:s14], [sflag:$0x4] =	stream.indirect_vreg.gather [hbm4b:s6+s3], $0x80, v1, vm0, $0xb8;
	[tilespmem:$0x1D000] =	vst v63  }
0x23: {  	_ =	swait.ge [sflag:s15], $0x800  }
0x24: {  	[sflag:s15] =	ssyncset.done $0x0  }
0x25: {  	[sflag:s15] =	ssyncadd.s32 $0xFFFFF800  }
0x26: {  	_ =	swait.ge [sflag:s16], $0x800  }
0x27: {  	[sflag:s16] =	ssyncset.done $0x0  }
0x28: {  	[sflag:s16] =	ssyncadd.s32 $0xFFFFF800  }
0x29: {  	[tilespmem:s18], [sflag:$0x2] =	stream.indirect.gather [hbm4b:s4+s17], $0x80, s3, s17, $0xb8;
	[tilespmem:$0x1D000] =	vst v63  }
0x2a: {  	_ = 	snop  }
0x2b: {  	[tilespmem:s19], [sflag:$0x3] =	stream.indirect.gather [hbm4b:s4+s17], $0x80, s17, s17, $0xb8;
	[tilespmem:$0x1D000] =	vst v63  }
0x2c: {  	_ =	swait.ge [sflag:s20], $0x4000  }
0x2d: {  	[sflag:s20] =	ssyncset.done $0x0  }
0x2e: {  	[sflag:s20] =	ssyncadd.s32 $0xFFFFC000  }
0x2f: {  	[spmem:s2] =	stream.indirect.scatter.add.f32 [tilespmem:s18], [sflag:$0x5], $0x80, s14, s17, $0xb8;
	[tilespmem:$0x1D000] =	vst v63  }
0x30: {  	_ =	swait.ge [sflag:s13], $0x4000  }
0x31: {  	[sflag:s13] =	ssyncset.done $0x0  }
0x32: {  	s7 =	simm.s32 $0x100;
	[sflag:s13] =	ssyncadd.s32 $0xFFFFC000  }
0x33: {  	[tilespmem:s18], [sflag:$0x2] =	stream.indirect.gather [hbm4b:s4+s17], $0x80, s7, s17, $0xb8;
	[tilespmem:$0x1D000] =	vst v63  }
0x34: {  	_ =	swait.ge [sflag:s22], $0x4000  }
0x35: {  	[sflag:s22] =	ssyncset.done $0x0  }
0x36: {  	s7 =	simm.s32 $0x880;
	[sflag:s22] =	ssyncadd.s32 $0xFFFFC000  }
0x37: {  	[spmem:s2] =	stream.indirect.scatter.add.f32 [tilespmem:s19], [sflag:$0x5], $0x80, s7, s17, $0xb8;
	[tilespmem:$0x1D000] =	vst v63  }
0x38: {  	_ =	swait.ge [sflag:s13], $0x4000  }
0x39: {  	[sflag:s13] =	ssyncset.done $0x0  }
0x3a: {  	s7 =	simm.s32 $0x180;
	[sflag:s13] =	ssyncadd.s32 $0xFFFFC000  }
0x3b: {  	[tilespmem:s19], [sflag:$0x3] =	stream.indirect.gather [hbm4b:s4+s17], $0x80, s7, s17, $0xb8;
	[tilespmem:$0x1D000] =	vst v63  }
0x3c: {  	_ =	swait.ge [sflag:s20], $0x4000  }
0x3d: {  	[sflag:s20] =	ssyncset.done $0x0  }
0x3e: {  	s7 =	simm.s32 $0x900;
	[sflag:s20] =	ssyncadd.s32 $0xFFFFC000  }
0x3f: {  	[spmem:s2] =	stream.indirect.scatter.add.f32 [tilespmem:s18], [sflag:$0x5], $0x80, s7, s17, $0xb8;
	[tilespmem:$0x1D000] =	vst v63  }
0x40: {  	_ =	swait.ge [sflag:s13], $0x4000  }
0x41: {  	[sflag:s13] =	ssyncset.done $0x0  }
0x42: {  	s7 =	simm.s32 $0x200;
	[sflag:s13] =	ssyncadd.s32 $0xFFFFC000  }
0x43: {  	[tilespmem:s18], [sflag:$0x2] =	stream.indirect.gather [hbm4b:s4+s17], $0x80, s7, s17, $0xb8;
	[tilespmem:$0x1D000] =	vst v63  }
0x44: {  	_ =	swait.ge [sflag:s22], $0x4000  }
0x45: {  	[sflag:s22] =	ssyncset.done $0x0  }
0x46: {  	s7 =	simm.s32 $0x980;
	[sflag:s22] =	ssyncadd.s32 $0xFFFFC000  }
0x47: {  	[spmem:s2] =	stream.indirect.scatter.add.f32 [tilespmem:s19], [sflag:$0x5], $0x80, s7, s17, $0xb8;
	[tilespmem:$0x1D000] =	vst v63  }
0x48: {  	_ =	swait.ge [sflag:s13], $0x4000  }
0x49: {  	[sflag:s13] =	ssyncset.done $0x0  }
0x4a: {  	s7 =	simm.s32 $0x280;
	[sflag:s13] =	ssyncadd.s32 $0xFFFFC000  }
0x4b: {  	[tilespmem:s19], [sflag:$0x3] =	stream.indirect.gather [hbm4b:s4+s17], $0x80, s7, s17, $0xb8;
	[tilespmem:$0x1D000] =	vst v63  }
0x4c: {  	_ =	swait.ge [sflag:s20], $0x4000  }
0x4d: {  	[sflag:s20] =	ssyncset.done $0x0  }
0x4e: {  	s7 =	simm.s32 $0xA00;
	[sflag:s20] =	ssyncadd.s32 $0xFFFFC000  }
0x4f: {  	[spmem:s2] =	stream.indirect.scatter.add.f32 [tilespmem:s18], [sflag:$0x5], $0x80, s7, s17, $0xb8;
	[tilespmem:$0x1D000] =	vst v63  }
0x50: {  	_ =	swait.ge [sflag:s13], $0x4000  }
0x51: {  	[sflag:s13] =	ssyncset.done $0x0  }
0x52: {  	s7 =	simm.s32 $0x300;
	[sflag:s13] =	ssyncadd.s32 $0xFFFFC000  }
0x53: {  	[tilespmem:s18], [sflag:$0x2] =	stream.indirect.gather [hbm4b:s4+s17], $0x80, s7, s17, $0xb8;
	[tilespmem:$0x1D000] =	vst v63  }
0x54: {  	_ =	swait.ge [sflag:s22], $0x4000  }
0x55: {  	[sflag:s22] =	ssyncset.done $0x0  }
0x56: {  	s7 =	simm.s32 $0xA80;
	[sflag:s22] =	ssyncadd.s32 $0xFFFFC000  }
0x57: {  	[spmem:s2] =	stream.indirect.scatter.add.f32 [tilespmem:s19], [sflag:$0x5], $0x80, s7, s17, $0xb8;
	[tilespmem:$0x1D000] =	vst v63  }
0x58: {  	_ =	swait.ge [sflag:s13], $0x4000  }
0x59: {  	[sflag:s13] =	ssyncset.done $0x0  }
0x5a: {  	s7 =	simm.s32 $0x380;
	[sflag:s13] =	ssyncadd.s32 $0xFFFFC000  }
0x5b: {  	[tilespmem:s19], [sflag:$0x3] =	stream.indirect.gather [hbm4b:s4+s17], $0x80, s7, s17, $0xb8;
	[tilespmem:$0x1D000] =	vst v63  }
0x5c: {  	_ =	swait.ge [sflag:s20], $0x4000  }
0x5d: {  	[sflag:s20] =	ssyncset.done $0x0  }
0x5e: {  	s7 =	simm.s32 $0xB00;
	[sflag:s20] =	ssyncadd.s32 $0xFFFFC000  }
0x5f: {  	[spmem:s2] =	stream.indirect.scatter.add.f32 [tilespmem:s18], [sflag:$0x5], $0x80, s7, s17, $0xb8;
	[tilespmem:$0x1D000] =	vst v63  }
0x60: {  	_ =	swait.ge [sflag:s13], $0x4000  }
0x61: {  	[sflag:s13] =	ssyncset.done $0x0  }
0x62: {  	s7 =	simm.s32 $0x400;
	[sflag:s13] =	ssyncadd.s32 $0xFFFFC000  }
0x63: {  	[tilespmem:s18], [sflag:$0x2] =	stream.indirect.gather [hbm4b:s4+s17], $0x80, s7, s17, $0xb8;
	[tilespmem:$0x1D000] =	vst v63  }
0x64: {  	_ =	swait.ge [sflag:s22], $0x4000  }
0x65: {  	[sflag:s22] =	ssyncset.done $0x0  }
0x66: {  	s7 =	simm.s32 $0xB80;
	[sflag:s22] =	ssyncadd.s32 $0xFFFFC000  }
0x67: {  	[spmem:s2] =	stream.indirect.scatter.add.f32 [tilespmem:s19], [sflag:$0x5], $0x80, s7, s17, $0xb8;
	[tilespmem:$0x1D000] =	vst v63  }
0x68: {  	_ =	swait.ge [sflag:s13], $0x4000  }
0x69: {  	[sflag:s13] =	ssyncset.done $0x0  }
0x6a: {  	s7 =	simm.s32 $0x480;
	[sflag:s13] =	ssyncadd.s32 $0xFFFFC000  }
0x6b: {  	[tilespmem:s19], [sflag:$0x3] =	stream.indirect.gather [hbm4b:s4+s17], $0x80, s7, s17, $0xb8;
	[tilespmem:$0x1D000] =	vst v63  }
0x6c: {  	_ =	swait.ge [sflag:s20], $0x4000  }
0x6d: {  	[sflag:s20] =	ssyncset.done $0x0  }
0x6e: {  	[sflag:s20] =	ssyncadd.s32 $0xFFFFC000  }
0x6f: {  	[spmem:s2] =	stream.indirect.scatter.add.f32 [tilespmem:s18], [sflag:$0x5], $0x80, s8, s17, $0xb8;
	[tilespmem:$0x1D000] =	vst v63  }
0x70: {  	_ =	swait.ge [sflag:s13], $0x4000  }
0x71: {  	[sflag:s13] =	ssyncset.done $0x0  }
0x72: {  	[sflag:s13] =	ssyncadd.s32 $0xFFFFC000  }
0x73: {  	[tilespmem:s18], [sflag:$0x2] =	stream.indirect.gather [hbm4b:s4+s17], $0x80, s9, s17, $0xb8;
	[tilespmem:$0x1D000] =	vst v63  }
0x74: {  	_ =	swait.ge [sflag:s22], $0x4000  }
0x75: {  	[sflag:s22] =	ssyncset.done $0x0  }
0x76: {  	[sflag:s22] =	ssyncadd.s32 $0xFFFFC000  }
0x77: {  	[spmem:s2] =	stream.indirect.scatter.add.f32 [tilespmem:s19], [sflag:$0x5], $0x80, s12, s17, $0xb8;
	[tilespmem:$0x1D000] =	vst v63  }
0x78: {  	_ =	swait.ge [sflag:s13], $0x4000  }
0x79: {  	[sflag:s13] =	ssyncset.done $0x0  }
0x7a: {  	[sflag:s13] =	ssyncadd.s32 $0xFFFFC000  }
0x7b: {  	[tilespmem:s19], [sflag:$0x3] =	stream.indirect.gather [hbm4b:s4+s17], $0x80, s21, s17, $0xb8;
	[tilespmem:$0x1D000] =	vst v63  }
0x7c: {  	_ =	swait.ge [sflag:s20], $0x4000  }
0x7d: {  	[sflag:s20] =	ssyncset.done $0x0  }
0x7e: {  	[sflag:s20] =	ssyncadd.s32 $0xFFFFC000  }
0x7f: {  	[spmem:s2] =	stream.indirect.scatter.add.f32 [tilespmem:s18], [sflag:$0x5], $0x80, s23, s17, $0xb8;
	[tilespmem:$0x1D000] =	vst v63  }
0x80: {  	_ =	swait.ge [sflag:s13], $0x4000  }
0x81: {  	[sflag:s13] =	ssyncset.done $0x0  }
0x82: {  	[sflag:s13] =	ssyncadd.s32 $0xFFFFC000  }
0x83: {  	[tilespmem:s18], [sflag:$0x2] =	stream.indirect.gather [hbm4b:s4+s17], $0x80, s24, s17, $0xb8;
	[tilespmem:$0x1D000] =	vst v63  }
0x84: {  	_ =	swait.ge [sflag:s22], $0x4000  }
0x85: {  	[sflag:s22] =	ssyncset.done $0x0  }
0x86: {  	[sflag:s22] =	ssyncadd.s32 $0xFFFFC000  }
0x87: {  	[spmem:s2] =	stream.indirect.scatter.add.f32 [tilespmem:s19], [sflag:$0x5], $0x80, s25, s17, $0xb8;
	[tilespmem:$0x1D000] =	vst v63  }
0x88: {  	_ =	swait.ge [sflag:s13], $0x4000  }
0x89: {  	[sflag:s13] =	ssyncset.done $0x0  }
0x8a: {  	[sflag:s13] =	ssyncadd.s32 $0xFFFFC000  }
0x8b: {  	[tilespmem:s19], [sflag:$0x3] =	stream.indirect.gather [hbm4b:s4+s17], $0x80, s26, s17, $0xb8;
	[tilespmem:$0x1D000] =	vst v63  }
0x8c: {  	_ =	swait.ge [sflag:s20], $0x4000  }
0x8d: {  	[sflag:s20] =	ssyncset.done $0x0  }
0x8e: {  	[sflag:s20] =	ssyncadd.s32 $0xFFFFC000  }
0x8f: {  	[spmem:s2] =	stream.indirect.scatter.add.f32 [tilespmem:s18], [sflag:$0x5], $0x80, s28, s17, $0xb8;
	[tilespmem:$0x1D000] =	vst v63  }
0x90: {  	_ =	swait.ge [sflag:s13], $0x4000  }
0x91: {  	[sflag:s13] =	ssyncset.done $0x0  }
0x92: {  	[sflag:s13] =	ssyncadd.s32 $0xFFFFC000  }
0x93: {  	[tilespmem:s18], [sflag:$0x2] =	stream.indirect.gather [hbm4b:s4+s17], $0x80, s29, s17, $0xb8;
	[tilespmem:$0x1D000] =	vst v63  }
0x94: {  	_ =	swait.ge [sflag:s22], $0x4000  }
0x95: {  	[sflag:s22] =	ssyncset.done $0x0  }
0x96: {  	[sflag:s22] =	ssyncadd.s32 $0xFFFFC000  }
0x97: {  	[spmem:s2] =	stream.indirect.scatter.add.f32 [tilespmem:s19], [sflag:$0x5], $0x80, s30, s17, $0xb8;
	[tilespmem:$0x1D000] =	vst v63  }
0x98: {  	_ =	swait.ge [sflag:s13], $0x4000  }
0x99: {  	[sflag:s13] =	ssyncset.done $0x0  }
0x9a: {  	[sflag:s13] =	ssyncadd.s32 $0xFFFFC000  }
0x9b: {  	[tilespmem:s19], [sflag:$0x3] =	stream.indirect.gather [hbm4b:s4+s17], $0x80, s31, s17, $0xb8;
	[tilespmem:$0x1D000] =	vst v63  }
0x9c: {  	_ =	swait.ge [sflag:s20], $0x4000  }
0x9d: {  	[sflag:s20] =	ssyncset.done $0x0  }
0x9e: {  	[sflag:s20] =	ssyncadd.s32 $0xFFFFC000  }
0x9f: {  	[spmem:s2] =	stream.indirect.scatter.add.f32 [tilespmem:s18], [sflag:$0x5], $0x80, s0, s17, $0xb8;
	[tilespmem:$0x1D000] =	vst v63  }
0xa0: {  	_ =	swait.ge [sflag:s13], $0x4000  }
0xa1: {  	[sflag:s13] =	ssyncset.done $0x0  }
0xa2: {  	[sflag:s13] =	ssyncadd.s32 $0xFFFFC000  }
0xa3: {  	p1 =	slt.u32 @!p0 s11, $0x8;
	_ =	swait.ge [sflag:s22], $0x4000  }
0xa4: {  	p1 =	por p0, !p1;
	[sflag:s22] =	ssyncset.done $0x0  }
.Ltmp0:
0xa5: {  	[sflag:s22] =	ssyncadd.s32 $0xFFFFC000;
	(pc) =	sbr.rel @!p1 .LBB2_2-.Ltmp0, $4  }
0xa6: {  	[spmem:s2] =	stream.indirect.scatter.add.f32 [tilespmem:s19], [sflag:$0x5], $0x80, s1, s17, $0xb8;
	[tilespmem:$0x1D000] =	vst v63  }
0xa7: {  	_ =	swait.ge [sflag:s13], $0x4000  }
0xa8: {  	[sflag:s13] =	ssyncset.done $0x0  }
0xa9: {  	s11 =	sadd.s32 $0x1, s11;
	s10 =	sadd.s32 $0x10, s10;
	[sflag:s13] =	ssyncadd.s32 $0xFFFFC000  }
0xaa: {  	[bflag:$0x0] =	sbarrier.arrive $0xFFFF  }
0xab: {  	s12 =	rddreg [dreg:$0x5]  }
0xac: {  	s10 =	rddreg [dreg:$0x6]  }
0xad: {  	s11 =	rddreg [dreg:$0x8]  }
0xae: {  	[hbm:s10], [sflag:s12] =	dma.local [spmem:s11], $0x2800  }
0xaf: {  	_ =	swait.ge [sflag:s13], $0x2800  }
0xb0: {  	s0 =	rddreg [dreg:$0x9]  }
0xb1: {  	s7 =	rddreg [dreg:$0x7];
	s0 =	sadd.s32 $0x1, s0  }
0xb2: {  	p1 =	sne.s32 s0, s7  }
.Ltmp1:
0xb3: {  	_ = 	snop;
	(pc) =	sbr.rel @p1 .LBB2_1-.Ltmp1, $3  }
0xb4: {  	_ =	sdelay $0x1  }
0xb5: {  	[sflag:s13] =	ssyncset.done $0x0  }
0xb6: {  	[sflag:s13] =	ssyncadd.s32 $0xFFFFD800  }
0xb7: {  	_ =	sfence.sel $0x180000  }
0xb8: {  	[bflag:$0x0] =	sbarrier.arrive $0xFFFF  }
0xb9: {  	_ =	strace $0x9000004D  }
0xba: {  	s0 =	stileid.u32;
	[bflag:$0x2] =	sbarrier.arrive $0xFFFF  }
0xbb: {  	p0 =	sne.s32 s0, $0x0;
	s0 =	rddreg [dreg:$0x2]  }
0xbc: {  	s0 =	sadd.s32 @!p0 $0x100000, s0  }
0xbd: {  	[sflag:s0] =	ssyncadd.tile.s32 @!p0 $0x1;
	_ =	shalt  }
.Lfunc_end2:
_tile_overlayer_lowered:
.L_overlay_start_2:
0xbe: {  	(tag) =	ssettag $0x2  }
0xbf: {  	s0 =	rddreg [dreg:$0x0];
	s2 =	stileid.u32  }
0xc0: {  	s1 =	rddreg [dreg:$0x1];
	p0 =	sne.s32 s2, $0x0  }
0xc1: {  	s3 =	rddreg [dreg:$0x2];
	[bflag:$0x3] =	sbarrier.arrive $0xFFFF;
	s2 =	simm.s32 @!p0 $0x1C05  }
0xc2: {  	[timem:s3], [sflag:s2] =	dma.local @!p0 [hbm:s0], s1  }
0xc3: {  	s0 =	simm.s32 @!p0 $0x5  }
0xc4: {  	_ =	swait.ge @!p0 [sflag:s0], s1  }
0xc5: {  	s1 =	ssub.s32 @!p0 $0x0, s1;
	[sflag:s0] =	ssyncset.done @!p0 $0x0  }
0xc6: {  	[sflag:s0] =	ssyncadd.s32 @!p0 s1  }
0xc7: {  	[bflag:$0x3] =	sbarrier.arrive $0xFFFF  }
0xc8: {  	_ =	shalt  }

// kernel: kernel.22.cloned.1.call-start
scs
__scs_entry_jumppad:
0x0: {  	(pc) =	sbr.rel $0x88, $3  }
0x1: {  	(tag) =	ssettag $0x0;
	lr =	simm.s32 $0x1  }
0x2: {  	[smem:$0x3F99] =	sst lr;
	_ =	strace $0xD0000000  }
0x3: {  	_ = 	snop  }
0x4: {  	_ = 	snop  }
0x5: {  	_ = 	snop  }
0x6: {  	_ = 	snop  }
0x7: {  	_ = 	snop  }
__scs_overlays_trampoline_lowered:
0x8: {  	[smem:$0x3FA8] =	sst s0  }
0x9: {  	[smem:$0x3FA9] =	sst s1  }
0xa: {  	[smem:$0x3FAA] =	sst s2  }
0xb: {  	[smem:$0x3FAB] =	sst s3  }
0xc: {  	[smem:$0x3FAC] =	sst s4  }
0xd: {  	[smem:$0x3FAD] =	sst s5  }
0xe: {  	[smem:$0x3FAE] =	sst s6  }
0xf: {  	[smem:$0x3FAF] =	sst s7  }
0x10: {  	[smem:$0x3FB0] =	sst s8  }
0x11: {  	[smem:$0x3FB1] =	sst s9;
	s0 =	simm.s32 @!p0 $0x0  }
0x12: {  	s1 =	sld [smem:$0x3F97];
	s0 =	simm.s32 @p0 $0x1  }
0x13: {  	[smem:$0x3FB2] =	sst s0;
	s0 =	simm.s32 @!p1 $0x0  }
0x14: {  	s2 =	sld [smem:$0x3F96];
	s0 =	simm.s32 @p1 $0x1  }
0x15: {  	[smem:$0x3FB3] =	sst s0;
	s0 =	simm.s32 @!p2 $0x0  }
0x16: {  	s3 =	sld [smem:$0x3FDB];
	s0 =	simm.s32 @p2 $0x1  }
0x17: {  	s4 =	simm.s32 $0x1BF5;
	[smem:$0x3FB5] =	sst s0  }
0x18: {  	s0 =	sld [smem:$0x3F98];
	_ =	swait.ge [sflag:s4], $0x0  }
0x19: {  	s7 =	sld [smem:$0x3F99]  }
0x1a: {  	s8 =	sadd.s32 $0xFFFFE003, lr  }
0x1b: {  	s9 =	sadd.s32 $0xFFFFFEF7, lr;
	s5 =	simm.s32 $0xFFFFFFFF;
	p2 =	slt.u32 s8, $0xFFFFF086  }
0x1c: {  	p1 =	slt.u32 s9, $0xF7A;
	s5 =	simm.s32 @!p2 $0x0  }
0x1d: {  	s5 =	simm.s32 @p1 $0x1;
	p0 =	seq.s32 s7, s2  }
0x1e: {  	s7 =	smul.u32 @!p0 $0xF7A, s2;
	p2 =	seq.s32 @!p0 s5, $0x0  }
0x1f: {  	s9 =	smul.u32 $0xF7A, s1;
	s8 =	simm.s32 @!p0 $0x1BF5;
	p2 =	por !p2, p0  }
0x20: {  	[sflag:s8] =	ssyncset.s32 @!p0 $0xFFFFF086;
	s6 =	sadd.s32 @!p0 s3, s7;
	s7 =	simm.s32 @!p0 $0x108  }
0x21: {  	s3 =	sadd.s32 s3, s9;
	s6 =	sadd.s32 @!p0 $0x88, s6;
	s7 =	simm.s32 @p2 $0x1082  }
0x22: {  	[simem:s7], [sflag:s8] =	dma.local @!p0 [hbm:s6], $0xF7A  }
0x23: {  	s9 =	sor.u32 $0xD0000000, s2;
	s6 =	simm.s32 $0x108;
	_ =	swait.ge @!p0 [sflag:s8], $0x0  }
0x24: {  	s3 =	sadd.s32 $0x88, s3;
	s6 =	simm.s32 @!p1 $0x1082;
	[sflag:s4] =	ssyncset.s32 $0xFFFFF086  }
0x25: {  	[simem:s6], [sflag:s4] =	dma.local [hbm:s3], $0xF7A  }
0x26: {  	[smem:$0x3F99] =	sst s1;
	(tag) =	ssettag s2;
	_ =	strace s9  }
0x27: {  	s1 =	sld [smem:$0x3FA9]  }
0x28: {  	s2 =	sld [smem:$0x3FAA]  }
0x29: {  	s4 =	sld [smem:$0x3FAC]  }
0x2a: {  	p0 =	seq.s32 s5, $0x0;
	s5 =	sld [smem:$0x3FAD]  }
0x2b: {  	s6 =	sld [smem:$0x3FAE]  }
0x2c: {  	s7 =	sld [smem:$0x3FAF]  }
0x2d: {  	s3 =	simm.s32 $0x108;
	s8 =	sld [smem:$0x3FB0]  }
0x2e: {  	s3 =	simm.s32 @!p0 $0x1082;
	s9 =	sld [smem:$0x3FB1]  }
0x2f: {  	lr =	sadd.s32 s0, s3;
	s0 =	sld [smem:$0x3FA8]  }
0x30: {  	s3 =	sld [smem:$0x3FAB]  }
0x31: {  	[smem:$0x3FB4] =	sst s10  }
0x32: {  	s10 =	sld [smem:$0x3FB2];
	_ =	sdelay $0x3  }
0x33: {  	p0 =	seq.s32 s10, $0x1;
	s10 =	sld [smem:$0x3FB4];
	_ =	sdelay $0x3  }
0x34: {  	[smem:$0x3FB4] =	sst s10  }
0x35: {  	s10 =	sld [smem:$0x3FB3];
	_ =	sdelay $0x3  }
0x36: {  	p1 =	seq.s32 s10, $0x1;
	s10 =	sld [smem:$0x3FB4];
	_ =	sdelay $0x3  }
0x37: {  	[smem:$0x3FB4] =	sst s10  }
0x38: {  	s10 =	sld [smem:$0x3FB5]  }
0x39: {  	_ = 	snop;
	(pc) =	sbr.ind lr, $3  }
0x3a: {  	_ = 	snop  }
0x3b: {  	_ = 	snop  }
0x3c: {  	p2 =	seq.s32 s10, $0x1;
	s10 =	sld [smem:$0x3FB4]  }
0x3d: {  	_ =	shalt  }
0x3e: {  	_ =	shalt  }
0x3f: {  	_ =	shalt  }
0x40: {  	_ =	shalt  }
0x41: {  	_ =	shalt  }
0x42: {  	_ =	shalt  }
0x43: {  	_ =	shalt  }
0x44: {  	_ =	shalt  }
0x45: {  	_ =	shalt  }
0x46: {  	_ =	shalt  }
0x47: {  	_ =	shalt  }
0x48: {  	_ =	shalt  }
0x49: {  	_ =	shalt  }
0x4a: {  	_ =	shalt  }
0x4b: {  	_ =	shalt  }
0x4c: {  	_ =	shalt  }
0x4d: {  	_ =	shalt  }
0x4e: {  	_ =	shalt  }
0x4f: {  	_ =	shalt  }
0x50: {  	_ =	shalt  }
0x51: {  	_ =	shalt  }
0x52: {  	_ =	shalt  }
0x53: {  	_ =	shalt  }
0x54: {  	_ =	shalt  }
0x55: {  	_ =	shalt  }
0x56: {  	_ =	shalt  }
0x57: {  	_ =	shalt  }
0x58: {  	_ =	shalt  }
0x59: {  	_ =	shalt  }
0x5a: {  	_ =	shalt  }
0x5b: {  	_ =	shalt  }
0x5c: {  	_ =	shalt  }
0x5d: {  	_ =	shalt  }
0x5e: {  	_ =	shalt  }
0x5f: {  	_ =	shalt  }
0x60: {  	_ =	shalt  }
0x61: {  	_ =	shalt  }
0x62: {  	_ =	shalt  }
0x63: {  	_ =	shalt  }
0x64: {  	_ =	shalt  }
0x65: {  	_ =	shalt  }
0x66: {  	_ =	shalt  }
0x67: {  	_ =	shalt  }
0x68: {  	_ =	shalt  }
0x69: {  	_ =	shalt  }
0x6a: {  	_ =	shalt  }
0x6b: {  	_ =	shalt  }
0x6c: {  	_ =	shalt  }
0x6d: {  	_ =	shalt  }
0x6e: {  	_ =	shalt  }
0x6f: {  	_ =	shalt  }
0x70: {  	_ =	shalt  }
0x71: {  	_ =	shalt  }
0x72: {  	_ =	shalt  }
0x73: {  	_ =	shalt  }
0x74: {  	_ =	shalt  }
0x75: {  	_ =	shalt  }
0x76: {  	_ =	shalt  }
0x77: {  	_ =	shalt  }
0x78: {  	_ =	shalt  }
0x79: {  	_ =	shalt  }
0x7a: {  	_ =	shalt  }
0x7b: {  	_ =	shalt  }
0x7c: {  	_ =	shalt  }
0x7d: {  	_ =	shalt  }
0x7e: {  	_ =	shalt  }
0x7f: {  	_ =	shalt  }
0x80: {  	_ =	shalt  }
0x81: {  	_ =	shalt  }
0x82: {  	_ =	shalt  }
0x83: {  	_ =	shalt  }
0x84: {  	_ =	shalt  }
0x85: {  	_ =	shalt  }
0x86: {  	_ =	shalt  }
0x87: {  	_ =	shalt  }
.Lfunc_end0:
.L_simem_size_0:
called_computation.3_lowered:
.L_overlay_start_0:
0x88: {  	s2 =	sld [smem:$0x3FD9]  }
0x89: {  	s3 =	sld [smem:$0x3FFE];
	_ =	sdelay $0x1  }
0x8a: {  	s1 =	srdreg.scid  }
0x8b: {  	s0 =	sand.u32 $0x1, s1  }
0x8c: {  	s16 =	sshll.u32 s0, $0xA;
	s2 =	sadd.s32 s3, s2  }
0x8d: {  	s2 =	sadd.s32 s2, s16  }
0x8e: {  	[smem:$0x3FC0] =	sst s2  }
0x8f: {  	_ = 	snop  }
0x90: {  	(tm) =	ssettm $0x1  }
0x91: {  	s17 =	sld [smem:$0x3FFB];
	_ =	sdelay $0x3  }
0x92: {  	_ =	strace s17  }
0x93: {  	s2 =	sld [smem:$0x3FFC];
	_ =	sdelay $0x3  }
0x94: {  	_ =	strace s2  }
0x95: {  	s2 =	sld [smem:$0x3FFD];
	_ =	sdelay $0x3  }
0x96: {  	_ =	strace s2  }
0x97: {  	_ =	strace $0x8FFFFFFF  }
0x98: {  	s18 =	sld [smem:$0x3FDB];
	_ =	sdelay $0x1  }
0x99: {  	s19 =	simm.s32 $_scs_section_size  }
0x9a: {  	s4 =	simm.s32 $_size__tile_overlayer_lowered;
	s5 =	simm.s32 $_tile_overlayer_lowered  }
0x9b: {  	s22 =	simm.s32 $0x1BFF;
	s21 =	sshll.u32 s5, $0x1;
	s2 =	sadd.s32 s19, s18  }
0x9c: {  	s6 =	simm.s32 $0x0;
	s20 =	sshll.u32 s4, $0x1;
	s4 =	sadd.s32 s21, s2  }
0x9d: {  	[timem:s6], [sflag:s22] =	dma.local [hbm:s4], s20  }
0x9e: {  	_ =	swait.ge [sflag:s22], s20  }
0x9f: {  	s3 =	ssub.s32 $0x0, s20;
	[sflag:s22] =	ssyncset.done $0x0  }
0xa0: {  	[sflag:s22] =	ssyncadd.s32 s3;
	_ =	sdelay $0x1  }
0xa1: {  	s23 =	simm.s32 $0x1B8B  }
0xa2: {  	_ =	swait.ge [sflag:s23], $0x1  }
0xa3: {  	[sflag:s23] =	ssyncset.done $0x0  }
0xa4: {  	s25 =	simm.s32 $0x1B8E;
	s24 =	sld [smem:$0x3FFE];
	[sflag:s23] =	ssyncadd.s32 $0xFFFFFFFF  }
0xa5: {  	s26 =	simm.s32 $execute0_lowered;
	[smem:$0x3FD2] =	sst s25  }
0xa6: {  	s4 =	sshll.u32 s26, $0x1;
	_ =	strace $0x8000004F;
	[dreg:$0x1] =	wrdreg $0xFFFFFFFF  }
0xa7: {  	s28 =	simm.s32 $_size_execute0_lowered;
	s2 =	sadd.s32 s2, s4;
	[dreg:$0x0] =	wrdreg $0x0  }
0xa8: {  	s4 =	sshll.u32 s28, $0x1;
	[dreg:$0x2] =	wrdreg s2  }
0xa9: {  	[dreg:$0x3] =	wrdreg s4  }
0xaa: {  	[dreg:$0x4] =	wrdreg $0xC0  }
0xab: {  	_ =	task [dreg:s6], $0x5FFFF  }
0xac: {  	[dreg:$0x1] =	wrdreg $0xFFFFFFFF  }
0xad: {  	[dreg:$0x0] =	wrdreg $0x60  }
0xae: {  	[dreg:$0x2] =	wrdreg s24  }
0xaf: {  	[dreg:$0x3] =	wrdreg $0x90000  }
0xb0: {  	[dreg:$0x4] =	wrdreg $0x9  }
0xb1: {  	_ =	task.clear_ibuf [dreg:s6], $0x5FFFF;
	_ =	strace $0x9000004F  }
0xb2: {  	s29 =	simm.s32 $0x9;
	_ =	strace $0x80000051  }
0xb3: {  	_ =	swait.ge [sflag:s29], $0x1  }
0xb4: {  	[sflag:s29] =	ssyncadd.s32 $0xFFFFFFFF  }
0xb5: {  	_ =	strace $0x90000051  }
0xb6: {  	_ =	sfence  }
0xb7: {  	s30 =	sld [smem:$0x0];
	_ =	sdelay $0x2  }
0xb8: {  	s31 =	sshll.u32 s1, $0xD;
	s1 =	sshrl.u32 s1, $0x2  }
0xb9: {  	s3 =	sand.u32 $0x4000, s31;
	s1 =	sadd.s32 s1, s30  }
0xba: {  	s0 =	sor.u32 s3, s0;
	s1 =	sshll.u32 s1, $0x11  }
0xbb: {  	s0 =	sor.u32 s1, s0  }
0xbc: {  	s0 =	sadd.s32 $0x8F2B, s0  }
0xbd: {  	[sflag:s0] =	ssyncadd.remote.s32 $0x1  }
0xbe: {  	_ =	sfence.sel $0xFFFF  }
0xbf: {  	[dreg:$0x0] =	wrdreg $0xFFFFFFFF;
	(pc) =	sbr.abs _section_cstart, $3  }
0xc0: {  	[dreg:$0x1] =	wrdreg $0xFFFFFFFF  }
0xc1: {  	_ =	task.clear_ibuf [dreg:s6], $0x2FFFF;
	_ =	strace $0x9FFFFFFF  }
0xc2: {  	(tm) =	ssettm $0x7FFFFFFF  }
0xc3: {  	_ =	shalt  }
tec
execute0_lowered:
.L_overlay_start_1:
0x0: {  	(tag) =	ssettag $0x1  }
0x1: {  	s0 =	rddreg [dreg:$0x0]  }
0x2: {  	s2 =	rddreg [dreg:$0x1];
	s3 =	simm.s32 $0x0;
	s12 =	stileid.u32  }
0x3: {  	s1 =	srdreg.scid;
	s13 =	simm.s32 $0x5;
	s14 =	simm.s32 $0x800  }
0x4: {  	s15 =	simm.s32 $0x1;
	s16 =	simm.s32 $0x4;
	s17 =	simm.s32 $0x80  }
0x5: {  	s18 =	simm.s32 $0x1000;
	s19 =	simm.s32 $0x5000;
	s20 =	simm.s32 $0x2  }
0x6: {  	s28 =	simm.s32 $0xE00;
	s29 =	simm.s32 $0x700;
	s30 =	simm.s32 $0xE80  }
0x7: {  	s31 =	simm.s32 $0x780;
	[smem:$0x7FF] =	sst s3;
	s7 =	smul.u32 $0x14000, s12  }
0x8: {  	s1 =	sand.u32 $0x1, s1;
	s4 =	sadd.s32 $0x8FC00, s0;
	s5 =	sadd.s32 $0xDC00, s0  }
0x9: {  	s6 =	sadd.s32 $0x3C00, s0;
	s10 =	smul.u32 $0x50000, s12;
	s24 =	sshll.u32 s12, $0x4  }
0xa: {  	s25 =	sshll.u32 s12, $0x6;
	_ =	strace $0x80000050;
	s8 =	smul.u32 $0x140000, s1  }
0xb: {  	s21 =	ssub.s32 $0x2, s1;
	p0 =	seq.s32 s1, $0x0;
	s9 =	sshrl.u32 s7, $0x3  }
0xc: {  	s11 =	sshrl.u32 s21, $0x1;
	s10 =	sshrl.u32 s10, $0x2;
	s9 =	sadd.s32 s9, s0  }
0xd: {  	s7 =	sadd.s32 s7, s8;
	s22 =	ssub.s32 s21, s11;
	s23 =	sadd.s32 s10, s2  }
0xe: {  	s10 =	sor.u32 $0x900, s24;
	s8 =	simm.s32 $0xC00;
	s21 =	simm.s32 $0x580  }
0xf: {  	s24 =	simm.s32 $0x600;
	s7 =	sshrl.u32 s7, $0x3;
	s9 =	sadd.s32 $0x3FC00, s9  }
0x10: {  	s26 =	smax.u32 s22, $0x1;
	s11 =	sshrl.u32 s23, $0x3;
	s22 =	simm.s32 $0x3  }
0x11: {  	s23 =	simm.s32 $0xD00;
	s0 =	sadd.s32 s7, s0;
	[dreg:$0x3] =	wrdreg s9  }
0x12: {  	s9 =	smul.u32 $0x90, s12;
	s12 =	sor.u32 $0x1C05, s25;
	[dreg:$0x7] =	wrdreg s26  }
0x13: {  	[dreg:$0x8] =	wrdreg s11;
	s25 =	simm.s32 $0xD80;
	s26 =	simm.s32 $0x680  }
0x14: {  	s0 =	sadd.s32 $0xDFC00, s0;
	[dreg:$0x5] =	wrdreg s12;
	s10 =	smov.u32 @p0 s9  }
0x15: {  	[dreg:$0x6] =	wrdreg s0;
	p0 =	sne.s32 s1, $0x0;
	s0 =	simm.s32 $0x0  }
0x16: {  	v0 =	vlaneseq.u32;
	vm0 =	vmmov $0xffff;
	s9 =	simm.s32 $0x500;
	s1 =	simm.s32 $0xF80;
	[dreg:$0x4] =	wrdreg s10  }
.LBB2_1:
0x17: {  	[dreg:$0x9] =	wrdreg s0  }
0x18: {  	s10 =	rddreg [dreg:$0x3]  }
0x19: {  	[spmem:s11], [sflag:s12] =	dma.local [hbm:s10], $0x2800  }
0x1a: {  	_ =	swait.ge [sflag:s13], $0x2800  }
0x1b: {  	[sflag:s13] =	ssyncset.done $0x0  }
0x1c: {  	[sflag:s13] =	ssyncadd.s32 $0xFFFFD800  }
0x1d: {  	s0 =	simm.s32 $0xF00;
	[bflag:$0x0] =	sbarrier.arrive $0xFFFF  }
0x1e: {  	s11 =	simm.s32 $0x0;
	s12 =	simm.s32 $0xC80;
	s10 =	rddreg [dreg:$0x4]  }
.LBB2_2:
0x1f: {  	v1 =	vor.u32 s10, v0;
	_ =	sdelay $0x4  }
0x20: {  	[tilespmem:s3], [sflag:$0x1] =	stream.indirect_vreg.gather [hbm4b:s5+s3], $0x80, v1, vm0, $0xb8;
	[tilespmem:$0x1D000] =	vst v63  }
0x21: {  	_ = 	snop  }
0x22: {  	[tilespmem:s14], [sflag:$0x4] =	stream.indirect_vreg.gather [hbm4b:s6+s3], $0x80, v1, vm0, $0xb8;
	[tilespmem:$0x1D000] =	vst v63  }
0x23: {  	_ =	swait.ge [sflag:s15], $0x800  }
0x24: {  	[sflag:s15] =	ssyncset.done $0x0  }
0x25: {  	[sflag:s15] =	ssyncadd.s32 $0xFFFFF800  }
0x26: {  	_ =	swait.ge [sflag:s16], $0x800  }
0x27: {  	[sflag:s16] =	ssyncset.done $0x0  }
0x28: {  	[sflag:s16] =	ssyncadd.s32 $0xFFFFF800  }
0x29: {  	[tilespmem:s18], [sflag:$0x2] =	stream.indirect.gather [hbm4b:s4+s17], $0x80, s3, s17, $0xb8;
	[tilespmem:$0x1D000] =	vst v63  }
0x2a: {  	_ = 	snop  }
0x2b: {  	[tilespmem:s19], [sflag:$0x3] =	stream.indirect.gather [hbm4b:s4+s17], $0x80, s17, s17, $0xb8;
	[tilespmem:$0x1D000] =	vst v63  }
0x2c: {  	_ =	swait.ge [sflag:s20], $0x4000  }
0x2d: {  	[sflag:s20] =	ssyncset.done $0x0  }
0x2e: {  	[sflag:s20] =	ssyncadd.s32 $0xFFFFC000  }
0x2f: {  	[spmem:s2] =	stream.indirect.scatter.add.f32 [tilespmem:s18], [sflag:$0x5], $0x80, s14, s17, $0xb8;
	[tilespmem:$0x1D000] =	vst v63  }
0x30: {  	_ =	swait.ge [sflag:s13], $0x4000  }
0x31: {  	[sflag:s13] =	ssyncset.done $0x0  }
0x32: {  	s7 =	simm.s32 $0x100;
	[sflag:s13] =	ssyncadd.s32 $0xFFFFC000  }
0x33: {  	[tilespmem:s18], [sflag:$0x2] =	stream.indirect.gather [hbm4b:s4+s17], $0x80, s7, s17, $0xb8;
	[tilespmem:$0x1D000] =	vst v63  }
0x34: {  	_ =	swait.ge [sflag:s22], $0x4000  }
0x35: {  	[sflag:s22] =	ssyncset.done $0x0  }
0x36: {  	s7 =	simm.s32 $0x880;
	[sflag:s22] =	ssyncadd.s32 $0xFFFFC000  }
0x37: {  	[spmem:s2] =	stream.indirect.scatter.add.f32 [tilespmem:s19], [sflag:$0x5], $0x80, s7, s17, $0xb8;
	[tilespmem:$0x1D000] =	vst v63  }
0x38: {  	_ =	swait.ge [sflag:s13], $0x4000  }
0x39: {  	[sflag:s13] =	ssyncset.done $0x0  }
0x3a: {  	s7 =	simm.s32 $0x180;
	[sflag:s13] =	ssyncadd.s32 $0xFFFFC000  }
0x3b: {  	[tilespmem:s19], [sflag:$0x3] =	stream.indirect.gather [hbm4b:s4+s17], $0x80, s7, s17, $0xb8;
	[tilespmem:$0x1D000] =	vst v63  }
0x3c: {  	_ =	swait.ge [sflag:s20], $0x4000  }
0x3d: {  	[sflag:s20] =	ssyncset.done $0x0  }
0x3e: {  	s7 =	simm.s32 $0x900;
	[sflag:s20] =	ssyncadd.s32 $0xFFFFC000  }
0x3f: {  	[spmem:s2] =	stream.indirect.scatter.add.f32 [tilespmem:s18], [sflag:$0x5], $0x80, s7, s17, $0xb8;
	[tilespmem:$0x1D000] =	vst v63  }
0x40: {  	_ =	swait.ge [sflag:s13], $0x4000  }
0x41: {  	[sflag:s13] =	ssyncset.done $0x0  }
0x42: {  	s7 =	simm.s32 $0x200;
	[sflag:s13] =	ssyncadd.s32 $0xFFFFC000  }
0x43: {  	[tilespmem:s18], [sflag:$0x2] =	stream.indirect.gather [hbm4b:s4+s17], $0x80, s7, s17, $0xb8;
	[tilespmem:$0x1D000] =	vst v63  }
0x44: {  	_ =	swait.ge [sflag:s22], $0x4000  }
0x45: {  	[sflag:s22] =	ssyncset.done $0x0  }
0x46: {  	s7 =	simm.s32 $0x980;
	[sflag:s22] =	ssyncadd.s32 $0xFFFFC000  }
0x47: {  	[spmem:s2] =	stream.indirect.scatter.add.f32 [tilespmem:s19], [sflag:$0x5], $0x80, s7, s17, $0xb8;
	[tilespmem:$0x1D000] =	vst v63  }
0x48: {  	_ =	swait.ge [sflag:s13], $0x4000  }
0x49: {  	[sflag:s13] =	ssyncset.done $0x0  }
0x4a: {  	s7 =	simm.s32 $0x280;
	[sflag:s13] =	ssyncadd.s32 $0xFFFFC000  }
0x4b: {  	[tilespmem:s19], [sflag:$0x3] =	stream.indirect.gather [hbm4b:s4+s17], $0x80, s7, s17, $0xb8;
	[tilespmem:$0x1D000] =	vst v63  }
0x4c: {  	_ =	swait.ge [sflag:s20], $0x4000  }
0x4d: {  	[sflag:s20] =	ssyncset.done $0x0  }
0x4e: {  	s7 =	simm.s32 $0xA00;
	[sflag:s20] =	ssyncadd.s32 $0xFFFFC000  }
0x4f: {  	[spmem:s2] =	stream.indirect.scatter.add.f32 [tilespmem:s18], [sflag:$0x5], $0x80, s7, s17, $0xb8;
	[tilespmem:$0x1D000] =	vst v63  }
0x50: {  	_ =	swait.ge [sflag:s13], $0x4000  }
0x51: {  	[sflag:s13] =	ssyncset.done $0x0  }
0x52: {  	s7 =	simm.s32 $0x300;
	[sflag:s13] =	ssyncadd.s32 $0xFFFFC000  }
0x53: {  	[tilespmem:s18], [sflag:$0x2] =	stream.indirect.gather [hbm4b:s4+s17], $0x80, s7, s17, $0xb8;
	[tilespmem:$0x1D000] =	vst v63  }
0x54: {  	_ =	swait.ge [sflag:s22], $0x4000  }
0x55: {  	[sflag:s22] =	ssyncset.done $0x0  }
0x56: {  	s7 =	simm.s32 $0xA80;
	[sflag:s22] =	ssyncadd.s32 $0xFFFFC000  }
0x57: {  	[spmem:s2] =	stream.indirect.scatter.add.f32 [tilespmem:s19], [sflag:$0x5], $0x80, s7, s17, $0xb8;
	[tilespmem:$0x1D000] =	vst v63  }
0x58: {  	_ =	swait.ge [sflag:s13], $0x4000  }
0x59: {  	[sflag:s13] =	ssyncset.done $0x0  }
0x5a: {  	s7 =	simm.s32 $0x380;
	[sflag:s13] =	ssyncadd.s32 $0xFFFFC000  }
0x5b: {  	[tilespmem:s19], [sflag:$0x3] =	stream.indirect.gather [hbm4b:s4+s17], $0x80, s7, s17, $0xb8;
	[tilespmem:$0x1D000] =	vst v63  }
0x5c: {  	_ =	swait.ge [sflag:s20], $0x4000  }
0x5d: {  	[sflag:s20] =	ssyncset.done $0x0  }
0x5e: {  	s7 =	simm.s32 $0xB00;
	[sflag:s20] =	ssyncadd.s32 $0xFFFFC000  }
0x5f: {  	[spmem:s2] =	stream.indirect.scatter.add.f32 [tilespmem:s18], [sflag:$0x5], $0x80, s7, s17, $0xb8;
	[tilespmem:$0x1D000] =	vst v63  }
0x60: {  	_ =	swait.ge [sflag:s13], $0x4000  }
0x61: {  	[sflag:s13] =	ssyncset.done $0x0  }
0x62: {  	s7 =	simm.s32 $0x400;
	[sflag:s13] =	ssyncadd.s32 $0xFFFFC000  }
0x63: {  	[tilespmem:s18], [sflag:$0x2] =	stream.indirect.gather [hbm4b:s4+s17], $0x80, s7, s17, $0xb8;
	[tilespmem:$0x1D000] =	vst v63  }
0x64: {  	_ =	swait.ge [sflag:s22], $0x4000  }
0x65: {  	[sflag:s22] =	ssyncset.done $0x0  }
0x66: {  	s7 =	simm.s32 $0xB80;
	[sflag:s22] =	ssyncadd.s32 $0xFFFFC000  }
0x67: {  	[spmem:s2] =	stream.indirect.scatter.add.f32 [tilespmem:s19], [sflag:$0x5], $0x80, s7, s17, $0xb8;
	[tilespmem:$0x1D000] =	vst v63  }
0x68: {  	_ =	swait.ge [sflag:s13], $0x4000  }
0x69: {  	[sflag:s13] =	ssyncset.done $0x0  }
0x6a: {  	s7 =	simm.s32 $0x480;
	[sflag:s13] =	ssyncadd.s32 $0xFFFFC000  }
0x6b: {  	[tilespmem:s19], [sflag:$0x3] =	stream.indirect.gather [hbm4b:s4+s17], $0x80, s7, s17, $0xb8;
	[tilespmem:$0x1D000] =	vst v63  }
0x6c: {  	_ =	swait.ge [sflag:s20], $0x4000  }
0x6d: {  	[sflag:s20] =	ssyncset.done $0x0  }
0x6e: {  	[sflag:s20] =	ssyncadd.s32 $0xFFFFC000  }
0x6f: {  	[spmem:s2] =	stream.indirect.scatter.add.f32 [tilespmem:s18], [sflag:$0x5], $0x80, s8, s17, $0xb8;
	[tilespmem:$0x1D000] =	vst v63  }
0x70: {  	_ =	swait.ge [sflag:s13], $0x4000  }
0x71: {  	[sflag:s13] =	ssyncset.done $0x0  }
0x72: {  	[sflag:s13] =	ssyncadd.s32 $0xFFFFC000  }
0x73: {  	[tilespmem:s18], [sflag:$0x2] =	stream.indirect.gather [hbm4b:s4+s17], $0x80, s9, s17, $0xb8;
	[tilespmem:$0x1D000] =	vst v63  }
0x74: {  	_ =	swait.ge [sflag:s22], $0x4000  }
0x75: {  	[sflag:s22] =	ssyncset.done $0x0  }
0x76: {  	[sflag:s22] =	ssyncadd.s32 $0xFFFFC000  }
0x77: {  	[spmem:s2] =	stream.indirect.scatter.add.f32 [tilespmem:s19], [sflag:$0x5], $0x80, s12, s17, $0xb8;
	[tilespmem:$0x1D000] =	vst v63  }
0x78: {  	_ =	swait.ge [sflag:s13], $0x4000  }
0x79: {  	[sflag:s13] =	ssyncset.done $0x0  }
0x7a: {  	[sflag:s13] =	ssyncadd.s32 $0xFFFFC000  }
0x7b: {  	[tilespmem:s19], [sflag:$0x3] =	stream.indirect.gather [hbm4b:s4+s17], $0x80, s21, s17, $0xb8;
	[tilespmem:$0x1D000] =	vst v63  }
0x7c: {  	_ =	swait.ge [sflag:s20], $0x4000  }
0x7d: {  	[sflag:s20] =	ssyncset.done $0x0  }
0x7e: {  	[sflag:s20] =	ssyncadd.s32 $0xFFFFC000  }
0x7f: {  	[spmem:s2] =	stream.indirect.scatter.add.f32 [tilespmem:s18], [sflag:$0x5], $0x80, s23, s17, $0xb8;
	[tilespmem:$0x1D000] =	vst v63  }
0x80: {  	_ =	swait.ge [sflag:s13], $0x4000  }
0x81: {  	[sflag:s13] =	ssyncset.done $0x0  }
0x82: {  	[sflag:s13] =	ssyncadd.s32 $0xFFFFC000  }
0x83: {  	[tilespmem:s18], [sflag:$0x2] =	stream.indirect.gather [hbm4b:s4+s17], $0x80, s24, s17, $0xb8;
	[tilespmem:$0x1D000] =	vst v63  }
0x84: {  	_ =	swait.ge [sflag:s22], $0x4000  }
0x85: {  	[sflag:s22] =	ssyncset.done $0x0  }
0x86: {  	[sflag:s22] =	ssyncadd.s32 $0xFFFFC000  }
0x87: {  	[spmem:s2] =	stream.indirect.scatter.add.f32 [tilespmem:s19], [sflag:$0x5], $0x80, s25, s17, $0xb8;
	[tilespmem:$0x1D000] =	vst v63  }
0x88: {  	_ =	swait.ge [sflag:s13], $0x4000  }
0x89: {  	[sflag:s13] =	ssyncset.done $0x0  }
0x8a: {  	[sflag:s13] =	ssyncadd.s32 $0xFFFFC000  }
0x8b: {  	[tilespmem:s19], [sflag:$0x3] =	stream.indirect.gather [hbm4b:s4+s17], $0x80, s26, s17, $0xb8;
	[tilespmem:$0x1D000] =	vst v63  }
0x8c: {  	_ =	swait.ge [sflag:s20], $0x4000  }
0x8d: {  	[sflag:s20] =	ssyncset.done $0x0  }
0x8e: {  	[sflag:s20] =	ssyncadd.s32 $0xFFFFC000  }
0x8f: {  	[spmem:s2] =	stream.indirect.scatter.add.f32 [tilespmem:s18], [sflag:$0x5], $0x80, s28, s17, $0xb8;
	[tilespmem:$0x1D000] =	vst v63  }
0x90: {  	_ =	swait.ge [sflag:s13], $0x4000  }
0x91: {  	[sflag:s13] =	ssyncset.done $0x0  }
0x92: {  	[sflag:s13] =	ssyncadd.s32 $0xFFFFC000  }
0x93: {  	[tilespmem:s18], [sflag:$0x2] =	stream.indirect.gather [hbm4b:s4+s17], $0x80, s29, s17, $0xb8;
	[tilespmem:$0x1D000] =	vst v63  }
0x94: {  	_ =	swait.ge [sflag:s22], $0x4000  }
0x95: {  	[sflag:s22] =	ssyncset.done $0x0  }
0x96: {  	[sflag:s22] =	ssyncadd.s32 $0xFFFFC000  }
0x97: {  	[spmem:s2] =	stream.indirect.scatter.add.f32 [tilespmem:s19], [sflag:$0x5], $0x80, s30, s17, $0xb8;
	[tilespmem:$0x1D000] =	vst v63  }
0x98: {  	_ =	swait.ge [sflag:s13], $0x4000  }
0x99: {  	[sflag:s13] =	ssyncset.done $0x0  }
0x9a: {  	[sflag:s13] =	ssyncadd.s32 $0xFFFFC000  }
0x9b: {  	[tilespmem:s19], [sflag:$0x3] =	stream.indirect.gather [hbm4b:s4+s17], $0x80, s31, s17, $0xb8;
	[tilespmem:$0x1D000] =	vst v63  }
0x9c: {  	_ =	swait.ge [sflag:s20], $0x4000  }
0x9d: {  	[sflag:s20] =	ssyncset.done $0x0  }
0x9e: {  	[sflag:s20] =	ssyncadd.s32 $0xFFFFC000  }
0x9f: {  	[spmem:s2] =	stream.indirect.scatter.add.f32 [tilespmem:s18], [sflag:$0x5], $0x80, s0, s17, $0xb8;
	[tilespmem:$0x1D000] =	vst v63  }
0xa0: {  	_ =	swait.ge [sflag:s13], $0x4000  }
0xa1: {  	[sflag:s13] =	ssyncset.done $0x0  }
0xa2: {  	[sflag:s13] =	ssyncadd.s32 $0xFFFFC000  }
0xa3: {  	p1 =	slt.u32 @!p0 s11, $0x8;
	_ =	swait.ge [sflag:s22], $0x4000  }
0xa4: {  	p1 =	por p0, !p1;
	[sflag:s22] =	ssyncset.done $0x0  }
.Ltmp0:
0xa5: {  	[sflag:s22] =	ssyncadd.s32 $0xFFFFC000;
	(pc) =	sbr.rel @!p1 .LBB2_2-.Ltmp0, $4  }
0xa6: {  	[spmem:s2] =	stream.indirect.scatter.add.f32 [tilespmem:s19], [sflag:$0x5], $0x80, s1, s17, $0xb8;
	[tilespmem:$0x1D000] =	vst v63  }
0xa7: {  	_ =	swait.ge [sflag:s13], $0x4000  }
0xa8: {  	[sflag:s13] =	ssyncset.done $0x0  }
0xa9: {  	s11 =	sadd.s32 $0x1, s11;
	s10 =	sadd.s32 $0x10, s10;
	[sflag:s13] =	ssyncadd.s32 $0xFFFFC000  }
0xaa: {  	[bflag:$0x0] =	sbarrier.arrive $0xFFFF  }
0xab: {  	s12 =	rddreg [dreg:$0x5]  }
0xac: {  	s10 =	rddreg [dreg:$0x6]  }
0xad: {  	s11 =	rddreg [dreg:$0x8]  }
0xae: {  	[hbm:s10], [sflag:s12] =	dma.local [spmem:s11], $0x2800  }
0xaf: {  	_ =	swait.ge [sflag:s13], $0x2800  }
0xb0: {  	s0 =	rddreg [dreg:$0x9]  }
0xb1: {  	s7 =	rddreg [dreg:$0x7];
	s0 =	sadd.s32 $0x1, s0  }
0xb2: {  	p1 =	sne.s32 s0, s7  }
.Ltmp1:
0xb3: {  	_ = 	snop;
	(pc) =	sbr.rel @p1 .LBB2_1-.Ltmp1, $3  }
0xb4: {  	_ =	sdelay $0x1  }
0xb5: {  	[sflag:s13] =	ssyncset.done $0x0  }
0xb6: {  	[sflag:s13] =	ssyncadd.s32 $0xFFFFD800  }
0xb7: {  	_ =	sfence.sel $0x180000  }
0xb8: {  	[bflag:$0x0] =	sbarrier.arrive $0xFFFF  }
0xb9: {  	_ =	strace $0x90000050  }
0xba: {  	s0 =	stileid.u32;
	[bflag:$0x2] =	sbarrier.arrive $0xFFFF  }
0xbb: {  	p0 =	sne.s32 s0, $0x0;
	s0 =	rddreg [dreg:$0x2]  }
0xbc: {  	s0 =	sadd.s32 @!p0 $0x100000, s0  }
0xbd: {  	[sflag:s0] =	ssyncadd.tile.s32 @!p0 $0x1;
	_ =	shalt  }
.Lfunc_end2:
_tile_overlayer_lowered:
.L_overlay_start_2:
0xbe: {  	(tag) =	ssettag $0x2  }
0xbf: {  	s0 =	rddreg [dreg:$0x0];
	s2 =	stileid.u32  }
0xc0: {  	s1 =	rddreg [dreg:$0x1];
	p0 =	sne.s32 s2, $0x0  }
0xc1: {  	s3 =	rddreg [dreg:$0x2];
	[bflag:$0x3] =	sbarrier.arrive $0xFFFF;
	s2 =	simm.s32 @!p0 $0x1C05  }
0xc2: {  	[timem:s3], [sflag:s2] =	dma.local @!p0 [hbm:s0], s1  }
0xc3: {  	s0 =	simm.s32 @!p0 $0x5  }
0xc4: {  	_ =	swait.ge @!p0 [sflag:s0], s1  }
0xc5: {  	s1 =	ssub.s32 @!p0 $0x0, s1;
	[sflag:s0] =	ssyncset.done @!p0 $0x0  }
0xc6: {  	[sflag:s0] =	ssyncadd.s32 @!p0 s1  }
0xc7: {  	[bflag:$0x3] =	sbarrier.arrive $0xFFFF  }
0xc8: {  	_ =	shalt  }

// kernel: kernel.25.cloned.1.call-start
scs
__scs_entry_jumppad:
0x0: {  	(pc) =	sbr.rel $0x88, $3  }
0x1: {  	(tag) =	ssettag $0x0;
	lr =	simm.s32 $0x1  }
0x2: {  	[smem:$0x3F99] =	sst lr;
	_ =	strace $0xD0000000  }
0x3: {  	_ = 	snop  }
0x4: {  	_ = 	snop  }
0x5: {  	_ = 	snop  }
0x6: {  	_ = 	snop  }
0x7: {  	_ = 	snop  }
__scs_overlays_trampoline_lowered:
0x8: {  	[smem:$0x3FA8] =	sst s0  }
0x9: {  	[smem:$0x3FA9] =	sst s1  }
0xa: {  	[smem:$0x3FAA] =	sst s2  }
0xb: {  	[smem:$0x3FAB] =	sst s3  }
0xc: {  	[smem:$0x3FAC] =	sst s4  }
0xd: {  	[smem:$0x3FAD] =	sst s5  }
0xe: {  	[smem:$0x3FAE] =	sst s6  }
0xf: {  	[smem:$0x3FAF] =	sst s7  }
0x10: {  	[smem:$0x3FB0] =	sst s8  }
0x11: {  	[smem:$0x3FB1] =	sst s9;
	s0 =	simm.s32 @!p0 $0x0  }
0x12: {  	s1 =	sld [smem:$0x3F97];
	s0 =	simm.s32 @p0 $0x1  }
0x13: {  	[smem:$0x3FB2] =	sst s0;
	s0 =	simm.s32 @!p1 $0x0  }
0x14: {  	s2 =	sld [smem:$0x3F96];
	s0 =	simm.s32 @p1 $0x1  }
0x15: {  	[smem:$0x3FB3] =	sst s0;
	s0 =	simm.s32 @!p2 $0x0  }
0x16: {  	s3 =	sld [smem:$0x3FDB];
	s0 =	simm.s32 @p2 $0x1  }
0x17: {  	s4 =	simm.s32 $0x1BF5;
	[smem:$0x3FB5] =	sst s0  }
0x18: {  	s0 =	sld [smem:$0x3F98];
	_ =	swait.ge [sflag:s4], $0x0  }
0x19: {  	s7 =	sld [smem:$0x3F99]  }
0x1a: {  	s8 =	sadd.s32 $0xFFFFE003, lr  }
0x1b: {  	s9 =	sadd.s32 $0xFFFFFEF7, lr;
	s5 =	simm.s32 $0xFFFFFFFF;
	p2 =	slt.u32 s8, $0xFFFFF086  }
0x1c: {  	p1 =	slt.u32 s9, $0xF7A;
	s5 =	simm.s32 @!p2 $0x0  }
0x1d: {  	s5 =	simm.s32 @p1 $0x1;
	p0 =	seq.s32 s7, s2  }
0x1e: {  	s7 =	smul.u32 @!p0 $0xF7A, s2;
	p2 =	seq.s32 @!p0 s5, $0x0  }
0x1f: {  	s9 =	smul.u32 $0xF7A, s1;
	s8 =	simm.s32 @!p0 $0x1BF5;
	p2 =	por !p2, p0  }
0x20: {  	[sflag:s8] =	ssyncset.s32 @!p0 $0xFFFFF086;
	s6 =	sadd.s32 @!p0 s3, s7;
	s7 =	simm.s32 @!p0 $0x108  }
0x21: {  	s3 =	sadd.s32 s3, s9;
	s6 =	sadd.s32 @!p0 $0x88, s6;
	s7 =	simm.s32 @p2 $0x1082  }
0x22: {  	[simem:s7], [sflag:s8] =	dma.local @!p0 [hbm:s6], $0xF7A  }
0x23: {  	s9 =	sor.u32 $0xD0000000, s2;
	s6 =	simm.s32 $0x108;
	_ =	swait.ge @!p0 [sflag:s8], $0x0  }
0x24: {  	s3 =	sadd.s32 $0x88, s3;
	s6 =	simm.s32 @!p1 $0x1082;
	[sflag:s4] =	ssyncset.s32 $0xFFFFF086  }
0x25: {  	[simem:s6], [sflag:s4] =	dma.local [hbm:s3], $0xF7A  }
0x26: {  	[smem:$0x3F99] =	sst s1;
	(tag) =	ssettag s2;
	_ =	strace s9  }
0x27: {  	s1 =	sld [smem:$0x3FA9]  }
0x28: {  	s2 =	sld [smem:$0x3FAA]  }
0x29: {  	s4 =	sld [smem:$0x3FAC]  }
0x2a: {  	p0 =	seq.s32 s5, $0x0;
	s5 =	sld [smem:$0x3FAD]  }
0x2b: {  	s6 =	sld [smem:$0x3FAE]  }
0x2c: {  	s7 =	sld [smem:$0x3FAF]  }
0x2d: {  	s3 =	simm.s32 $0x108;
	s8 =	sld [smem:$0x3FB0]  }
0x2e: {  	s3 =	simm.s32 @!p0 $0x1082;
	s9 =	sld [smem:$0x3FB1]  }
0x2f: {  	lr =	sadd.s32 s0, s3;
	s0 =	sld [smem:$0x3FA8]  }
0x30: {  	s3 =	sld [smem:$0x3FAB]  }
0x31: {  	[smem:$0x3FB4] =	sst s10  }
0x32: {  	s10 =	sld [smem:$0x3FB2];
	_ =	sdelay $0x3  }
0x33: {  	p0 =	seq.s32 s10, $0x1;
	s10 =	sld [smem:$0x3FB4];
	_ =	sdelay $0x3  }
0x34: {  	[smem:$0x3FB4] =	sst s10  }
0x35: {  	s10 =	sld [smem:$0x3FB3];
	_ =	sdelay $0x3  }
0x36: {  	p1 =	seq.s32 s10, $0x1;
	s10 =	sld [smem:$0x3FB4];
	_ =	sdelay $0x3  }
0x37: {  	[smem:$0x3FB4] =	sst s10  }
0x38: {  	s10 =	sld [smem:$0x3FB5]  }
0x39: {  	_ = 	snop;
	(pc) =	sbr.ind lr, $3  }
0x3a: {  	_ = 	snop  }
0x3b: {  	_ = 	snop  }
0x3c: {  	p2 =	seq.s32 s10, $0x1;
	s10 =	sld [smem:$0x3FB4]  }
0x3d: {  	_ =	shalt  }
0x3e: {  	_ =	shalt  }
0x3f: {  	_ =	shalt  }
0x40: {  	_ =	shalt  }
0x41: {  	_ =	shalt  }
0x42: {  	_ =	shalt  }
0x43: {  	_ =	shalt  }
0x44: {  	_ =	shalt  }
0x45: {  	_ =	shalt  }
0x46: {  	_ =	shalt  }
0x47: {  	_ =	shalt  }
0x48: {  	_ =	shalt  }
0x49: {  	_ =	shalt  }
0x4a: {  	_ =	shalt  }
0x4b: {  	_ =	shalt  }
0x4c: {  	_ =	shalt  }
0x4d: {  	_ =	shalt  }
0x4e: {  	_ =	shalt  }
0x4f: {  	_ =	shalt  }
0x50: {  	_ =	shalt  }
0x51: {  	_ =	shalt  }
0x52: {  	_ =	shalt  }
0x53: {  	_ =	shalt  }
0x54: {  	_ =	shalt  }
0x55: {  	_ =	shalt  }
0x56: {  	_ =	shalt  }
0x57: {  	_ =	shalt  }
0x58: {  	_ =	shalt  }
0x59: {  	_ =	shalt  }
0x5a: {  	_ =	shalt  }
0x5b: {  	_ =	shalt  }
0x5c: {  	_ =	shalt  }
0x5d: {  	_ =	shalt  }
0x5e: {  	_ =	shalt  }
0x5f: {  	_ =	shalt  }
0x60: {  	_ =	shalt  }
0x61: {  	_ =	shalt  }
0x62: {  	_ =	shalt  }
0x63: {  	_ =	shalt  }
0x64: {  	_ =	shalt  }
0x65: {  	_ =	shalt  }
0x66: {  	_ =	shalt  }
0x67: {  	_ =	shalt  }
0x68: {  	_ =	shalt  }
0x69: {  	_ =	shalt  }
0x6a: {  	_ =	shalt  }
0x6b: {  	_ =	shalt  }
0x6c: {  	_ =	shalt  }
0x6d: {  	_ =	shalt  }
0x6e: {  	_ =	shalt  }
0x6f: {  	_ =	shalt  }
0x70: {  	_ =	shalt  }
0x71: {  	_ =	shalt  }
0x72: {  	_ =	shalt  }
0x73: {  	_ =	shalt  }
0x74: {  	_ =	shalt  }
0x75: {  	_ =	shalt  }
0x76: {  	_ =	shalt  }
0x77: {  	_ =	shalt  }
0x78: {  	_ =	shalt  }
0x79: {  	_ =	shalt  }
0x7a: {  	_ =	shalt  }
0x7b: {  	_ =	shalt  }
0x7c: {  	_ =	shalt  }
0x7d: {  	_ =	shalt  }
0x7e: {  	_ =	shalt  }
0x7f: {  	_ =	shalt  }
0x80: {  	_ =	shalt  }
0x81: {  	_ =	shalt  }
0x82: {  	_ =	shalt  }
0x83: {  	_ =	shalt  }
0x84: {  	_ =	shalt  }
0x85: {  	_ =	shalt  }
0x86: {  	_ =	shalt  }
0x87: {  	_ =	shalt  }
.Lfunc_end0:
.L_simem_size_0:
called_computation.4_lowered:
.L_overlay_start_0:
0x88: {  	s2 =	sld [smem:$0x3FD9]  }
0x89: {  	s3 =	sld [smem:$0x3FFE];
	_ =	sdelay $0x1  }
0x8a: {  	s1 =	srdreg.scid  }
0x8b: {  	s0 =	sand.u32 $0x1, s1  }
0x8c: {  	s16 =	sshll.u32 s0, $0xA;
	s2 =	sadd.s32 s3, s2  }
0x8d: {  	s2 =	sadd.s32 s2, s16  }
0x8e: {  	[smem:$0x3FC0] =	sst s2  }
0x8f: {  	_ = 	snop  }
0x90: {  	(tm) =	ssettm $0x1  }
0x91: {  	s17 =	sld [smem:$0x3FFB];
	_ =	sdelay $0x3  }
0x92: {  	_ =	strace s17  }
0x93: {  	s2 =	sld [smem:$0x3FFC];
	_ =	sdelay $0x3  }
0x94: {  	_ =	strace s2  }
0x95: {  	s2 =	sld [smem:$0x3FFD];
	_ =	sdelay $0x3  }
0x96: {  	_ =	strace s2  }
0x97: {  	_ =	strace $0x8FFFFFFF  }
0x98: {  	s18 =	sld [smem:$0x3FDB];
	_ =	sdelay $0x1  }
0x99: {  	s19 =	simm.s32 $_scs_section_size  }
0x9a: {  	s4 =	simm.s32 $_size__tile_overlayer_lowered;
	s5 =	simm.s32 $_tile_overlayer_lowered  }
0x9b: {  	s22 =	simm.s32 $0x1BFF;
	s21 =	sshll.u32 s5, $0x1;
	s2 =	sadd.s32 s19, s18  }
0x9c: {  	s6 =	simm.s32 $0x0;
	s20 =	sshll.u32 s4, $0x1;
	s4 =	sadd.s32 s21, s2  }
0x9d: {  	[timem:s6], [sflag:s22] =	dma.local [hbm:s4], s20  }
0x9e: {  	_ =	swait.ge [sflag:s22], s20  }
0x9f: {  	s3 =	ssub.s32 $0x0, s20;
	[sflag:s22] =	ssyncset.done $0x0  }
0xa0: {  	[sflag:s22] =	ssyncadd.s32 s3;
	_ =	sdelay $0x1  }
0xa1: {  	s23 =	simm.s32 $0x1B8B  }
0xa2: {  	_ =	swait.ge [sflag:s23], $0x1  }
0xa3: {  	[sflag:s23] =	ssyncset.done $0x0  }
0xa4: {  	s25 =	simm.s32 $0x1B8E;
	s24 =	sld [smem:$0x3FFE];
	[sflag:s23] =	ssyncadd.s32 $0xFFFFFFFF  }
0xa5: {  	s26 =	simm.s32 $execute0_lowered;
	[smem:$0x3FD2] =	sst s25  }
0xa6: {  	s4 =	sshll.u32 s26, $0x1;
	_ =	strace $0x80000052;
	[dreg:$0x1] =	wrdreg $0xFFFFFFFF  }
0xa7: {  	s28 =	simm.s32 $_size_execute0_lowered;
	s2 =	sadd.s32 s2, s4;
	[dreg:$0x0] =	wrdreg $0x0  }
0xa8: {  	s4 =	sshll.u32 s28, $0x1;
	[dreg:$0x2] =	wrdreg s2  }
0xa9: {  	[dreg:$0x3] =	wrdreg s4  }
0xaa: {  	[dreg:$0x4] =	wrdreg $0xC0  }
0xab: {  	_ =	task [dreg:s6], $0x5FFFF  }
0xac: {  	[dreg:$0x1] =	wrdreg $0xFFFFFFFF  }
0xad: {  	[dreg:$0x0] =	wrdreg $0x60  }
0xae: {  	[dreg:$0x2] =	wrdreg s24  }
0xaf: {  	[dreg:$0x3] =	wrdreg $0x90000  }
0xb0: {  	[dreg:$0x4] =	wrdreg $0x9  }
0xb1: {  	_ =	task.clear_ibuf [dreg:s6], $0x5FFFF;
	_ =	strace $0x90000052  }
0xb2: {  	s29 =	simm.s32 $0x9;
	_ =	strace $0x80000054  }
0xb3: {  	_ =	swait.ge [sflag:s29], $0x1  }
0xb4: {  	[sflag:s29] =	ssyncadd.s32 $0xFFFFFFFF  }
0xb5: {  	_ =	strace $0x90000054  }
0xb6: {  	_ =	sfence  }
0xb7: {  	s30 =	sld [smem:$0x0];
	_ =	sdelay $0x2  }
0xb8: {  	s31 =	sshll.u32 s1, $0xD;
	s1 =	sshrl.u32 s1, $0x2  }
0xb9: {  	s3 =	sand.u32 $0x4000, s31;
	s1 =	sadd.s32 s1, s30  }
0xba: {  	s0 =	sor.u32 s3, s0;
	s1 =	sshll.u32 s1, $0x11  }
0xbb: {  	s0 =	sor.u32 s1, s0  }
0xbc: {  	s0 =	sadd.s32 $0x8F2B, s0  }
0xbd: {  	[sflag:s0] =	ssyncadd.remote.s32 $0x1  }
0xbe: {  	_ =	sfence.sel $0xFFFF  }
0xbf: {  	[dreg:$0x0] =	wrdreg $0xFFFFFFFF;
	(pc) =	sbr.abs _section_cstart, $3  }
0xc0: {  	[dreg:$0x1] =	wrdreg $0xFFFFFFFF  }
0xc1: {  	_ =	task.clear_ibuf [dreg:s6], $0x2FFFF;
	_ =	strace $0x9FFFFFFF  }
0xc2: {  	(tm) =	ssettm $0x7FFFFFFF  }
0xc3: {  	_ =	shalt  }
tec
execute0_lowered:
.L_overlay_start_1:
0x0: {  	(tag) =	ssettag $0x1  }
0x1: {  	s0 =	rddreg [dreg:$0x0]  }
0x2: {  	s2 =	rddreg [dreg:$0x1];
	s3 =	simm.s32 $0x0;
	s12 =	stileid.u32  }
0x3: {  	s1 =	srdreg.scid;
	s13 =	simm.s32 $0x5;
	s14 =	simm.s32 $0x800  }
0x4: {  	s15 =	simm.s32 $0x1;
	s16 =	simm.s32 $0x4;
	s17 =	simm.s32 $0x80  }
0x5: {  	s18 =	simm.s32 $0x1000;
	s19 =	simm.s32 $0x5000;
	s20 =	simm.s32 $0x2  }
0x6: {  	s28 =	simm.s32 $0xE00;
	s29 =	simm.s32 $0x700;
	s30 =	simm.s32 $0xE80  }
0x7: {  	s31 =	simm.s32 $0x780;
	[smem:$0x7FF] =	sst s3;
	s7 =	smul.u32 $0x14000, s12  }
0x8: {  	s1 =	sand.u32 $0x1, s1;
	s4 =	sadd.s32 $0x8FC00, s0;
	s5 =	sadd.s32 $0xDC00, s0  }
0x9: {  	s6 =	sadd.s32 $0x3C00, s0;
	s10 =	smul.u32 $0x50000, s12;
	s24 =	sshll.u32 s12, $0x4  }
0xa: {  	s25 =	sshll.u32 s12, $0x6;
	_ =	strace $0x80000053;
	s8 =	smul.u32 $0x140000, s1  }
0xb: {  	s21 =	ssub.s32 $0x2, s1;
	p0 =	seq.s32 s1, $0x0;
	s9 =	sshrl.u32 s7, $0x3  }
0xc: {  	s11 =	sshrl.u32 s21, $0x1;
	s10 =	sshrl.u32 s10, $0x2;
	s9 =	sadd.s32 s9, s0  }
0xd: {  	s7 =	sadd.s32 s7, s8;
	s22 =	ssub.s32 s21, s11;
	s23 =	sadd.s32 s10, s2  }
0xe: {  	s10 =	sor.u32 $0x900, s24;
	s8 =	simm.s32 $0xC00;
	s21 =	simm.s32 $0x580  }
0xf: {  	s24 =	simm.s32 $0x600;
	s7 =	sshrl.u32 s7, $0x3;
	s9 =	sadd.s32 $0x3FC00, s9  }
0x10: {  	s26 =	smax.u32 s22, $0x1;
	s11 =	sshrl.u32 s23, $0x3;
	s22 =	simm.s32 $0x3  }
0x11: {  	s23 =	simm.s32 $0xD00;
	s0 =	sadd.s32 s7, s0;
	[dreg:$0x3] =	wrdreg s9  }
0x12: {  	s9 =	smul.u32 $0x90, s12;
	s12 =	sor.u32 $0x1C05, s25;
	[dreg:$0x7] =	wrdreg s26  }
0x13: {  	[dreg:$0x8] =	wrdreg s11;
	s25 =	simm.s32 $0xD80;
	s26 =	simm.s32 $0x680  }
0x14: {  	s0 =	sadd.s32 $0xDFC00, s0;
	[dreg:$0x5] =	wrdreg s12;
	s10 =	smov.u32 @p0 s9  }
0x15: {  	[dreg:$0x6] =	wrdreg s0;
	p0 =	sne.s32 s1, $0x0;
	s0 =	simm.s32 $0x0  }
0x16: {  	v0 =	vlaneseq.u32;
	vm0 =	vmmov $0xffff;
	s9 =	simm.s32 $0x500;
	s1 =	simm.s32 $0xF80;
	[dreg:$0x4] =	wrdreg s10  }
.LBB2_1:
0x17: {  	[dreg:$0x9] =	wrdreg s0  }
0x18: {  	s10 =	rddreg [dreg:$0x3]  }
0x19: {  	[spmem:s11], [sflag:s12] =	dma.local [hbm:s10], $0x2800  }
0x1a: {  	_ =	swait.ge [sflag:s13], $0x2800  }
0x1b: {  	[sflag:s13] =	ssyncset.done $0x0  }
0x1c: {  	[sflag:s13] =	ssyncadd.s32 $0xFFFFD800  }
0x1d: {  	s0 =	simm.s32 $0xF00;
	[bflag:$0x0] =	sbarrier.arrive $0xFFFF  }
0x1e: {  	s11 =	simm.s32 $0x0;
	s12 =	simm.s32 $0xC80;
	s10 =	rddreg [dreg:$0x4]  }
.LBB2_2:
0x1f: {  	v1 =	vor.u32 s10, v0;
	_ =	sdelay $0x4  }
0x20: {  	[tilespmem:s3], [sflag:$0x1] =	stream.indirect_vreg.gather [hbm4b:s5+s3], $0x80, v1, vm0, $0xb8;
	[tilespmem:$0x1D000] =	vst v63  }
0x21: {  	_ = 	snop  }
0x22: {  	[tilespmem:s14], [sflag:$0x4] =	stream.indirect_vreg.gather [hbm4b:s6+s3], $0x80, v1, vm0, $0xb8;
	[tilespmem:$0x1D000] =	vst v63  }
0x23: {  	_ =	swait.ge [sflag:s15], $0x800  }
0x24: {  	[sflag:s15] =	ssyncset.done $0x0  }
0x25: {  	[sflag:s15] =	ssyncadd.s32 $0xFFFFF800  }
0x26: {  	_ =	swait.ge [sflag:s16], $0x800  }
0x27: {  	[sflag:s16] =	ssyncset.done $0x0  }
0x28: {  	[sflag:s16] =	ssyncadd.s32 $0xFFFFF800  }
0x29: {  	[tilespmem:s18], [sflag:$0x2] =	stream.indirect.gather [hbm4b:s4+s17], $0x80, s3, s17, $0xb8;
	[tilespmem:$0x1D000] =	vst v63  }
0x2a: {  	_ = 	snop  }
0x2b: {  	[tilespmem:s19], [sflag:$0x3] =	stream.indirect.gather [hbm4b:s4+s17], $0x80, s17, s17, $0xb8;
	[tilespmem:$0x1D000] =	vst v63  }
0x2c: {  	_ =	swait.ge [sflag:s20], $0x4000  }
0x2d: {  	[sflag:s20] =	ssyncset.done $0x0  }
0x2e: {  	[sflag:s20] =	ssyncadd.s32 $0xFFFFC000  }
0x2f: {  	[spmem:s2] =	stream.indirect.scatter.add.f32 [tilespmem:s18], [sflag:$0x5], $0x80, s14, s17, $0xb8;
	[tilespmem:$0x1D000] =	vst v63  }
0x30: {  	_ =	swait.ge [sflag:s13], $0x4000  }
0x31: {  	[sflag:s13] =	ssyncset.done $0x0  }
0x32: {  	s7 =	simm.s32 $0x100;
	[sflag:s13] =	ssyncadd.s32 $0xFFFFC000  }
0x33: {  	[tilespmem:s18], [sflag:$0x2] =	stream.indirect.gather [hbm4b:s4+s17], $0x80, s7, s17, $0xb8;
	[tilespmem:$0x1D000] =	vst v63  }
0x34: {  	_ =	swait.ge [sflag:s22], $0x4000  }
0x35: {  	[sflag:s22] =	ssyncset.done $0x0  }
0x36: {  	s7 =	simm.s32 $0x880;
	[sflag:s22] =	ssyncadd.s32 $0xFFFFC000  }
0x37: {  	[spmem:s2] =	stream.indirect.scatter.add.f32 [tilespmem:s19], [sflag:$0x5], $0x80, s7, s17, $0xb8;
	[tilespmem:$0x1D000] =	vst v63  }
0x38: {  	_ =	swait.ge [sflag:s13], $0x4000  }
0x39: {  	[sflag:s13] =	ssyncset.done $0x0  }
0x3a: {  	s7 =	simm.s32 $0x180;
	[sflag:s13] =	ssyncadd.s32 $0xFFFFC000  }
0x3b: {  	[tilespmem:s19], [sflag:$0x3] =	stream.indirect.gather [hbm4b:s4+s17], $0x80, s7, s17, $0xb8;
	[tilespmem:$0x1D000] =	vst v63  }
0x3c: {  	_ =	swait.ge [sflag:s20], $0x4000  }
0x3d: {  	[sflag:s20] =	ssyncset.done $0x0  }
0x3e: {  	s7 =	simm.s32 $0x900;
	[sflag:s20] =	ssyncadd.s32 $0xFFFFC000  }
0x3f: {  	[spmem:s2] =	stream.indirect.scatter.add.f32 [tilespmem:s18], [sflag:$0x5], $0x80, s7, s17, $0xb8;
	[tilespmem:$0x1D000] =	vst v63  }
0x40: {  	_ =	swait.ge [sflag:s13], $0x4000  }
0x41: {  	[sflag:s13] =	ssyncset.done $0x0  }
0x42: {  	s7 =	simm.s32 $0x200;
	[sflag:s13] =	ssyncadd.s32 $0xFFFFC000  }
0x43: {  	[tilespmem:s18], [sflag:$0x2] =	stream.indirect.gather [hbm4b:s4+s17], $0x80, s7, s17, $0xb8;
	[tilespmem:$0x1D000] =	vst v63  }
0x44: {  	_ =	swait.ge [sflag:s22], $0x4000  }
0x45: {  	[sflag:s22] =	ssyncset.done $0x0  }
0x46: {  	s7 =	simm.s32 $0x980;
	[sflag:s22] =	ssyncadd.s32 $0xFFFFC000  }
0x47: {  	[spmem:s2] =	stream.indirect.scatter.add.f32 [tilespmem:s19], [sflag:$0x5], $0x80, s7, s17, $0xb8;
	[tilespmem:$0x1D000] =	vst v63  }
0x48: {  	_ =	swait.ge [sflag:s13], $0x4000  }
0x49: {  	[sflag:s13] =	ssyncset.done $0x0  }
0x4a: {  	s7 =	simm.s32 $0x280;
	[sflag:s13] =	ssyncadd.s32 $0xFFFFC000  }
0x4b: {  	[tilespmem:s19], [sflag:$0x3] =	stream.indirect.gather [hbm4b:s4+s17], $0x80, s7, s17, $0xb8;
	[tilespmem:$0x1D000] =	vst v63  }
0x4c: {  	_ =	swait.ge [sflag:s20], $0x4000  }
0x4d: {  	[sflag:s20] =	ssyncset.done $0x0  }
0x4e: {  	s7 =	simm.s32 $0xA00;
	[sflag:s20] =	ssyncadd.s32 $0xFFFFC000  }
0x4f: {  	[spmem:s2] =	stream.indirect.scatter.add.f32 [tilespmem:s18], [sflag:$0x5], $0x80, s7, s17, $0xb8;
	[tilespmem:$0x1D000] =	vst v63  }
0x50: {  	_ =	swait.ge [sflag:s13], $0x4000  }
0x51: {  	[sflag:s13] =	ssyncset.done $0x0  }
0x52: {  	s7 =	simm.s32 $0x300;
	[sflag:s13] =	ssyncadd.s32 $0xFFFFC000  }
0x53: {  	[tilespmem:s18], [sflag:$0x2] =	stream.indirect.gather [hbm4b:s4+s17], $0x80, s7, s17, $0xb8;
	[tilespmem:$0x1D000] =	vst v63  }
0x54: {  	_ =	swait.ge [sflag:s22], $0x4000  }
0x55: {  	[sflag:s22] =	ssyncset.done $0x0  }
0x56: {  	s7 =	simm.s32 $0xA80;
	[sflag:s22] =	ssyncadd.s32 $0xFFFFC000  }
0x57: {  	[spmem:s2] =	stream.indirect.scatter.add.f32 [tilespmem:s19], [sflag:$0x5], $0x80, s7, s17, $0xb8;
	[tilespmem:$0x1D000] =	vst v63  }
0x58: {  	_ =	swait.ge [sflag:s13], $0x4000  }
0x59: {  	[sflag:s13] =	ssyncset.done $0x0  }
0x5a: {  	s7 =	simm.s32 $0x380;
	[sflag:s13] =	ssyncadd.s32 $0xFFFFC000  }
0x5b: {  	[tilespmem:s19], [sflag:$0x3] =	stream.indirect.gather [hbm4b:s4+s17], $0x80, s7, s17, $0xb8;
	[tilespmem:$0x1D000] =	vst v63  }
0x5c: {  	_ =	swait.ge [sflag:s20], $0x4000  }
0x5d: {  	[sflag:s20] =	ssyncset.done $0x0  }
0x5e: {  	s7 =	simm.s32 $0xB00;
	[sflag:s20] =	ssyncadd.s32 $0xFFFFC000  }
0x5f: {  	[spmem:s2] =	stream.indirect.scatter.add.f32 [tilespmem:s18], [sflag:$0x5], $0x80, s7, s17, $0xb8;
	[tilespmem:$0x1D000] =	vst v63  }
0x60: {  	_ =	swait.ge [sflag:s13], $0x4000  }
0x61: {  	[sflag:s13] =	ssyncset.done $0x0  }
0x62: {  	s7 =	simm.s32 $0x400;
	[sflag:s13] =	ssyncadd.s32 $0xFFFFC000  }
0x63: {  	[tilespmem:s18], [sflag:$0x2] =	stream.indirect.gather [hbm4b:s4+s17], $0x80, s7, s17, $0xb8;
	[tilespmem:$0x1D000] =	vst v63  }
0x64: {  	_ =	swait.ge [sflag:s22], $0x4000  }
0x65: {  	[sflag:s22] =	ssyncset.done $0x0  }
0x66: {  	s7 =	simm.s32 $0xB80;
	[sflag:s22] =	ssyncadd.s32 $0xFFFFC000  }
0x67: {  	[spmem:s2] =	stream.indirect.scatter.add.f32 [tilespmem:s19], [sflag:$0x5], $0x80, s7, s17, $0xb8;
	[tilespmem:$0x1D000] =	vst v63  }
0x68: {  	_ =	swait.ge [sflag:s13], $0x4000  }
0x69: {  	[sflag:s13] =	ssyncset.done $0x0  }
0x6a: {  	s7 =	simm.s32 $0x480;
	[sflag:s13] =	ssyncadd.s32 $0xFFFFC000  }
0x6b: {  	[tilespmem:s19], [sflag:$0x3] =	stream.indirect.gather [hbm4b:s4+s17], $0x80, s7, s17, $0xb8;
	[tilespmem:$0x1D000] =	vst v63  }
0x6c: {  	_ =	swait.ge [sflag:s20], $0x4000  }
0x6d: {  	[sflag:s20] =	ssyncset.done $0x0  }
0x6e: {  	[sflag:s20] =	ssyncadd.s32 $0xFFFFC000  }
0x6f: {  	[spmem:s2] =	stream.indirect.scatter.add.f32 [tilespmem:s18], [sflag:$0x5], $0x80, s8, s17, $0xb8;
	[tilespmem:$0x1D000] =	vst v63  }
0x70: {  	_ =	swait.ge [sflag:s13], $0x4000  }
0x71: {  	[sflag:s13] =	ssyncset.done $0x0  }
0x72: {  	[sflag:s13] =	ssyncadd.s32 $0xFFFFC000  }
0x73: {  	[tilespmem:s18], [sflag:$0x2] =	stream.indirect.gather [hbm4b:s4+s17], $0x80, s9, s17, $0xb8;
	[tilespmem:$0x1D000] =	vst v63  }
0x74: {  	_ =	swait.ge [sflag:s22], $0x4000  }
0x75: {  	[sflag:s22] =	ssyncset.done $0x0  }
0x76: {  	[sflag:s22] =	ssyncadd.s32 $0xFFFFC000  }
0x77: {  	[spmem:s2] =	stream.indirect.scatter.add.f32 [tilespmem:s19], [sflag:$0x5], $0x80, s12, s17, $0xb8;
	[tilespmem:$0x1D000] =	vst v63  }
0x78: {  	_ =	swait.ge [sflag:s13], $0x4000  }
0x79: {  	[sflag:s13] =	ssyncset.done $0x0  }
0x7a: {  	[sflag:s13] =	ssyncadd.s32 $0xFFFFC000  }
0x7b: {  	[tilespmem:s19], [sflag:$0x3] =	stream.indirect.gather [hbm4b:s4+s17], $0x80, s21, s17, $0xb8;
	[tilespmem:$0x1D000] =	vst v63  }
0x7c: {  	_ =	swait.ge [sflag:s20], $0x4000  }
0x7d: {  	[sflag:s20] =	ssyncset.done $0x0  }
0x7e: {  	[sflag:s20] =	ssyncadd.s32 $0xFFFFC000  }
0x7f: {  	[spmem:s2] =	stream.indirect.scatter.add.f32 [tilespmem:s18], [sflag:$0x5], $0x80, s23, s17, $0xb8;
	[tilespmem:$0x1D000] =	vst v63  }
0x80: {  	_ =	swait.ge [sflag:s13], $0x4000  }
0x81: {  	[sflag:s13] =	ssyncset.done $0x0  }
0x82: {  	[sflag:s13] =	ssyncadd.s32 $0xFFFFC000  }
0x83: {  	[tilespmem:s18], [sflag:$0x2] =	stream.indirect.gather [hbm4b:s4+s17], $0x80, s24, s17, $0xb8;
	[tilespmem:$0x1D000] =	vst v63  }
0x84: {  	_ =	swait.ge [sflag:s22], $0x4000  }
0x85: {  	[sflag:s22] =	ssyncset.done $0x0  }
0x86: {  	[sflag:s22] =	ssyncadd.s32 $0xFFFFC000  }
0x87: {  	[spmem:s2] =	stream.indirect.scatter.add.f32 [tilespmem:s19], [sflag:$0x5], $0x80, s25, s17, $0xb8;
	[tilespmem:$0x1D000] =	vst v63  }
0x88: {  	_ =	swait.ge [sflag:s13], $0x4000  }
0x89: {  	[sflag:s13] =	ssyncset.done $0x0  }
0x8a: {  	[sflag:s13] =	ssyncadd.s32 $0xFFFFC000  }
0x8b: {  	[tilespmem:s19], [sflag:$0x3] =	stream.indirect.gather [hbm4b:s4+s17], $0x80, s26, s17, $0xb8;
	[tilespmem:$0x1D000] =	vst v63  }
0x8c: {  	_ =	swait.ge [sflag:s20], $0x4000  }
0x8d: {  	[sflag:s20] =	ssyncset.done $0x0  }
0x8e: {  	[sflag:s20] =	ssyncadd.s32 $0xFFFFC000  }
0x8f: {  	[spmem:s2] =	stream.indirect.scatter.add.f32 [tilespmem:s18], [sflag:$0x5], $0x80, s28, s17, $0xb8;
	[tilespmem:$0x1D000] =	vst v63  }
0x90: {  	_ =	swait.ge [sflag:s13], $0x4000  }
0x91: {  	[sflag:s13] =	ssyncset.done $0x0  }
0x92: {  	[sflag:s13] =	ssyncadd.s32 $0xFFFFC000  }
0x93: {  	[tilespmem:s18], [sflag:$0x2] =	stream.indirect.gather [hbm4b:s4+s17], $0x80, s29, s17, $0xb8;
	[tilespmem:$0x1D000] =	vst v63  }
0x94: {  	_ =	swait.ge [sflag:s22], $0x4000  }
0x95: {  	[sflag:s22] =	ssyncset.done $0x0  }
0x96: {  	[sflag:s22] =	ssyncadd.s32 $0xFFFFC000  }
0x97: {  	[spmem:s2] =	stream.indirect.scatter.add.f32 [tilespmem:s19], [sflag:$0x5], $0x80, s30, s17, $0xb8;
	[tilespmem:$0x1D000] =	vst v63  }
0x98: {  	_ =	swait.ge [sflag:s13], $0x4000  }
0x99: {  	[sflag:s13] =	ssyncset.done $0x0  }
0x9a: {  	[sflag:s13] =	ssyncadd.s32 $0xFFFFC000  }
0x9b: {  	[tilespmem:s19], [sflag:$0x3] =	stream.indirect.gather [hbm4b:s4+s17], $0x80, s31, s17, $0xb8;
	[tilespmem:$0x1D000] =	vst v63  }
0x9c: {  	_ =	swait.ge [sflag:s20], $0x4000  }
0x9d: {  	[sflag:s20] =	ssyncset.done $0x0  }
0x9e: {  	[sflag:s20] =	ssyncadd.s32 $0xFFFFC000  }
0x9f: {  	[spmem:s2] =	stream.indirect.scatter.add.f32 [tilespmem:s18], [sflag:$0x5], $0x80, s0, s17, $0xb8;
	[tilespmem:$0x1D000] =	vst v63  }
0xa0: {  	_ =	swait.ge [sflag:s13], $0x4000  }
0xa1: {  	[sflag:s13] =	ssyncset.done $0x0  }
0xa2: {  	[sflag:s13] =	ssyncadd.s32 $0xFFFFC000  }
0xa3: {  	p1 =	slt.u32 @!p0 s11, $0x8;
	_ =	swait.ge [sflag:s22], $0x4000  }
0xa4: {  	p1 =	por p0, !p1;
	[sflag:s22] =	ssyncset.done $0x0  }
.Ltmp0:
0xa5: {  	[sflag:s22] =	ssyncadd.s32 $0xFFFFC000;
	(pc) =	sbr.rel @!p1 .LBB2_2-.Ltmp0, $4  }
0xa6: {  	[spmem:s2] =	stream.indirect.scatter.add.f32 [tilespmem:s19], [sflag:$0x5], $0x80, s1, s17, $0xb8;
	[tilespmem:$0x1D000] =	vst v63  }
0xa7: {  	_ =	swait.ge [sflag:s13], $0x4000  }
0xa8: {  	[sflag:s13] =	ssyncset.done $0x0  }
0xa9: {  	s11 =	sadd.s32 $0x1, s11;
	s10 =	sadd.s32 $0x10, s10;
	[sflag:s13] =	ssyncadd.s32 $0xFFFFC000  }
0xaa: {  	[bflag:$0x0] =	sbarrier.arrive $0xFFFF  }
0xab: {  	s12 =	rddreg [dreg:$0x5]  }
0xac: {  	s10 =	rddreg [dreg:$0x6]  }
0xad: {  	s11 =	rddreg [dreg:$0x8]  }
0xae: {  	[hbm:s10], [sflag:s12] =	dma.local [spmem:s11], $0x2800  }
0xaf: {  	_ =	swait.ge [sflag:s13], $0x2800  }
0xb0: {  	s0 =	rddreg [dreg:$0x9]  }
0xb1: {  	s7 =	rddreg [dreg:$0x7];
	s0 =	sadd.s32 $0x1, s0  }
0xb2: {  	p1 =	sne.s32 s0, s7  }
.Ltmp1:
0xb3: {  	_ = 	snop;
	(pc) =	sbr.rel @p1 .LBB2_1-.Ltmp1, $3  }
0xb4: {  	_ =	sdelay $0x1  }
0xb5: {  	[sflag:s13] =	ssyncset.done $0x0  }
0xb6: {  	[sflag:s13] =	ssyncadd.s32 $0xFFFFD800  }
0xb7: {  	_ =	sfence.sel $0x180000  }
0xb8: {  	[bflag:$0x0] =	sbarrier.arrive $0xFFFF  }
0xb9: {  	_ =	strace $0x90000053  }
0xba: {  	s0 =	stileid.u32;
	[bflag:$0x2] =	sbarrier.arrive $0xFFFF  }
0xbb: {  	p0 =	sne.s32 s0, $0x0;
	s0 =	rddreg [dreg:$0x2]  }
0xbc: {  	s0 =	sadd.s32 @!p0 $0x100000, s0  }
0xbd: {  	[sflag:s0] =	ssyncadd.tile.s32 @!p0 $0x1;
	_ =	shalt  }
.Lfunc_end2:
_tile_overlayer_lowered:
.L_overlay_start_2:
0xbe: {  	(tag) =	ssettag $0x2  }
0xbf: {  	s0 =	rddreg [dreg:$0x0];
	s2 =	stileid.u32  }
0xc0: {  	s1 =	rddreg [dreg:$0x1];
	p0 =	sne.s32 s2, $0x0  }
0xc1: {  	s3 =	rddreg [dreg:$0x2];
	[bflag:$0x3] =	sbarrier.arrive $0xFFFF;
	s2 =	simm.s32 @!p0 $0x1C05  }
0xc2: {  	[timem:s3], [sflag:s2] =	dma.local @!p0 [hbm:s0], s1  }
0xc3: {  	s0 =	simm.s32 @!p0 $0x5  }
0xc4: {  	_ =	swait.ge @!p0 [sflag:s0], s1  }
0xc5: {  	s1 =	ssub.s32 @!p0 $0x0, s1;
	[sflag:s0] =	ssyncset.done @!p0 $0x0  }
0xc6: {  	[sflag:s0] =	ssyncadd.s32 @!p0 s1  }
0xc7: {  	[bflag:$0x3] =	sbarrier.arrive $0xFFFF  }
0xc8: {  	_ =	shalt  }

</sc_bundles>
